<compile_context>
chip_gen: v7x
topology: tpu7x:2x2x1
jax: 0.10.2.dev20260603
libtpu: 0.0.44.dev20260713+nightly
codegen_flags: <defaults>
</compile_context>

<pallas_src>
import functools

import jax
import jax.numpy as jnp
from jax import lax
from jax.experimental import pallas as pl
from jax.experimental.pallas import tpu as pltpu
from jax.experimental.pallas import tpu_sc as plsc

N = 10000
T = 26667
CH = 32
TPAD = 27648
T4 = TPAD * 4
NROWS = 10112
SUBR = 632
LASTR = N - 15 * SUBR
DUMMY = N
SUB_T = TPAD // 16
SUB_CH = SUB_T // CH
W_CH = T4 // 128 // 32

RB = 1000
GRID = N // RB

_MESH = dict(core_axis_name="c", subcore_axis_name="s")


def _leaky(x):
    return jnp.where(x > 0, x, 0.01 * x)


def _sc_degree(sidx):
    @functools.partial(
        pl.kernel,
        out_type=jax.ShapeDtypeStruct((2, NROWS, 128), jnp.float32),
        mesh=plsc.VectorSubcoreMesh(**_MESH),
        scratch_types=[
            pltpu.VMEM((128,), jnp.int32),
            pltpu.VMEM((128, 128), jnp.float32),
            pltpu.VMEM_SHARED((NROWS, 128), jnp.float32),
        ],
    )
    def k(sidx_hbm, out_hbm, si_v, ones_v, scnt):
        c = lax.axis_index("c")
        s = lax.axis_index("s")
        w = c * 16 + s
        base = s * SUBR

        def fill_zero(i, carry):
            for g in range(8):
                ones_v[i, pl.ds(g * 16, 16)] = jnp.zeros((16,), jnp.float32)
            return carry

        lax.fori_loop(0, 128, fill_zero, 0)

        def zcopy(kk, carry):
            pltpu.sync_copy(ones_v, scnt.at[pl.ds(base + kk * 128, 128)])
            return carry

        lax.fori_loop(0, 4, zcopy, 0)
        pltpu.sync_copy(ones_v.at[pl.ds(0, 120)],
                        scnt.at[pl.ds(base + 512, 120)])

        def fill_ones(i, carry):
            for g in range(8):
                ones_v[i, pl.ds(g * 16, 16)] = jnp.ones((16,), jnp.float32)
            return carry

        lax.fori_loop(0, 128, fill_ones, 0)
        plsc.subcore_barrier()

        def chunk(kk, carry):
            soff = (w * W_CH + kk) * 128
            pltpu.sync_copy(sidx_hbm.at[pl.ds(soff, 128)], si_v)
            pltpu.sync_copy(ones_v, scnt.at[si_v], add=True)
            return carry

        lax.fori_loop(0, W_CH, chunk, 0)
        plsc.subcore_barrier()

        @pl.when(s < 15)
        def _out_full():
            pltpu.sync_copy(scnt.at[pl.ds(base, SUBR)],
                            out_hbm.at[c, pl.ds(base, SUBR)])

        @pl.when(s == 15)
        def _out_tail():
            pltpu.sync_copy(scnt.at[pl.ds(base, LASTR)],
                            out_hbm.at[c, pl.ds(base, LASTR)])

    return k(sidx)


def _sc_conv(sidx, hp_cat, colsplit):
    ng = 8

    nch = SUB_CH if colsplit else W_CH

    @functools.partial(
        pl.kernel,
        out_type=jax.ShapeDtypeStruct((2, N, 128), jnp.float32),
        mesh=plsc.VectorSubcoreMesh(**_MESH),
        scratch_types=[
            pltpu.VMEM((128,), jnp.int32),
            pltpu.VMEM((128,), jnp.int32),
            pltpu.VMEM((128, 128), jnp.float32),
            pltpu.VMEM((128, 128), jnp.float32),
            pltpu.VMEM_SHARED((NROWS, 128), jnp.float32),
            pltpu.SemaphoreType.DMA,
        ],
    )
    def k(sidx_hbm, hp_hbm, out_hbm, gi_v, si_v, rows_v, outs_v,
          shared, sem0):
        c = lax.axis_index("c")
        s = lax.axis_index("s")

        base = s * SUBR
        coff = c * N if colsplit else 0

        def cid_of(cur):
            if colsplit:
                return s * SUB_CH + cur
            return (c * 16 + s) * W_CH + cur

        z0 = outs_v

        def zfill(i, carry):
            for g in range(ng):
                z0[i, pl.ds(g * 16, 16)] = jnp.zeros((16,), jnp.float32)
            return carry

        lax.fori_loop(0, 128, zfill, 0)

        def zcopy(kk, carry):
            pltpu.sync_copy(z0, shared.at[pl.ds(base + kk * 128, 128)])
            return carry

        lax.fori_loop(0, 4, zcopy, 0)
        pltpu.sync_copy(z0.at[pl.ds(0, 120)],
                        shared.at[pl.ds(base + 512, 120)])

        plsc.subcore_barrier()

        def chunk(kk, carry):
            cid = cid_of(kk)
            pltpu.sync_copy(sidx_hbm.at[pl.ds(cid * 128, 128)], si_v)
            for gk in range(8):
                sl = pl.ds(gk * 16, 16)
                si = si_v[sl]
                gi_v[sl] = jnp.where(si < N, si, 0) + coff
            pltpu.async_copy(hp_hbm.at[gi_v], rows_v, sem0).wait()

            def tet(jk, inner):
                r = 4 * jk
                for g in range(ng):
                    sl = pl.ds(g * 16, 16)
                    r0 = rows_v[r, sl]
                    r1 = rows_v[r + 1, sl]
                    r2 = rows_v[r + 2, sl]
                    r3 = rows_v[r + 3, sl]
                    s4 = (r0 + r1) + (r2 + r3)
                    outs_v[r, sl] = s4 - r0
                    outs_v[r + 1, sl] = s4 - r1
                    outs_v[r + 2, sl] = s4 - r2
                    outs_v[r + 3, sl] = s4 - r3
                return inner

            lax.fori_loop(0, CH, tet, 0)
            pltpu.sync_copy(outs_v, shared.at[si_v], add=True)
            return carry

        lax.fori_loop(0, nch, chunk, 0)
        plsc.subcore_barrier()

        @pl.when(s < 15)
        def _out_full():
            pltpu.sync_copy(shared.at[pl.ds(base, SUBR)],
                            out_hbm.at[c, pl.ds(base, SUBR)])

        @pl.when(s == 15)
        def _out_tail():
            pltpu.sync_copy(shared.at[pl.ds(base, LASTR)],
                            out_hbm.at[c, pl.ds(base, LASTR)])

    return k(sidx, hp_cat)


def _dis(cnt_ref):
    cnt = cnt_ref[0] + cnt_ref[1]
    return lax.rsqrt(1.0 + 3.0 * cnt)


def _tc1(cnt2, x_vert, W_in1, b_in1, W_g1a):
    def body(cnt_ref, xv_ref, w1_ref, b1_ref, wg_ref, x0_ref, hp_ref):
        dis = _dis(cnt_ref)
        x0 = jnp.dot(xv_ref[...], w1_ref[...],
                     preferred_element_type=jnp.float32) + b1_ref[...]
        t = jnp.dot(_leaky(x0), wg_ref[...],
                    preferred_element_type=jnp.float32)
        hp = dis * t
        x0_ref[...] = x0
        hp_ref[0] = hp[:, :128]
        hp_ref[1] = hp[:, 128:]

    return pl.pallas_call(
        body,
        grid=(GRID,),
        in_specs=[
            pl.BlockSpec((2, RB, 1), lambda i: (0, i, 0)),
            pl.BlockSpec((RB, 128), lambda i: (i, 0)),
            pl.BlockSpec((128, 256), lambda i: (0, 0)),
            pl.BlockSpec((1, 256), lambda i: (0, 0)),
            pl.BlockSpec((256, 256), lambda i: (0, 0)),
        ],
        out_specs=[
            pl.BlockSpec((RB, 256), lambda i: (i, 0)),
            pl.BlockSpec((2, RB, 128), lambda i: (0, i, 0)),
        ],
        out_shape=[
            jax.ShapeDtypeStruct((N, 256), jnp.float32),
            jax.ShapeDtypeStruct((2, N, 128), jnp.float32),
        ],
    )(cnt2, x_vert, W_in1, b_in1, W_g1a)


def _tc_mid(cnt2, agg, hp_prev, b_prev, W_next):
    g = W_next.shape[0]
    go = W_next.shape[1]
    hg = g // 2
    ho = go // 2

    def body(cnt_ref, agg_ref, hpp_ref, bp_ref, w_ref, hp_ref):
        dis = _dis(cnt_ref)
        h_lo = _leaky(dis * (agg_ref[0] + hpp_ref[0]) + bp_ref[:, :hg])
        h_hi = _leaky(dis * (agg_ref[1] + hpp_ref[1]) + bp_ref[:, hg:])
        t = (jnp.dot(h_lo, w_ref[:hg, :], preferred_element_type=jnp.float32)
             + jnp.dot(h_hi, w_ref[hg:, :],
                       preferred_element_type=jnp.float32))
        hp = dis * t
        hp_ref[0] = hp[:, :ho]
        hp_ref[1] = hp[:, ho:]

    return pl.pallas_call(
        body,
        grid=(GRID,),
        in_specs=[
            pl.BlockSpec((2, RB, 1), lambda i: (0, i, 0)),
            pl.BlockSpec((2, RB, hg), lambda i: (0, i, 0)),
            pl.BlockSpec((2, RB, hg), lambda i: (0, i, 0)),
            pl.BlockSpec((1, g), lambda i: (0, 0)),
            pl.BlockSpec((g, go), lambda i: (0, 0)),
        ],
        out_specs=[pl.BlockSpec((2, RB, ho), lambda i: (0, i, 0))],
        out_shape=[jax.ShapeDtypeStruct((2, N, ho), jnp.float32)],
    )(cnt2, agg, hp_prev, b_prev, W_next)[0]


def _tc_mid2(cnt2, agg, hp_prev, b_prev, W_next):
    def body(cnt_ref, agg_ref, hpp_ref, bp_ref, w_ref, hp_ref):
        dis = _dis(cnt_ref)
        h = _leaky(dis * (agg_ref[0] + agg_ref[1] + hpp_ref[...])
                   + bp_ref[...])
        t = jnp.dot(h, w_ref[...], preferred_element_type=jnp.float32)
        hp_ref[...] = dis * t

    return pl.pallas_call(
        body,
        grid=(GRID,),
        in_specs=[
            pl.BlockSpec((2, RB, 1), lambda i: (0, i, 0)),
            pl.BlockSpec((2, RB, 128), lambda i: (0, i, 0)),
            pl.BlockSpec((RB, 128), lambda i: (i, 0)),
            pl.BlockSpec((1, 128), lambda i: (0, 0)),
            pl.BlockSpec((128, 128), lambda i: (0, 0)),
        ],
        out_specs=[pl.BlockSpec((RB, 128), lambda i: (i, 0))],
        out_shape=[jax.ShapeDtypeStruct((N, 128), jnp.float32)],
    )(cnt2, agg, hp_prev, b_prev, W_next)[0]


def _tc3(cnt2, agg2, hp2, b_g1b, x0, W_in2, b_in2, W_g2a):
    def body(cnt_ref, agg_ref, hpp_ref, bp_ref, x0_ref, w2_ref, b2_ref,
             wg_ref, x2_ref, hp_ref):
        dis = _dis(cnt_ref)
        h_lo = dis * (agg_ref[0] + hpp_ref[0]) + bp_ref[:, :128]
        h_hi = dis * (agg_ref[1] + hpp_ref[1]) + bp_ref[:, 128:]
        inv = 1.0 / jnp.sqrt(jnp.float32(2.0))
        x1_lo = _leaky((x0_ref[:, :128] + h_lo) * inv)
        x1_hi = _leaky((x0_ref[:, 128:] + h_hi) * inv)
        x2 = (jnp.dot(x1_lo, w2_ref[:128, :],
                      preferred_element_type=jnp.float32)
              + jnp.dot(x1_hi, w2_ref[128:, :],
                        preferred_element_type=jnp.float32)) + b2_ref[...]
        t = jnp.dot(_leaky(x2), wg_ref[...],
                    preferred_element_type=jnp.float32)
        x2_ref[...] = x2
        hp_ref[...] = dis * t

    return pl.pallas_call(
        body,
        grid=(GRID,),
        in_specs=[
            pl.BlockSpec((2, RB, 1), lambda i: (0, i, 0)),
            pl.BlockSpec((2, RB, 128), lambda i: (0, i, 0)),
            pl.BlockSpec((2, RB, 128), lambda i: (0, i, 0)),
            pl.BlockSpec((1, 256), lambda i: (0, 0)),
            pl.BlockSpec((RB, 256), lambda i: (i, 0)),
            pl.BlockSpec((256, 128), lambda i: (0, 0)),
            pl.BlockSpec((1, 128), lambda i: (0, 0)),
            pl.BlockSpec((128, 128), lambda i: (0, 0)),
        ],
        out_specs=[
            pl.BlockSpec((RB, 128), lambda i: (i, 0)),
            pl.BlockSpec((RB, 128), lambda i: (i, 0)),
        ],
        out_shape=[
            jax.ShapeDtypeStruct((N, 128), jnp.float32),
            jax.ShapeDtypeStruct((N, 128), jnp.float32),
        ],
    )(cnt2, agg2, hp2, b_g1b, x0, W_in2, b_in2, W_g2a)


def _tc5(cnt2, agg4, hp4, b_g2b, x2, W_out, b_out, W_l1, b_l1, W_l2, b_l2):
    def body(cnt_ref, agg_ref, hpp_ref, bp_ref, x2_ref, wo_ref, bo_ref,
             w1_ref, b1_ref, w2_ref, b2_ref, out_ref):
        dis = _dis(cnt_ref)
        h4 = dis * (agg_ref[0] + agg_ref[1] + hpp_ref[...]) + bp_ref[...]
        inv = 1.0 / jnp.sqrt(jnp.float32(2.0))
        x3 = (x2_ref[...] + h4) * inv
        y = jnp.dot(x3, wo_ref[...],
                    preferred_element_type=jnp.float32) + bo_ref[...]
        y = jnp.dot(_leaky(y), w1_ref[...],
                    preferred_element_type=jnp.float32) + b1_ref[...]
        y = jnp.dot(_leaky(y), w2_ref[...],
                    preferred_element_type=jnp.float32) + b2_ref[...]
        out_ref[...] = y

    return pl.pallas_call(
        body,
        grid=(GRID,),
        in_specs=[
            pl.BlockSpec((2, RB, 1), lambda i: (0, i, 0)),
            pl.BlockSpec((2, RB, 128), lambda i: (0, i, 0)),
            pl.BlockSpec((RB, 128), lambda i: (i, 0)),
            pl.BlockSpec((1, 128), lambda i: (0, 0)),
            pl.BlockSpec((RB, 128), lambda i: (i, 0)),
            pl.BlockSpec((128, 128), lambda i: (0, 0)),
            pl.BlockSpec((1, 128), lambda i: (0, 0)),
            pl.BlockSpec((128, 64), lambda i: (0, 0)),
            pl.BlockSpec((1, 64), lambda i: (0, 0)),
            pl.BlockSpec((64, 8), lambda i: (0, 0)),
            pl.BlockSpec((1, 8), lambda i: (0, 0)),
        ],
        out_specs=[pl.BlockSpec((RB, 8), lambda i: (i, 0))],
        out_shape=[jax.ShapeDtypeStruct((N, 8), jnp.float32)],
    )(cnt2, agg4, hp4, b_g2b, x2, W_out, b_out, W_l1, b_l1, W_l2,
      b_l2)[0]


def kernel(x_vert, tets, W_in1, b_in1, W_g1a, b_g1a, W_g1b, b_g1b, W_in2,
           b_in2, W_g2a, b_g2a, W_g2b, b_g2b, W_out, b_out, W_l1, b_l1,
           W_l2, b_l2):
    tets_flat = tets.reshape(-1).astype(jnp.int32)
    npad = T4 - tets_flat.shape[0]
    pad_rows = DUMMY + jnp.arange(npad, dtype=jnp.int32) % (NROWS - N)
    sidx = jnp.concatenate([tets_flat, pad_rows])
    cnt_raw = _sc_degree(sidx)
    cnt2 = cnt_raw[:, :N, 0:1]

    b_in1r = b_in1.reshape(1, -1)
    x0, hp1 = _tc1(cnt2, x_vert, W_in1, b_in1r, W_g1a)

    agg1 = _sc_conv(sidx, hp1.reshape(2 * N, 128), True)
    hp2 = _tc_mid(cnt2, agg1, hp1, b_g1a.reshape(1, -1), W_g1b)
    agg2 = _sc_conv(sidx, hp2.reshape(2 * N, 128), True)

    x2, hp3 = _tc3(cnt2, agg2, hp2, b_g1b.reshape(1, -1), x0, W_in2,
                   b_in2.reshape(1, -1), W_g2a)
    agg3 = _sc_conv(sidx, hp3, False)
    hp4 = _tc_mid2(cnt2, agg3, hp3, b_g2a.reshape(1, -1), W_g2b)
    agg4 = _sc_conv(sidx, hp4, False)

    h8 = _tc5(cnt2, agg4, hp4, b_g2b.reshape(1, -1), x2, W_out,
              b_out.reshape(1, -1), W_l1, b_l1.reshape(1, -1), W_l2,
              b_l2.reshape(1, -1))
    return (h8[:, :3], h8[:, 3], h8[:, 4:])

# --- scband reference (transcript-rebuilt; emitter-appended) ---
"""Pipeline reference for scband-tet-conv-80221399154840 (READ-ONLY COPY).

The authoritative reference and input builder live on the scoring server;
editing this copy changes nothing except your own understanding.
"""

import jax, jax.numpy as jnp
import numpy as np

N = 10000
T = 26667
IN_DIM = 128
OUT_DIM = 8
G1, G2 = 256, 128
M1, M2 = 128, 64


def leaky(x):
    return jax.nn.leaky_relu(x, negative_slope=0.01)


def tets_to_edges(tets):
    pairs = [(0, 1), (0, 2), (0, 3), (1, 2), (1, 3), (2, 3)]
    s = jnp.concatenate([tets[:, i] for (i, j) in pairs] + [tets[:, j] for (i, j) in pairs])
    d = jnp.concatenate([tets[:, j] for (i, j) in pairs] + [tets[:, i] for (i, j) in pairs])
    return s, d


def gcn_conv(x, src, dst, W, b, n):
    loop = jnp.arange(n, dtype=src.dtype)
    s = jnp.concatenate([src, loop])
    d = jnp.concatenate([dst, loop])
    deg = jnp.zeros((n,), x.dtype).at[d].add(jnp.ones((s.shape[0],), x.dtype))
    dis = jnp.where(deg > 0, 1.0 / jnp.sqrt(jnp.maximum(deg, 1e-12)), 0.0)
    norm = dis[s] * dis[d]
    h = x @ W
    msg = jnp.take(h, s, axis=0) * norm[:, None]
    out = jnp.zeros((n, W.shape[1]), x.dtype).at[d].add(msg)
    return out + b


def setup_inputs(seed: int = 0):
    key = jax.random.key(seed)
    ks = jax.random.split(key, 16)

    def lin(k, fi, fo):
        kw, kb = jax.random.split(k)
        bound = 1.0 / float(np.sqrt(fi))
        W = jax.random.uniform(kw, (fi, fo), jnp.float32, -bound, bound)
        b = jax.random.uniform(kb, (fo,), jnp.float32, -bound, bound)
        return W, b

    inp = {}
    inp['x_vert'] = jax.random.normal(ks[0], (N, IN_DIM), jnp.float32)
    inp['tets'] = jax.random.randint(ks[1], (T, 4), 0, N, jnp.int32)
    inp['W_in1'], inp['b_in1'] = lin(ks[2], IN_DIM, G1)
    inp['W_g1a'], inp['b_g1a'] = lin(ks[3], G1, G1)
    inp['W_g1b'], inp['b_g1b'] = lin(ks[4], G1, G1)
    inp['W_in2'], inp['b_in2'] = lin(ks[5], G1, G2)
    inp['W_g2a'], inp['b_g2a'] = lin(ks[6], G2, G2)
    inp['W_g2b'], inp['b_g2b'] = lin(ks[7], G2, G2)
    inp['W_out'], inp['b_out'] = lin(ks[8], G2, M1)
    inp['W_l1'], inp['b_l1'] = lin(ks[9], M1, M2)
    inp['W_l2'], inp['b_l2'] = lin(ks[10], M2, OUT_DIM)
    return inp


def reference(x_vert, tets, W_in1, b_in1, W_g1a, b_g1a, W_g1b, b_g1b, W_in2, b_in2, W_g2a, b_g2a, W_g2b, b_g2b, W_out, b_out, W_l1, b_l1, W_l2, b_l2):
    n = x_vert.shape[0]
    src, dst = tets_to_edges(tets)
    x = x_vert @ W_in1 + b_in1
    h = gcn_conv(leaky(x), src, dst, W_g1a, b_g1a, n)
    h = gcn_conv(leaky(h), src, dst, W_g1b, b_g1b, n)
    x = (x + h) / 2 ** 0.5
    x = leaky(x) @ W_in2 + b_in2
    h = gcn_conv(leaky(x), src, dst, W_g2a, b_g2a, n)
    h = gcn_conv(leaky(h), src, dst, W_g2b, b_g2b, n)
    x = (x + h) / 2 ** 0.5
    h = x @ W_out + b_out
    h = leaky(h) @ W_l1 + b_l1
    h = leaky(h) @ W_l2 + b_l2
    return (h[:, :3], h[:, 3], h[:, 4:])

if __name__ == "__main__":
    import jax
    _d = setup_inputs()
    print(jax.jit(kernel)(*tuple(_d.values())))

</pallas_src>

<mosaic_0001>
#map = affine_map<(d0, d1) -> (0)>
#map1 = affine_map<(d0, d1) -> (0, 0, 0)>
module attributes {stable_mosaic.version = 14 : i64} {
  func.func @k(%arg0: i32, %arg1: i32, %arg2: memref<110592xi32, #tpu.memory_space<hbm>>, %arg3: memref<2x10112x128xf32, #tpu.memory_space<hbm>>, %arg4: memref<128xi32, #tpu.memory_space<vmem>>, %arg5: memref<128x128xf32, #tpu.memory_space<vmem>>, %arg6: memref<10112x128xf32, #tpu.memory_space<vmem_shared>>) attributes {dimension_semantics = [#tpu.dimension_semantics<core_parallel>, #tpu.dimension_semantics<subcore_parallel>], iteration_bounds = array<i64: 2, 16>, scalar_prefetch = 0 : i64, scratch_operands = 3 : i64, tpu.core_type = #tpu.core_type<sc_vector_subcore>, window_params = [{transform_indices = #map}, {transform_indices = #map1}]} {
    %mul3A = arith.constant 16 : i32
    %mul3A_0 = arith.muli %arg0, %mul3A : i32
    %add3A = arith.addi %mul3A_0, %arg1 : i32
    %mul3A_1 = arith.constant 632 : i32
    %mul3A_2 = arith.muli %arg1, %mul3A_1 : i32
    %scan3A = arith.constant 0 : i32
    %scan3A_3 = arith.constant 0 : i32
    %scan3A_4 = arith.constant 128 : i32
    %scan3A_5 = arith.addi %scan3A_3, %scan3A_4 : i32
    %scan3A_6 = arith.constant 1 : i32
    scf.for %scan3A_35 = %scan3A_3 to %scan3A_5 step %scan3A_6  : i32 {
      %broadcast_in_dim3A = arith.constant 0.000000e+00 : f32
      %broadcast_in_dim3A_36 = vector.broadcast %broadcast_in_dim3A : f32 to vector<16xf32>
      %swap3A = arith.index_cast %scan3A_35 : i32 to index
      %swap3A_37 = arith.constant 0 : index
      %swap3A_38 = tpu.vector_load %arg5[%swap3A, %swap3A_37] {strides = array<i32>} : memref<128x128xf32, #tpu.memory_space<vmem>>, vector<1x16xf32>,
      %swap3A_39 = vector.shape_cast %swap3A_38 : vector<1x16xf32> to vector<16xf32>
      %swap3A_40 = vector.shape_cast %broadcast_in_dim3A_36 : vector<16xf32> to vector<1x16xf32>
      tpu.vector_store %arg5[%swap3A, %swap3A_37], %swap3A_40 {strides = array<i32>} : memref<128x128xf32, #tpu.memory_space<vmem>>, vector<1x16xf32>,
      %broadcast_in_dim3A_41 = arith.constant 0.000000e+00 : f32
      %broadcast_in_dim3A_42 = vector.broadcast %broadcast_in_dim3A_41 : f32 to vector<16xf32>
      %swap3A_43 = arith.index_cast %scan3A_35 : i32 to index
      %swap3A_44 = arith.constant 16 : index
      %swap3A_45 = tpu.vector_load %arg5[%swap3A_43, %swap3A_44] {strides = array<i32>} : memref<128x128xf32, #tpu.memory_space<vmem>>, vector<1x16xf32>,
      %swap3A_46 = vector.shape_cast %swap3A_45 : vector<1x16xf32> to vector<16xf32>
      %swap3A_47 = vector.shape_cast %broadcast_in_dim3A_42 : vector<16xf32> to vector<1x16xf32>
      tpu.vector_store %arg5[%swap3A_43, %swap3A_44], %swap3A_47 {strides = array<i32>} : memref<128x128xf32, #tpu.memory_space<vmem>>, vector<1x16xf32>,
      %broadcast_in_dim3A_48 = arith.constant 0.000000e+00 : f32
      %broadcast_in_dim3A_49 = vector.broadcast %broadcast_in_dim3A_48 : f32 to vector<16xf32>
      %swap3A_50 = arith.index_cast %scan3A_35 : i32 to index
      %swap3A_51 = arith.constant 32 : index
      %swap3A_52 = tpu.vector_load %arg5[%swap3A_50, %swap3A_51] {strides = array<i32>} : memref<128x128xf32, #tpu.memory_space<vmem>>, vector<1x16xf32>,
      %swap3A_53 = vector.shape_cast %swap3A_52 : vector<1x16xf32> to vector<16xf32>
      %swap3A_54 = vector.shape_cast %broadcast_in_dim3A_49 : vector<16xf32> to vector<1x16xf32>
      tpu.vector_store %arg5[%swap3A_50, %swap3A_51], %swap3A_54 {strides = array<i32>} : memref<128x128xf32, #tpu.memory_space<vmem>>, vector<1x16xf32>,
      %broadcast_in_dim3A_55 = arith.constant 0.000000e+00 : f32
      %broadcast_in_dim3A_56 = vector.broadcast %broadcast_in_dim3A_55 : f32 to vector<16xf32>
      %swap3A_57 = arith.index_cast %scan3A_35 : i32 to index
      %swap3A_58 = arith.constant 48 : index
      %swap3A_59 = tpu.vector_load %arg5[%swap3A_57, %swap3A_58] {strides = array<i32>} : memref<128x128xf32, #tpu.memory_space<vmem>>, vector<1x16xf32>,
      %swap3A_60 = vector.shape_cast %swap3A_59 : vector<1x16xf32> to vector<16xf32>
      %swap3A_61 = vector.shape_cast %broadcast_in_dim3A_56 : vector<16xf32> to vector<1x16xf32>
      tpu.vector_store %arg5[%swap3A_57, %swap3A_58], %swap3A_61 {strides = array<i32>} : memref<128x128xf32, #tpu.memory_space<vmem>>, vector<1x16xf32>,
      %broadcast_in_dim3A_62 = arith.constant 0.000000e+00 : f32
      %broadcast_in_dim3A_63 = vector.broadcast %broadcast_in_dim3A_62 : f32 to vector<16xf32>
      %swap3A_64 = arith.index_cast %scan3A_35 : i32 to index
      %swap3A_65 = arith.constant 64 : index
      %swap3A_66 = tpu.vector_load %arg5[%swap3A_64, %swap3A_65] {strides = array<i32>} : memref<128x128xf32, #tpu.memory_space<vmem>>, vector<1x16xf32>,
      %swap3A_67 = vector.shape_cast %swap3A_66 : vector<1x16xf32> to vector<16xf32>
      %swap3A_68 = vector.shape_cast %broadcast_in_dim3A_63 : vector<16xf32> to vector<1x16xf32>
      tpu.vector_store %arg5[%swap3A_64, %swap3A_65], %swap3A_68 {strides = array<i32>} : memref<128x128xf32, #tpu.memory_space<vmem>>, vector<1x16xf32>,
      %broadcast_in_dim3A_69 = arith.constant 0.000000e+00 : f32
      %broadcast_in_dim3A_70 = vector.broadcast %broadcast_in_dim3A_69 : f32 to vector<16xf32>
      %swap3A_71 = arith.index_cast %scan3A_35 : i32 to index
      %swap3A_72 = arith.constant 80 : index
      %swap3A_73 = tpu.vector_load %arg5[%swap3A_71, %swap3A_72] {strides = array<i32>} : memref<128x128xf32, #tpu.memory_space<vmem>>, vector<1x16xf32>,
      %swap3A_74 = vector.shape_cast %swap3A_73 : vector<1x16xf32> to vector<16xf32>
      %swap3A_75 = vector.shape_cast %broadcast_in_dim3A_70 : vector<16xf32> to vector<1x16xf32>
      tpu.vector_store %arg5[%swap3A_71, %swap3A_72], %swap3A_75 {strides = array<i32>} : memref<128x128xf32, #tpu.memory_space<vmem>>, vector<1x16xf32>,
      %broadcast_in_dim3A_76 = arith.constant 0.000000e+00 : f32
      %broadcast_in_dim3A_77 = vector.broadcast %broadcast_in_dim3A_76 : f32 to vector<16xf32>
      %swap3A_78 = arith.index_cast %scan3A_35 : i32 to index
      %swap3A_79 = arith.constant 96 : index
      %swap3A_80 = tpu.vector_load %arg5[%swap3A_78, %swap3A_79] {strides = array<i32>} : memref<128x128xf32, #tpu.memory_space<vmem>>, vector<1x16xf32>,
      %swap3A_81 = vector.shape_cast %swap3A_80 : vector<1x16xf32> to vector<16xf32>
      %swap3A_82 = vector.shape_cast %broadcast_in_dim3A_77 : vector<16xf32> to vector<1x16xf32>
      tpu.vector_store %arg5[%swap3A_78, %swap3A_79], %swap3A_82 {strides = array<i32>} : memref<128x128xf32, #tpu.memory_space<vmem>>, vector<1x16xf32>,
      %broadcast_in_dim3A_83 = arith.constant 0.000000e+00 : f32
      %broadcast_in_dim3A_84 = vector.broadcast %broadcast_in_dim3A_83 : f32 to vector<16xf32>
      %swap3A_85 = arith.index_cast %scan3A_35 : i32 to index
      %swap3A_86 = arith.constant 112 : index
      %swap3A_87 = tpu.vector_load %arg5[%swap3A_85, %swap3A_86] {strides = array<i32>} : memref<128x128xf32, #tpu.memory_space<vmem>>, vector<1x16xf32>,
      %swap3A_88 = vector.shape_cast %swap3A_87 : vector<1x16xf32> to vector<16xf32>
      %swap3A_89 = vector.shape_cast %broadcast_in_dim3A_84 : vector<16xf32> to vector<1x16xf32>
      tpu.vector_store %arg5[%swap3A_85, %swap3A_86], %swap3A_89 {strides = array<i32>} : memref<128x128xf32, #tpu.memory_space<vmem>>, vector<1x16xf32>,
    }
    %scan3A_7 = arith.constant 128 : i32
    %scan3A_8 = arith.constant 0 : i32
    %scan3A_9 = arith.constant 0 : i32
    %scan3A_10 = arith.constant 4 : i32
    %scan3A_11 = arith.addi %scan3A_9, %scan3A_10 : i32
    %scan3A_12 = arith.constant 1 : i32
    scf.for %scan3A_35 = %scan3A_9 to %scan3A_11 step %scan3A_12  : i32 {
      %mul3A_36 = arith.constant 128 : i32
      %mul3A_37 = arith.muli %scan3A_35, %mul3A_36 : i32
      %add3A_38 = arith.addi %mul3A_2, %mul3A_37 : i32
      "tpu.region"() ({
        %run_scoped3A = tpu.sem_alloc : memref<!tpu.dma_semaphore, #tpu.memory_space<semaphore_mem>>
        %dma_start3A = arith.constant 0 : i32
        %dma_start3A_39 = tpu.memref_slice %arg6[%add3A_38, %dma_start3A] : memref<10112x128xf32, #tpu.memory_space<vmem_shared>> -> memref<128x128xf32, #tpu.memory_space<vmem_shared>>
        %dma_start3A_40 = arith.constant 0 : i32
        %dma_start3A_41 = tpu.memref_slice %arg6[%add3A_38, %dma_start3A_40] : memref<10112x128xf32, #tpu.memory_space<vmem_shared>> -> memref<128x128xf32, #tpu.memory_space<vmem_shared>>
        tpu.enqueue_dma source(%arg5 : memref<128x128xf32, #tpu.memory_space<vmem>>) target(%dma_start3A_41 : memref<128x128xf32, #tpu.memory_space<vmem_shared>>) target_semaphore(%run_scoped3A : memref<!tpu.dma_semaphore, #tpu.memory_space<semaphore_mem>>)
        %dma_wait3A = arith.constant 0 : i32
        %dma_wait3A_42 = tpu.memref_slice %arg6[%add3A_38, %dma_wait3A] : memref<10112x128xf32, #tpu.memory_space<vmem_shared>> -> memref<128x128xf32, #tpu.memory_space<vmem_shared>>
        %dma_wait3A_43 = arith.constant 0 : i32
        %dma_wait3A_44 = tpu.memref_slice %arg6[%add3A_38, %dma_wait3A_43] : memref<10112x128xf32, #tpu.memory_space<vmem_shared>> -> memref<128x128xf32, #tpu.memory_space<vmem_shared>>
        tpu.wait_dma2 semaphore(%run_scoped3A : memref<!tpu.dma_semaphore, #tpu.memory_space<semaphore_mem>>) src(%arg5 : memref<128x128xf32, #tpu.memory_space<vmem>>) dst(%dma_wait3A_44 : memref<128x128xf32, #tpu.memory_space<vmem_shared>>)
        tpu.yield
      }) : () -> ()
    }
    %scan3A_13 = arith.constant 4 : i32
    %add3A_14 = arith.constant 512 : i32
    %add3A_15 = arith.addi %mul3A_2, %add3A_14 : i32
    "tpu.region"() ({
      %run_scoped3A = tpu.sem_alloc : memref<!tpu.dma_semaphore, #tpu.memory_space<semaphore_mem>>
      %dma_start3A = arith.constant 0 : i32
      %dma_start3A_35 = arith.constant 0 : i32
      %dma_start3A_36 = tpu.memref_slice %arg5[%dma_start3A, %dma_start3A_35] : memref<128x128xf32, #tpu.memory_space<vmem>> -> memref<120x128xf32, #tpu.memory_space<vmem>>
      %dma_start3A_37 = arith.constant 0 : i32
      %dma_start3A_38 = tpu.memref_slice %arg6[%add3A_15, %dma_start3A_37] : memref<10112x128xf32, #tpu.memory_space<vmem_shared>> -> memref<120x128xf32, #tpu.memory_space<vmem_shared>>
      %dma_start3A_39 = arith.constant 0 : i32
      %dma_start3A_40 = tpu.memref_slice %arg6[%add3A_15, %dma_start3A_39] : memref<10112x128xf32, #tpu.memory_space<vmem_shared>> -> memref<120x128xf32, #tpu.memory_space<vmem_shared>>
      %dma_start3A_41 = arith.constant 0 : i32
      %dma_start3A_42 = arith.constant 0 : i32
      %dma_start3A_43 = tpu.memref_slice %arg5[%dma_start3A_41, %dma_start3A_42] : memref<128x128xf32, #tpu.memory_space<vmem>> -> memref<120x128xf32, #tpu.memory_space<vmem>>
      tpu.enqueue_dma source(%dma_start3A_43 : memref<120x128xf32, #tpu.memory_space<vmem>>) target(%dma_start3A_40 : memref<120x128xf32, #tpu.memory_space<vmem_shared>>) target_semaphore(%run_scoped3A : memref<!tpu.dma_semaphore, #tpu.memory_space<semaphore_mem>>)
      %dma_wait3A = arith.constant 0 : i32
      %dma_wait3A_44 = arith.constant 0 : i32
      %dma_wait3A_45 = tpu.memref_slice %arg5[%dma_wait3A, %dma_wait3A_44] : memref<128x128xf32, #tpu.memory_space<vmem>> -> memref<120x128xf32, #tpu.memory_space<vmem>>
      %dma_wait3A_46 = arith.constant 0 : i32
      %dma_wait3A_47 = tpu.memref_slice %arg6[%add3A_15, %dma_wait3A_46] : memref<10112x128xf32, #tpu.memory_space<vmem_shared>> -> memref<120x128xf32, #tpu.memory_space<vmem_shared>>
      %dma_wait3A_48 = arith.constant 0 : i32
      %dma_wait3A_49 = tpu.memref_slice %arg6[%add3A_15, %dma_wait3A_48] : memref<10112x128xf32, #tpu.memory_space<vmem_shared>> -> memref<120x128xf32, #tpu.memory_space<vmem_shared>>
      %dma_wait3A_50 = arith.constant 0 : i32
      %dma_wait3A_51 = arith.constant 0 : i32
      %dma_wait3A_52 = tpu.memref_slice %arg5[%dma_wait3A_50, %dma_wait3A_51] : memref<128x128xf32, #tpu.memory_space<vmem>> -> memref<120x128xf32, #tpu.memory_space<vmem>>
      tpu.wait_dma2 semaphore(%run_scoped3A : memref<!tpu.dma_semaphore, #tpu.memory_space<semaphore_mem>>) src(%dma_wait3A_52 : memref<120x128xf32, #tpu.memory_space<vmem>>) dst(%dma_wait3A_49 : memref<120x128xf32, #tpu.memory_space<vmem_shared>>)
      tpu.yield
    }) : () -> ()
    %scan3A_16 = arith.constant 0 : i32
    %scan3A_17 = arith.constant 0 : i32
    %scan3A_18 = arith.constant 128 : i32
    %scan3A_19 = arith.addi %scan3A_17, %scan3A_18 : i32
    %scan3A_20 = arith.constant 1 : i32
    scf.for %scan3A_35 = %scan3A_17 to %scan3A_19 step %scan3A_20  : i32 {
      %broadcast_in_dim3A = arith.constant 1.000000e+00 : f32
      %broadcast_in_dim3A_36 = vector.broadcast %broadcast_in_dim3A : f32 to vector<16xf32>
      %swap3A = arith.index_cast %scan3A_35 : i32 to index
      %swap3A_37 = arith.constant 0 : index
      %swap3A_38 = tpu.vector_load %arg5[%swap3A, %swap3A_37] {strides = array<i32>} : memref<128x128xf32, #tpu.memory_space<vmem>>, vector<1x16xf32>,
      %swap3A_39 = vector.shape_cast %swap3A_38 : vector<1x16xf32> to vector<16xf32>
      %swap3A_40 = vector.shape_cast %broadcast_in_dim3A_36 : vector<16xf32> to vector<1x16xf32>
      tpu.vector_store %arg5[%swap3A, %swap3A_37], %swap3A_40 {strides = array<i32>} : memref<128x128xf32, #tpu.memory_space<vmem>>, vector<1x16xf32>,
      %broadcast_in_dim3A_41 = arith.constant 1.000000e+00 : f32
      %broadcast_in_dim3A_42 = vector.broadcast %broadcast_in_dim3A_41 : f32 to vector<16xf32>
      %swap3A_43 = arith.index_cast %scan3A_35 : i32 to index
      %swap3A_44 = arith.constant 16 : index
      %swap3A_45 = tpu.vector_load %arg5[%swap3A_43, %swap3A_44] {strides = array<i32>} : memref<128x128xf32, #tpu.memory_space<vmem>>, vector<1x16xf32>,
      %swap3A_46 = vector.shape_cast %swap3A_45 : vector<1x16xf32> to vector<16xf32>
      %swap3A_47 = vector.shape_cast %broadcast_in_dim3A_42 : vector<16xf32> to vector<1x16xf32>
      tpu.vector_store %arg5[%swap3A_43, %swap3A_44], %swap3A_47 {strides = array<i32>} : memref<128x128xf32, #tpu.memory_space<vmem>>, vector<1x16xf32>,
      %broadcast_in_dim3A_48 = arith.constant 1.000000e+00 : f32
      %broadcast_in_dim3A_49 = vector.broadcast %broadcast_in_dim3A_48 : f32 to vector<16xf32>
      %swap3A_50 = arith.index_cast %scan3A_35 : i32 to index
      %swap3A_51 = arith.constant 32 : index
      %swap3A_52 = tpu.vector_load %arg5[%swap3A_50, %swap3A_51] {strides = array<i32>} : memref<128x128xf32, #tpu.memory_space<vmem>>, vector<1x16xf32>,
      %swap3A_53 = vector.shape_cast %swap3A_52 : vector<1x16xf32> to vector<16xf32>
      %swap3A_54 = vector.shape_cast %broadcast_in_dim3A_49 : vector<16xf32> to vector<1x16xf32>
      tpu.vector_store %arg5[%swap3A_50, %swap3A_51], %swap3A_54 {strides = array<i32>} : memref<128x128xf32, #tpu.memory_space<vmem>>, vector<1x16xf32>,
      %broadcast_in_dim3A_55 = arith.constant 1.000000e+00 : f32
      %broadcast_in_dim3A_56 = vector.broadcast %broadcast_in_dim3A_55 : f32 to vector<16xf32>
      %swap3A_57 = arith.index_cast %scan3A_35 : i32 to index
      %swap3A_58 = arith.constant 48 : index
      %swap3A_59 = tpu.vector_load %arg5[%swap3A_57, %swap3A_58] {strides = array<i32>} : memref<128x128xf32, #tpu.memory_space<vmem>>, vector<1x16xf32>,
      %swap3A_60 = vector.shape_cast %swap3A_59 : vector<1x16xf32> to vector<16xf32>
      %swap3A_61 = vector.shape_cast %broadcast_in_dim3A_56 : vector<16xf32> to vector<1x16xf32>
      tpu.vector_store %arg5[%swap3A_57, %swap3A_58], %swap3A_61 {strides = array<i32>} : memref<128x128xf32, #tpu.memory_space<vmem>>, vector<1x16xf32>,
      %broadcast_in_dim3A_62 = arith.constant 1.000000e+00 : f32
      %broadcast_in_dim3A_63 = vector.broadcast %broadcast_in_dim3A_62 : f32 to vector<16xf32>
      %swap3A_64 = arith.index_cast %scan3A_35 : i32 to index
      %swap3A_65 = arith.constant 64 : index
      %swap3A_66 = tpu.vector_load %arg5[%swap3A_64, %swap3A_65] {strides = array<i32>} : memref<128x128xf32, #tpu.memory_space<vmem>>, vector<1x16xf32>,
      %swap3A_67 = vector.shape_cast %swap3A_66 : vector<1x16xf32> to vector<16xf32>
      %swap3A_68 = vector.shape_cast %broadcast_in_dim3A_63 : vector<16xf32> to vector<1x16xf32>
      tpu.vector_store %arg5[%swap3A_64, %swap3A_65], %swap3A_68 {strides = array<i32>} : memref<128x128xf32, #tpu.memory_space<vmem>>, vector<1x16xf32>,
      %broadcast_in_dim3A_69 = arith.constant 1.000000e+00 : f32
      %broadcast_in_dim3A_70 = vector.broadcast %broadcast_in_dim3A_69 : f32 to vector<16xf32>
      %swap3A_71 = arith.index_cast %scan3A_35 : i32 to index
      %swap3A_72 = arith.constant 80 : index
      %swap3A_73 = tpu.vector_load %arg5[%swap3A_71, %swap3A_72] {strides = array<i32>} : memref<128x128xf32, #tpu.memory_space<vmem>>, vector<1x16xf32>,
      %swap3A_74 = vector.shape_cast %swap3A_73 : vector<1x16xf32> to vector<16xf32>
      %swap3A_75 = vector.shape_cast %broadcast_in_dim3A_70 : vector<16xf32> to vector<1x16xf32>
      tpu.vector_store %arg5[%swap3A_71, %swap3A_72], %swap3A_75 {strides = array<i32>} : memref<128x128xf32, #tpu.memory_space<vmem>>, vector<1x16xf32>,
      %broadcast_in_dim3A_76 = arith.constant 1.000000e+00 : f32
      %broadcast_in_dim3A_77 = vector.broadcast %broadcast_in_dim3A_76 : f32 to vector<16xf32>
      %swap3A_78 = arith.index_cast %scan3A_35 : i32 to index
      %swap3A_79 = arith.constant 96 : index
      %swap3A_80 = tpu.vector_load %arg5[%swap3A_78, %swap3A_79] {strides = array<i32>} : memref<128x128xf32, #tpu.memory_space<vmem>>, vector<1x16xf32>,
      %swap3A_81 = vector.shape_cast %swap3A_80 : vector<1x16xf32> to vector<16xf32>
      %swap3A_82 = vector.shape_cast %broadcast_in_dim3A_77 : vector<16xf32> to vector<1x16xf32>
      tpu.vector_store %arg5[%swap3A_78, %swap3A_79], %swap3A_82 {strides = array<i32>} : memref<128x128xf32, #tpu.memory_space<vmem>>, vector<1x16xf32>,
      %broadcast_in_dim3A_83 = arith.constant 1.000000e+00 : f32
      %broadcast_in_dim3A_84 = vector.broadcast %broadcast_in_dim3A_83 : f32 to vector<16xf32>
      %swap3A_85 = arith.index_cast %scan3A_35 : i32 to index
      %swap3A_86 = arith.constant 112 : index
      %swap3A_87 = tpu.vector_load %arg5[%swap3A_85, %swap3A_86] {strides = array<i32>} : memref<128x128xf32, #tpu.memory_space<vmem>>, vector<1x16xf32>,
      %swap3A_88 = vector.shape_cast %swap3A_87 : vector<1x16xf32> to vector<16xf32>
      %swap3A_89 = vector.shape_cast %broadcast_in_dim3A_84 : vector<16xf32> to vector<1x16xf32>
      tpu.vector_store %arg5[%swap3A_85, %swap3A_86], %swap3A_89 {strides = array<i32>} : memref<128x128xf32, #tpu.memory_space<vmem>>, vector<1x16xf32>,
    }
    %scan3A_21 = arith.constant 128 : i32
    %barrier3A = arith.constant 0 : index
    tpu.barrier barrier_id(%barrier3A)
    %scan3A_22 = arith.constant 0 : i32
    %scan3A_23 = arith.constant 0 : i32
    %scan3A_24 = arith.constant 27 : i32
    %scan3A_25 = arith.addi %scan3A_23, %scan3A_24 : i32
    %scan3A_26 = arith.constant 1 : i32
    scf.for %scan3A_35 = %scan3A_23 to %scan3A_25 step %scan3A_26  : i32 {
      %mul3A_36 = arith.constant 27 : i32
      %mul3A_37 = arith.muli %add3A, %mul3A_36 : i32
      %add3A_38 = arith.addi %mul3A_37, %scan3A_35 : i32
      %mul3A_39 = arith.constant 128 : i32
      %mul3A_40 = arith.muli %add3A_38, %mul3A_39 : i32
      "tpu.region"() ({
        %run_scoped3A = tpu.sem_alloc : memref<!tpu.dma_semaphore, #tpu.memory_space<semaphore_mem>>
        %dma_start3A = tpu.memref_slice %arg2[%mul3A_40] : memref<110592xi32, #tpu.memory_space<hbm>> -> memref<128xi32, #tpu.memory_space<hbm>>
        %dma_start3A_41 = tpu.memref_slice %arg2[%mul3A_40] : memref<110592xi32, #tpu.memory_space<hbm>> -> memref<128xi32, #tpu.memory_space<hbm>>
        tpu.enqueue_dma source(%dma_start3A_41 : memref<128xi32, #tpu.memory_space<hbm>>) target(%arg4 : memref<128xi32, #tpu.memory_space<vmem>>) target_semaphore(%run_scoped3A : memref<!tpu.dma_semaphore, #tpu.memory_space<semaphore_mem>>)
        %dma_wait3A = tpu.memref_slice %arg2[%mul3A_40] : memref<110592xi32, #tpu.memory_space<hbm>> -> memref<128xi32, #tpu.memory_space<hbm>>
        %dma_wait3A_42 = tpu.memref_slice %arg2[%mul3A_40] : memref<110592xi32, #tpu.memory_space<hbm>> -> memref<128xi32, #tpu.memory_space<hbm>>
        tpu.wait_dma2 semaphore(%run_scoped3A : memref<!tpu.dma_semaphore, #tpu.memory_space<semaphore_mem>>) src(%dma_wait3A_42 : memref<128xi32, #tpu.memory_space<hbm>>) dst(%arg4 : memref<128xi32, #tpu.memory_space<vmem>>)
        tpu.yield
      }) : () -> ()
      "tpu.region"() ({
        %run_scoped3A = tpu.sem_alloc : memref<!tpu.dma_semaphore, #tpu.memory_space<semaphore_mem>>
        %dma_start3A = arith.constant 0 : i32
        %dma_start3A_41 = arith.constant 0 : i32
        %dma_start3A_42 = tpu.memref_slice %arg6[%dma_start3A, %dma_start3A_41] : memref<10112x128xf32, #tpu.memory_space<vmem_shared>> -> memref<10112x128xf32, #tpu.memory_space<vmem_shared>>
        tpu.enqueue_indirect_dma source(%arg5 : memref<128x128xf32, #tpu.memory_space<vmem>>) target(%dma_start3A_42 : memref<10112x128xf32, #tpu.memory_space<vmem_shared>>) offsets(%arg4 : memref<128xi32, #tpu.memory_space<vmem>>) semaphore(%run_scoped3A : memref<!tpu.dma_semaphore, #tpu.memory_space<semaphore_mem>>) {add = true}
        %dma_wait3A = arith.constant 0 : i32
        %dma_wait3A_43 = arith.constant 0 : i32
        %dma_wait3A_44 = tpu.memref_slice %arg6[%dma_wait3A, %dma_wait3A_43] : memref<10112x128xf32, #tpu.memory_space<vmem_shared>> -> memref<10112x128xf32, #tpu.memory_space<vmem_shared>>
        tpu.wait_indirect_dma semaphore(%run_scoped3A : memref<!tpu.dma_semaphore, #tpu.memory_space<semaphore_mem>>) src(%arg5 : memref<128x128xf32, #tpu.memory_space<vmem>>) dst(%dma_wait3A_44 : memref<10112x128xf32, #tpu.memory_space<vmem_shared>>)
        tpu.yield
      }) : () -> ()
    }
    %scan3A_27 = arith.constant 27 : i32
    %barrier3A_28 = arith.constant 0 : index
    tpu.barrier barrier_id(%barrier3A_28)
    %lt3A = arith.constant 15 : i32
    %lt3A_29 = arith.cmpi slt, %arg1, %lt3A : i32
    %convert_element_type3A = arith.extui %lt3A_29 : i1 to i32
    %cond3A = arith.constant 0 : i32
    %cond3A_30 = arith.cmpi ne, %convert_element_type3A, %cond3A : i32
    scf.if %cond3A_30 {
      "tpu.region"() ({
        %run_scoped3A = tpu.sem_alloc : memref<!tpu.dma_semaphore, #tpu.memory_space<semaphore_mem>>
        %dma_start3A = arith.constant 0 : i32
        %dma_start3A_35 = tpu.memref_slice %arg3[%arg0, %mul3A_2, %dma_start3A] : memref<2x10112x128xf32, #tpu.memory_space<hbm>> -> memref<1x632x128xf32, #tpu.memory_space<hbm>>
        %dma_start3A_36 = tpu.memref_squeeze %dma_start3A_35 : memref<1x632x128xf32, #tpu.memory_space<hbm>> -> memref<632x128xf32, #tpu.memory_space<hbm>>
        %dma_start3A_37 = arith.constant 0 : i32
        %dma_start3A_38 = tpu.memref_slice %arg6[%mul3A_2, %dma_start3A_37] : memref<10112x128xf32, #tpu.memory_space<vmem_shared>> -> memref<632x128xf32, #tpu.memory_space<vmem_shared>>
        tpu.enqueue_dma source(%dma_start3A_38 : memref<632x128xf32, #tpu.memory_space<vmem_shared>>) target(%dma_start3A_36 : memref<632x128xf32, #tpu.memory_space<hbm>>) target_semaphore(%run_scoped3A : memref<!tpu.dma_semaphore, #tpu.memory_space<semaphore_mem>>)
        %dma_wait3A = arith.constant 0 : i32
        %dma_wait3A_39 = tpu.memref_slice %arg3[%arg0, %mul3A_2, %dma_wait3A] : memref<2x10112x128xf32, #tpu.memory_space<hbm>> -> memref<1x632x128xf32, #tpu.memory_space<hbm>>
        %dma_wait3A_40 = tpu.memref_squeeze %dma_wait3A_39 : memref<1x632x128xf32, #tpu.memory_space<hbm>> -> memref<632x128xf32, #tpu.memory_space<hbm>>
        %dma_wait3A_41 = arith.constant 0 : i32
        %dma_wait3A_42 = tpu.memref_slice %arg6[%mul3A_2, %dma_wait3A_41] : memref<10112x128xf32, #tpu.memory_space<vmem_shared>> -> memref<632x128xf32, #tpu.memory_space<vmem_shared>>
        tpu.wait_dma2 semaphore(%run_scoped3A : memref<!tpu.dma_semaphore, #tpu.memory_space<semaphore_mem>>) src(%dma_wait3A_42 : memref<632x128xf32, #tpu.memory_space<vmem_shared>>) dst(%dma_wait3A_40 : memref<632x128xf32, #tpu.memory_space<hbm>>)
        tpu.yield
      }) : () -> ()
    } else {
    }
    %eq3A = arith.constant 15 : i32
    %eq3A_31 = arith.cmpi eq, %arg1, %eq3A : i32
    %convert_element_type3A_32 = arith.extui %eq3A_31 : i1 to i32
    %cond3A_33 = arith.constant 0 : i32
    %cond3A_34 = arith.cmpi ne, %convert_element_type3A_32, %cond3A_33 : i32
    scf.if %cond3A_34 {
      "tpu.region"() ({
        %run_scoped3A = tpu.sem_alloc : memref<!tpu.dma_semaphore, #tpu.memory_space<semaphore_mem>>
        %dma_start3A = arith.constant 0 : i32
        %dma_start3A_35 = tpu.memref_slice %arg3[%arg0, %mul3A_2, %dma_start3A] : memref<2x10112x128xf32, #tpu.memory_space<hbm>> -> memref<1x520x128xf32, #tpu.memory_space<hbm>>
        %dma_start3A_36 = tpu.memref_squeeze %dma_start3A_35 : memref<1x520x128xf32, #tpu.memory_space<hbm>> -> memref<520x128xf32, #tpu.memory_space<hbm>>
        %dma_start3A_37 = arith.constant 0 : i32
        %dma_start3A_38 = tpu.memref_slice %arg6[%mul3A_2, %dma_start3A_37] : memref<10112x128xf32, #tpu.memory_space<vmem_shared>> -> memref<520x128xf32, #tpu.memory_space<vmem_shared>>
        tpu.enqueue_dma source(%dma_start3A_38 : memref<520x128xf32, #tpu.memory_space<vmem_shared>>) target(%dma_start3A_36 : memref<520x128xf32, #tpu.memory_space<hbm>>) target_semaphore(%run_scoped3A : memref<!tpu.dma_semaphore, #tpu.memory_space<semaphore_mem>>)
        %dma_wait3A = arith.constant 0 : i32
        %dma_wait3A_39 = tpu.memref_slice %arg3[%arg0, %mul3A_2, %dma_wait3A] : memref<2x10112x128xf32, #tpu.memory_space<hbm>> -> memref<1x520x128xf32, #tpu.memory_space<hbm>>
        %dma_wait3A_40 = tpu.memref_squeeze %dma_wait3A_39 : memref<1x520x128xf32, #tpu.memory_space<hbm>> -> memref<520x128xf32, #tpu.memory_space<hbm>>
        %dma_wait3A_41 = arith.constant 0 : i32
        %dma_wait3A_42 = tpu.memref_slice %arg6[%mul3A_2, %dma_wait3A_41] : memref<10112x128xf32, #tpu.memory_space<vmem_shared>> -> memref<520x128xf32, #tpu.memory_space<vmem_shared>>
        tpu.wait_dma2 semaphore(%run_scoped3A : memref<!tpu.dma_semaphore, #tpu.memory_space<semaphore_mem>>) src(%dma_wait3A_42 : memref<520x128xf32, #tpu.memory_space<vmem_shared>>) dst(%dma_wait3A_40 : memref<520x128xf32, #tpu.memory_space<hbm>>)
        tpu.yield
      }) : () -> ()
    } else {
    }
    return
  }
}

#map = affine_map<(d0, d1) -> (0)>
#map1 = affine_map<(d0, d1) -> (0, 0)>
#map2 = affine_map<(d0, d1) -> (0, 0, 0)>
module attributes {stable_mosaic.version = 14 : i64} {
  func.func @k(%arg0: i32, %arg1: i32, %arg2: memref<110592xi32, #tpu.memory_space<hbm>>, %arg3: memref<10000x128xf32, #tpu.memory_space<hbm>>, %arg4: memref<2x10000x128xf32, #tpu.memory_space<hbm>>, %arg5: memref<128xi32, #tpu.memory_space<vmem>>, %arg6: memref<128xi32, #tpu.memory_space<vmem>>, %arg7: memref<128x128xf32, #tpu.memory_space<vmem>>, %arg8: memref<128x128xf32, #tpu.memory_space<vmem>>, %arg9: memref<10112x128xf32, #tpu.memory_space<vmem_shared>>, %arg10: memref<!tpu.dma_semaphore, #tpu.memory_space<semaphore_mem>>) attributes {dimension_semantics = [#tpu.dimension_semantics<core_parallel>, #tpu.dimension_semantics<subcore_parallel>], iteration_bounds = array<i64: 2, 16>, scalar_prefetch = 0 : i64, scratch_operands = 6 : i64, tpu.core_type = #tpu.core_type<sc_vector_subcore>, window_params = [{transform_indices = #map}, {transform_indices = #map1}, {transform_indices = #map2}]} {
    %mul3A = arith.constant 632 : i32
    %mul3A_0 = arith.muli %arg1, %mul3A : i32
    %scan3A = arith.constant 0 : i32
    %scan3A_1 = arith.constant 0 : i32
    %scan3A_2 = arith.constant 128 : i32
    %scan3A_3 = arith.addi %scan3A_1, %scan3A_2 : i32
    %scan3A_4 = arith.constant 1 : i32
    scf.for %scan3A_26 = %scan3A_1 to %scan3A_3 step %scan3A_4  : i32 {
      %broadcast_in_dim3A = arith.constant 0.000000e+00 : f32
      %broadcast_in_dim3A_27 = vector.broadcast %broadcast_in_dim3A : f32 to vector<16xf32>
      %swap3A = arith.index_cast %scan3A_26 : i32 to index
      %swap3A_28 = arith.constant 0 : index
      %swap3A_29 = tpu.vector_load %arg8[%swap3A, %swap3A_28] {strides = array<i32>} : memref<128x128xf32, #tpu.memory_space<vmem>>, vector<1x16xf32>,
      %swap3A_30 = vector.shape_cast %swap3A_29 : vector<1x16xf32> to vector<16xf32>
      %swap3A_31 = vector.shape_cast %broadcast_in_dim3A_27 : vector<16xf32> to vector<1x16xf32>
      tpu.vector_store %arg8[%swap3A, %swap3A_28], %swap3A_31 {strides = array<i32>} : memref<128x128xf32, #tpu.memory_space<vmem>>, vector<1x16xf32>,
      %broadcast_in_dim3A_32 = arith.constant 0.000000e+00 : f32
      %broadcast_in_dim3A_33 = vector.broadcast %broadcast_in_dim3A_32 : f32 to vector<16xf32>
      %swap3A_34 = arith.index_cast %scan3A_26 : i32 to index
      %swap3A_35 = arith.constant 16 : index
      %swap3A_36 = tpu.vector_load %arg8[%swap3A_34, %swap3A_35] {strides = array<i32>} : memref<128x128xf32, #tpu.memory_space<vmem>>, vector<1x16xf32>,
      %swap3A_37 = vector.shape_cast %swap3A_36 : vector<1x16xf32> to vector<16xf32>
      %swap3A_38 = vector.shape_cast %broadcast_in_dim3A_33 : vector<16xf32> to vector<1x16xf32>
      tpu.vector_store %arg8[%swap3A_34, %swap3A_35], %swap3A_38 {strides = array<i32>} : memref<128x128xf32, #tpu.memory_space<vmem>>, vector<1x16xf32>,
      %broadcast_in_dim3A_39 = arith.constant 0.000000e+00 : f32
      %broadcast_in_dim3A_40 = vector.broadcast %broadcast_in_dim3A_39 : f32 to vector<16xf32>
      %swap3A_41 = arith.index_cast %scan3A_26 : i32 to index
      %swap3A_42 = arith.constant 32 : index
      %swap3A_43 = tpu.vector_load %arg8[%swap3A_41, %swap3A_42] {strides = array<i32>} : memref<128x128xf32, #tpu.memory_space<vmem>>, vector<1x16xf32>,
      %swap3A_44 = vector.shape_cast %swap3A_43 : vector<1x16xf32> to vector<16xf32>
      %swap3A_45 = vector.shape_cast %broadcast_in_dim3A_40 : vector<16xf32> to vector<1x16xf32>
      tpu.vector_store %arg8[%swap3A_41, %swap3A_42], %swap3A_45 {strides = array<i32>} : memref<128x128xf32, #tpu.memory_space<vmem>>, vector<1x16xf32>,
      %broadcast_in_dim3A_46 = arith.constant 0.000000e+00 : f32
      %broadcast_in_dim3A_47 = vector.broadcast %broadcast_in_dim3A_46 : f32 to vector<16xf32>
      %swap3A_48 = arith.index_cast %scan3A_26 : i32 to index
      %swap3A_49 = arith.constant 48 : index
      %swap3A_50 = tpu.vector_load %arg8[%swap3A_48, %swap3A_49] {strides = array<i32>} : memref<128x128xf32, #tpu.memory_space<vmem>>, vector<1x16xf32>,
      %swap3A_51 = vector.shape_cast %swap3A_50 : vector<1x16xf32> to vector<16xf32>
      %swap3A_52 = vector.shape_cast %broadcast_in_dim3A_47 : vector<16xf32> to vector<1x16xf32>
      tpu.vector_store %arg8[%swap3A_48, %swap3A_49], %swap3A_52 {strides = array<i32>} : memref<128x128xf32, #tpu.memory_space<vmem>>, vector<1x16xf32>,
      %broadcast_in_dim3A_53 = arith.constant 0.000000e+00 : f32
      %broadcast_in_dim3A_54 = vector.broadcast %broadcast_in_dim3A_53 : f32 to vector<16xf32>
      %swap3A_55 = arith.index_cast %scan3A_26 : i32 to index
      %swap3A_56 = arith.constant 64 : index
      %swap3A_57 = tpu.vector_load %arg8[%swap3A_55, %swap3A_56] {strides = array<i32>} : memref<128x128xf32, #tpu.memory_space<vmem>>, vector<1x16xf32>,
      %swap3A_58 = vector.shape_cast %swap3A_57 : vector<1x16xf32> to vector<16xf32>
      %swap3A_59 = vector.shape_cast %broadcast_in_dim3A_54 : vector<16xf32> to vector<1x16xf32>
      tpu.vector_store %arg8[%swap3A_55, %swap3A_56], %swap3A_59 {strides = array<i32>} : memref<128x128xf32, #tpu.memory_space<vmem>>, vector<1x16xf32>,
      %broadcast_in_dim3A_60 = arith.constant 0.000000e+00 : f32
      %broadcast_in_dim3A_61 = vector.broadcast %broadcast_in_dim3A_60 : f32 to vector<16xf32>
      %swap3A_62 = arith.index_cast %scan3A_26 : i32 to index
      %swap3A_63 = arith.constant 80 : index
      %swap3A_64 = tpu.vector_load %arg8[%swap3A_62, %swap3A_63] {strides = array<i32>} : memref<128x128xf32, #tpu.memory_space<vmem>>, vector<1x16xf32>,
      %swap3A_65 = vector.shape_cast %swap3A_64 : vector<1x16xf32> to vector<16xf32>
      %swap3A_66 = vector.shape_cast %broadcast_in_dim3A_61 : vector<16xf32> to vector<1x16xf32>
      tpu.vector_store %arg8[%swap3A_62, %swap3A_63], %swap3A_66 {strides = array<i32>} : memref<128x128xf32, #tpu.memory_space<vmem>>, vector<1x16xf32>,
      %broadcast_in_dim3A_67 = arith.constant 0.000000e+00 : f32
      %broadcast_in_dim3A_68 = vector.broadcast %broadcast_in_dim3A_67 : f32 to vector<16xf32>
      %swap3A_69 = arith.index_cast %scan3A_26 : i32 to index
      %swap3A_70 = arith.constant 96 : index
      %swap3A_71 = tpu.vector_load %arg8[%swap3A_69, %swap3A_70] {strides = array<i32>} : memref<128x128xf32, #tpu.memory_space<vmem>>, vector<1x16xf32>,
      %swap3A_72 = vector.shape_cast %swap3A_71 : vector<1x16xf32> to vector<16xf32>
      %swap3A_73 = vector.shape_cast %broadcast_in_dim3A_68 : vector<16xf32> to vector<1x16xf32>
      tpu.vector_store %arg8[%swap3A_69, %swap3A_70], %swap3A_73 {strides = array<i32>} : memref<128x128xf32, #tpu.memory_space<vmem>>, vector<1x16xf32>,
      %broadcast_in_dim3A_74 = arith.constant 0.000000e+00 : f32
      %broadcast_in_dim3A_75 = vector.broadcast %broadcast_in_dim3A_74 : f32 to vector<16xf32>
      %swap3A_76 = arith.index_cast %scan3A_26 : i32 to index
      %swap3A_77 = arith.constant 112 : index
      %swap3A_78 = tpu.vector_load %arg8[%swap3A_76, %swap3A_77] {strides = array<i32>} : memref<128x128xf32, #tpu.memory_space<vmem>>, vector<1x16xf32>,
      %swap3A_79 = vector.shape_cast %swap3A_78 : vector<1x16xf32> to vector<16xf32>
      %swap3A_80 = vector.shape_cast %broadcast_in_dim3A_75 : vector<16xf32> to vector<1x16xf32>
      tpu.vector_store %arg8[%swap3A_76, %swap3A_77], %swap3A_80 {strides = array<i32>} : memref<128x128xf32, #tpu.memory_space<vmem>>, vector<1x16xf32>,
    }
    %scan3A_5 = arith.constant 128 : i32
    %scan3A_6 = arith.constant 0 : i32
    %scan3A_7 = arith.constant 0 : i32
    %scan3A_8 = arith.constant 4 : i32
    %scan3A_9 = arith.addi %scan3A_7, %scan3A_8 : i32
    %scan3A_10 = arith.constant 1 : i32
    scf.for %scan3A_26 = %scan3A_7 to %scan3A_9 step %scan3A_10  : i32 {
      %mul3A_27 = arith.constant 128 : i32
      %mul3A_28 = arith.muli %scan3A_26, %mul3A_27 : i32
      %add3A_29 = arith.addi %mul3A_0, %mul3A_28 : i32
      "tpu.region"() ({
        %run_scoped3A = tpu.sem_alloc : memref<!tpu.dma_semaphore, #tpu.memory_space<semaphore_mem>>
        %dma_start3A = arith.constant 0 : i32
        %dma_start3A_30 = tpu.memref_slice %arg9[%add3A_29, %dma_start3A] : memref<10112x128xf32, #tpu.memory_space<vmem_shared>> -> memref<128x128xf32, #tpu.memory_space<vmem_shared>>
        %dma_start3A_31 = arith.constant 0 : i32
        %dma_start3A_32 = tpu.memref_slice %arg9[%add3A_29, %dma_start3A_31] : memref<10112x128xf32, #tpu.memory_space<vmem_shared>> -> memref<128x128xf32, #tpu.memory_space<vmem_shared>>
        tpu.enqueue_dma source(%arg8 : memref<128x128xf32, #tpu.memory_space<vmem>>) target(%dma_start3A_32 : memref<128x128xf32, #tpu.memory_space<vmem_shared>>) target_semaphore(%run_scoped3A : memref<!tpu.dma_semaphore, #tpu.memory_space<semaphore_mem>>)
        %dma_wait3A = arith.constant 0 : i32
        %dma_wait3A_33 = tpu.memref_slice %arg9[%add3A_29, %dma_wait3A] : memref<10112x128xf32, #tpu.memory_space<vmem_shared>> -> memref<128x128xf32, #tpu.memory_space<vmem_shared>>
        %dma_wait3A_34 = arith.constant 0 : i32
        %dma_wait3A_35 = tpu.memref_slice %arg9[%add3A_29, %dma_wait3A_34] : memref<10112x128xf32, #tpu.memory_space<vmem_shared>> -> memref<128x128xf32, #tpu.memory_space<vmem_shared>>
        tpu.wait_dma2 semaphore(%run_scoped3A : memref<!tpu.dma_semaphore, #tpu.memory_space<semaphore_mem>>) src(%arg8 : memref<128x128xf32, #tpu.memory_space<vmem>>) dst(%dma_wait3A_35 : memref<128x128xf32, #tpu.memory_space<vmem_shared>>)
        tpu.yield
      }) : () -> ()
    }
    %scan3A_11 = arith.constant 4 : i32
    %add3A = arith.constant 512 : i32
    %add3A_12 = arith.addi %mul3A_0, %add3A : i32
    "tpu.region"() ({
      %run_scoped3A = tpu.sem_alloc : memref<!tpu.dma_semaphore, #tpu.memory_space<semaphore_mem>>
      %dma_start3A = arith.constant 0 : i32
      %dma_start3A_26 = arith.constant 0 : i32
      %dma_start3A_27 = tpu.memref_slice %arg8[%dma_start3A, %dma_start3A_26] : memref<128x128xf32, #tpu.memory_space<vmem>> -> memref<120x128xf32, #tpu.memory_space<vmem>>
      %dma_start3A_28 = arith.constant 0 : i32
      %dma_start3A_29 = tpu.memref_slice %arg9[%add3A_12, %dma_start3A_28] : memref<10112x128xf32, #tpu.memory_space<vmem_shared>> -> memref<120x128xf32, #tpu.memory_space<vmem_shared>>
      %dma_start3A_30 = arith.constant 0 : i32
      %dma_start3A_31 = tpu.memref_slice %arg9[%add3A_12, %dma_start3A_30] : memref<10112x128xf32, #tpu.memory_space<vmem_shared>> -> memref<120x128xf32, #tpu.memory_space<vmem_shared>>
      %dma_start3A_32 = arith.constant 0 : i32
      %dma_start3A_33 = arith.constant 0 : i32
      %dma_start3A_34 = tpu.memref_slice %arg8[%dma_start3A_32, %dma_start3A_33] : memref<128x128xf32, #tpu.memory_space<vmem>> -> memref<120x128xf32, #tpu.memory_space<vmem>>
      tpu.enqueue_dma source(%dma_start3A_34 : memref<120x128xf32, #tpu.memory_space<vmem>>) target(%dma_start3A_31 : memref<120x128xf32, #tpu.memory_space<vmem_shared>>) target_semaphore(%run_scoped3A : memref<!tpu.dma_semaphore, #tpu.memory_space<semaphore_mem>>)
      %dma_wait3A = arith.constant 0 : i32
      %dma_wait3A_35 = arith.constant 0 : i32
      %dma_wait3A_36 = tpu.memref_slice %arg8[%dma_wait3A, %dma_wait3A_35] : memref<128x128xf32, #tpu.memory_space<vmem>> -> memref<120x128xf32, #tpu.memory_space<vmem>>
      %dma_wait3A_37 = arith.constant 0 : i32
      %dma_wait3A_38 = tpu.memref_slice %arg9[%add3A_12, %dma_wait3A_37] : memref<10112x128xf32, #tpu.memory_space<vmem_shared>> -> memref<120x128xf32, #tpu.memory_space<vmem_shared>>
      %dma_wait3A_39 = arith.constant 0 : i32
      %dma_wait3A_40 = tpu.memref_slice %arg9[%add3A_12, %dma_wait3A_39] : memref<10112x128xf32, #tpu.memory_space<vmem_shared>> -> memref<120x128xf32, #tpu.memory_space<vmem_shared>>
      %dma_wait3A_41 = arith.constant 0 : i32
      %dma_wait3A_42 = arith.constant 0 : i32
      %dma_wait3A_43 = tpu.memref_slice %arg8[%dma_wait3A_41, %dma_wait3A_42] : memref<128x128xf32, #tpu.memory_space<vmem>> -> memref<120x128xf32, #tpu.memory_space<vmem>>
      tpu.wait_dma2 semaphore(%run_scoped3A : memref<!tpu.dma_semaphore, #tpu.memory_space<semaphore_mem>>) src(%dma_wait3A_43 : memref<120x128xf32, #tpu.memory_space<vmem>>) dst(%dma_wait3A_40 : memref<120x128xf32, #tpu.memory_space<vmem_shared>>)
      tpu.yield
    }) : () -> ()
    %barrier3A = arith.constant 0 : index
    tpu.barrier barrier_id(%barrier3A)
    %scan3A_13 = arith.constant 0 : i32
    %scan3A_14 = arith.constant 0 : i32
    %scan3A_15 = arith.constant 27 : i32
    %scan3A_16 = arith.addi %scan3A_14, %scan3A_15 : i32
    %scan3A_17 = arith.constant 1 : i32
    scf.for %scan3A_26 = %scan3A_14 to %scan3A_16 step %scan3A_17  : i32 {
      %mul3A_27 = arith.constant 16 : i32
      %mul3A_28 = arith.muli %arg0, %mul3A_27 : i32
      %add3A_29 = arith.addi %mul3A_28, %arg1 : i32
      %mul3A_30 = arith.constant 27 : i32
      %mul3A_31 = arith.muli %add3A_29, %mul3A_30 : i32
      %add3A_32 = arith.addi %mul3A_31, %scan3A_26 : i32
      %mul3A_33 = arith.constant 128 : i32
      %mul3A_34 = arith.muli %add3A_32, %mul3A_33 : i32
      "tpu.region"() ({
        %run_scoped3A = tpu.sem_alloc : memref<!tpu.dma_semaphore, #tpu.memory_space<semaphore_mem>>
        %dma_start3A_168 = tpu.memref_slice %arg2[%mul3A_34] : memref<110592xi32, #tpu.memory_space<hbm>> -> memref<128xi32, #tpu.memory_space<hbm>>
        %dma_start3A_169 = tpu.memref_slice %arg2[%mul3A_34] : memref<110592xi32, #tpu.memory_space<hbm>> -> memref<128xi32, #tpu.memory_space<hbm>>
        tpu.enqueue_dma source(%dma_start3A_169 : memref<128xi32, #tpu.memory_space<hbm>>) target(%arg6 : memref<128xi32, #tpu.memory_space<vmem>>) target_semaphore(%run_scoped3A : memref<!tpu.dma_semaphore, #tpu.memory_space<semaphore_mem>>)
        %dma_wait3A_170 = tpu.memref_slice %arg2[%mul3A_34] : memref<110592xi32, #tpu.memory_space<hbm>> -> memref<128xi32, #tpu.memory_space<hbm>>
        %dma_wait3A_171 = tpu.memref_slice %arg2[%mul3A_34] : memref<110592xi32, #tpu.memory_space<hbm>> -> memref<128xi32, #tpu.memory_space<hbm>>
        tpu.wait_dma2 semaphore(%run_scoped3A : memref<!tpu.dma_semaphore, #tpu.memory_space<semaphore_mem>>) src(%dma_wait3A_171 : memref<128xi32, #tpu.memory_space<hbm>>) dst(%arg6 : memref<128xi32, #tpu.memory_space<vmem>>)
        tpu.yield
      }) : () -> ()
      %get3A = arith.constant 0 : index
      %get3A_35 = tpu.vector_load %arg6[%get3A] {strides = array<i32>} : memref<128xi32, #tpu.memory_space<vmem>>, vector<16xi32>,
      %get3A_36 = vector.shape_cast %get3A_35 : vector<16xi32> to vector<16xi32>
      %lt3A_37 = arith.constant 10000 : i32
      %lt3A_38 = vector.broadcast %lt3A_37 : i32 to vector<16xi32>
      %lt3A_39 = arith.cmpi slt, %get3A_36, %lt3A_38 : vector<16xi32>
      %jit3A = arith.constant 0 : i32
      %broadcast_in_dim3A = vector.broadcast %jit3A : i32 to vector<16xi32>
      %select_n3A = arith.select %lt3A_39, %get3A_36, %broadcast_in_dim3A : vector<16xi1>, vector<16xi32>
      %add3A_40 = arith.constant 0 : i32
      %add3A_41 = vector.broadcast %add3A_40 : i32 to vector<16xi32>
      %add3A_42 = arith.addi %select_n3A, %add3A_41 : vector<16xi32>
      %swap3A = arith.constant 0 : index
      %swap3A_43 = tpu.vector_load %arg5[%swap3A] {strides = array<i32>} : memref<128xi32, #tpu.memory_space<vmem>>, vector<16xi32>,
      %swap3A_44 = vector.shape_cast %swap3A_43 : vector<16xi32> to vector<16xi32>
      %swap3A_45 = vector.shape_cast %add3A_42 : vector<16xi32> to vector<16xi32>
      tpu.vector_store %arg5[%swap3A], %swap3A_45 {strides = array<i32>} : memref<128xi32, #tpu.memory_space<vmem>>, vector<16xi32>,
      %get3A_46 = arith.constant 16 : index
      %get3A_47 = tpu.vector_load %arg6[%get3A_46] {strides = array<i32>} : memref<128xi32, #tpu.memory_space<vmem>>, vector<16xi32>,
      %get3A_48 = vector.shape_cast %get3A_47 : vector<16xi32> to vector<16xi32>
      %lt3A_49 = arith.constant 10000 : i32
      %lt3A_50 = vector.broadcast %lt3A_49 : i32 to vector<16xi32>
      %lt3A_51 = arith.cmpi slt, %get3A_48, %lt3A_50 : vector<16xi32>
      %jit3A_52 = arith.constant 0 : i32
      %broadcast_in_dim3A_53 = vector.broadcast %jit3A_52 : i32 to vector<16xi32>
      %select_n3A_54 = arith.select %lt3A_51, %get3A_48, %broadcast_in_dim3A_53 : vector<16xi1>, vector<16xi32>
      %add3A_55 = arith.constant 0 : i32
      %add3A_56 = vector.broadcast %add3A_55 : i32 to vector<16xi32>
      %add3A_57 = arith.addi %select_n3A_54, %add3A_56 : vector<16xi32>
      %swap3A_58 = arith.constant 16 : index
      %swap3A_59 = tpu.vector_load %arg5[%swap3A_58] {strides = array<i32>} : memref<128xi32, #tpu.memory_space<vmem>>, vector<16xi32>,
      %swap3A_60 = vector.shape_cast %swap3A_59 : vector<16xi32> to vector<16xi32>
      %swap3A_61 = vector.shape_cast %add3A_57 : vector<16xi32> to vector<16xi32>
      tpu.vector_store %arg5[%swap3A_58], %swap3A_61 {strides = array<i32>} : memref<128xi32, #tpu.memory_space<vmem>>, vector<16xi32>,
      %get3A_62 = arith.constant 32 : index
      %get3A_63 = tpu.vector_load %arg6[%get3A_62] {strides = array<i32>} : memref<128xi32, #tpu.memory_space<vmem>>, vector<16xi32>,
      %get3A_64 = vector.shape_cast %get3A_63 : vector<16xi32> to vector<16xi32>
      %lt3A_65 = arith.constant 10000 : i32
      %lt3A_66 = vector.broadcast %lt3A_65 : i32 to vector<16xi32>
      %lt3A_67 = arith.cmpi slt, %get3A_64, %lt3A_66 : vector<16xi32>
      %jit3A_68 = arith.constant 0 : i32
      %broadcast_in_dim3A_69 = vector.broadcast %jit3A_68 : i32 to vector<16xi32>
      %select_n3A_70 = arith.select %lt3A_67, %get3A_64, %broadcast_in_dim3A_69 : vector<16xi1>, vector<16xi32>
      %add3A_71 = arith.constant 0 : i32
      %add3A_72 = vector.broadcast %add3A_71 : i32 to vector<16xi32>
      %add3A_73 = arith.addi %select_n3A_70, %add3A_72 : vector<16xi32>
      %swap3A_74 = arith.constant 32 : index
      %swap3A_75 = tpu.vector_load %arg5[%swap3A_74] {strides = array<i32>} : memref<128xi32, #tpu.memory_space<vmem>>, vector<16xi32>,
      %swap3A_76 = vector.shape_cast %swap3A_75 : vector<16xi32> to vector<16xi32>
      %swap3A_77 = vector.shape_cast %add3A_73 : vector<16xi32> to vector<16xi32>
      tpu.vector_store %arg5[%swap3A_74], %swap3A_77 {strides = array<i32>} : memref<128xi32, #tpu.memory_space<vmem>>, vector<16xi32>,
      %get3A_78 = arith.constant 48 : index
      %get3A_79 = tpu.vector_load %arg6[%get3A_78] {strides = array<i32>} : memref<128xi32, #tpu.memory_space<vmem>>, vector<16xi32>,
      %get3A_80 = vector.shape_cast %get3A_79 : vector<16xi32> to vector<16xi32>
      %lt3A_81 = arith.constant 10000 : i32
      %lt3A_82 = vector.broadcast %lt3A_81 : i32 to vector<16xi32>
      %lt3A_83 = arith.cmpi slt, %get3A_80, %lt3A_82 : vector<16xi32>
      %jit3A_84 = arith.constant 0 : i32
      %broadcast_in_dim3A_85 = vector.broadcast %jit3A_84 : i32 to vector<16xi32>
      %select_n3A_86 = arith.select %lt3A_83, %get3A_80, %broadcast_in_dim3A_85 : vector<16xi1>, vector<16xi32>
      %add3A_87 = arith.constant 0 : i32
      %add3A_88 = vector.broadcast %add3A_87 : i32 to vector<16xi32>
      %add3A_89 = arith.addi %select_n3A_86, %add3A_88 : vector<16xi32>
      %swap3A_90 = arith.constant 48 : index
      %swap3A_91 = tpu.vector_load %arg5[%swap3A_90] {strides = array<i32>} : memref<128xi32, #tpu.memory_space<vmem>>, vector<16xi32>,
      %swap3A_92 = vector.shape_cast %swap3A_91 : vector<16xi32> to vector<16xi32>
      %swap3A_93 = vector.shape_cast %add3A_89 : vector<16xi32> to vector<16xi32>
      tpu.vector_store %arg5[%swap3A_90], %swap3A_93 {strides = array<i32>} : memref<128xi32, #tpu.memory_space<vmem>>, vector<16xi32>,
      %get3A_94 = arith.constant 64 : index
      %get3A_95 = tpu.vector_load %arg6[%get3A_94] {strides = array<i32>} : memref<128xi32, #tpu.memory_space<vmem>>, vector<16xi32>,
      %get3A_96 = vector.shape_cast %get3A_95 : vector<16xi32> to vector<16xi32>
      %lt3A_97 = arith.constant 10000 : i32
      %lt3A_98 = vector.broadcast %lt3A_97 : i32 to vector<16xi32>
      %lt3A_99 = arith.cmpi slt, %get3A_96, %lt3A_98 : vector<16xi32>
      %jit3A_100 = arith.constant 0 : i32
      %broadcast_in_dim3A_101 = vector.broadcast %jit3A_100 : i32 to vector<16xi32>
      %select_n3A_102 = arith.select %lt3A_99, %get3A_96, %broadcast_in_dim3A_101 : vector<16xi1>, vector<16xi32>
      %add3A_103 = arith.constant 0 : i32
      %add3A_104 = vector.broadcast %add3A_103 : i32 to vector<16xi32>
      %add3A_105 = arith.addi %select_n3A_102, %add3A_104 : vector<16xi32>
      %swap3A_106 = arith.constant 64 : index
      %swap3A_107 = tpu.vector_load %arg5[%swap3A_106] {strides = array<i32>} : memref<128xi32, #tpu.memory_space<vmem>>, vector<16xi32>,
      %swap3A_108 = vector.shape_cast %swap3A_107 : vector<16xi32> to vector<16xi32>
      %swap3A_109 = vector.shape_cast %add3A_105 : vector<16xi32> to vector<16xi32>
      tpu.vector_store %arg5[%swap3A_106], %swap3A_109 {strides = array<i32>} : memref<128xi32, #tpu.memory_space<vmem>>, vector<16xi32>,
      %get3A_110 = arith.constant 80 : index
      %get3A_111 = tpu.vector_load %arg6[%get3A_110] {strides = array<i32>} : memref<128xi32, #tpu.memory_space<vmem>>, vector<16xi32>,
      %get3A_112 = vector.shape_cast %get3A_111 : vector<16xi32> to vector<16xi32>
      %lt3A_113 = arith.constant 10000 : i32
      %lt3A_114 = vector.broadcast %lt3A_113 : i32 to vector<16xi32>
      %lt3A_115 = arith.cmpi slt, %get3A_112, %lt3A_114 : vector<16xi32>
      %jit3A_116 = arith.constant 0 : i32
      %broadcast_in_dim3A_117 = vector.broadcast %jit3A_116 : i32 to vector<16xi32>
      %select_n3A_118 = arith.select %lt3A_115, %get3A_112, %broadcast_in_dim3A_117 : vector<16xi1>, vector<16xi32>
      %add3A_119 = arith.constant 0 : i32
      %add3A_120 = vector.broadcast %add3A_119 : i32 to vector<16xi32>
      %add3A_121 = arith.addi %select_n3A_118, %add3A_120 : vector<16xi32>
      %swap3A_122 = arith.constant 80 : index
      %swap3A_123 = tpu.vector_load %arg5[%swap3A_122] {strides = array<i32>} : memref<128xi32, #tpu.memory_space<vmem>>, vector<16xi32>,
      %swap3A_124 = vector.shape_cast %swap3A_123 : vector<16xi32> to vector<16xi32>
      %swap3A_125 = vector.shape_cast %add3A_121 : vector<16xi32> to vector<16xi32>
      tpu.vector_store %arg5[%swap3A_122], %swap3A_125 {strides = array<i32>} : memref<128xi32, #tpu.memory_space<vmem>>, vector<16xi32>,
      %get3A_126 = arith.constant 96 : index
      %get3A_127 = tpu.vector_load %arg6[%get3A_126] {strides = array<i32>} : memref<128xi32, #tpu.memory_space<vmem>>, vector<16xi32>,
      %get3A_128 = vector.shape_cast %get3A_127 : vector<16xi32> to vector<16xi32>
      %lt3A_129 = arith.constant 10000 : i32
      %lt3A_130 = vector.broadcast %lt3A_129 : i32 to vector<16xi32>
      %lt3A_131 = arith.cmpi slt, %get3A_128, %lt3A_130 : vector<16xi32>
      %jit3A_132 = arith.constant 0 : i32
      %broadcast_in_dim3A_133 = vector.broadcast %jit3A_132 : i32 to vector<16xi32>
      %select_n3A_134 = arith.select %lt3A_131, %get3A_128, %broadcast_in_dim3A_133 : vector<16xi1>, vector<16xi32>
      %add3A_135 = arith.constant 0 : i32
      %add3A_136 = vector.broadcast %add3A_135 : i32 to vector<16xi32>
      %add3A_137 = arith.addi %select_n3A_134, %add3A_136 : vector<16xi32>
      %swap3A_138 = arith.constant 96 : index
      %swap3A_139 = tpu.vector_load %arg5[%swap3A_138] {strides = array<i32>} : memref<128xi32, #tpu.memory_space<vmem>>, vector<16xi32>,
      %swap3A_140 = vector.shape_cast %swap3A_139 : vector<16xi32> to vector<16xi32>
      %swap3A_141 = vector.shape_cast %add3A_137 : vector<16xi32> to vector<16xi32>
      tpu.vector_store %arg5[%swap3A_138], %swap3A_141 {strides = array<i32>} : memref<128xi32, #tpu.memory_space<vmem>>, vector<16xi32>,
      %get3A_142 = arith.constant 112 : index
      %get3A_143 = tpu.vector_load %arg6[%get3A_142] {strides = array<i32>} : memref<128xi32, #tpu.memory_space<vmem>>, vector<16xi32>,
      %get3A_144 = vector.shape_cast %get3A_143 : vector<16xi32> to vector<16xi32>
      %lt3A_145 = arith.constant 10000 : i32
      %lt3A_146 = vector.broadcast %lt3A_145 : i32 to vector<16xi32>
      %lt3A_147 = arith.cmpi slt, %get3A_144, %lt3A_146 : vector<16xi32>
      %jit3A_148 = arith.constant 0 : i32
      %broadcast_in_dim3A_149 = vector.broadcast %jit3A_148 : i32 to vector<16xi32>
      %select_n3A_150 = arith.select %lt3A_147, %get3A_144, %broadcast_in_dim3A_149 : vector<16xi1>, vector<16xi32>
      %add3A_151 = arith.constant 0 : i32
      %add3A_152 = vector.broadcast %add3A_151 : i32 to vector<16xi32>
      %add3A_153 = arith.addi %select_n3A_150, %add3A_152 : vector<16xi32>
      %swap3A_154 = arith.constant 112 : index
      %swap3A_155 = tpu.vector_load %arg5[%swap3A_154] {strides = array<i32>} : memref<128xi32, #tpu.memory_space<vmem>>, vector<16xi32>,
      %swap3A_156 = vector.shape_cast %swap3A_155 : vector<16xi32> to vector<16xi32>
      %swap3A_157 = vector.shape_cast %add3A_153 : vector<16xi32> to vector<16xi32>
      tpu.vector_store %arg5[%swap3A_154], %swap3A_157 {strides = array<i32>} : memref<128xi32, #tpu.memory_space<vmem>>, vector<16xi32>,
      %dma_start3A = arith.constant 0 : i32
      %dma_start3A_158 = arith.constant 0 : i32
      %dma_start3A_159 = tpu.memref_slice %arg3[%dma_start3A, %dma_start3A_158] : memref<10000x128xf32, #tpu.memory_space<hbm>> -> memref<10000x128xf32, #tpu.memory_space<hbm>>
      tpu.enqueue_indirect_dma source(%dma_start3A_159 : memref<10000x128xf32, #tpu.memory_space<hbm>>) target(%arg7 : memref<128x128xf32, #tpu.memory_space<vmem>>) offsets(%arg5 : memref<128xi32, #tpu.memory_space<vmem>>) semaphore(%arg10 : memref<!tpu.dma_semaphore, #tpu.memory_space<semaphore_mem>>)
      %dma_wait3A = arith.constant 0 : i32
      %dma_wait3A_160 = arith.constant 0 : i32
      %dma_wait3A_161 = tpu.memref_slice %arg3[%dma_wait3A, %dma_wait3A_160] : memref<10000x128xf32, #tpu.memory_space<hbm>> -> memref<10000x128xf32, #tpu.memory_space<hbm>>
      tpu.wait_indirect_dma semaphore(%arg10 : memref<!tpu.dma_semaphore, #tpu.memory_space<semaphore_mem>>) src(%dma_wait3A_161 : memref<10000x128xf32, #tpu.memory_space<hbm>>) dst(%arg7 : memref<128x128xf32, #tpu.memory_space<vmem>>)
      %scan3A_162 = arith.constant 0 : i32
      %scan3A_163 = arith.constant 0 : i32
      %scan3A_164 = arith.constant 32 : i32
      %scan3A_165 = arith.addi %scan3A_163, %scan3A_164 : i32
      %scan3A_166 = arith.constant 1 : i32
      scf.for %scan3A_168 = %scan3A_163 to %scan3A_165 step %scan3A_166  : i32 {
        %mul3A_169 = arith.constant 4 : i32
        %mul3A_170 = arith.muli %mul3A_169, %scan3A_168 : i32
        %get3A_171 = arith.index_cast %mul3A_170 : i32 to index
        %get3A_172 = arith.constant 0 : index
        %get3A_173 = tpu.vector_load %arg7[%get3A_171, %get3A_172] {strides = array<i32>} : memref<128x128xf32, #tpu.memory_space<vmem>>, vector<1x16xf32>,
        %get3A_174 = vector.shape_cast %get3A_173 : vector<1x16xf32> to vector<16xf32>
        %add3A_175 = arith.constant 1 : i32
        %add3A_176 = arith.addi %mul3A_170, %add3A_175 : i32
        %get3A_177 = arith.index_cast %add3A_176 : i32 to index
        %get3A_178 = arith.constant 0 : index
        %get3A_179 = tpu.vector_load %arg7[%get3A_177, %get3A_178] {strides = array<i32>} : memref<128x128xf32, #tpu.memory_space<vmem>>, vector<1x16xf32>,
        %get3A_180 = vector.shape_cast %get3A_179 : vector<1x16xf32> to vector<16xf32>
        %add3A_181 = arith.constant 2 : i32
        %add3A_182 = arith.addi %mul3A_170, %add3A_181 : i32
        %get3A_183 = arith.index_cast %add3A_182 : i32 to index
        %get3A_184 = arith.constant 0 : index
        %get3A_185 = tpu.vector_load %arg7[%get3A_183, %get3A_184] {strides = array<i32>} : memref<128x128xf32, #tpu.memory_space<vmem>>, vector<1x16xf32>,
        %get3A_186 = vector.shape_cast %get3A_185 : vector<1x16xf32> to vector<16xf32>
        %add3A_187 = arith.constant 3 : i32
        %add3A_188 = arith.addi %mul3A_170, %add3A_187 : i32
        %get3A_189 = arith.index_cast %add3A_188 : i32 to index
        %get3A_190 = arith.constant 0 : index
        %get3A_191 = tpu.vector_load %arg7[%get3A_189, %get3A_190] {strides = array<i32>} : memref<128x128xf32, #tpu.memory_space<vmem>>, vector<1x16xf32>,
        %get3A_192 = vector.shape_cast %get3A_191 : vector<1x16xf32> to vector<16xf32>
        %add3A_193 = arith.addf %get3A_174, %get3A_180 : vector<16xf32>
        %add3A_194 = arith.addf %get3A_186, %get3A_192 : vector<16xf32>
        %add3A_195 = arith.addf %add3A_193, %add3A_194 : vector<16xf32>
        %sub3A = arith.subf %add3A_195, %get3A_174 : vector<16xf32>
        %swap3A_196 = arith.index_cast %mul3A_170 : i32 to index
        %swap3A_197 = arith.constant 0 : index
        %swap3A_198 = tpu.vector_load %arg8[%swap3A_196, %swap3A_197] {strides = array<i32>} : memref<128x128xf32, #tpu.memory_space<vmem>>, vector<1x16xf32>,
        %swap3A_199 = vector.shape_cast %swap3A_198 : vector<1x16xf32> to vector<16xf32>
        %swap3A_200 = vector.shape_cast %sub3A : vector<16xf32> to vector<1x16xf32>
        tpu.vector_store %arg8[%swap3A_196, %swap3A_197], %swap3A_200 {strides = array<i32>} : memref<128x128xf32, #tpu.memory_space<vmem>>, vector<1x16xf32>,
        %sub3A_201 = arith.subf %add3A_195, %get3A_180 : vector<16xf32>
        %add3A_202 = arith.constant 1 : i32
        %add3A_203 = arith.addi %mul3A_170, %add3A_202 : i32
        %swap3A_204 = arith.index_cast %add3A_203 : i32 to index
        %swap3A_205 = arith.constant 0 : index
        %swap3A_206 = tpu.vector_load %arg8[%swap3A_204, %swap3A_205] {strides = array<i32>} : memref<128x128xf32, #tpu.memory_space<vmem>>, vector<1x16xf32>,
        %swap3A_207 = vector.shape_cast %swap3A_206 : vector<1x16xf32> to vector<16xf32>
        %swap3A_208 = vector.shape_cast %sub3A_201 : vector<16xf32> to vector<1x16xf32>
        tpu.vector_store %arg8[%swap3A_204, %swap3A_205], %swap3A_208 {strides = array<i32>} : memref<128x128xf32, #tpu.memory_space<vmem>>, vector<1x16xf32>,
        %sub3A_209 = arith.subf %add3A_195, %get3A_186 : vector<16xf32>
        %add3A_210 = arith.constant 2 : i32
        %add3A_211 = arith.addi %mul3A_170, %add3A_210 : i32
        %swap3A_212 = arith.index_cast %add3A_211 : i32 to index
        %swap3A_213 = arith.constant 0 : index
        %swap3A_214 = tpu.vector_load %arg8[%swap3A_212, %swap3A_213] {strides = array<i32>} : memref<128x128xf32, #tpu.memory_space<vmem>>, vector<1x16xf32>,
        %swap3A_215 = vector.shape_cast %swap3A_214 : vector<1x16xf32> to vector<16xf32>
        %swap3A_216 = vector.shape_cast %sub3A_209 : vector<16xf32> to vector<1x16xf32>
        tpu.vector_store %arg8[%swap3A_212, %swap3A_213], %swap3A_216 {strides = array<i32>} : memref<128x128xf32, #tpu.memory_space<vmem>>, vector<1x16xf32>,
        %sub3A_217 = arith.subf %add3A_195, %get3A_192 : vector<16xf32>
        %add3A_218 = arith.constant 3 : i32
        %add3A_219 = arith.addi %mul3A_170, %add3A_218 : i32
        %swap3A_220 = arith.index_cast %add3A_219 : i32 to index
        %swap3A_221 = arith.constant 0 : index
        %swap3A_222 = tpu.vector_load %arg8[%swap3A_220, %swap3A_221] {strides = array<i32>} : memref<128x128xf32, #tpu.memory_space<vmem>>, vector<1x16xf32>,
        %swap3A_223 = vector.shape_cast %swap3A_222 : vector<1x16xf32> to vector<16xf32>
        %swap3A_224 = vector.shape_cast %sub3A_217 : vector<16xf32> to vector<1x16xf32>
        tpu.vector_store %arg8[%swap3A_220, %swap3A_221], %swap3A_224 {strides = array<i32>} : memref<128x128xf32, #tpu.memory_space<vmem>>, vector<1x16xf32>,
        %get3A_225 = arith.index_cast %mul3A_170 : i32 to index
        %get3A_226 = arith.constant 16 : index
        %get3A_227 = tpu.vector_load %arg7[%get3A_225, %get3A_226] {strides = array<i32>} : memref<128x128xf32, #tpu.memory_space<vmem>>, vector<1x16xf32>,
        %get3A_228 = vector.shape_cast %get3A_227 : vector<1x16xf32> to vector<16xf32>
        %add3A_229 = arith.constant 1 : i32
        %add3A_230 = arith.addi %mul3A_170, %add3A_229 : i32
        %get3A_231 = arith.index_cast %add3A_230 : i32 to index
        %get3A_232 = arith.constant 16 : index
        %get3A_233 = tpu.vector_load %arg7[%get3A_231, %get3A_232] {strides = array<i32>} : memref<128x128xf32, #tpu.memory_space<vmem>>, vector<1x16xf32>,
        %get3A_234 = vector.shape_cast %get3A_233 : vector<1x16xf32> to vector<16xf32>
        %add3A_235 = arith.constant 2 : i32
        %add3A_236 = arith.addi %mul3A_170, %add3A_235 : i32
        %get3A_237 = arith.index_cast %add3A_236 : i32 to index
        %get3A_238 = arith.constant 16 : index
        %get3A_239 = tpu.vector_load %arg7[%get3A_237, %get3A_238] {strides = array<i32>} : memref<128x128xf32, #tpu.memory_space<vmem>>, vector<1x16xf32>,
        %get3A_240 = vector.shape_cast %get3A_239 : vector<1x16xf32> to vector<16xf32>
        %add3A_241 = arith.constant 3 : i32
        %add3A_242 = arith.addi %mul3A_170, %add3A_241 : i32
        %get3A_243 = arith.index_cast %add3A_242 : i32 to index
        %get3A_244 = arith.constant 16 : index
        %get3A_245 = tpu.vector_load %arg7[%get3A_243, %get3A_244] {strides = array<i32>} : memref<128x128xf32, #tpu.memory_space<vmem>>, vector<1x16xf32>,
        %get3A_246 = vector.shape_cast %get3A_245 : vector<1x16xf32> to vector<16xf32>
        %add3A_247 = arith.addf %get3A_228, %get3A_234 : vector<16xf32>
        %add3A_248 = arith.addf %get3A_240, %get3A_246 : vector<16xf32>
        %add3A_249 = arith.addf %add3A_247, %add3A_248 : vector<16xf32>
        %sub3A_250 = arith.subf %add3A_249, %get3A_228 : vector<16xf32>
        %swap3A_251 = arith.index_cast %mul3A_170 : i32 to index
        %swap3A_252 = arith.constant 16 : index
        %swap3A_253 = tpu.vector_load %arg8[%swap3A_251, %swap3A_252] {strides = array<i32>} : memref<128x128xf32, #tpu.memory_space<vmem>>, vector<1x16xf32>,
        %swap3A_254 = vector.shape_cast %swap3A_253 : vector<1x16xf32> to vector<16xf32>
        %swap3A_255 = vector.shape_cast %sub3A_250 : vector<16xf32> to vector<1x16xf32>
        tpu.vector_store %arg8[%swap3A_251, %swap3A_252], %swap3A_255 {strides = array<i32>} : memref<128x128xf32, #tpu.memory_space<vmem>>, vector<1x16xf32>,
        %sub3A_256 = arith.subf %add3A_249, %get3A_234 : vector<16xf32>
        %add3A_257 = arith.constant 1 : i32
        %add3A_258 = arith.addi %mul3A_170, %add3A_257 : i32
        %swap3A_259 = arith.index_cast %add3A_258 : i32 to index
        %swap3A_260 = arith.constant 16 : index
        %swap3A_261 = tpu.vector_load %arg8[%swap3A_259, %swap3A_260] {strides = array<i32>} : memref<128x128xf32, #tpu.memory_space<vmem>>, vector<1x16xf32>,
        %swap3A_262 = vector.shape_cast %swap3A_261 : vector<1x16xf32> to vector<16xf32>
        %swap3A_263 = vector.shape_cast %sub3A_256 : vector<16xf32> to vector<1x16xf32>
        tpu.vector_store %arg8[%swap3A_259, %swap3A_260], %swap3A_263 {strides = array<i32>} : memref<128x128xf32, #tpu.memory_space<vmem>>, vector<1x16xf32>,
        %sub3A_264 = arith.subf %add3A_249, %get3A_240 : vector<16xf32>
        %add3A_265 = arith.constant 2 : i32
        %add3A_266 = arith.addi %mul3A_170, %add3A_265 : i32
        %swap3A_267 = arith.index_cast %add3A_266 : i32 to index
        %swap3A_268 = arith.constant 16 : index
        %swap3A_269 = tpu.vector_load %arg8[%swap3A_267, %swap3A_268] {strides = array<i32>} : memref<128x128xf32, #tpu.memory_space<vmem>>, vector<1x16xf32>,
        %swap3A_270 = vector.shape_cast %swap3A_269 : vector<1x16xf32> to vector<16xf32>
        %swap3A_271 = vector.shape_cast %sub3A_264 : vector<16xf32> to vector<1x16xf32>
        tpu.vector_store %arg8[%swap3A_267, %swap3A_268], %swap3A_271 {strides = array<i32>} : memref<128x128xf32, #tpu.memory_space<vmem>>, vector<1x16xf32>,
        %sub3A_272 = arith.subf %add3A_249, %get3A_246 : vector<16xf32>
        %add3A_273 = arith.constant 3 : i32
        %add3A_274 = arith.addi %mul3A_170, %add3A_273 : i32
        %swap3A_275 = arith.index_cast %add3A_274 : i32 to index
        %swap3A_276 = arith.constant 16 : index
        %swap3A_277 = tpu.vector_load %arg8[%swap3A_275, %swap3A_276] {strides = array<i32>} : memref<128x128xf32, #tpu.memory_space<vmem>>, vector<1x16xf32>,
        %swap3A_278 = vector.shape_cast %swap3A_277 : vector<1x16xf32> to vector<16xf32>
        %swap3A_279 = vector.shape_cast %sub3A_272 : vector<16xf32> to vector<1x16xf32>
        tpu.vector_store %arg8[%swap3A_275, %swap3A_276], %swap3A_279 {strides = array<i32>} : memref<128x128xf32, #tpu.memory_space<vmem>>, vector<1x16xf32>,
        %get3A_280 = arith.index_cast %mul3A_170 : i32 to index
        %get3A_281 = arith.constant 32 : index
        %get3A_282 = tpu.vector_load %arg7[%get3A_280, %get3A_281] {strides = array<i32>} : memref<128x128xf32, #tpu.memory_space<vmem>>, vector<1x16xf32>,
        %get3A_283 = vector.shape_cast %get3A_282 : vector<1x16xf32> to vector<16xf32>
        %add3A_284 = arith.constant 1 : i32
        %add3A_285 = arith.addi %mul3A_170, %add3A_284 : i32
        %get3A_286 = arith.index_cast %add3A_285 : i32 to index
        %get3A_287 = arith.constant 32 : index
        %get3A_288 = tpu.vector_load %arg7[%get3A_286, %get3A_287] {strides = array<i32>} : memref<128x128xf32, #tpu.memory_space<vmem>>, vector<1x16xf32>,
        %get3A_289 = vector.shape_cast %get3A_288 : vector<1x16xf32> to vector<16xf32>
        %add3A_290 = arith.constant 2 : i32
        %add3A_291 = arith.addi %mul3A_170, %add3A_290 : i32
        %get3A_292 = arith.index_cast %add3A_291 : i32 to index
        %get3A_293 = arith.constant 32 : index
        %get3A_294 = tpu.vector_load %arg7[%get3A_292, %get3A_293] {strides = array<i32>} : memref<128x128xf32, #tpu.memory_space<vmem>>, vector<1x16xf32>,
        %get3A_295 = vector.shape_cast %get3A_294 : vector<1x16xf32> to vector<16xf32>
        %add3A_296 = arith.constant 3 : i32
        %add3A_297 = arith.addi %mul3A_170, %add3A_296 : i32
        %get3A_298 = arith.index_cast %add3A_297 : i32 to index
        %get3A_299 = arith.constant 32 : index
        %get3A_300 = tpu.vector_load %arg7[%get3A_298, %get3A_299] {strides = array<i32>} : memref<128x128xf32, #tpu.memory_space<vmem>>, vector<1x16xf32>,
        %get3A_301 = vector.shape_cast %get3A_300 : vector<1x16xf32> to vector<16xf32>
        %add3A_302 = arith.addf %get3A_283, %get3A_289 : vector<16xf32>
        %add3A_303 = arith.addf %get3A_295, %get3A_301 : vector<16xf32>
        %add3A_304 = arith.addf %add3A_302, %add3A_303 : vector<16xf32>
        %sub3A_305 = arith.subf %add3A_304, %get3A_283 : vector<16xf32>
        %swap3A_306 = arith.index_cast %mul3A_170 : i32 to index
        %swap3A_307 = arith.constant 32 : index
        %swap3A_308 = tpu.vector_load %arg8[%swap3A_306, %swap3A_307] {strides = array<i32>} : memref<128x128xf32, #tpu.memory_space<vmem>>, vector<1x16xf32>,
        %swap3A_309 = vector.shape_cast %swap3A_308 : vector<1x16xf32> to vector<16xf32>
        %swap3A_310 = vector.shape_cast %sub3A_305 : vector<16xf32> to vector<1x16xf32>
        tpu.vector_store %arg8[%swap3A_306, %swap3A_307], %swap3A_310 {strides = array<i32>} : memref<128x128xf32, #tpu.memory_space<vmem>>, vector<1x16xf32>,
        %sub3A_311 = arith.subf %add3A_304, %get3A_289 : vector<16xf32>
        %add3A_312 = arith.constant 1 : i32
        %add3A_313 = arith.addi %mul3A_170, %add3A_312 : i32
        %swap3A_314 = arith.index_cast %add3A_313 : i32 to index
        %swap3A_315 = arith.constant 32 : index
        %swap3A_316 = tpu.vector_load %arg8[%swap3A_314, %swap3A_315] {strides = array<i32>} : memref<128x128xf32, #tpu.memory_space<vmem>>, vector<1x16xf32>,
        %swap3A_317 = vector.shape_cast %swap3A_316 : vector<1x16xf32> to vector<16xf32>
        %swap3A_318 = vector.shape_cast %sub3A_311 : vector<16xf32> to vector<1x16xf32>
        tpu.vector_store %arg8[%swap3A_314, %swap3A_315], %swap3A_318 {strides = array<i32>} : memref<128x128xf32, #tpu.memory_space<vmem>>, vector<1x16xf32>,
        %sub3A_319 = arith.subf %add3A_304, %get3A_295 : vector<16xf32>
        %add3A_320 = arith.constant 2 : i32
        %add3A_321 = arith.addi %mul3A_170, %add3A_320 : i32
        %swap3A_322 = arith.index_cast %add3A_321 : i32 to index
        %swap3A_323 = arith.constant 32 : index
        %swap3A_324 = tpu.vector_load %arg8[%swap3A_322, %swap3A_323] {strides = array<i32>} : memref<128x128xf32, #tpu.memory_space<vmem>>, vector<1x16xf32>,
        %swap3A_325 = vector.shape_cast %swap3A_324 : vector<1x16xf32> to vector<16xf32>
        %swap3A_326 = vector.shape_cast %sub3A_319 : vector<16xf32> to vector<1x16xf32>
        tpu.vector_store %arg8[%swap3A_322, %swap3A_323], %swap3A_326 {strides = array<i32>} : memref<128x128xf32, #tpu.memory_space<vmem>>, vector<1x16xf32>,
        %sub3A_327 = arith.subf %add3A_304, %get3A_301 : vector<16xf32>
        %add3A_328 = arith.constant 3 : i32
        %add3A_329 = arith.addi %mul3A_170, %add3A_328 : i32
        %swap3A_330 = arith.index_cast %add3A_329 : i32 to index
        %swap3A_331 = arith.constant 32 : index
        %swap3A_332 = tpu.vector_load %arg8[%swap3A_330, %swap3A_331] {strides = array<i32>} : memref<128x128xf32, #tpu.memory_space<vmem>>, vector<1x16xf32>,
        %swap3A_333 = vector.shape_cast %swap3A_332 : vector<1x16xf32> to vector<16xf32>
        %swap3A_334 = vector.shape_cast %sub3A_327 : vector<16xf32> to vector<1x16xf32>
        tpu.vector_store %arg8[%swap3A_330, %swap3A_331], %swap3A_334 {strides = array<i32>} : memref<128x128xf32, #tpu.memory_space<vmem>>, vector<1x16xf32>,
        %get3A_335 = arith.index_cast %mul3A_170 : i32 to index
        %get3A_336 = arith.constant 48 : index
        %get3A_337 = tpu.vector_load %arg7[%get3A_335, %get3A_336] {strides = array<i32>} : memref<128x128xf32, #tpu.memory_space<vmem>>, vector<1x16xf32>,
        %get3A_338 = vector.shape_cast %get3A_337 : vector<1x16xf32> to vector<16xf32>
        %add3A_339 = arith.constant 1 : i32
        %add3A_340 = arith.addi %mul3A_170, %add3A_339 : i32
        %get3A_341 = arith.index_cast %add3A_340 : i32 to index
        %get3A_342 = arith.constant 48 : index
        %get3A_343 = tpu.vector_load %arg7[%get3A_341, %get3A_342] {strides = array<i32>} : memref<128x128xf32, #tpu.memory_space<vmem>>, vector<1x16xf32>,
        %get3A_344 = vector.shape_cast %get3A_343 : vector<1x16xf32> to vector<16xf32>
        %add3A_345 = arith.constant 2 : i32
        %add3A_346 = arith.addi %mul3A_170, %add3A_345 : i32
        %get3A_347 = arith.index_cast %add3A_346 : i32 to index
        %get3A_348 = arith.constant 48 : index
        %get3A_349 = tpu.vector_load %arg7[%get3A_347, %get3A_348] {strides = array<i32>} : memref<128x128xf32, #tpu.memory_space<vmem>>, vector<1x16xf32>,
        %get3A_350 = vector.shape_cast %get3A_349 : vector<1x16xf32> to vector<16xf32>
        %add3A_351 = arith.constant 3 : i32
        %add3A_352 = arith.addi %mul3A_170, %add3A_351 : i32
        %get3A_353 = arith.index_cast %add3A_352 : i32 to index
        %get3A_354 = arith.constant 48 : index
        %get3A_355 = tpu.vector_load %arg7[%get3A_353, %get3A_354] {strides = array<i32>} : memref<128x128xf32, #tpu.memory_space<vmem>>, vector<1x16xf32>,
        %get3A_356 = vector.shape_cast %get3A_355 : vector<1x16xf32> to vector<16xf32>
        %add3A_357 = arith.addf %get3A_338, %get3A_344 : vector<16xf32>
        %add3A_358 = arith.addf %get3A_350, %get3A_356 : vector<16xf32>
        %add3A_359 = arith.addf %add3A_357, %add3A_358 : vector<16xf32>
        %sub3A_360 = arith.subf %add3A_359, %get3A_338 : vector<16xf32>
        %swap3A_361 = arith.index_cast %mul3A_170 : i32 to index
        %swap3A_362 = arith.constant 48 : index
        %swap3A_363 = tpu.vector_load %arg8[%swap3A_361, %swap3A_362] {strides = array<i32>} : memref<128x128xf32, #tpu.memory_space<vmem>>, vector<1x16xf32>,
        %swap3A_364 = vector.shape_cast %swap3A_363 : vector<1x16xf32> to vector<16xf32>
        %swap3A_365 = vector.shape_cast %sub3A_360 : vector<16xf32> to vector<1x16xf32>
        tpu.vector_store %arg8[%swap3A_361, %swap3A_362], %swap3A_365 {strides = array<i32>} : memref<128x128xf32, #tpu.memory_space<vmem>>, vector<1x16xf32>,
        %sub3A_366 = arith.subf %add3A_359, %get3A_344 : vector<16xf32>
        %add3A_367 = arith.constant 1 : i32
        %add3A_368 = arith.addi %mul3A_170, %add3A_367 : i32
        %swap3A_369 = arith.index_cast %add3A_368 : i32 to index
        %swap3A_370 = arith.constant 48 : index
        %swap3A_371 = tpu.vector_load %arg8[%swap3A_369, %swap3A_370] {strides = array<i32>} : memref<128x128xf32, #tpu.memory_space<vmem>>, vector<1x16xf32>,
        %swap3A_372 = vector.shape_cast %swap3A_371 : vector<1x16xf32> to vector<16xf32>
        %swap3A_373 = vector.shape_cast %sub3A_366 : vector<16xf32> to vector<1x16xf32>
        tpu.vector_store %arg8[%swap3A_369, %swap3A_370], %swap3A_373 {strides = array<i32>} : memref<128x128xf32, #tpu.memory_space<vmem>>, vector<1x16xf32>,
        %sub3A_374 = arith.subf %add3A_359, %get3A_350 : vector<16xf32>
        %add3A_375 = arith.constant 2 : i32
        %add3A_376 = arith.addi %mul3A_170, %add3A_375 : i32
        %swap3A_377 = arith.index_cast %add3A_376 : i32 to index
        %swap3A_378 = arith.constant 48 : index
        %swap3A_379 = tpu.vector_load %arg8[%swap3A_377, %swap3A_378] {strides = array<i32>} : memref<128x128xf32, #tpu.memory_space<vmem>>, vector<1x16xf32>,
        %swap3A_380 = vector.shape_cast %swap3A_379 : vector<1x16xf32> to vector<16xf32>
        %swap3A_381 = vector.shape_cast %sub3A_374 : vector<16xf32> to vector<1x16xf32>
        tpu.vector_store %arg8[%swap3A_377, %swap3A_378], %swap3A_381 {strides = array<i32>} : memref<128x128xf32, #tpu.memory_space<vmem>>, vector<1x16xf32>,
        %sub3A_382 = arith.subf %add3A_359, %get3A_356 : vector<16xf32>
        %add3A_383 = arith.constant 3 : i32
        %add3A_384 = arith.addi %mul3A_170, %add3A_383 : i32
        %swap3A_385 = arith.index_cast %add3A_384 : i32 to index
        %swap3A_386 = arith.constant 48 : index
        %swap3A_387 = tpu.vector_load %arg8[%swap3A_385, %swap3A_386] {strides = array<i32>} : memref<128x128xf32, #tpu.memory_space<vmem>>, vector<1x16xf32>,
        %swap3A_388 = vector.shape_cast %swap3A_387 : vector<1x16xf32> to vector<16xf32>
        %swap3A_389 = vector.shape_cast %sub3A_382 : vector<16xf32> to vector<1x16xf32>
        tpu.vector_store %arg8[%swap3A_385, %swap3A_386], %swap3A_389 {strides = array<i32>} : memref<128x128xf32, #tpu.memory_space<vmem>>, vector<1x16xf32>,
        %get3A_390 = arith.index_cast %mul3A_170 : i32 to index
        %get3A_391 = arith.constant 64 : index
        %get3A_392 = tpu.vector_load %arg7[%get3A_390, %get3A_391] {strides = array<i32>} : memref<128x128xf32, #tpu.memory_space<vmem>>, vector<1x16xf32>,
        %get3A_393 = vector.shape_cast %get3A_392 : vector<1x16xf32> to vector<16xf32>
        %add3A_394 = arith.constant 1 : i32
        %add3A_395 = arith.addi %mul3A_170, %add3A_394 : i32
        %get3A_396 = arith.index_cast %add3A_395 : i32 to index
        %get3A_397 = arith.constant 64 : index
        %get3A_398 = tpu.vector_load %arg7[%get3A_396, %get3A_397] {strides = array<i32>} : memref<128x128xf32, #tpu.memory_space<vmem>>, vector<1x16xf32>,
        %get3A_399 = vector.shape_cast %get3A_398 : vector<1x16xf32> to vector<16xf32>
        %add3A_400 = arith.constant 2 : i32
        %add3A_401 = arith.addi %mul3A_170, %add3A_400 : i32
        %get3A_402 = arith.index_cast %add3A_401 : i32 to index
        %get3A_403 = arith.constant 64 : index
        %get3A_404 = tpu.vector_load %arg7[%get3A_402, %get3A_403] {strides = array<i32>} : memref<128x128xf32, #tpu.memory_space<vmem>>, vector<1x16xf32>,
        %get3A_405 = vector.shape_cast %get3A_404 : vector<1x16xf32> to vector<16xf32>
        %add3A_406 = arith.constant 3 : i32
        %add3A_407 = arith.addi %mul3A_170, %add3A_406 : i32
        %get3A_408 = arith.index_cast %add3A_407 : i32 to index
        %get3A_409 = arith.constant 64 : index
        %get3A_410 = tpu.vector_load %arg7[%get3A_408, %get3A_409] {strides = array<i32>} : memref<128x128xf32, #tpu.memory_space<vmem>>, vector<1x16xf32>,
        %get3A_411 = vector.shape_cast %get3A_410 : vector<1x16xf32> to vector<16xf32>
        %add3A_412 = arith.addf %get3A_393, %get3A_399 : vector<16xf32>
        %add3A_413 = arith.addf %get3A_405, %get3A_411 : vector<16xf32>
        %add3A_414 = arith.addf %add3A_412, %add3A_413 : vector<16xf32>
        %sub3A_415 = arith.subf %add3A_414, %get3A_393 : vector<16xf32>
        %swap3A_416 = arith.index_cast %mul3A_170 : i32 to index
        %swap3A_417 = arith.constant 64 : index
        %swap3A_418 = tpu.vector_load %arg8[%swap3A_416, %swap3A_417] {strides = array<i32>} : memref<128x128xf32, #tpu.memory_space<vmem>>, vector<1x16xf32>,
        %swap3A_419 = vector.shape_cast %swap3A_418 : vector<1x16xf32> to vector<16xf32>
        %swap3A_420 = vector.shape_cast %sub3A_415 : vector<16xf32> to vector<1x16xf32>
        tpu.vector_store %arg8[%swap3A_416, %swap3A_417], %swap3A_420 {strides = array<i32>} : memref<128x128xf32, #tpu.memory_space<vmem>>, vector<1x16xf32>,
        %sub3A_421 = arith.subf %add3A_414, %get3A_399 : vector<16xf32>
        %add3A_422 = arith.constant 1 : i32
        %add3A_423 = arith.addi %mul3A_170, %add3A_422 : i32
        %swap3A_424 = arith.index_cast %add3A_423 : i32 to index
        %swap3A_425 = arith.constant 64 : index
        %swap3A_426 = tpu.vector_load %arg8[%swap3A_424, %swap3A_425] {strides = array<i32>} : memref<128x128xf32, #tpu.memory_space<vmem>>, vector<1x16xf32>,
        %swap3A_427 = vector.shape_cast %swap3A_426 : vector<1x16xf32> to vector<16xf32>
        %swap3A_428 = vector.shape_cast %sub3A_421 : vector<16xf32> to vector<1x16xf32>
        tpu.vector_store %arg8[%swap3A_424, %swap3A_425], %swap3A_428 {strides = array<i32>} : memref<128x128xf32, #tpu.memory_space<vmem>>, vector<1x16xf32>,
        %sub3A_429 = arith.subf %add3A_414, %get3A_405 : vector<16xf32>
        %add3A_430 = arith.constant 2 : i32
        %add3A_431 = arith.addi %mul3A_170, %add3A_430 : i32
        %swap3A_432 = arith.index_cast %add3A_431 : i32 to index
        %swap3A_433 = arith.constant 64 : index
        %swap3A_434 = tpu.vector_load %arg8[%swap3A_432, %swap3A_433] {strides = array<i32>} : memref<128x128xf32, #tpu.memory_space<vmem>>, vector<1x16xf32>,
        %swap3A_435 = vector.shape_cast %swap3A_434 : vector<1x16xf32> to vector<16xf32>
        %swap3A_436 = vector.shape_cast %sub3A_429 : vector<16xf32> to vector<1x16xf32>
        tpu.vector_store %arg8[%swap3A_432, %swap3A_433], %swap3A_436 {strides = array<i32>} : memref<128x128xf32, #tpu.memory_space<vmem>>, vector<1x16xf32>,
        %sub3A_437 = arith.subf %add3A_414, %get3A_411 : vector<16xf32>
        %add3A_438 = arith.constant 3 : i32
        %add3A_439 = arith.addi %mul3A_170, %add3A_438 : i32
        %swap3A_440 = arith.index_cast %add3A_439 : i32 to index
        %swap3A_441 = arith.constant 64 : index
        %swap3A_442 = tpu.vector_load %arg8[%swap3A_440, %swap3A_441] {strides = array<i32>} : memref<128x128xf32, #tpu.memory_space<vmem>>, vector<1x16xf32>,
        %swap3A_443 = vector.shape_cast %swap3A_442 : vector<1x16xf32> to vector<16xf32>
        %swap3A_444 = vector.shape_cast %sub3A_437 : vector<16xf32> to vector<1x16xf32>
        tpu.vector_store %arg8[%swap3A_440, %swap3A_441], %swap3A_444 {strides = array<i32>} : memref<128x128xf32, #tpu.memory_space<vmem>>, vector<1x16xf32>,
        %get3A_445 = arith.index_cast %mul3A_170 : i32 to index
        %get3A_446 = arith.constant 80 : index
        %get3A_447 = tpu.vector_load %arg7[%get3A_445, %get3A_446] {strides = array<i32>} : memref<128x128xf32, #tpu.memory_space<vmem>>, vector<1x16xf32>,
        %get3A_448 = vector.shape_cast %get3A_447 : vector<1x16xf32> to vector<16xf32>
        %add3A_449 = arith.constant 1 : i32
        %add3A_450 = arith.addi %mul3A_170, %add3A_449 : i32
        %get3A_451 = arith.index_cast %add3A_450 : i32 to index
        %get3A_452 = arith.constant 80 : index
        %get3A_453 = tpu.vector_load %arg7[%get3A_451, %get3A_452] {strides = array<i32>} : memref<128x128xf32, #tpu.memory_space<vmem>>, vector<1x16xf32>,
        %get3A_454 = vector.shape_cast %get3A_453 : vector<1x16xf32> to vector<16xf32>
        %add3A_455 = arith.constant 2 : i32
        %add3A_456 = arith.addi %mul3A_170, %add3A_455 : i32
        %get3A_457 = arith.index_cast %add3A_456 : i32 to index
        %get3A_458 = arith.constant 80 : index
        %get3A_459 = tpu.vector_load %arg7[%get3A_457, %get3A_458] {strides = array<i32>} : memref<128x128xf32, #tpu.memory_space<vmem>>, vector<1x16xf32>,
        %get3A_460 = vector.shape_cast %get3A_459 : vector<1x16xf32> to vector<16xf32>
        %add3A_461 = arith.constant 3 : i32
        %add3A_462 = arith.addi %mul3A_170, %add3A_461 : i32
        %get3A_463 = arith.index_cast %add3A_462 : i32 to index
        %get3A_464 = arith.constant 80 : index
        %get3A_465 = tpu.vector_load %arg7[%get3A_463, %get3A_464] {strides = array<i32>} : memref<128x128xf32, #tpu.memory_space<vmem>>, vector<1x16xf32>,
        %get3A_466 = vector.shape_cast %get3A_465 : vector<1x16xf32> to vector<16xf32>
        %add3A_467 = arith.addf %get3A_448, %get3A_454 : vector<16xf32>
        %add3A_468 = arith.addf %get3A_460, %get3A_466 : vector<16xf32>
        %add3A_469 = arith.addf %add3A_467, %add3A_468 : vector<16xf32>
        %sub3A_470 = arith.subf %add3A_469, %get3A_448 : vector<16xf32>
        %swap3A_471 = arith.index_cast %mul3A_170 : i32 to index
        %swap3A_472 = arith.constant 80 : index
        %swap3A_473 = tpu.vector_load %arg8[%swap3A_471, %swap3A_472] {strides = array<i32>} : memref<128x128xf32, #tpu.memory_space<vmem>>, vector<1x16xf32>,
        %swap3A_474 = vector.shape_cast %swap3A_473 : vector<1x16xf32> to vector<16xf32>
        %swap3A_475 = vector.shape_cast %sub3A_470 : vector<16xf32> to vector<1x16xf32>
        tpu.vector_store %arg8[%swap3A_471, %swap3A_472], %swap3A_475 {strides = array<i32>} : memref<128x128xf32, #tpu.memory_space<vmem>>, vector<1x16xf32>,
        %sub3A_476 = arith.subf %add3A_469, %get3A_454 : vector<16xf32>
        %add3A_477 = arith.constant 1 : i32
        %add3A_478 = arith.addi %mul3A_170, %add3A_477 : i32
        %swap3A_479 = arith.index_cast %add3A_478 : i32 to index
        %swap3A_480 = arith.constant 80 : index
        %swap3A_481 = tpu.vector_load %arg8[%swap3A_479, %swap3A_480] {strides = array<i32>} : memref<128x128xf32, #tpu.memory_space<vmem>>, vector<1x16xf32>,
        %swap3A_482 = vector.shape_cast %swap3A_481 : vector<1x16xf32> to vector<16xf32>
        %swap3A_483 = vector.shape_cast %sub3A_476 : vector<16xf32> to vector<1x16xf32>
        tpu.vector_store %arg8[%swap3A_479, %swap3A_480], %swap3A_483 {strides = array<i32>} : memref<128x128xf32, #tpu.memory_space<vmem>>, vector<1x16xf32>,
        %sub3A_484 = arith.subf %add3A_469, %get3A_460 : vector<16xf32>
        %add3A_485 = arith.constant 2 : i32
        %add3A_486 = arith.addi %mul3A_170, %add3A_485 : i32
        %swap3A_487 = arith.index_cast %add3A_486 : i32 to index
        %swap3A_488 = arith.constant 80 : index
        %swap3A_489 = tpu.vector_load %arg8[%swap3A_487, %swap3A_488] {strides = array<i32>} : memref<128x128xf32, #tpu.memory_space<vmem>>, vector<1x16xf32>,
        %swap3A_490 = vector.shape_cast %swap3A_489 : vector<1x16xf32> to vector<16xf32>
        %swap3A_491 = vector.shape_cast %sub3A_484 : vector<16xf32> to vector<1x16xf32>
        tpu.vector_store %arg8[%swap3A_487, %swap3A_488], %swap3A_491 {strides = array<i32>} : memref<128x128xf32, #tpu.memory_space<vmem>>, vector<1x16xf32>,
        %sub3A_492 = arith.subf %add3A_469, %get3A_466 : vector<16xf32>
        %add3A_493 = arith.constant 3 : i32
        %add3A_494 = arith.addi %mul3A_170, %add3A_493 : i32
        %swap3A_495 = arith.index_cast %add3A_494 : i32 to index
        %swap3A_496 = arith.constant 80 : index
        %swap3A_497 = tpu.vector_load %arg8[%swap3A_495, %swap3A_496] {strides = array<i32>} : memref<128x128xf32, #tpu.memory_space<vmem>>, vector<1x16xf32>,
        %swap3A_498 = vector.shape_cast %swap3A_497 : vector<1x16xf32> to vector<16xf32>
        %swap3A_499 = vector.shape_cast %sub3A_492 : vector<16xf32> to vector<1x16xf32>
        tpu.vector_store %arg8[%swap3A_495, %swap3A_496], %swap3A_499 {strides = array<i32>} : memref<128x128xf32, #tpu.memory_space<vmem>>, vector<1x16xf32>,
        %get3A_500 = arith.index_cast %mul3A_170 : i32 to index
        %get3A_501 = arith.constant 96 : index
        %get3A_502 = tpu.vector_load %arg7[%get3A_500, %get3A_501] {strides = array<i32>} : memref<128x128xf32, #tpu.memory_space<vmem>>, vector<1x16xf32>,
        %get3A_503 = vector.shape_cast %get3A_502 : vector<1x16xf32> to vector<16xf32>
        %add3A_504 = arith.constant 1 : i32
        %add3A_505 = arith.addi %mul3A_170, %add3A_504 : i32
        %get3A_506 = arith.index_cast %add3A_505 : i32 to index
        %get3A_507 = arith.constant 96 : index
        %get3A_508 = tpu.vector_load %arg7[%get3A_506, %get3A_507] {strides = array<i32>} : memref<128x128xf32, #tpu.memory_space<vmem>>, vector<1x16xf32>,
        %get3A_509 = vector.shape_cast %get3A_508 : vector<1x16xf32> to vector<16xf32>
        %add3A_510 = arith.constant 2 : i32
        %add3A_511 = arith.addi %mul3A_170, %add3A_510 : i32
        %get3A_512 = arith.index_cast %add3A_511 : i32 to index
        %get3A_513 = arith.constant 96 : index
        %get3A_514 = tpu.vector_load %arg7[%get3A_512, %get3A_513] {strides = array<i32>} : memref<128x128xf32, #tpu.memory_space<vmem>>, vector<1x16xf32>,
        %get3A_515 = vector.shape_cast %get3A_514 : vector<1x16xf32> to vector<16xf32>
        %add3A_516 = arith.constant 3 : i32
        %add3A_517 = arith.addi %mul3A_170, %add3A_516 : i32
        %get3A_518 = arith.index_cast %add3A_517 : i32 to index
        %get3A_519 = arith.constant 96 : index
        %get3A_520 = tpu.vector_load %arg7[%get3A_518, %get3A_519] {strides = array<i32>} : memref<128x128xf32, #tpu.memory_space<vmem>>, vector<1x16xf32>,
        %get3A_521 = vector.shape_cast %get3A_520 : vector<1x16xf32> to vector<16xf32>
        %add3A_522 = arith.addf %get3A_503, %get3A_509 : vector<16xf32>
        %add3A_523 = arith.addf %get3A_515, %get3A_521 : vector<16xf32>
        %add3A_524 = arith.addf %add3A_522, %add3A_523 : vector<16xf32>
        %sub3A_525 = arith.subf %add3A_524, %get3A_503 : vector<16xf32>
        %swap3A_526 = arith.index_cast %mul3A_170 : i32 to index
        %swap3A_527 = arith.constant 96 : index
        %swap3A_528 = tpu.vector_load %arg8[%swap3A_526, %swap3A_527] {strides = array<i32>} : memref<128x128xf32, #tpu.memory_space<vmem>>, vector<1x16xf32>,
        %swap3A_529 = vector.shape_cast %swap3A_528 : vector<1x16xf32> to vector<16xf32>
        %swap3A_530 = vector.shape_cast %sub3A_525 : vector<16xf32> to vector<1x16xf32>
        tpu.vector_store %arg8[%swap3A_526, %swap3A_527], %swap3A_530 {strides = array<i32>} : memref<128x128xf32, #tpu.memory_space<vmem>>, vector<1x16xf32>,
        %sub3A_531 = arith.subf %add3A_524, %get3A_509 : vector<16xf32>
        %add3A_532 = arith.constant 1 : i32
        %add3A_533 = arith.addi %mul3A_170, %add3A_532 : i32
        %swap3A_534 = arith.index_cast %add3A_533 : i32 to index
        %swap3A_535 = arith.constant 96 : index
        %swap3A_536 = tpu.vector_load %arg8[%swap3A_534, %swap3A_535] {strides = array<i32>} : memref<128x128xf32, #tpu.memory_space<vmem>>, vector<1x16xf32>,
        %swap3A_537 = vector.shape_cast %swap3A_536 : vector<1x16xf32> to vector<16xf32>
        %swap3A_538 = vector.shape_cast %sub3A_531 : vector<16xf32> to vector<1x16xf32>
        tpu.vector_store %arg8[%swap3A_534, %swap3A_535], %swap3A_538 {strides = array<i32>} : memref<128x128xf32, #tpu.memory_space<vmem>>, vector<1x16xf32>,
        %sub3A_539 = arith.subf %add3A_524, %get3A_515 : vector<16xf32>
        %add3A_540 = arith.constant 2 : i32
        %add3A_541 = arith.addi %mul3A_170, %add3A_540 : i32
        %swap3A_542 = arith.index_cast %add3A_541 : i32 to index
        %swap3A_543 = arith.constant 96 : index
        %swap3A_544 = tpu.vector_load %arg8[%swap3A_542, %swap3A_543] {strides = array<i32>} : memref<128x128xf32, #tpu.memory_space<vmem>>, vector<1x16xf32>,
        %swap3A_545 = vector.shape_cast %swap3A_544 : vector<1x16xf32> to vector<16xf32>
        %swap3A_546 = vector.shape_cast %sub3A_539 : vector<16xf32> to vector<1x16xf32>
        tpu.vector_store %arg8[%swap3A_542, %swap3A_543], %swap3A_546 {strides = array<i32>} : memref<128x128xf32, #tpu.memory_space<vmem>>, vector<1x16xf32>,
        %sub3A_547 = arith.subf %add3A_524, %get3A_521 : vector<16xf32>
        %add3A_548 = arith.constant 3 : i32
        %add3A_549 = arith.addi %mul3A_170, %add3A_548 : i32
        %swap3A_550 = arith.index_cast %add3A_549 : i32 to index
        %swap3A_551 = arith.constant 96 : index
        %swap3A_552 = tpu.vector_load %arg8[%swap3A_550, %swap3A_551] {strides = array<i32>} : memref<128x128xf32, #tpu.memory_space<vmem>>, vector<1x16xf32>,
        %swap3A_553 = vector.shape_cast %swap3A_552 : vector<1x16xf32> to vector<16xf32>
        %swap3A_554 = vector.shape_cast %sub3A_547 : vector<16xf32> to vector<1x16xf32>
        tpu.vector_store %arg8[%swap3A_550, %swap3A_551], %swap3A_554 {strides = array<i32>} : memref<128x128xf32, #tpu.memory_space<vmem>>, vector<1x16xf32>,
        %get3A_555 = arith.index_cast %mul3A_170 : i32 to index
        %get3A_556 = arith.constant 112 : index
        %get3A_557 = tpu.vector_load %arg7[%get3A_555, %get3A_556] {strides = array<i32>} : memref<128x128xf32, #tpu.memory_space<vmem>>, vector<1x16xf32>,
        %get3A_558 = vector.shape_cast %get3A_557 : vector<1x16xf32> to vector<16xf32>
        %add3A_559 = arith.constant 1 : i32
        %add3A_560 = arith.addi %mul3A_170, %add3A_559 : i32
        %get3A_561 = arith.index_cast %add3A_560 : i32 to index
        %get3A_562 = arith.constant 112 : index
        %get3A_563 = tpu.vector_load %arg7[%get3A_561, %get3A_562] {strides = array<i32>} : memref<128x128xf32, #tpu.memory_space<vmem>>, vector<1x16xf32>,
        %get3A_564 = vector.shape_cast %get3A_563 : vector<1x16xf32> to vector<16xf32>
        %add3A_565 = arith.constant 2 : i32
        %add3A_566 = arith.addi %mul3A_170, %add3A_565 : i32
        %get3A_567 = arith.index_cast %add3A_566 : i32 to index
        %get3A_568 = arith.constant 112 : index
        %get3A_569 = tpu.vector_load %arg7[%get3A_567, %get3A_568] {strides = array<i32>} : memref<128x128xf32, #tpu.memory_space<vmem>>, vector<1x16xf32>,
        %get3A_570 = vector.shape_cast %get3A_569 : vector<1x16xf32> to vector<16xf32>
        %add3A_571 = arith.constant 3 : i32
        %add3A_572 = arith.addi %mul3A_170, %add3A_571 : i32
        %get3A_573 = arith.index_cast %add3A_572 : i32 to index
        %get3A_574 = arith.constant 112 : index
        %get3A_575 = tpu.vector_load %arg7[%get3A_573, %get3A_574] {strides = array<i32>} : memref<128x128xf32, #tpu.memory_space<vmem>>, vector<1x16xf32>,
        %get3A_576 = vector.shape_cast %get3A_575 : vector<1x16xf32> to vector<16xf32>
        %add3A_577 = arith.addf %get3A_558, %get3A_564 : vector<16xf32>
        %add3A_578 = arith.addf %get3A_570, %get3A_576 : vector<16xf32>
        %add3A_579 = arith.addf %add3A_577, %add3A_578 : vector<16xf32>
        %sub3A_580 = arith.subf %add3A_579, %get3A_558 : vector<16xf32>
        %swap3A_581 = arith.index_cast %mul3A_170 : i32 to index
        %swap3A_582 = arith.constant 112 : index
        %swap3A_583 = tpu.vector_load %arg8[%swap3A_581, %swap3A_582] {strides = array<i32>} : memref<128x128xf32, #tpu.memory_space<vmem>>, vector<1x16xf32>,
        %swap3A_584 = vector.shape_cast %swap3A_583 : vector<1x16xf32> to vector<16xf32>
        %swap3A_585 = vector.shape_cast %sub3A_580 : vector<16xf32> to vector<1x16xf32>
        tpu.vector_store %arg8[%swap3A_581, %swap3A_582], %swap3A_585 {strides = array<i32>} : memref<128x128xf32, #tpu.memory_space<vmem>>, vector<1x16xf32>,
        %sub3A_586 = arith.subf %add3A_579, %get3A_564 : vector<16xf32>
        %add3A_587 = arith.constant 1 : i32
        %add3A_588 = arith.addi %mul3A_170, %add3A_587 : i32
        %swap3A_589 = arith.index_cast %add3A_588 : i32 to index
        %swap3A_590 = arith.constant 112 : index
        %swap3A_591 = tpu.vector_load %arg8[%swap3A_589, %swap3A_590] {strides = array<i32>} : memref<128x128xf32, #tpu.memory_space<vmem>>, vector<1x16xf32>,
        %swap3A_592 = vector.shape_cast %swap3A_591 : vector<1x16xf32> to vector<16xf32>
        %swap3A_593 = vector.shape_cast %sub3A_586 : vector<16xf32> to vector<1x16xf32>
        tpu.vector_store %arg8[%swap3A_589, %swap3A_590], %swap3A_593 {strides = array<i32>} : memref<128x128xf32, #tpu.memory_space<vmem>>, vector<1x16xf32>,
        %sub3A_594 = arith.subf %add3A_579, %get3A_570 : vector<16xf32>
        %add3A_595 = arith.constant 2 : i32
        %add3A_596 = arith.addi %mul3A_170, %add3A_595 : i32
        %swap3A_597 = arith.index_cast %add3A_596 : i32 to index
        %swap3A_598 = arith.constant 112 : index
        %swap3A_599 = tpu.vector_load %arg8[%swap3A_597, %swap3A_598] {strides = array<i32>} : memref<128x128xf32, #tpu.memory_space<vmem>>, vector<1x16xf32>,
        %swap3A_600 = vector.shape_cast %swap3A_599 : vector<1x16xf32> to vector<16xf32>
        %swap3A_601 = vector.shape_cast %sub3A_594 : vector<16xf32> to vector<1x16xf32>
        tpu.vector_store %arg8[%swap3A_597, %swap3A_598], %swap3A_601 {strides = array<i32>} : memref<128x128xf32, #tpu.memory_space<vmem>>, vector<1x16xf32>,
        %sub3A_602 = arith.subf %add3A_579, %get3A_576 : vector<16xf32>
        %add3A_603 = arith.constant 3 : i32
        %add3A_604 = arith.addi %mul3A_170, %add3A_603 : i32
        %swap3A_605 = arith.index_cast %add3A_604 : i32 to index
        %swap3A_606 = arith.constant 112 : index
        %swap3A_607 = tpu.vector_load %arg8[%swap3A_605, %swap3A_606] {strides = array<i32>} : memref<128x128xf32, #tpu.memory_space<vmem>>, vector<1x16xf32>,
        %swap3A_608 = vector.shape_cast %swap3A_607 : vector<1x16xf32> to vector<16xf32>
        %swap3A_609 = vector.shape_cast %sub3A_602 : vector<16xf32> to vector<1x16xf32>
        tpu.vector_store %arg8[%swap3A_605, %swap3A_606], %swap3A_609 {strides = array<i32>} : memref<128x128xf32, #tpu.memory_space<vmem>>, vector<1x16xf32>,
      }
      %scan3A_167 = arith.constant 32 : i32
      "tpu.region"() ({
        %run_scoped3A = tpu.sem_alloc : memref<!tpu.dma_semaphore, #tpu.memory_space<semaphore_mem>>
        %dma_start3A_168 = arith.constant 0 : i32
        %dma_start3A_169 = arith.constant 0 : i32
        %dma_start3A_170 = tpu.memref_slice %arg9[%dma_start3A_168, %dma_start3A_169] : memref<10112x128xf32, #tpu.memory_space<vmem_shared>> -> memref<10112x128xf32, #tpu.memory_space<vmem_shared>>
        tpu.enqueue_indirect_dma source(%arg8 : memref<128x128xf32, #tpu.memory_space<vmem>>) target(%dma_start3A_170 : memref<10112x128xf32, #tpu.memory_space<vmem_shared>>) offsets(%arg6 : memref<128xi32, #tpu.memory_space<vmem>>) semaphore(%run_scoped3A : memref<!tpu.dma_semaphore, #tpu.memory_space<semaphore_mem>>) {add = true}
        %dma_wait3A_171 = arith.constant 0 : i32
        %dma_wait3A_172 = arith.constant 0 : i32
        %dma_wait3A_173 = tpu.memref_slice %arg9[%dma_wait3A_171, %dma_wait3A_172] : memref<10112x128xf32, #tpu.memory_space<vmem_shared>> -> memref<10112x128xf32, #tpu.memory_space<vmem_shared>>
        tpu.wait_indirect_dma semaphore(%run_scoped3A : memref<!tpu.dma_semaphore, #tpu.memory_space<semaphore_mem>>) src(%arg8 : memref<128x128xf32, #tpu.memory_space<vmem>>) dst(%dma_wait3A_173 : memref<10112x128xf32, #tpu.memory_space<vmem_shared>>)
        tpu.yield
      }) : () -> ()
    }
    %scan3A_18 = arith.constant 27 : i32
    %barrier3A_19 = arith.constant 0 : index
    tpu.barrier barrier_id(%barrier3A_19)
    %lt3A = arith.constant 15 : i32
    %lt3A_20 = arith.cmpi slt, %arg1, %lt3A : i32
    %convert_element_type3A = arith.extui %lt3A_20 : i1 to i32
    %cond3A = arith.constant 0 : i32
    %cond3A_21 = arith.cmpi ne, %convert_element_type3A, %cond3A : i32
    scf.if %cond3A_21 {
      "tpu.region"() ({
        %run_scoped3A = tpu.sem_alloc : memref<!tpu.dma_semaphore, #tpu.memory_space<semaphore_mem>>
        %dma_start3A = arith.constant 0 : i32
        %dma_start3A_26 = tpu.memref_slice %arg4[%arg0, %mul3A_0, %dma_start3A] : memref<2x10000x128xf32, #tpu.memory_space<hbm>> -> memref<1x632x128xf32, #tpu.memory_space<hbm>>
        %dma_start3A_27 = tpu.memref_squeeze %dma_start3A_26 : memref<1x632x128xf32, #tpu.memory_space<hbm>> -> memref<632x128xf32, #tpu.memory_space<hbm>>
        %dma_start3A_28 = arith.constant 0 : i32
        %dma_start3A_29 = tpu.memref_slice %arg9[%mul3A_0, %dma_start3A_28] : memref<10112x128xf32, #tpu.memory_space<vmem_shared>> -> memref<632x128xf32, #tpu.memory_space<vmem_shared>>
        tpu.enqueue_dma source(%dma_start3A_29 : memref<632x128xf32, #tpu.memory_space<vmem_shared>>) target(%dma_start3A_27 : memref<632x128xf32, #tpu.memory_space<hbm>>) target_semaphore(%run_scoped3A : memref<!tpu.dma_semaphore, #tpu.memory_space<semaphore_mem>>)
        %dma_wait3A = arith.constant 0 : i32
        %dma_wait3A_30 = tpu.memref_slice %arg4[%arg0, %mul3A_0, %dma_wait3A] : memref<2x10000x128xf32, #tpu.memory_space<hbm>> -> memref<1x632x128xf32, #tpu.memory_space<hbm>>
        %dma_wait3A_31 = tpu.memref_squeeze %dma_wait3A_30 : memref<1x632x128xf32, #tpu.memory_space<hbm>> -> memref<632x128xf32, #tpu.memory_space<hbm>>
        %dma_wait3A_32 = arith.constant 0 : i32
        %dma_wait3A_33 = tpu.memref_slice %arg9[%mul3A_0, %dma_wait3A_32] : memref<10112x128xf32, #tpu.memory_space<vmem_shared>> -> memref<632x128xf32, #tpu.memory_space<vmem_shared>>
        tpu.wait_dma2 semaphore(%run_scoped3A : memref<!tpu.dma_semaphore, #tpu.memory_space<semaphore_mem>>) src(%dma_wait3A_33 : memref<632x128xf32, #tpu.memory_space<vmem_shared>>) dst(%dma_wait3A_31 : memref<632x128xf32, #tpu.memory_space<hbm>>)
        tpu.yield
      }) : () -> ()
    } else {
    }
    %eq3A = arith.constant 15 : i32
    %eq3A_22 = arith.cmpi eq, %arg1, %eq3A : i32
    %convert_element_type3A_23 = arith.extui %eq3A_22 : i1 to i32
    %cond3A_24 = arith.constant 0 : i32
    %cond3A_25 = arith.cmpi ne, %convert_element_type3A_23, %cond3A_24 : i32
    scf.if %cond3A_25 {
      "tpu.region"() ({
        %run_scoped3A = tpu.sem_alloc : memref<!tpu.dma_semaphore, #tpu.memory_space<semaphore_mem>>
        %dma_start3A = arith.constant 0 : i32
        %dma_start3A_26 = tpu.memref_slice %arg4[%arg0, %mul3A_0, %dma_start3A] : memref<2x10000x128xf32, #tpu.memory_space<hbm>> -> memref<1x520x128xf32, #tpu.memory_space<hbm>>
        %dma_start3A_27 = tpu.memref_squeeze %dma_start3A_26 : memref<1x520x128xf32, #tpu.memory_space<hbm>> -> memref<520x128xf32, #tpu.memory_space<hbm>>
        %dma_start3A_28 = arith.constant 0 : i32
        %dma_start3A_29 = tpu.memref_slice %arg9[%mul3A_0, %dma_start3A_28] : memref<10112x128xf32, #tpu.memory_space<vmem_shared>> -> memref<520x128xf32, #tpu.memory_space<vmem_shared>>
        tpu.enqueue_dma source(%dma_start3A_29 : memref<520x128xf32, #tpu.memory_space<vmem_shared>>) target(%dma_start3A_27 : memref<520x128xf32, #tpu.memory_space<hbm>>) target_semaphore(%run_scoped3A : memref<!tpu.dma_semaphore, #tpu.memory_space<semaphore_mem>>)
        %dma_wait3A = arith.constant 0 : i32
        %dma_wait3A_30 = tpu.memref_slice %arg4[%arg0, %mul3A_0, %dma_wait3A] : memref<2x10000x128xf32, #tpu.memory_space<hbm>> -> memref<1x520x128xf32, #tpu.memory_space<hbm>>
        %dma_wait3A_31 = tpu.memref_squeeze %dma_wait3A_30 : memref<1x520x128xf32, #tpu.memory_space<hbm>> -> memref<520x128xf32, #tpu.memory_space<hbm>>
        %dma_wait3A_32 = arith.constant 0 : i32
        %dma_wait3A_33 = tpu.memref_slice %arg9[%mul3A_0, %dma_wait3A_32] : memref<10112x128xf32, #tpu.memory_space<vmem_shared>> -> memref<520x128xf32, #tpu.memory_space<vmem_shared>>
        tpu.wait_dma2 semaphore(%run_scoped3A : memref<!tpu.dma_semaphore, #tpu.memory_space<semaphore_mem>>) src(%dma_wait3A_33 : memref<520x128xf32, #tpu.memory_space<vmem_shared>>) dst(%dma_wait3A_31 : memref<520x128xf32, #tpu.memory_space<hbm>>)
        tpu.yield
      }) : () -> ()
    } else {
    }
    return
  }
}

#map = affine_map<(d0, d1) -> (0)>
#map1 = affine_map<(d0, d1) -> (0, 0)>
#map2 = affine_map<(d0, d1) -> (0, 0, 0)>
module attributes {stable_mosaic.version = 14 : i64} {
  func.func @k(%arg0: i32, %arg1: i32, %arg2: memref<110592xi32, #tpu.memory_space<hbm>>, %arg3: memref<20000x128xf32, #tpu.memory_space<hbm>>, %arg4: memref<2x10000x128xf32, #tpu.memory_space<hbm>>, %arg5: memref<128xi32, #tpu.memory_space<vmem>>, %arg6: memref<128xi32, #tpu.memory_space<vmem>>, %arg7: memref<128x128xf32, #tpu.memory_space<vmem>>, %arg8: memref<128x128xf32, #tpu.memory_space<vmem>>, %arg9: memref<10112x128xf32, #tpu.memory_space<vmem_shared>>, %arg10: memref<!tpu.dma_semaphore, #tpu.memory_space<semaphore_mem>>) attributes {dimension_semantics = [#tpu.dimension_semantics<core_parallel>, #tpu.dimension_semantics<subcore_parallel>], iteration_bounds = array<i64: 2, 16>, scalar_prefetch = 0 : i64, scratch_operands = 6 : i64, tpu.core_type = #tpu.core_type<sc_vector_subcore>, window_params = [{transform_indices = #map}, {transform_indices = #map1}, {transform_indices = #map2}]} {
    %mul3A = arith.constant 632 : i32
    %mul3A_0 = arith.muli %arg1, %mul3A : i32
    %mul3A_1 = arith.constant 10000 : i32
    %mul3A_2 = arith.muli %arg0, %mul3A_1 : i32
    %scan3A = arith.constant 0 : i32
    %scan3A_3 = arith.constant 0 : i32
    %scan3A_4 = arith.constant 128 : i32
    %scan3A_5 = arith.addi %scan3A_3, %scan3A_4 : i32
    %scan3A_6 = arith.constant 1 : i32
    scf.for %scan3A_28 = %scan3A_3 to %scan3A_5 step %scan3A_6  : i32 {
      %broadcast_in_dim3A = arith.constant 0.000000e+00 : f32
      %broadcast_in_dim3A_29 = vector.broadcast %broadcast_in_dim3A : f32 to vector<16xf32>
      %swap3A = arith.index_cast %scan3A_28 : i32 to index
      %swap3A_30 = arith.constant 0 : index
      %swap3A_31 = tpu.vector_load %arg8[%swap3A, %swap3A_30] {strides = array<i32>} : memref<128x128xf32, #tpu.memory_space<vmem>>, vector<1x16xf32>,
      %swap3A_32 = vector.shape_cast %swap3A_31 : vector<1x16xf32> to vector<16xf32>
      %swap3A_33 = vector.shape_cast %broadcast_in_dim3A_29 : vector<16xf32> to vector<1x16xf32>
      tpu.vector_store %arg8[%swap3A, %swap3A_30], %swap3A_33 {strides = array<i32>} : memref<128x128xf32, #tpu.memory_space<vmem>>, vector<1x16xf32>,
      %broadcast_in_dim3A_34 = arith.constant 0.000000e+00 : f32
      %broadcast_in_dim3A_35 = vector.broadcast %broadcast_in_dim3A_34 : f32 to vector<16xf32>
      %swap3A_36 = arith.index_cast %scan3A_28 : i32 to index
      %swap3A_37 = arith.constant 16 : index
      %swap3A_38 = tpu.vector_load %arg8[%swap3A_36, %swap3A_37] {strides = array<i32>} : memref<128x128xf32, #tpu.memory_space<vmem>>, vector<1x16xf32>,
      %swap3A_39 = vector.shape_cast %swap3A_38 : vector<1x16xf32> to vector<16xf32>
      %swap3A_40 = vector.shape_cast %broadcast_in_dim3A_35 : vector<16xf32> to vector<1x16xf32>
      tpu.vector_store %arg8[%swap3A_36, %swap3A_37], %swap3A_40 {strides = array<i32>} : memref<128x128xf32, #tpu.memory_space<vmem>>, vector<1x16xf32>,
      %broadcast_in_dim3A_41 = arith.constant 0.000000e+00 : f32
      %broadcast_in_dim3A_42 = vector.broadcast %broadcast_in_dim3A_41 : f32 to vector<16xf32>
      %swap3A_43 = arith.index_cast %scan3A_28 : i32 to index
      %swap3A_44 = arith.constant 32 : index
      %swap3A_45 = tpu.vector_load %arg8[%swap3A_43, %swap3A_44] {strides = array<i32>} : memref<128x128xf32, #tpu.memory_space<vmem>>, vector<1x16xf32>,
      %swap3A_46 = vector.shape_cast %swap3A_45 : vector<1x16xf32> to vector<16xf32>
      %swap3A_47 = vector.shape_cast %broadcast_in_dim3A_42 : vector<16xf32> to vector<1x16xf32>
      tpu.vector_store %arg8[%swap3A_43, %swap3A_44], %swap3A_47 {strides = array<i32>} : memref<128x128xf32, #tpu.memory_space<vmem>>, vector<1x16xf32>,
      %broadcast_in_dim3A_48 = arith.constant 0.000000e+00 : f32
      %broadcast_in_dim3A_49 = vector.broadcast %broadcast_in_dim3A_48 : f32 to vector<16xf32>
      %swap3A_50 = arith.index_cast %scan3A_28 : i32 to index
      %swap3A_51 = arith.constant 48 : index
      %swap3A_52 = tpu.vector_load %arg8[%swap3A_50, %swap3A_51] {strides = array<i32>} : memref<128x128xf32, #tpu.memory_space<vmem>>, vector<1x16xf32>,
      %swap3A_53 = vector.shape_cast %swap3A_52 : vector<1x16xf32> to vector<16xf32>
      %swap3A_54 = vector.shape_cast %broadcast_in_dim3A_49 : vector<16xf32> to vector<1x16xf32>
      tpu.vector_store %arg8[%swap3A_50, %swap3A_51], %swap3A_54 {strides = array<i32>} : memref<128x128xf32, #tpu.memory_space<vmem>>, vector<1x16xf32>,
      %broadcast_in_dim3A_55 = arith.constant 0.000000e+00 : f32
      %broadcast_in_dim3A_56 = vector.broadcast %broadcast_in_dim3A_55 : f32 to vector<16xf32>
      %swap3A_57 = arith.index_cast %scan3A_28 : i32 to index
      %swap3A_58 = arith.constant 64 : index
      %swap3A_59 = tpu.vector_load %arg8[%swap3A_57, %swap3A_58] {strides = array<i32>} : memref<128x128xf32, #tpu.memory_space<vmem>>, vector<1x16xf32>,
      %swap3A_60 = vector.shape_cast %swap3A_59 : vector<1x16xf32> to vector<16xf32>
      %swap3A_61 = vector.shape_cast %broadcast_in_dim3A_56 : vector<16xf32> to vector<1x16xf32>
      tpu.vector_store %arg8[%swap3A_57, %swap3A_58], %swap3A_61 {strides = array<i32>} : memref<128x128xf32, #tpu.memory_space<vmem>>, vector<1x16xf32>,
      %broadcast_in_dim3A_62 = arith.constant 0.000000e+00 : f32
      %broadcast_in_dim3A_63 = vector.broadcast %broadcast_in_dim3A_62 : f32 to vector<16xf32>
      %swap3A_64 = arith.index_cast %scan3A_28 : i32 to index
      %swap3A_65 = arith.constant 80 : index
      %swap3A_66 = tpu.vector_load %arg8[%swap3A_64, %swap3A_65] {strides = array<i32>} : memref<128x128xf32, #tpu.memory_space<vmem>>, vector<1x16xf32>,
      %swap3A_67 = vector.shape_cast %swap3A_66 : vector<1x16xf32> to vector<16xf32>
      %swap3A_68 = vector.shape_cast %broadcast_in_dim3A_63 : vector<16xf32> to vector<1x16xf32>
      tpu.vector_store %arg8[%swap3A_64, %swap3A_65], %swap3A_68 {strides = array<i32>} : memref<128x128xf32, #tpu.memory_space<vmem>>, vector<1x16xf32>,
      %broadcast_in_dim3A_69 = arith.constant 0.000000e+00 : f32
      %broadcast_in_dim3A_70 = vector.broadcast %broadcast_in_dim3A_69 : f32 to vector<16xf32>
      %swap3A_71 = arith.index_cast %scan3A_28 : i32 to index
      %swap3A_72 = arith.constant 96 : index
      %swap3A_73 = tpu.vector_load %arg8[%swap3A_71, %swap3A_72] {strides = array<i32>} : memref<128x128xf32, #tpu.memory_space<vmem>>, vector<1x16xf32>,
      %swap3A_74 = vector.shape_cast %swap3A_73 : vector<1x16xf32> to vector<16xf32>
      %swap3A_75 = vector.shape_cast %broadcast_in_dim3A_70 : vector<16xf32> to vector<1x16xf32>
      tpu.vector_store %arg8[%swap3A_71, %swap3A_72], %swap3A_75 {strides = array<i32>} : memref<128x128xf32, #tpu.memory_space<vmem>>, vector<1x16xf32>,
      %broadcast_in_dim3A_76 = arith.constant 0.000000e+00 : f32
      %broadcast_in_dim3A_77 = vector.broadcast %broadcast_in_dim3A_76 : f32 to vector<16xf32>
      %swap3A_78 = arith.index_cast %scan3A_28 : i32 to index
      %swap3A_79 = arith.constant 112 : index
      %swap3A_80 = tpu.vector_load %arg8[%swap3A_78, %swap3A_79] {strides = array<i32>} : memref<128x128xf32, #tpu.memory_space<vmem>>, vector<1x16xf32>,
      %swap3A_81 = vector.shape_cast %swap3A_80 : vector<1x16xf32> to vector<16xf32>
      %swap3A_82 = vector.shape_cast %broadcast_in_dim3A_77 : vector<16xf32> to vector<1x16xf32>
      tpu.vector_store %arg8[%swap3A_78, %swap3A_79], %swap3A_82 {strides = array<i32>} : memref<128x128xf32, #tpu.memory_space<vmem>>, vector<1x16xf32>,
    }
    %scan3A_7 = arith.constant 128 : i32
    %scan3A_8 = arith.constant 0 : i32
    %scan3A_9 = arith.constant 0 : i32
    %scan3A_10 = arith.constant 4 : i32
    %scan3A_11 = arith.addi %scan3A_9, %scan3A_10 : i32
    %scan3A_12 = arith.constant 1 : i32
    scf.for %scan3A_28 = %scan3A_9 to %scan3A_11 step %scan3A_12  : i32 {
      %mul3A_29 = arith.constant 128 : i32
      %mul3A_30 = arith.muli %scan3A_28, %mul3A_29 : i32
      %add3A_31 = arith.addi %mul3A_0, %mul3A_30 : i32
      "tpu.region"() ({
        %run_scoped3A = tpu.sem_alloc : memref<!tpu.dma_semaphore, #tpu.memory_space<semaphore_mem>>
        %dma_start3A = arith.constant 0 : i32
        %dma_start3A_32 = tpu.memref_slice %arg9[%add3A_31, %dma_start3A] : memref<10112x128xf32, #tpu.memory_space<vmem_shared>> -> memref<128x128xf32, #tpu.memory_space<vmem_shared>>
        %dma_start3A_33 = arith.constant 0 : i32
        %dma_start3A_34 = tpu.memref_slice %arg9[%add3A_31, %dma_start3A_33] : memref<10112x128xf32, #tpu.memory_space<vmem_shared>> -> memref<128x128xf32, #tpu.memory_space<vmem_shared>>
        tpu.enqueue_dma source(%arg8 : memref<128x128xf32, #tpu.memory_space<vmem>>) target(%dma_start3A_34 : memref<128x128xf32, #tpu.memory_space<vmem_shared>>) target_semaphore(%run_scoped3A : memref<!tpu.dma_semaphore, #tpu.memory_space<semaphore_mem>>)
        %dma_wait3A = arith.constant 0 : i32
        %dma_wait3A_35 = tpu.memref_slice %arg9[%add3A_31, %dma_wait3A] : memref<10112x128xf32, #tpu.memory_space<vmem_shared>> -> memref<128x128xf32, #tpu.memory_space<vmem_shared>>
        %dma_wait3A_36 = arith.constant 0 : i32
        %dma_wait3A_37 = tpu.memref_slice %arg9[%add3A_31, %dma_wait3A_36] : memref<10112x128xf32, #tpu.memory_space<vmem_shared>> -> memref<128x128xf32, #tpu.memory_space<vmem_shared>>
        tpu.wait_dma2 semaphore(%run_scoped3A : memref<!tpu.dma_semaphore, #tpu.memory_space<semaphore_mem>>) src(%arg8 : memref<128x128xf32, #tpu.memory_space<vmem>>) dst(%dma_wait3A_37 : memref<128x128xf32, #tpu.memory_space<vmem_shared>>)
        tpu.yield
      }) : () -> ()
    }
    %scan3A_13 = arith.constant 4 : i32
    %add3A = arith.constant 512 : i32
    %add3A_14 = arith.addi %mul3A_0, %add3A : i32
    "tpu.region"() ({
      %run_scoped3A = tpu.sem_alloc : memref<!tpu.dma_semaphore, #tpu.memory_space<semaphore_mem>>
      %dma_start3A = arith.constant 0 : i32
      %dma_start3A_28 = arith.constant 0 : i32
      %dma_start3A_29 = tpu.memref_slice %arg8[%dma_start3A, %dma_start3A_28] : memref<128x128xf32, #tpu.memory_space<vmem>> -> memref<120x128xf32, #tpu.memory_space<vmem>>
      %dma_start3A_30 = arith.constant 0 : i32
      %dma_start3A_31 = tpu.memref_slice %arg9[%add3A_14, %dma_start3A_30] : memref<10112x128xf32, #tpu.memory_space<vmem_shared>> -> memref<120x128xf32, #tpu.memory_space<vmem_shared>>
      %dma_start3A_32 = arith.constant 0 : i32
      %dma_start3A_33 = tpu.memref_slice %arg9[%add3A_14, %dma_start3A_32] : memref<10112x128xf32, #tpu.memory_space<vmem_shared>> -> memref<120x128xf32, #tpu.memory_space<vmem_shared>>
      %dma_start3A_34 = arith.constant 0 : i32
      %dma_start3A_35 = arith.constant 0 : i32
      %dma_start3A_36 = tpu.memref_slice %arg8[%dma_start3A_34, %dma_start3A_35] : memref<128x128xf32, #tpu.memory_space<vmem>> -> memref<120x128xf32, #tpu.memory_space<vmem>>
      tpu.enqueue_dma source(%dma_start3A_36 : memref<120x128xf32, #tpu.memory_space<vmem>>) target(%dma_start3A_33 : memref<120x128xf32, #tpu.memory_space<vmem_shared>>) target_semaphore(%run_scoped3A : memref<!tpu.dma_semaphore, #tpu.memory_space<semaphore_mem>>)
      %dma_wait3A = arith.constant 0 : i32
      %dma_wait3A_37 = arith.constant 0 : i32
      %dma_wait3A_38 = tpu.memref_slice %arg8[%dma_wait3A, %dma_wait3A_37] : memref<128x128xf32, #tpu.memory_space<vmem>> -> memref<120x128xf32, #tpu.memory_space<vmem>>
      %dma_wait3A_39 = arith.constant 0 : i32
      %dma_wait3A_40 = tpu.memref_slice %arg9[%add3A_14, %dma_wait3A_39] : memref<10112x128xf32, #tpu.memory_space<vmem_shared>> -> memref<120x128xf32, #tpu.memory_space<vmem_shared>>
      %dma_wait3A_41 = arith.constant 0 : i32
      %dma_wait3A_42 = tpu.memref_slice %arg9[%add3A_14, %dma_wait3A_41] : memref<10112x128xf32, #tpu.memory_space<vmem_shared>> -> memref<120x128xf32, #tpu.memory_space<vmem_shared>>
      %dma_wait3A_43 = arith.constant 0 : i32
      %dma_wait3A_44 = arith.constant 0 : i32
      %dma_wait3A_45 = tpu.memref_slice %arg8[%dma_wait3A_43, %dma_wait3A_44] : memref<128x128xf32, #tpu.memory_space<vmem>> -> memref<120x128xf32, #tpu.memory_space<vmem>>
      tpu.wait_dma2 semaphore(%run_scoped3A : memref<!tpu.dma_semaphore, #tpu.memory_space<semaphore_mem>>) src(%dma_wait3A_45 : memref<120x128xf32, #tpu.memory_space<vmem>>) dst(%dma_wait3A_42 : memref<120x128xf32, #tpu.memory_space<vmem_shared>>)
      tpu.yield
    }) : () -> ()
    %barrier3A = arith.constant 0 : index
    tpu.barrier barrier_id(%barrier3A)
    %scan3A_15 = arith.constant 0 : i32
    %scan3A_16 = arith.constant 0 : i32
    %scan3A_17 = arith.constant 54 : i32
    %scan3A_18 = arith.addi %scan3A_16, %scan3A_17 : i32
    %scan3A_19 = arith.constant 1 : i32
    scf.for %scan3A_28 = %scan3A_16 to %scan3A_18 step %scan3A_19  : i32 {
      %mul3A_29 = arith.constant 54 : i32
      %mul3A_30 = arith.muli %arg1, %mul3A_29 : i32
      %add3A_31 = arith.addi %mul3A_30, %scan3A_28 : i32
      %mul3A_32 = arith.constant 128 : i32
      %mul3A_33 = arith.muli %add3A_31, %mul3A_32 : i32
      "tpu.region"() ({
        %run_scoped3A = tpu.sem_alloc : memref<!tpu.dma_semaphore, #tpu.memory_space<semaphore_mem>>
        %dma_start3A_159 = tpu.memref_slice %arg2[%mul3A_33] : memref<110592xi32, #tpu.memory_space<hbm>> -> memref<128xi32, #tpu.memory_space<hbm>>
        %dma_start3A_160 = tpu.memref_slice %arg2[%mul3A_33] : memref<110592xi32, #tpu.memory_space<hbm>> -> memref<128xi32, #tpu.memory_space<hbm>>
        tpu.enqueue_dma source(%dma_start3A_160 : memref<128xi32, #tpu.memory_space<hbm>>) target(%arg6 : memref<128xi32, #tpu.memory_space<vmem>>) target_semaphore(%run_scoped3A : memref<!tpu.dma_semaphore, #tpu.memory_space<semaphore_mem>>)
        %dma_wait3A_161 = tpu.memref_slice %arg2[%mul3A_33] : memref<110592xi32, #tpu.memory_space<hbm>> -> memref<128xi32, #tpu.memory_space<hbm>>
        %dma_wait3A_162 = tpu.memref_slice %arg2[%mul3A_33] : memref<110592xi32, #tpu.memory_space<hbm>> -> memref<128xi32, #tpu.memory_space<hbm>>
        tpu.wait_dma2 semaphore(%run_scoped3A : memref<!tpu.dma_semaphore, #tpu.memory_space<semaphore_mem>>) src(%dma_wait3A_162 : memref<128xi32, #tpu.memory_space<hbm>>) dst(%arg6 : memref<128xi32, #tpu.memory_space<vmem>>)
        tpu.yield
      }) : () -> ()
      %get3A = arith.constant 0 : index
      %get3A_34 = tpu.vector_load %arg6[%get3A] {strides = array<i32>} : memref<128xi32, #tpu.memory_space<vmem>>, vector<16xi32>,
      %get3A_35 = vector.shape_cast %get3A_34 : vector<16xi32> to vector<16xi32>
      %lt3A_36 = arith.constant 10000 : i32
      %lt3A_37 = vector.broadcast %lt3A_36 : i32 to vector<16xi32>
      %lt3A_38 = arith.cmpi slt, %get3A_35, %lt3A_37 : vector<16xi32>
      %jit3A = arith.constant 0 : i32
      %broadcast_in_dim3A = vector.broadcast %jit3A : i32 to vector<16xi32>
      %select_n3A = arith.select %lt3A_38, %get3A_35, %broadcast_in_dim3A : vector<16xi1>, vector<16xi32>
      %add3A_39 = vector.broadcast %mul3A_2 : i32 to vector<16xi32>
      %add3A_40 = arith.addi %select_n3A, %add3A_39 : vector<16xi32>
      %swap3A = arith.constant 0 : index
      %swap3A_41 = tpu.vector_load %arg5[%swap3A] {strides = array<i32>} : memref<128xi32, #tpu.memory_space<vmem>>, vector<16xi32>,
      %swap3A_42 = vector.shape_cast %swap3A_41 : vector<16xi32> to vector<16xi32>
      %swap3A_43 = vector.shape_cast %add3A_40 : vector<16xi32> to vector<16xi32>
      tpu.vector_store %arg5[%swap3A], %swap3A_43 {strides = array<i32>} : memref<128xi32, #tpu.memory_space<vmem>>, vector<16xi32>,
      %get3A_44 = arith.constant 16 : index
      %get3A_45 = tpu.vector_load %arg6[%get3A_44] {strides = array<i32>} : memref<128xi32, #tpu.memory_space<vmem>>, vector<16xi32>,
      %get3A_46 = vector.shape_cast %get3A_45 : vector<16xi32> to vector<16xi32>
      %lt3A_47 = arith.constant 10000 : i32
      %lt3A_48 = vector.broadcast %lt3A_47 : i32 to vector<16xi32>
      %lt3A_49 = arith.cmpi slt, %get3A_46, %lt3A_48 : vector<16xi32>
      %jit3A_50 = arith.constant 0 : i32
      %broadcast_in_dim3A_51 = vector.broadcast %jit3A_50 : i32 to vector<16xi32>
      %select_n3A_52 = arith.select %lt3A_49, %get3A_46, %broadcast_in_dim3A_51 : vector<16xi1>, vector<16xi32>
      %add3A_53 = vector.broadcast %mul3A_2 : i32 to vector<16xi32>
      %add3A_54 = arith.addi %select_n3A_52, %add3A_53 : vector<16xi32>
      %swap3A_55 = arith.constant 16 : index
      %swap3A_56 = tpu.vector_load %arg5[%swap3A_55] {strides = array<i32>} : memref<128xi32, #tpu.memory_space<vmem>>, vector<16xi32>,
      %swap3A_57 = vector.shape_cast %swap3A_56 : vector<16xi32> to vector<16xi32>
      %swap3A_58 = vector.shape_cast %add3A_54 : vector<16xi32> to vector<16xi32>
      tpu.vector_store %arg5[%swap3A_55], %swap3A_58 {strides = array<i32>} : memref<128xi32, #tpu.memory_space<vmem>>, vector<16xi32>,
      %get3A_59 = arith.constant 32 : index
      %get3A_60 = tpu.vector_load %arg6[%get3A_59] {strides = array<i32>} : memref<128xi32, #tpu.memory_space<vmem>>, vector<16xi32>,
      %get3A_61 = vector.shape_cast %get3A_60 : vector<16xi32> to vector<16xi32>
      %lt3A_62 = arith.constant 10000 : i32
      %lt3A_63 = vector.broadcast %lt3A_62 : i32 to vector<16xi32>
      %lt3A_64 = arith.cmpi slt, %get3A_61, %lt3A_63 : vector<16xi32>
      %jit3A_65 = arith.constant 0 : i32
      %broadcast_in_dim3A_66 = vector.broadcast %jit3A_65 : i32 to vector<16xi32>
      %select_n3A_67 = arith.select %lt3A_64, %get3A_61, %broadcast_in_dim3A_66 : vector<16xi1>, vector<16xi32>
      %add3A_68 = vector.broadcast %mul3A_2 : i32 to vector<16xi32>
      %add3A_69 = arith.addi %select_n3A_67, %add3A_68 : vector<16xi32>
      %swap3A_70 = arith.constant 32 : index
      %swap3A_71 = tpu.vector_load %arg5[%swap3A_70] {strides = array<i32>} : memref<128xi32, #tpu.memory_space<vmem>>, vector<16xi32>,
      %swap3A_72 = vector.shape_cast %swap3A_71 : vector<16xi32> to vector<16xi32>
      %swap3A_73 = vector.shape_cast %add3A_69 : vector<16xi32> to vector<16xi32>
      tpu.vector_store %arg5[%swap3A_70], %swap3A_73 {strides = array<i32>} : memref<128xi32, #tpu.memory_space<vmem>>, vector<16xi32>,
      %get3A_74 = arith.constant 48 : index
      %get3A_75 = tpu.vector_load %arg6[%get3A_74] {strides = array<i32>} : memref<128xi32, #tpu.memory_space<vmem>>, vector<16xi32>,
      %get3A_76 = vector.shape_cast %get3A_75 : vector<16xi32> to vector<16xi32>
      %lt3A_77 = arith.constant 10000 : i32
      %lt3A_78 = vector.broadcast %lt3A_77 : i32 to vector<16xi32>
      %lt3A_79 = arith.cmpi slt, %get3A_76, %lt3A_78 : vector<16xi32>
      %jit3A_80 = arith.constant 0 : i32
      %broadcast_in_dim3A_81 = vector.broadcast %jit3A_80 : i32 to vector<16xi32>
      %select_n3A_82 = arith.select %lt3A_79, %get3A_76, %broadcast_in_dim3A_81 : vector<16xi1>, vector<16xi32>
      %add3A_83 = vector.broadcast %mul3A_2 : i32 to vector<16xi32>
      %add3A_84 = arith.addi %select_n3A_82, %add3A_83 : vector<16xi32>
      %swap3A_85 = arith.constant 48 : index
      %swap3A_86 = tpu.vector_load %arg5[%swap3A_85] {strides = array<i32>} : memref<128xi32, #tpu.memory_space<vmem>>, vector<16xi32>,
      %swap3A_87 = vector.shape_cast %swap3A_86 : vector<16xi32> to vector<16xi32>
      %swap3A_88 = vector.shape_cast %add3A_84 : vector<16xi32> to vector<16xi32>
      tpu.vector_store %arg5[%swap3A_85], %swap3A_88 {strides = array<i32>} : memref<128xi32, #tpu.memory_space<vmem>>, vector<16xi32>,
      %get3A_89 = arith.constant 64 : index
      %get3A_90 = tpu.vector_load %arg6[%get3A_89] {strides = array<i32>} : memref<128xi32, #tpu.memory_space<vmem>>, vector<16xi32>,
      %get3A_91 = vector.shape_cast %get3A_90 : vector<16xi32> to vector<16xi32>
      %lt3A_92 = arith.constant 10000 : i32
      %lt3A_93 = vector.broadcast %lt3A_92 : i32 to vector<16xi32>
      %lt3A_94 = arith.cmpi slt, %get3A_91, %lt3A_93 : vector<16xi32>
      %jit3A_95 = arith.constant 0 : i32
      %broadcast_in_dim3A_96 = vector.broadcast %jit3A_95 : i32 to vector<16xi32>
      %select_n3A_97 = arith.select %lt3A_94, %get3A_91, %broadcast_in_dim3A_96 : vector<16xi1>, vector<16xi32>
      %add3A_98 = vector.broadcast %mul3A_2 : i32 to vector<16xi32>
      %add3A_99 = arith.addi %select_n3A_97, %add3A_98 : vector<16xi32>
      %swap3A_100 = arith.constant 64 : index
      %swap3A_101 = tpu.vector_load %arg5[%swap3A_100] {strides = array<i32>} : memref<128xi32, #tpu.memory_space<vmem>>, vector<16xi32>,
      %swap3A_102 = vector.shape_cast %swap3A_101 : vector<16xi32> to vector<16xi32>
      %swap3A_103 = vector.shape_cast %add3A_99 : vector<16xi32> to vector<16xi32>
      tpu.vector_store %arg5[%swap3A_100], %swap3A_103 {strides = array<i32>} : memref<128xi32, #tpu.memory_space<vmem>>, vector<16xi32>,
      %get3A_104 = arith.constant 80 : index
      %get3A_105 = tpu.vector_load %arg6[%get3A_104] {strides = array<i32>} : memref<128xi32, #tpu.memory_space<vmem>>, vector<16xi32>,
      %get3A_106 = vector.shape_cast %get3A_105 : vector<16xi32> to vector<16xi32>
      %lt3A_107 = arith.constant 10000 : i32
      %lt3A_108 = vector.broadcast %lt3A_107 : i32 to vector<16xi32>
      %lt3A_109 = arith.cmpi slt, %get3A_106, %lt3A_108 : vector<16xi32>
      %jit3A_110 = arith.constant 0 : i32
      %broadcast_in_dim3A_111 = vector.broadcast %jit3A_110 : i32 to vector<16xi32>
      %select_n3A_112 = arith.select %lt3A_109, %get3A_106, %broadcast_in_dim3A_111 : vector<16xi1>, vector<16xi32>
      %add3A_113 = vector.broadcast %mul3A_2 : i32 to vector<16xi32>
      %add3A_114 = arith.addi %select_n3A_112, %add3A_113 : vector<16xi32>
      %swap3A_115 = arith.constant 80 : index
      %swap3A_116 = tpu.vector_load %arg5[%swap3A_115] {strides = array<i32>} : memref<128xi32, #tpu.memory_space<vmem>>, vector<16xi32>,
      %swap3A_117 = vector.shape_cast %swap3A_116 : vector<16xi32> to vector<16xi32>
      %swap3A_118 = vector.shape_cast %add3A_114 : vector<16xi32> to vector<16xi32>
      tpu.vector_store %arg5[%swap3A_115], %swap3A_118 {strides = array<i32>} : memref<128xi32, #tpu.memory_space<vmem>>, vector<16xi32>,
      %get3A_119 = arith.constant 96 : index
      %get3A_120 = tpu.vector_load %arg6[%get3A_119] {strides = array<i32>} : memref<128xi32, #tpu.memory_space<vmem>>, vector<16xi32>,
      %get3A_121 = vector.shape_cast %get3A_120 : vector<16xi32> to vector<16xi32>
      %lt3A_122 = arith.constant 10000 : i32
      %lt3A_123 = vector.broadcast %lt3A_122 : i32 to vector<16xi32>
      %lt3A_124 = arith.cmpi slt, %get3A_121, %lt3A_123 : vector<16xi32>
      %jit3A_125 = arith.constant 0 : i32
      %broadcast_in_dim3A_126 = vector.broadcast %jit3A_125 : i32 to vector<16xi32>
      %select_n3A_127 = arith.select %lt3A_124, %get3A_121, %broadcast_in_dim3A_126 : vector<16xi1>, vector<16xi32>
      %add3A_128 = vector.broadcast %mul3A_2 : i32 to vector<16xi32>
      %add3A_129 = arith.addi %select_n3A_127, %add3A_128 : vector<16xi32>
      %swap3A_130 = arith.constant 96 : index
      %swap3A_131 = tpu.vector_load %arg5[%swap3A_130] {strides = array<i32>} : memref<128xi32, #tpu.memory_space<vmem>>, vector<16xi32>,
      %swap3A_132 = vector.shape_cast %swap3A_131 : vector<16xi32> to vector<16xi32>
      %swap3A_133 = vector.shape_cast %add3A_129 : vector<16xi32> to vector<16xi32>
      tpu.vector_store %arg5[%swap3A_130], %swap3A_133 {strides = array<i32>} : memref<128xi32, #tpu.memory_space<vmem>>, vector<16xi32>,
      %get3A_134 = arith.constant 112 : index
      %get3A_135 = tpu.vector_load %arg6[%get3A_134] {strides = array<i32>} : memref<128xi32, #tpu.memory_space<vmem>>, vector<16xi32>,
      %get3A_136 = vector.shape_cast %get3A_135 : vector<16xi32> to vector<16xi32>
      %lt3A_137 = arith.constant 10000 : i32
      %lt3A_138 = vector.broadcast %lt3A_137 : i32 to vector<16xi32>
      %lt3A_139 = arith.cmpi slt, %get3A_136, %lt3A_138 : vector<16xi32>
      %jit3A_140 = arith.constant 0 : i32
      %broadcast_in_dim3A_141 = vector.broadcast %jit3A_140 : i32 to vector<16xi32>
      %select_n3A_142 = arith.select %lt3A_139, %get3A_136, %broadcast_in_dim3A_141 : vector<16xi1>, vector<16xi32>
      %add3A_143 = vector.broadcast %mul3A_2 : i32 to vector<16xi32>
      %add3A_144 = arith.addi %select_n3A_142, %add3A_143 : vector<16xi32>
      %swap3A_145 = arith.constant 112 : index
      %swap3A_146 = tpu.vector_load %arg5[%swap3A_145] {strides = array<i32>} : memref<128xi32, #tpu.memory_space<vmem>>, vector<16xi32>,
      %swap3A_147 = vector.shape_cast %swap3A_146 : vector<16xi32> to vector<16xi32>
      %swap3A_148 = vector.shape_cast %add3A_144 : vector<16xi32> to vector<16xi32>
      tpu.vector_store %arg5[%swap3A_145], %swap3A_148 {strides = array<i32>} : memref<128xi32, #tpu.memory_space<vmem>>, vector<16xi32>,
      %dma_start3A = arith.constant 0 : i32
      %dma_start3A_149 = arith.constant 0 : i32
      %dma_start3A_150 = tpu.memref_slice %arg3[%dma_start3A, %dma_start3A_149] : memref<20000x128xf32, #tpu.memory_space<hbm>> -> memref<20000x128xf32, #tpu.memory_space<hbm>>
      tpu.enqueue_indirect_dma source(%dma_start3A_150 : memref<20000x128xf32, #tpu.memory_space<hbm>>) target(%arg7 : memref<128x128xf32, #tpu.memory_space<vmem>>) offsets(%arg5 : memref<128xi32, #tpu.memory_space<vmem>>) semaphore(%arg10 : memref<!tpu.dma_semaphore, #tpu.memory_space<semaphore_mem>>)
      %dma_wait3A = arith.constant 0 : i32
      %dma_wait3A_151 = arith.constant 0 : i32
      %dma_wait3A_152 = tpu.memref_slice %arg3[%dma_wait3A, %dma_wait3A_151] : memref<20000x128xf32, #tpu.memory_space<hbm>> -> memref<20000x128xf32, #tpu.memory_space<hbm>>
      tpu.wait_indirect_dma semaphore(%arg10 : memref<!tpu.dma_semaphore, #tpu.memory_space<semaphore_mem>>) src(%dma_wait3A_152 : memref<20000x128xf32, #tpu.memory_space<hbm>>) dst(%arg7 : memref<128x128xf32, #tpu.memory_space<vmem>>)
      %scan3A_153 = arith.constant 0 : i32
      %scan3A_154 = arith.constant 0 : i32
      %scan3A_155 = arith.constant 32 : i32
      %scan3A_156 = arith.addi %scan3A_154, %scan3A_155 : i32
      %scan3A_157 = arith.constant 1 : i32
      scf.for %scan3A_159 = %scan3A_154 to %scan3A_156 step %scan3A_157  : i32 {
        %mul3A_160 = arith.constant 4 : i32
        %mul3A_161 = arith.muli %mul3A_160, %scan3A_159 : i32
        %get3A_162 = arith.index_cast %mul3A_161 : i32 to index
        %get3A_163 = arith.constant 0 : index
        %get3A_164 = tpu.vector_load %arg7[%get3A_162, %get3A_163] {strides = array<i32>} : memref<128x128xf32, #tpu.memory_space<vmem>>, vector<1x16xf32>,
        %get3A_165 = vector.shape_cast %get3A_164 : vector<1x16xf32> to vector<16xf32>
        %add3A_166 = arith.constant 1 : i32
        %add3A_167 = arith.addi %mul3A_161, %add3A_166 : i32
        %get3A_168 = arith.index_cast %add3A_167 : i32 to index
        %get3A_169 = arith.constant 0 : index
        %get3A_170 = tpu.vector_load %arg7[%get3A_168, %get3A_169] {strides = array<i32>} : memref<128x128xf32, #tpu.memory_space<vmem>>, vector<1x16xf32>,
        %get3A_171 = vector.shape_cast %get3A_170 : vector<1x16xf32> to vector<16xf32>
        %add3A_172 = arith.constant 2 : i32
        %add3A_173 = arith.addi %mul3A_161, %add3A_172 : i32
        %get3A_174 = arith.index_cast %add3A_173 : i32 to index
        %get3A_175 = arith.constant 0 : index
        %get3A_176 = tpu.vector_load %arg7[%get3A_174, %get3A_175] {strides = array<i32>} : memref<128x128xf32, #tpu.memory_space<vmem>>, vector<1x16xf32>,
        %get3A_177 = vector.shape_cast %get3A_176 : vector<1x16xf32> to vector<16xf32>
        %add3A_178 = arith.constant 3 : i32
        %add3A_179 = arith.addi %mul3A_161, %add3A_178 : i32
        %get3A_180 = arith.index_cast %add3A_179 : i32 to index
        %get3A_181 = arith.constant 0 : index
        %get3A_182 = tpu.vector_load %arg7[%get3A_180, %get3A_181] {strides = array<i32>} : memref<128x128xf32, #tpu.memory_space<vmem>>, vector<1x16xf32>,
        %get3A_183 = vector.shape_cast %get3A_182 : vector<1x16xf32> to vector<16xf32>
        %add3A_184 = arith.addf %get3A_165, %get3A_171 : vector<16xf32>
        %add3A_185 = arith.addf %get3A_177, %get3A_183 : vector<16xf32>
        %add3A_186 = arith.addf %add3A_184, %add3A_185 : vector<16xf32>
        %sub3A = arith.subf %add3A_186, %get3A_165 : vector<16xf32>
        %swap3A_187 = arith.index_cast %mul3A_161 : i32 to index
        %swap3A_188 = arith.constant 0 : index
        %swap3A_189 = tpu.vector_load %arg8[%swap3A_187, %swap3A_188] {strides = array<i32>} : memref<128x128xf32, #tpu.memory_space<vmem>>, vector<1x16xf32>,
        %swap3A_190 = vector.shape_cast %swap3A_189 : vector<1x16xf32> to vector<16xf32>
        %swap3A_191 = vector.shape_cast %sub3A : vector<16xf32> to vector<1x16xf32>
        tpu.vector_store %arg8[%swap3A_187, %swap3A_188], %swap3A_191 {strides = array<i32>} : memref<128x128xf32, #tpu.memory_space<vmem>>, vector<1x16xf32>,
        %sub3A_192 = arith.subf %add3A_186, %get3A_171 : vector<16xf32>
        %add3A_193 = arith.constant 1 : i32
        %add3A_194 = arith.addi %mul3A_161, %add3A_193 : i32
        %swap3A_195 = arith.index_cast %add3A_194 : i32 to index
        %swap3A_196 = arith.constant 0 : index
        %swap3A_197 = tpu.vector_load %arg8[%swap3A_195, %swap3A_196] {strides = array<i32>} : memref<128x128xf32, #tpu.memory_space<vmem>>, vector<1x16xf32>,
        %swap3A_198 = vector.shape_cast %swap3A_197 : vector<1x16xf32> to vector<16xf32>
        %swap3A_199 = vector.shape_cast %sub3A_192 : vector<16xf32> to vector<1x16xf32>
        tpu.vector_store %arg8[%swap3A_195, %swap3A_196], %swap3A_199 {strides = array<i32>} : memref<128x128xf32, #tpu.memory_space<vmem>>, vector<1x16xf32>,
        %sub3A_200 = arith.subf %add3A_186, %get3A_177 : vector<16xf32>
        %add3A_201 = arith.constant 2 : i32
        %add3A_202 = arith.addi %mul3A_161, %add3A_201 : i32
        %swap3A_203 = arith.index_cast %add3A_202 : i32 to index
        %swap3A_204 = arith.constant 0 : index
        %swap3A_205 = tpu.vector_load %arg8[%swap3A_203, %swap3A_204] {strides = array<i32>} : memref<128x128xf32, #tpu.memory_space<vmem>>, vector<1x16xf32>,
        %swap3A_206 = vector.shape_cast %swap3A_205 : vector<1x16xf32> to vector<16xf32>
        %swap3A_207 = vector.shape_cast %sub3A_200 : vector<16xf32> to vector<1x16xf32>
        tpu.vector_store %arg8[%swap3A_203, %swap3A_204], %swap3A_207 {strides = array<i32>} : memref<128x128xf32, #tpu.memory_space<vmem>>, vector<1x16xf32>,
        %sub3A_208 = arith.subf %add3A_186, %get3A_183 : vector<16xf32>
        %add3A_209 = arith.constant 3 : i32
        %add3A_210 = arith.addi %mul3A_161, %add3A_209 : i32
        %swap3A_211 = arith.index_cast %add3A_210 : i32 to index
        %swap3A_212 = arith.constant 0 : index
        %swap3A_213 = tpu.vector_load %arg8[%swap3A_211, %swap3A_212] {strides = array<i32>} : memref<128x128xf32, #tpu.memory_space<vmem>>, vector<1x16xf32>,
        %swap3A_214 = vector.shape_cast %swap3A_213 : vector<1x16xf32> to vector<16xf32>
        %swap3A_215 = vector.shape_cast %sub3A_208 : vector<16xf32> to vector<1x16xf32>
        tpu.vector_store %arg8[%swap3A_211, %swap3A_212], %swap3A_215 {strides = array<i32>} : memref<128x128xf32, #tpu.memory_space<vmem>>, vector<1x16xf32>,
        %get3A_216 = arith.index_cast %mul3A_161 : i32 to index
        %get3A_217 = arith.constant 16 : index
        %get3A_218 = tpu.vector_load %arg7[%get3A_216, %get3A_217] {strides = array<i32>} : memref<128x128xf32, #tpu.memory_space<vmem>>, vector<1x16xf32>,
        %get3A_219 = vector.shape_cast %get3A_218 : vector<1x16xf32> to vector<16xf32>
        %add3A_220 = arith.constant 1 : i32
        %add3A_221 = arith.addi %mul3A_161, %add3A_220 : i32
        %get3A_222 = arith.index_cast %add3A_221 : i32 to index
        %get3A_223 = arith.constant 16 : index
        %get3A_224 = tpu.vector_load %arg7[%get3A_222, %get3A_223] {strides = array<i32>} : memref<128x128xf32, #tpu.memory_space<vmem>>, vector<1x16xf32>,
        %get3A_225 = vector.shape_cast %get3A_224 : vector<1x16xf32> to vector<16xf32>
        %add3A_226 = arith.constant 2 : i32
        %add3A_227 = arith.addi %mul3A_161, %add3A_226 : i32
        %get3A_228 = arith.index_cast %add3A_227 : i32 to index
        %get3A_229 = arith.constant 16 : index
        %get3A_230 = tpu.vector_load %arg7[%get3A_228, %get3A_229] {strides = array<i32>} : memref<128x128xf32, #tpu.memory_space<vmem>>, vector<1x16xf32>,
        %get3A_231 = vector.shape_cast %get3A_230 : vector<1x16xf32> to vector<16xf32>
        %add3A_232 = arith.constant 3 : i32
        %add3A_233 = arith.addi %mul3A_161, %add3A_232 : i32
        %get3A_234 = arith.index_cast %add3A_233 : i32 to index
        %get3A_235 = arith.constant 16 : index
        %get3A_236 = tpu.vector_load %arg7[%get3A_234, %get3A_235] {strides = array<i32>} : memref<128x128xf32, #tpu.memory_space<vmem>>, vector<1x16xf32>,
        %get3A_237 = vector.shape_cast %get3A_236 : vector<1x16xf32> to vector<16xf32>
        %add3A_238 = arith.addf %get3A_219, %get3A_225 : vector<16xf32>
        %add3A_239 = arith.addf %get3A_231, %get3A_237 : vector<16xf32>
        %add3A_240 = arith.addf %add3A_238, %add3A_239 : vector<16xf32>
        %sub3A_241 = arith.subf %add3A_240, %get3A_219 : vector<16xf32>
        %swap3A_242 = arith.index_cast %mul3A_161 : i32 to index
        %swap3A_243 = arith.constant 16 : index
        %swap3A_244 = tpu.vector_load %arg8[%swap3A_242, %swap3A_243] {strides = array<i32>} : memref<128x128xf32, #tpu.memory_space<vmem>>, vector<1x16xf32>,
        %swap3A_245 = vector.shape_cast %swap3A_244 : vector<1x16xf32> to vector<16xf32>
        %swap3A_246 = vector.shape_cast %sub3A_241 : vector<16xf32> to vector<1x16xf32>
        tpu.vector_store %arg8[%swap3A_242, %swap3A_243], %swap3A_246 {strides = array<i32>} : memref<128x128xf32, #tpu.memory_space<vmem>>, vector<1x16xf32>,
        %sub3A_247 = arith.subf %add3A_240, %get3A_225 : vector<16xf32>
        %add3A_248 = arith.constant 1 : i32
        %add3A_249 = arith.addi %mul3A_161, %add3A_248 : i32
        %swap3A_250 = arith.index_cast %add3A_249 : i32 to index
        %swap3A_251 = arith.constant 16 : index
        %swap3A_252 = tpu.vector_load %arg8[%swap3A_250, %swap3A_251] {strides = array<i32>} : memref<128x128xf32, #tpu.memory_space<vmem>>, vector<1x16xf32>,
        %swap3A_253 = vector.shape_cast %swap3A_252 : vector<1x16xf32> to vector<16xf32>
        %swap3A_254 = vector.shape_cast %sub3A_247 : vector<16xf32> to vector<1x16xf32>
        tpu.vector_store %arg8[%swap3A_250, %swap3A_251], %swap3A_254 {strides = array<i32>} : memref<128x128xf32, #tpu.memory_space<vmem>>, vector<1x16xf32>,
        %sub3A_255 = arith.subf %add3A_240, %get3A_231 : vector<16xf32>
        %add3A_256 = arith.constant 2 : i32
        %add3A_257 = arith.addi %mul3A_161, %add3A_256 : i32
        %swap3A_258 = arith.index_cast %add3A_257 : i32 to index
        %swap3A_259 = arith.constant 16 : index
        %swap3A_260 = tpu.vector_load %arg8[%swap3A_258, %swap3A_259] {strides = array<i32>} : memref<128x128xf32, #tpu.memory_space<vmem>>, vector<1x16xf32>,
        %swap3A_261 = vector.shape_cast %swap3A_260 : vector<1x16xf32> to vector<16xf32>
        %swap3A_262 = vector.shape_cast %sub3A_255 : vector<16xf32> to vector<1x16xf32>
        tpu.vector_store %arg8[%swap3A_258, %swap3A_259], %swap3A_262 {strides = array<i32>} : memref<128x128xf32, #tpu.memory_space<vmem>>, vector<1x16xf32>,
        %sub3A_263 = arith.subf %add3A_240, %get3A_237 : vector<16xf32>
        %add3A_264 = arith.constant 3 : i32
        %add3A_265 = arith.addi %mul3A_161, %add3A_264 : i32
        %swap3A_266 = arith.index_cast %add3A_265 : i32 to index
        %swap3A_267 = arith.constant 16 : index
        %swap3A_268 = tpu.vector_load %arg8[%swap3A_266, %swap3A_267] {strides = array<i32>} : memref<128x128xf32, #tpu.memory_space<vmem>>, vector<1x16xf32>,
        %swap3A_269 = vector.shape_cast %swap3A_268 : vector<1x16xf32> to vector<16xf32>
        %swap3A_270 = vector.shape_cast %sub3A_263 : vector<16xf32> to vector<1x16xf32>
        tpu.vector_store %arg8[%swap3A_266, %swap3A_267], %swap3A_270 {strides = array<i32>} : memref<128x128xf32, #tpu.memory_space<vmem>>, vector<1x16xf32>,
        %get3A_271 = arith.index_cast %mul3A_161 : i32 to index
        %get3A_272 = arith.constant 32 : index
        %get3A_273 = tpu.vector_load %arg7[%get3A_271, %get3A_272] {strides = array<i32>} : memref<128x128xf32, #tpu.memory_space<vmem>>, vector<1x16xf32>,
        %get3A_274 = vector.shape_cast %get3A_273 : vector<1x16xf32> to vector<16xf32>
        %add3A_275 = arith.constant 1 : i32
        %add3A_276 = arith.addi %mul3A_161, %add3A_275 : i32
        %get3A_277 = arith.index_cast %add3A_276 : i32 to index
        %get3A_278 = arith.constant 32 : index
        %get3A_279 = tpu.vector_load %arg7[%get3A_277, %get3A_278] {strides = array<i32>} : memref<128x128xf32, #tpu.memory_space<vmem>>, vector<1x16xf32>,
        %get3A_280 = vector.shape_cast %get3A_279 : vector<1x16xf32> to vector<16xf32>
        %add3A_281 = arith.constant 2 : i32
        %add3A_282 = arith.addi %mul3A_161, %add3A_281 : i32
        %get3A_283 = arith.index_cast %add3A_282 : i32 to index
        %get3A_284 = arith.constant 32 : index
        %get3A_285 = tpu.vector_load %arg7[%get3A_283, %get3A_284] {strides = array<i32>} : memref<128x128xf32, #tpu.memory_space<vmem>>, vector<1x16xf32>,
        %get3A_286 = vector.shape_cast %get3A_285 : vector<1x16xf32> to vector<16xf32>
        %add3A_287 = arith.constant 3 : i32
        %add3A_288 = arith.addi %mul3A_161, %add3A_287 : i32
        %get3A_289 = arith.index_cast %add3A_288 : i32 to index
        %get3A_290 = arith.constant 32 : index
        %get3A_291 = tpu.vector_load %arg7[%get3A_289, %get3A_290] {strides = array<i32>} : memref<128x128xf32, #tpu.memory_space<vmem>>, vector<1x16xf32>,
        %get3A_292 = vector.shape_cast %get3A_291 : vector<1x16xf32> to vector<16xf32>
        %add3A_293 = arith.addf %get3A_274, %get3A_280 : vector<16xf32>
        %add3A_294 = arith.addf %get3A_286, %get3A_292 : vector<16xf32>
        %add3A_295 = arith.addf %add3A_293, %add3A_294 : vector<16xf32>
        %sub3A_296 = arith.subf %add3A_295, %get3A_274 : vector<16xf32>
        %swap3A_297 = arith.index_cast %mul3A_161 : i32 to index
        %swap3A_298 = arith.constant 32 : index
        %swap3A_299 = tpu.vector_load %arg8[%swap3A_297, %swap3A_298] {strides = array<i32>} : memref<128x128xf32, #tpu.memory_space<vmem>>, vector<1x16xf32>,
        %swap3A_300 = vector.shape_cast %swap3A_299 : vector<1x16xf32> to vector<16xf32>
        %swap3A_301 = vector.shape_cast %sub3A_296 : vector<16xf32> to vector<1x16xf32>
        tpu.vector_store %arg8[%swap3A_297, %swap3A_298], %swap3A_301 {strides = array<i32>} : memref<128x128xf32, #tpu.memory_space<vmem>>, vector<1x16xf32>,
        %sub3A_302 = arith.subf %add3A_295, %get3A_280 : vector<16xf32>
        %add3A_303 = arith.constant 1 : i32
        %add3A_304 = arith.addi %mul3A_161, %add3A_303 : i32
        %swap3A_305 = arith.index_cast %add3A_304 : i32 to index
        %swap3A_306 = arith.constant 32 : index
        %swap3A_307 = tpu.vector_load %arg8[%swap3A_305, %swap3A_306] {strides = array<i32>} : memref<128x128xf32, #tpu.memory_space<vmem>>, vector<1x16xf32>,
        %swap3A_308 = vector.shape_cast %swap3A_307 : vector<1x16xf32> to vector<16xf32>
        %swap3A_309 = vector.shape_cast %sub3A_302 : vector<16xf32> to vector<1x16xf32>
        tpu.vector_store %arg8[%swap3A_305, %swap3A_306], %swap3A_309 {strides = array<i32>} : memref<128x128xf32, #tpu.memory_space<vmem>>, vector<1x16xf32>,
        %sub3A_310 = arith.subf %add3A_295, %get3A_286 : vector<16xf32>
        %add3A_311 = arith.constant 2 : i32
        %add3A_312 = arith.addi %mul3A_161, %add3A_311 : i32
        %swap3A_313 = arith.index_cast %add3A_312 : i32 to index
        %swap3A_314 = arith.constant 32 : index
        %swap3A_315 = tpu.vector_load %arg8[%swap3A_313, %swap3A_314] {strides = array<i32>} : memref<128x128xf32, #tpu.memory_space<vmem>>, vector<1x16xf32>,
        %swap3A_316 = vector.shape_cast %swap3A_315 : vector<1x16xf32> to vector<16xf32>
        %swap3A_317 = vector.shape_cast %sub3A_310 : vector<16xf32> to vector<1x16xf32>
        tpu.vector_store %arg8[%swap3A_313, %swap3A_314], %swap3A_317 {strides = array<i32>} : memref<128x128xf32, #tpu.memory_space<vmem>>, vector<1x16xf32>,
        %sub3A_318 = arith.subf %add3A_295, %get3A_292 : vector<16xf32>
        %add3A_319 = arith.constant 3 : i32
        %add3A_320 = arith.addi %mul3A_161, %add3A_319 : i32
        %swap3A_321 = arith.index_cast %add3A_320 : i32 to index
        %swap3A_322 = arith.constant 32 : index
        %swap3A_323 = tpu.vector_load %arg8[%swap3A_321, %swap3A_322] {strides = array<i32>} : memref<128x128xf32, #tpu.memory_space<vmem>>, vector<1x16xf32>,
        %swap3A_324 = vector.shape_cast %swap3A_323 : vector<1x16xf32> to vector<16xf32>
        %swap3A_325 = vector.shape_cast %sub3A_318 : vector<16xf32> to vector<1x16xf32>
        tpu.vector_store %arg8[%swap3A_321, %swap3A_322], %swap3A_325 {strides = array<i32>} : memref<128x128xf32, #tpu.memory_space<vmem>>, vector<1x16xf32>,
        %get3A_326 = arith.index_cast %mul3A_161 : i32 to index
        %get3A_327 = arith.constant 48 : index
        %get3A_328 = tpu.vector_load %arg7[%get3A_326, %get3A_327] {strides = array<i32>} : memref<128x128xf32, #tpu.memory_space<vmem>>, vector<1x16xf32>,
        %get3A_329 = vector.shape_cast %get3A_328 : vector<1x16xf32> to vector<16xf32>
        %add3A_330 = arith.constant 1 : i32
        %add3A_331 = arith.addi %mul3A_161, %add3A_330 : i32
        %get3A_332 = arith.index_cast %add3A_331 : i32 to index
        %get3A_333 = arith.constant 48 : index
        %get3A_334 = tpu.vector_load %arg7[%get3A_332, %get3A_333] {strides = array<i32>} : memref<128x128xf32, #tpu.memory_space<vmem>>, vector<1x16xf32>,
        %get3A_335 = vector.shape_cast %get3A_334 : vector<1x16xf32> to vector<16xf32>
        %add3A_336 = arith.constant 2 : i32
        %add3A_337 = arith.addi %mul3A_161, %add3A_336 : i32
        %get3A_338 = arith.index_cast %add3A_337 : i32 to index
        %get3A_339 = arith.constant 48 : index
        %get3A_340 = tpu.vector_load %arg7[%get3A_338, %get3A_339] {strides = array<i32>} : memref<128x128xf32, #tpu.memory_space<vmem>>, vector<1x16xf32>,
        %get3A_341 = vector.shape_cast %get3A_340 : vector<1x16xf32> to vector<16xf32>
        %add3A_342 = arith.constant 3 : i32
        %add3A_343 = arith.addi %mul3A_161, %add3A_342 : i32
        %get3A_344 = arith.index_cast %add3A_343 : i32 to index
        %get3A_345 = arith.constant 48 : index
        %get3A_346 = tpu.vector_load %arg7[%get3A_344, %get3A_345] {strides = array<i32>} : memref<128x128xf32, #tpu.memory_space<vmem>>, vector<1x16xf32>,
        %get3A_347 = vector.shape_cast %get3A_346 : vector<1x16xf32> to vector<16xf32>
        %add3A_348 = arith.addf %get3A_329, %get3A_335 : vector<16xf32>
        %add3A_349 = arith.addf %get3A_341, %get3A_347 : vector<16xf32>
        %add3A_350 = arith.addf %add3A_348, %add3A_349 : vector<16xf32>
        %sub3A_351 = arith.subf %add3A_350, %get3A_329 : vector<16xf32>
        %swap3A_352 = arith.index_cast %mul3A_161 : i32 to index
        %swap3A_353 = arith.constant 48 : index
        %swap3A_354 = tpu.vector_load %arg8[%swap3A_352, %swap3A_353] {strides = array<i32>} : memref<128x128xf32, #tpu.memory_space<vmem>>, vector<1x16xf32>,
        %swap3A_355 = vector.shape_cast %swap3A_354 : vector<1x16xf32> to vector<16xf32>
        %swap3A_356 = vector.shape_cast %sub3A_351 : vector<16xf32> to vector<1x16xf32>
        tpu.vector_store %arg8[%swap3A_352, %swap3A_353], %swap3A_356 {strides = array<i32>} : memref<128x128xf32, #tpu.memory_space<vmem>>, vector<1x16xf32>,
        %sub3A_357 = arith.subf %add3A_350, %get3A_335 : vector<16xf32>
        %add3A_358 = arith.constant 1 : i32
        %add3A_359 = arith.addi %mul3A_161, %add3A_358 : i32
        %swap3A_360 = arith.index_cast %add3A_359 : i32 to index
        %swap3A_361 = arith.constant 48 : index
        %swap3A_362 = tpu.vector_load %arg8[%swap3A_360, %swap3A_361] {strides = array<i32>} : memref<128x128xf32, #tpu.memory_space<vmem>>, vector<1x16xf32>,
        %swap3A_363 = vector.shape_cast %swap3A_362 : vector<1x16xf32> to vector<16xf32>
        %swap3A_364 = vector.shape_cast %sub3A_357 : vector<16xf32> to vector<1x16xf32>
        tpu.vector_store %arg8[%swap3A_360, %swap3A_361], %swap3A_364 {strides = array<i32>} : memref<128x128xf32, #tpu.memory_space<vmem>>, vector<1x16xf32>,
        %sub3A_365 = arith.subf %add3A_350, %get3A_341 : vector<16xf32>
        %add3A_366 = arith.constant 2 : i32
        %add3A_367 = arith.addi %mul3A_161, %add3A_366 : i32
        %swap3A_368 = arith.index_cast %add3A_367 : i32 to index
        %swap3A_369 = arith.constant 48 : index
        %swap3A_370 = tpu.vector_load %arg8[%swap3A_368, %swap3A_369] {strides = array<i32>} : memref<128x128xf32, #tpu.memory_space<vmem>>, vector<1x16xf32>,
        %swap3A_371 = vector.shape_cast %swap3A_370 : vector<1x16xf32> to vector<16xf32>
        %swap3A_372 = vector.shape_cast %sub3A_365 : vector<16xf32> to vector<1x16xf32>
        tpu.vector_store %arg8[%swap3A_368, %swap3A_369], %swap3A_372 {strides = array<i32>} : memref<128x128xf32, #tpu.memory_space<vmem>>, vector<1x16xf32>,
        %sub3A_373 = arith.subf %add3A_350, %get3A_347 : vector<16xf32>
        %add3A_374 = arith.constant 3 : i32
        %add3A_375 = arith.addi %mul3A_161, %add3A_374 : i32
        %swap3A_376 = arith.index_cast %add3A_375 : i32 to index
        %swap3A_377 = arith.constant 48 : index
        %swap3A_378 = tpu.vector_load %arg8[%swap3A_376, %swap3A_377] {strides = array<i32>} : memref<128x128xf32, #tpu.memory_space<vmem>>, vector<1x16xf32>,
        %swap3A_379 = vector.shape_cast %swap3A_378 : vector<1x16xf32> to vector<16xf32>
        %swap3A_380 = vector.shape_cast %sub3A_373 : vector<16xf32> to vector<1x16xf32>
        tpu.vector_store %arg8[%swap3A_376, %swap3A_377], %swap3A_380 {strides = array<i32>} : memref<128x128xf32, #tpu.memory_space<vmem>>, vector<1x16xf32>,
        %get3A_381 = arith.index_cast %mul3A_161 : i32 to index
        %get3A_382 = arith.constant 64 : index
        %get3A_383 = tpu.vector_load %arg7[%get3A_381, %get3A_382] {strides = array<i32>} : memref<128x128xf32, #tpu.memory_space<vmem>>, vector<1x16xf32>,
        %get3A_384 = vector.shape_cast %get3A_383 : vector<1x16xf32> to vector<16xf32>
        %add3A_385 = arith.constant 1 : i32
        %add3A_386 = arith.addi %mul3A_161, %add3A_385 : i32
        %get3A_387 = arith.index_cast %add3A_386 : i32 to index
        %get3A_388 = arith.constant 64 : index
        %get3A_389 = tpu.vector_load %arg7[%get3A_387, %get3A_388] {strides = array<i32>} : memref<128x128xf32, #tpu.memory_space<vmem>>, vector<1x16xf32>,
        %get3A_390 = vector.shape_cast %get3A_389 : vector<1x16xf32> to vector<16xf32>
        %add3A_391 = arith.constant 2 : i32
        %add3A_392 = arith.addi %mul3A_161, %add3A_391 : i32
        %get3A_393 = arith.index_cast %add3A_392 : i32 to index
        %get3A_394 = arith.constant 64 : index
        %get3A_395 = tpu.vector_load %arg7[%get3A_393, %get3A_394] {strides = array<i32>} : memref<128x128xf32, #tpu.memory_space<vmem>>, vector<1x16xf32>,
        %get3A_396 = vector.shape_cast %get3A_395 : vector<1x16xf32> to vector<16xf32>
        %add3A_397 = arith.constant 3 : i32
        %add3A_398 = arith.addi %mul3A_161, %add3A_397 : i32
        %get3A_399 = arith.index_cast %add3A_398 : i32 to index
        %get3A_400 = arith.constant 64 : index
        %get3A_401 = tpu.vector_load %arg7[%get3A_399, %get3A_400] {strides = array<i32>} : memref<128x128xf32, #tpu.memory_space<vmem>>, vector<1x16xf32>,
        %get3A_402 = vector.shape_cast %get3A_401 : vector<1x16xf32> to vector<16xf32>
        %add3A_403 = arith.addf %get3A_384, %get3A_390 : vector<16xf32>
        %add3A_404 = arith.addf %get3A_396, %get3A_402 : vector<16xf32>
        %add3A_405 = arith.addf %add3A_403, %add3A_404 : vector<16xf32>
        %sub3A_406 = arith.subf %add3A_405, %get3A_384 : vector<16xf32>
        %swap3A_407 = arith.index_cast %mul3A_161 : i32 to index
        %swap3A_408 = arith.constant 64 : index
        %swap3A_409 = tpu.vector_load %arg8[%swap3A_407, %swap3A_408] {strides = array<i32>} : memref<128x128xf32, #tpu.memory_space<vmem>>, vector<1x16xf32>,
        %swap3A_410 = vector.shape_cast %swap3A_409 : vector<1x16xf32> to vector<16xf32>
        %swap3A_411 = vector.shape_cast %sub3A_406 : vector<16xf32> to vector<1x16xf32>
        tpu.vector_store %arg8[%swap3A_407, %swap3A_408], %swap3A_411 {strides = array<i32>} : memref<128x128xf32, #tpu.memory_space<vmem>>, vector<1x16xf32>,
        %sub3A_412 = arith.subf %add3A_405, %get3A_390 : vector<16xf32>
        %add3A_413 = arith.constant 1 : i32
        %add3A_414 = arith.addi %mul3A_161, %add3A_413 : i32
        %swap3A_415 = arith.index_cast %add3A_414 : i32 to index
        %swap3A_416 = arith.constant 64 : index
        %swap3A_417 = tpu.vector_load %arg8[%swap3A_415, %swap3A_416] {strides = array<i32>} : memref<128x128xf32, #tpu.memory_space<vmem>>, vector<1x16xf32>,
        %swap3A_418 = vector.shape_cast %swap3A_417 : vector<1x16xf32> to vector<16xf32>
        %swap3A_419 = vector.shape_cast %sub3A_412 : vector<16xf32> to vector<1x16xf32>
        tpu.vector_store %arg8[%swap3A_415, %swap3A_416], %swap3A_419 {strides = array<i32>} : memref<128x128xf32, #tpu.memory_space<vmem>>, vector<1x16xf32>,
        %sub3A_420 = arith.subf %add3A_405, %get3A_396 : vector<16xf32>
        %add3A_421 = arith.constant 2 : i32
        %add3A_422 = arith.addi %mul3A_161, %add3A_421 : i32
        %swap3A_423 = arith.index_cast %add3A_422 : i32 to index
        %swap3A_424 = arith.constant 64 : index
        %swap3A_425 = tpu.vector_load %arg8[%swap3A_423, %swap3A_424] {strides = array<i32>} : memref<128x128xf32, #tpu.memory_space<vmem>>, vector<1x16xf32>,
        %swap3A_426 = vector.shape_cast %swap3A_425 : vector<1x16xf32> to vector<16xf32>
        %swap3A_427 = vector.shape_cast %sub3A_420 : vector<16xf32> to vector<1x16xf32>
        tpu.vector_store %arg8[%swap3A_423, %swap3A_424], %swap3A_427 {strides = array<i32>} : memref<128x128xf32, #tpu.memory_space<vmem>>, vector<1x16xf32>,
        %sub3A_428 = arith.subf %add3A_405, %get3A_402 : vector<16xf32>
        %add3A_429 = arith.constant 3 : i32
        %add3A_430 = arith.addi %mul3A_161, %add3A_429 : i32
        %swap3A_431 = arith.index_cast %add3A_430 : i32 to index
        %swap3A_432 = arith.constant 64 : index
        %swap3A_433 = tpu.vector_load %arg8[%swap3A_431, %swap3A_432] {strides = array<i32>} : memref<128x128xf32, #tpu.memory_space<vmem>>, vector<1x16xf32>,
        %swap3A_434 = vector.shape_cast %swap3A_433 : vector<1x16xf32> to vector<16xf32>
        %swap3A_435 = vector.shape_cast %sub3A_428 : vector<16xf32> to vector<1x16xf32>
        tpu.vector_store %arg8[%swap3A_431, %swap3A_432], %swap3A_435 {strides = array<i32>} : memref<128x128xf32, #tpu.memory_space<vmem>>, vector<1x16xf32>,
        %get3A_436 = arith.index_cast %mul3A_161 : i32 to index
        %get3A_437 = arith.constant 80 : index
        %get3A_438 = tpu.vector_load %arg7[%get3A_436, %get3A_437] {strides = array<i32>} : memref<128x128xf32, #tpu.memory_space<vmem>>, vector<1x16xf32>,
        %get3A_439 = vector.shape_cast %get3A_438 : vector<1x16xf32> to vector<16xf32>
        %add3A_440 = arith.constant 1 : i32
        %add3A_441 = arith.addi %mul3A_161, %add3A_440 : i32
        %get3A_442 = arith.index_cast %add3A_441 : i32 to index
        %get3A_443 = arith.constant 80 : index
        %get3A_444 = tpu.vector_load %arg7[%get3A_442, %get3A_443] {strides = array<i32>} : memref<128x128xf32, #tpu.memory_space<vmem>>, vector<1x16xf32>,
        %get3A_445 = vector.shape_cast %get3A_444 : vector<1x16xf32> to vector<16xf32>
        %add3A_446 = arith.constant 2 : i32
        %add3A_447 = arith.addi %mul3A_161, %add3A_446 : i32
        %get3A_448 = arith.index_cast %add3A_447 : i32 to index
        %get3A_449 = arith.constant 80 : index
        %get3A_450 = tpu.vector_load %arg7[%get3A_448, %get3A_449] {strides = array<i32>} : memref<128x128xf32, #tpu.memory_space<vmem>>, vector<1x16xf32>,
        %get3A_451 = vector.shape_cast %get3A_450 : vector<1x16xf32> to vector<16xf32>
        %add3A_452 = arith.constant 3 : i32
        %add3A_453 = arith.addi %mul3A_161, %add3A_452 : i32
        %get3A_454 = arith.index_cast %add3A_453 : i32 to index
        %get3A_455 = arith.constant 80 : index
        %get3A_456 = tpu.vector_load %arg7[%get3A_454, %get3A_455] {strides = array<i32>} : memref<128x128xf32, #tpu.memory_space<vmem>>, vector<1x16xf32>,
        %get3A_457 = vector.shape_cast %get3A_456 : vector<1x16xf32> to vector<16xf32>
        %add3A_458 = arith.addf %get3A_439, %get3A_445 : vector<16xf32>
        %add3A_459 = arith.addf %get3A_451, %get3A_457 : vector<16xf32>
        %add3A_460 = arith.addf %add3A_458, %add3A_459 : vector<16xf32>
        %sub3A_461 = arith.subf %add3A_460, %get3A_439 : vector<16xf32>
        %swap3A_462 = arith.index_cast %mul3A_161 : i32 to index
        %swap3A_463 = arith.constant 80 : index
        %swap3A_464 = tpu.vector_load %arg8[%swap3A_462, %swap3A_463] {strides = array<i32>} : memref<128x128xf32, #tpu.memory_space<vmem>>, vector<1x16xf32>,
        %swap3A_465 = vector.shape_cast %swap3A_464 : vector<1x16xf32> to vector<16xf32>
        %swap3A_466 = vector.shape_cast %sub3A_461 : vector<16xf32> to vector<1x16xf32>
        tpu.vector_store %arg8[%swap3A_462, %swap3A_463], %swap3A_466 {strides = array<i32>} : memref<128x128xf32, #tpu.memory_space<vmem>>, vector<1x16xf32>,
        %sub3A_467 = arith.subf %add3A_460, %get3A_445 : vector<16xf32>
        %add3A_468 = arith.constant 1 : i32
        %add3A_469 = arith.addi %mul3A_161, %add3A_468 : i32
        %swap3A_470 = arith.index_cast %add3A_469 : i32 to index
        %swap3A_471 = arith.constant 80 : index
        %swap3A_472 = tpu.vector_load %arg8[%swap3A_470, %swap3A_471] {strides = array<i32>} : memref<128x128xf32, #tpu.memory_space<vmem>>, vector<1x16xf32>,
        %swap3A_473 = vector.shape_cast %swap3A_472 : vector<1x16xf32> to vector<16xf32>
        %swap3A_474 = vector.shape_cast %sub3A_467 : vector<16xf32> to vector<1x16xf32>
        tpu.vector_store %arg8[%swap3A_470, %swap3A_471], %swap3A_474 {strides = array<i32>} : memref<128x128xf32, #tpu.memory_space<vmem>>, vector<1x16xf32>,
        %sub3A_475 = arith.subf %add3A_460, %get3A_451 : vector<16xf32>
        %add3A_476 = arith.constant 2 : i32
        %add3A_477 = arith.addi %mul3A_161, %add3A_476 : i32
        %swap3A_478 = arith.index_cast %add3A_477 : i32 to index
        %swap3A_479 = arith.constant 80 : index
        %swap3A_480 = tpu.vector_load %arg8[%swap3A_478, %swap3A_479] {strides = array<i32>} : memref<128x128xf32, #tpu.memory_space<vmem>>, vector<1x16xf32>,
        %swap3A_481 = vector.shape_cast %swap3A_480 : vector<1x16xf32> to vector<16xf32>
        %swap3A_482 = vector.shape_cast %sub3A_475 : vector<16xf32> to vector<1x16xf32>
        tpu.vector_store %arg8[%swap3A_478, %swap3A_479], %swap3A_482 {strides = array<i32>} : memref<128x128xf32, #tpu.memory_space<vmem>>, vector<1x16xf32>,
        %sub3A_483 = arith.subf %add3A_460, %get3A_457 : vector<16xf32>
        %add3A_484 = arith.constant 3 : i32
        %add3A_485 = arith.addi %mul3A_161, %add3A_484 : i32
        %swap3A_486 = arith.index_cast %add3A_485 : i32 to index
        %swap3A_487 = arith.constant 80 : index
        %swap3A_488 = tpu.vector_load %arg8[%swap3A_486, %swap3A_487] {strides = array<i32>} : memref<128x128xf32, #tpu.memory_space<vmem>>, vector<1x16xf32>,
        %swap3A_489 = vector.shape_cast %swap3A_488 : vector<1x16xf32> to vector<16xf32>
        %swap3A_490 = vector.shape_cast %sub3A_483 : vector<16xf32> to vector<1x16xf32>
        tpu.vector_store %arg8[%swap3A_486, %swap3A_487], %swap3A_490 {strides = array<i32>} : memref<128x128xf32, #tpu.memory_space<vmem>>, vector<1x16xf32>,
        %get3A_491 = arith.index_cast %mul3A_161 : i32 to index
        %get3A_492 = arith.constant 96 : index
        %get3A_493 = tpu.vector_load %arg7[%get3A_491, %get3A_492] {strides = array<i32>} : memref<128x128xf32, #tpu.memory_space<vmem>>, vector<1x16xf32>,
        %get3A_494 = vector.shape_cast %get3A_493 : vector<1x16xf32> to vector<16xf32>
        %add3A_495 = arith.constant 1 : i32
        %add3A_496 = arith.addi %mul3A_161, %add3A_495 : i32
        %get3A_497 = arith.index_cast %add3A_496 : i32 to index
        %get3A_498 = arith.constant 96 : index
        %get3A_499 = tpu.vector_load %arg7[%get3A_497, %get3A_498] {strides = array<i32>} : memref<128x128xf32, #tpu.memory_space<vmem>>, vector<1x16xf32>,
        %get3A_500 = vector.shape_cast %get3A_499 : vector<1x16xf32> to vector<16xf32>
        %add3A_501 = arith.constant 2 : i32
        %add3A_502 = arith.addi %mul3A_161, %add3A_501 : i32
        %get3A_503 = arith.index_cast %add3A_502 : i32 to index
        %get3A_504 = arith.constant 96 : index
        %get3A_505 = tpu.vector_load %arg7[%get3A_503, %get3A_504] {strides = array<i32>} : memref<128x128xf32, #tpu.memory_space<vmem>>, vector<1x16xf32>,
        %get3A_506 = vector.shape_cast %get3A_505 : vector<1x16xf32> to vector<16xf32>
        %add3A_507 = arith.constant 3 : i32
        %add3A_508 = arith.addi %mul3A_161, %add3A_507 : i32
        %get3A_509 = arith.index_cast %add3A_508 : i32 to index
        %get3A_510 = arith.constant 96 : index
        %get3A_511 = tpu.vector_load %arg7[%get3A_509, %get3A_510] {strides = array<i32>} : memref<128x128xf32, #tpu.memory_space<vmem>>, vector<1x16xf32>,
        %get3A_512 = vector.shape_cast %get3A_511 : vector<1x16xf32> to vector<16xf32>
        %add3A_513 = arith.addf %get3A_494, %get3A_500 : vector<16xf32>
        %add3A_514 = arith.addf %get3A_506, %get3A_512 : vector<16xf32>
        %add3A_515 = arith.addf %add3A_513, %add3A_514 : vector<16xf32>
        %sub3A_516 = arith.subf %add3A_515, %get3A_494 : vector<16xf32>
        %swap3A_517 = arith.index_cast %mul3A_161 : i32 to index
        %swap3A_518 = arith.constant 96 : index
        %swap3A_519 = tpu.vector_load %arg8[%swap3A_517, %swap3A_518] {strides = array<i32>} : memref<128x128xf32, #tpu.memory_space<vmem>>, vector<1x16xf32>,
        %swap3A_520 = vector.shape_cast %swap3A_519 : vector<1x16xf32> to vector<16xf32>
        %swap3A_521 = vector.shape_cast %sub3A_516 : vector<16xf32> to vector<1x16xf32>
        tpu.vector_store %arg8[%swap3A_517, %swap3A_518], %swap3A_521 {strides = array<i32>} : memref<128x128xf32, #tpu.memory_space<vmem>>, vector<1x16xf32>,
        %sub3A_522 = arith.subf %add3A_515, %get3A_500 : vector<16xf32>
        %add3A_523 = arith.constant 1 : i32
        %add3A_524 = arith.addi %mul3A_161, %add3A_523 : i32
        %swap3A_525 = arith.index_cast %add3A_524 : i32 to index
        %swap3A_526 = arith.constant 96 : index
        %swap3A_527 = tpu.vector_load %arg8[%swap3A_525, %swap3A_526] {strides = array<i32>} : memref<128x128xf32, #tpu.memory_space<vmem>>, vector<1x16xf32>,
        %swap3A_528 = vector.shape_cast %swap3A_527 : vector<1x16xf32> to vector<16xf32>
        %swap3A_529 = vector.shape_cast %sub3A_522 : vector<16xf32> to vector<1x16xf32>
        tpu.vector_store %arg8[%swap3A_525, %swap3A_526], %swap3A_529 {strides = array<i32>} : memref<128x128xf32, #tpu.memory_space<vmem>>, vector<1x16xf32>,
        %sub3A_530 = arith.subf %add3A_515, %get3A_506 : vector<16xf32>
        %add3A_531 = arith.constant 2 : i32
        %add3A_532 = arith.addi %mul3A_161, %add3A_531 : i32
        %swap3A_533 = arith.index_cast %add3A_532 : i32 to index
        %swap3A_534 = arith.constant 96 : index
        %swap3A_535 = tpu.vector_load %arg8[%swap3A_533, %swap3A_534] {strides = array<i32>} : memref<128x128xf32, #tpu.memory_space<vmem>>, vector<1x16xf32>,
        %swap3A_536 = vector.shape_cast %swap3A_535 : vector<1x16xf32> to vector<16xf32>
        %swap3A_537 = vector.shape_cast %sub3A_530 : vector<16xf32> to vector<1x16xf32>
        tpu.vector_store %arg8[%swap3A_533, %swap3A_534], %swap3A_537 {strides = array<i32>} : memref<128x128xf32, #tpu.memory_space<vmem>>, vector<1x16xf32>,
        %sub3A_538 = arith.subf %add3A_515, %get3A_512 : vector<16xf32>
        %add3A_539 = arith.constant 3 : i32
        %add3A_540 = arith.addi %mul3A_161, %add3A_539 : i32
        %swap3A_541 = arith.index_cast %add3A_540 : i32 to index
        %swap3A_542 = arith.constant 96 : index
        %swap3A_543 = tpu.vector_load %arg8[%swap3A_541, %swap3A_542] {strides = array<i32>} : memref<128x128xf32, #tpu.memory_space<vmem>>, vector<1x16xf32>,
        %swap3A_544 = vector.shape_cast %swap3A_543 : vector<1x16xf32> to vector<16xf32>
        %swap3A_545 = vector.shape_cast %sub3A_538 : vector<16xf32> to vector<1x16xf32>
        tpu.vector_store %arg8[%swap3A_541, %swap3A_542], %swap3A_545 {strides = array<i32>} : memref<128x128xf32, #tpu.memory_space<vmem>>, vector<1x16xf32>,
        %get3A_546 = arith.index_cast %mul3A_161 : i32 to index
        %get3A_547 = arith.constant 112 : index
        %get3A_548 = tpu.vector_load %arg7[%get3A_546, %get3A_547] {strides = array<i32>} : memref<128x128xf32, #tpu.memory_space<vmem>>, vector<1x16xf32>,
        %get3A_549 = vector.shape_cast %get3A_548 : vector<1x16xf32> to vector<16xf32>
        %add3A_550 = arith.constant 1 : i32
        %add3A_551 = arith.addi %mul3A_161, %add3A_550 : i32
        %get3A_552 = arith.index_cast %add3A_551 : i32 to index
        %get3A_553 = arith.constant 112 : index
        %get3A_554 = tpu.vector_load %arg7[%get3A_552, %get3A_553] {strides = array<i32>} : memref<128x128xf32, #tpu.memory_space<vmem>>, vector<1x16xf32>,
        %get3A_555 = vector.shape_cast %get3A_554 : vector<1x16xf32> to vector<16xf32>
        %add3A_556 = arith.constant 2 : i32
        %add3A_557 = arith.addi %mul3A_161, %add3A_556 : i32
        %get3A_558 = arith.index_cast %add3A_557 : i32 to index
        %get3A_559 = arith.constant 112 : index
        %get3A_560 = tpu.vector_load %arg7[%get3A_558, %get3A_559] {strides = array<i32>} : memref<128x128xf32, #tpu.memory_space<vmem>>, vector<1x16xf32>,
        %get3A_561 = vector.shape_cast %get3A_560 : vector<1x16xf32> to vector<16xf32>
        %add3A_562 = arith.constant 3 : i32
        %add3A_563 = arith.addi %mul3A_161, %add3A_562 : i32
        %get3A_564 = arith.index_cast %add3A_563 : i32 to index
        %get3A_565 = arith.constant 112 : index
        %get3A_566 = tpu.vector_load %arg7[%get3A_564, %get3A_565] {strides = array<i32>} : memref<128x128xf32, #tpu.memory_space<vmem>>, vector<1x16xf32>,
        %get3A_567 = vector.shape_cast %get3A_566 : vector<1x16xf32> to vector<16xf32>
        %add3A_568 = arith.addf %get3A_549, %get3A_555 : vector<16xf32>
        %add3A_569 = arith.addf %get3A_561, %get3A_567 : vector<16xf32>
        %add3A_570 = arith.addf %add3A_568, %add3A_569 : vector<16xf32>
        %sub3A_571 = arith.subf %add3A_570, %get3A_549 : vector<16xf32>
        %swap3A_572 = arith.index_cast %mul3A_161 : i32 to index
        %swap3A_573 = arith.constant 112 : index
        %swap3A_574 = tpu.vector_load %arg8[%swap3A_572, %swap3A_573] {strides = array<i32>} : memref<128x128xf32, #tpu.memory_space<vmem>>, vector<1x16xf32>,
        %swap3A_575 = vector.shape_cast %swap3A_574 : vector<1x16xf32> to vector<16xf32>
        %swap3A_576 = vector.shape_cast %sub3A_571 : vector<16xf32> to vector<1x16xf32>
        tpu.vector_store %arg8[%swap3A_572, %swap3A_573], %swap3A_576 {strides = array<i32>} : memref<128x128xf32, #tpu.memory_space<vmem>>, vector<1x16xf32>,
        %sub3A_577 = arith.subf %add3A_570, %get3A_555 : vector<16xf32>
        %add3A_578 = arith.constant 1 : i32
        %add3A_579 = arith.addi %mul3A_161, %add3A_578 : i32
        %swap3A_580 = arith.index_cast %add3A_579 : i32 to index
        %swap3A_581 = arith.constant 112 : index
        %swap3A_582 = tpu.vector_load %arg8[%swap3A_580, %swap3A_581] {strides = array<i32>} : memref<128x128xf32, #tpu.memory_space<vmem>>, vector<1x16xf32>,
        %swap3A_583 = vector.shape_cast %swap3A_582 : vector<1x16xf32> to vector<16xf32>
        %swap3A_584 = vector.shape_cast %sub3A_577 : vector<16xf32> to vector<1x16xf32>
        tpu.vector_store %arg8[%swap3A_580, %swap3A_581], %swap3A_584 {strides = array<i32>} : memref<128x128xf32, #tpu.memory_space<vmem>>, vector<1x16xf32>,
        %sub3A_585 = arith.subf %add3A_570, %get3A_561 : vector<16xf32>
        %add3A_586 = arith.constant 2 : i32
        %add3A_587 = arith.addi %mul3A_161, %add3A_586 : i32
        %swap3A_588 = arith.index_cast %add3A_587 : i32 to index
        %swap3A_589 = arith.constant 112 : index
        %swap3A_590 = tpu.vector_load %arg8[%swap3A_588, %swap3A_589] {strides = array<i32>} : memref<128x128xf32, #tpu.memory_space<vmem>>, vector<1x16xf32>,
        %swap3A_591 = vector.shape_cast %swap3A_590 : vector<1x16xf32> to vector<16xf32>
        %swap3A_592 = vector.shape_cast %sub3A_585 : vector<16xf32> to vector<1x16xf32>
        tpu.vector_store %arg8[%swap3A_588, %swap3A_589], %swap3A_592 {strides = array<i32>} : memref<128x128xf32, #tpu.memory_space<vmem>>, vector<1x16xf32>,
        %sub3A_593 = arith.subf %add3A_570, %get3A_567 : vector<16xf32>
        %add3A_594 = arith.constant 3 : i32
        %add3A_595 = arith.addi %mul3A_161, %add3A_594 : i32
        %swap3A_596 = arith.index_cast %add3A_595 : i32 to index
        %swap3A_597 = arith.constant 112 : index
        %swap3A_598 = tpu.vector_load %arg8[%swap3A_596, %swap3A_597] {strides = array<i32>} : memref<128x128xf32, #tpu.memory_space<vmem>>, vector<1x16xf32>,
        %swap3A_599 = vector.shape_cast %swap3A_598 : vector<1x16xf32> to vector<16xf32>
        %swap3A_600 = vector.shape_cast %sub3A_593 : vector<16xf32> to vector<1x16xf32>
        tpu.vector_store %arg8[%swap3A_596, %swap3A_597], %swap3A_600 {strides = array<i32>} : memref<128x128xf32, #tpu.memory_space<vmem>>, vector<1x16xf32>,
      }
      %scan3A_158 = arith.constant 32 : i32
      "tpu.region"() ({
        %run_scoped3A = tpu.sem_alloc : memref<!tpu.dma_semaphore, #tpu.memory_space<semaphore_mem>>
        %dma_start3A_159 = arith.constant 0 : i32
        %dma_start3A_160 = arith.constant 0 : i32
        %dma_start3A_161 = tpu.memref_slice %arg9[%dma_start3A_159, %dma_start3A_160] : memref<10112x128xf32, #tpu.memory_space<vmem_shared>> -> memref<10112x128xf32, #tpu.memory_space<vmem_shared>>
        tpu.enqueue_indirect_dma source(%arg8 : memref<128x128xf32, #tpu.memory_space<vmem>>) target(%dma_start3A_161 : memref<10112x128xf32, #tpu.memory_space<vmem_shared>>) offsets(%arg6 : memref<128xi32, #tpu.memory_space<vmem>>) semaphore(%run_scoped3A : memref<!tpu.dma_semaphore, #tpu.memory_space<semaphore_mem>>) {add = true}
        %dma_wait3A_162 = arith.constant 0 : i32
        %dma_wait3A_163 = arith.constant 0 : i32
        %dma_wait3A_164 = tpu.memref_slice %arg9[%dma_wait3A_162, %dma_wait3A_163] : memref<10112x128xf32, #tpu.memory_space<vmem_shared>> -> memref<10112x128xf32, #tpu.memory_space<vmem_shared>>
        tpu.wait_indirect_dma semaphore(%run_scoped3A : memref<!tpu.dma_semaphore, #tpu.memory_space<semaphore_mem>>) src(%arg8 : memref<128x128xf32, #tpu.memory_space<vmem>>) dst(%dma_wait3A_164 : memref<10112x128xf32, #tpu.memory_space<vmem_shared>>)
        tpu.yield
      }) : () -> ()
    }
    %scan3A_20 = arith.constant 54 : i32
    %barrier3A_21 = arith.constant 0 : index
    tpu.barrier barrier_id(%barrier3A_21)
    %lt3A = arith.constant 15 : i32
    %lt3A_22 = arith.cmpi slt, %arg1, %lt3A : i32
    %convert_element_type3A = arith.extui %lt3A_22 : i1 to i32
    %cond3A = arith.constant 0 : i32
    %cond3A_23 = arith.cmpi ne, %convert_element_type3A, %cond3A : i32
    scf.if %cond3A_23 {
      "tpu.region"() ({
        %run_scoped3A = tpu.sem_alloc : memref<!tpu.dma_semaphore, #tpu.memory_space<semaphore_mem>>
        %dma_start3A = arith.constant 0 : i32
        %dma_start3A_28 = tpu.memref_slice %arg4[%arg0, %mul3A_0, %dma_start3A] : memref<2x10000x128xf32, #tpu.memory_space<hbm>> -> memref<1x632x128xf32, #tpu.memory_space<hbm>>
        %dma_start3A_29 = tpu.memref_squeeze %dma_start3A_28 : memref<1x632x128xf32, #tpu.memory_space<hbm>> -> memref<632x128xf32, #tpu.memory_space<hbm>>
        %dma_start3A_30 = arith.constant 0 : i32
        %dma_start3A_31 = tpu.memref_slice %arg9[%mul3A_0, %dma_start3A_30] : memref<10112x128xf32, #tpu.memory_space<vmem_shared>> -> memref<632x128xf32, #tpu.memory_space<vmem_shared>>
        tpu.enqueue_dma source(%dma_start3A_31 : memref<632x128xf32, #tpu.memory_space<vmem_shared>>) target(%dma_start3A_29 : memref<632x128xf32, #tpu.memory_space<hbm>>) target_semaphore(%run_scoped3A : memref<!tpu.dma_semaphore, #tpu.memory_space<semaphore_mem>>)
        %dma_wait3A = arith.constant 0 : i32
        %dma_wait3A_32 = tpu.memref_slice %arg4[%arg0, %mul3A_0, %dma_wait3A] : memref<2x10000x128xf32, #tpu.memory_space<hbm>> -> memref<1x632x128xf32, #tpu.memory_space<hbm>>
        %dma_wait3A_33 = tpu.memref_squeeze %dma_wait3A_32 : memref<1x632x128xf32, #tpu.memory_space<hbm>> -> memref<632x128xf32, #tpu.memory_space<hbm>>
        %dma_wait3A_34 = arith.constant 0 : i32
        %dma_wait3A_35 = tpu.memref_slice %arg9[%mul3A_0, %dma_wait3A_34] : memref<10112x128xf32, #tpu.memory_space<vmem_shared>> -> memref<632x128xf32, #tpu.memory_space<vmem_shared>>
        tpu.wait_dma2 semaphore(%run_scoped3A : memref<!tpu.dma_semaphore, #tpu.memory_space<semaphore_mem>>) src(%dma_wait3A_35 : memref<632x128xf32, #tpu.memory_space<vmem_shared>>) dst(%dma_wait3A_33 : memref<632x128xf32, #tpu.memory_space<hbm>>)
        tpu.yield
      }) : () -> ()
    } else {
    }
    %eq3A = arith.constant 15 : i32
    %eq3A_24 = arith.cmpi eq, %arg1, %eq3A : i32
    %convert_element_type3A_25 = arith.extui %eq3A_24 : i1 to i32
    %cond3A_26 = arith.constant 0 : i32
    %cond3A_27 = arith.cmpi ne, %convert_element_type3A_25, %cond3A_26 : i32
    scf.if %cond3A_27 {
      "tpu.region"() ({
        %run_scoped3A = tpu.sem_alloc : memref<!tpu.dma_semaphore, #tpu.memory_space<semaphore_mem>>
        %dma_start3A = arith.constant 0 : i32
        %dma_start3A_28 = tpu.memref_slice %arg4[%arg0, %mul3A_0, %dma_start3A] : memref<2x10000x128xf32, #tpu.memory_space<hbm>> -> memref<1x520x128xf32, #tpu.memory_space<hbm>>
        %dma_start3A_29 = tpu.memref_squeeze %dma_start3A_28 : memref<1x520x128xf32, #tpu.memory_space<hbm>> -> memref<520x128xf32, #tpu.memory_space<hbm>>
        %dma_start3A_30 = arith.constant 0 : i32
        %dma_start3A_31 = tpu.memref_slice %arg9[%mul3A_0, %dma_start3A_30] : memref<10112x128xf32, #tpu.memory_space<vmem_shared>> -> memref<520x128xf32, #tpu.memory_space<vmem_shared>>
        tpu.enqueue_dma source(%dma_start3A_31 : memref<520x128xf32, #tpu.memory_space<vmem_shared>>) target(%dma_start3A_29 : memref<520x128xf32, #tpu.memory_space<hbm>>) target_semaphore(%run_scoped3A : memref<!tpu.dma_semaphore, #tpu.memory_space<semaphore_mem>>)
        %dma_wait3A = arith.constant 0 : i32
        %dma_wait3A_32 = tpu.memref_slice %arg4[%arg0, %mul3A_0, %dma_wait3A] : memref<2x10000x128xf32, #tpu.memory_space<hbm>> -> memref<1x520x128xf32, #tpu.memory_space<hbm>>
        %dma_wait3A_33 = tpu.memref_squeeze %dma_wait3A_32 : memref<1x520x128xf32, #tpu.memory_space<hbm>> -> memref<520x128xf32, #tpu.memory_space<hbm>>
        %dma_wait3A_34 = arith.constant 0 : i32
        %dma_wait3A_35 = tpu.memref_slice %arg9[%mul3A_0, %dma_wait3A_34] : memref<10112x128xf32, #tpu.memory_space<vmem_shared>> -> memref<520x128xf32, #tpu.memory_space<vmem_shared>>
        tpu.wait_dma2 semaphore(%run_scoped3A : memref<!tpu.dma_semaphore, #tpu.memory_space<semaphore_mem>>) src(%dma_wait3A_35 : memref<520x128xf32, #tpu.memory_space<vmem_shared>>) dst(%dma_wait3A_33 : memref<520x128xf32, #tpu.memory_space<hbm>>)
        tpu.yield
      }) : () -> ()
    } else {
    }
    return
  }
}

#map = affine_map<(d0, d1) -> (0)>
#map1 = affine_map<(d0, d1) -> (0, 0)>
#map2 = affine_map<(d0, d1) -> (0, 0, 0)>
module attributes {stable_mosaic.version = 14 : i64} {
  func.func @k(%arg0: i32, %arg1: i32, %arg2: memref<110592xi32, #tpu.memory_space<hbm>>, %arg3: memref<20000x128xf32, #tpu.memory_space<hbm>>, %arg4: memref<2x10000x128xf32, #tpu.memory_space<hbm>>, %arg5: memref<128xi32, #tpu.memory_space<vmem>>, %arg6: memref<128xi32, #tpu.memory_space<vmem>>, %arg7: memref<128x128xf32, #tpu.memory_space<vmem>>, %arg8: memref<128x128xf32, #tpu.memory_space<vmem>>, %arg9: memref<10112x128xf32, #tpu.memory_space<vmem_shared>>, %arg10: memref<!tpu.dma_semaphore, #tpu.memory_space<semaphore_mem>>) attributes {dimension_semantics = [#tpu.dimension_semantics<core_parallel>, #tpu.dimension_semantics<subcore_parallel>], iteration_bounds = array<i64: 2, 16>, scalar_prefetch = 0 : i64, scratch_operands = 6 : i64, tpu.core_type = #tpu.core_type<sc_vector_subcore>, window_params = [{transform_indices = #map}, {transform_indices = #map1}, {transform_indices = #map2}]} {
    %mul3A = arith.constant 632 : i32
    %mul3A_0 = arith.muli %arg1, %mul3A : i32
    %mul3A_1 = arith.constant 10000 : i32
    %mul3A_2 = arith.muli %arg0, %mul3A_1 : i32
    %scan3A = arith.constant 0 : i32
    %scan3A_3 = arith.constant 0 : i32
    %scan3A_4 = arith.constant 128 : i32
    %scan3A_5 = arith.addi %scan3A_3, %scan3A_4 : i32
    %scan3A_6 = arith.constant 1 : i32
    scf.for %scan3A_28 = %scan3A_3 to %scan3A_5 step %scan3A_6  : i32 {
      %broadcast_in_dim3A = arith.constant 0.000000e+00 : f32
      %broadcast_in_dim3A_29 = vector.broadcast %broadcast_in_dim3A : f32 to vector<16xf32>
      %swap3A = arith.index_cast %scan3A_28 : i32 to index
      %swap3A_30 = arith.constant 0 : index
      %swap3A_31 = tpu.vector_load %arg8[%swap3A, %swap3A_30] {strides = array<i32>} : memref<128x128xf32, #tpu.memory_space<vmem>>, vector<1x16xf32>,
      %swap3A_32 = vector.shape_cast %swap3A_31 : vector<1x16xf32> to vector<16xf32>
      %swap3A_33 = vector.shape_cast %broadcast_in_dim3A_29 : vector<16xf32> to vector<1x16xf32>
      tpu.vector_store %arg8[%swap3A, %swap3A_30], %swap3A_33 {strides = array<i32>} : memref<128x128xf32, #tpu.memory_space<vmem>>, vector<1x16xf32>,
      %broadcast_in_dim3A_34 = arith.constant 0.000000e+00 : f32
      %broadcast_in_dim3A_35 = vector.broadcast %broadcast_in_dim3A_34 : f32 to vector<16xf32>
      %swap3A_36 = arith.index_cast %scan3A_28 : i32 to index
      %swap3A_37 = arith.constant 16 : index
      %swap3A_38 = tpu.vector_load %arg8[%swap3A_36, %swap3A_37] {strides = array<i32>} : memref<128x128xf32, #tpu.memory_space<vmem>>, vector<1x16xf32>,
      %swap3A_39 = vector.shape_cast %swap3A_38 : vector<1x16xf32> to vector<16xf32>
      %swap3A_40 = vector.shape_cast %broadcast_in_dim3A_35 : vector<16xf32> to vector<1x16xf32>
      tpu.vector_store %arg8[%swap3A_36, %swap3A_37], %swap3A_40 {strides = array<i32>} : memref<128x128xf32, #tpu.memory_space<vmem>>, vector<1x16xf32>,
      %broadcast_in_dim3A_41 = arith.constant 0.000000e+00 : f32
      %broadcast_in_dim3A_42 = vector.broadcast %broadcast_in_dim3A_41 : f32 to vector<16xf32>
      %swap3A_43 = arith.index_cast %scan3A_28 : i32 to index
      %swap3A_44 = arith.constant 32 : index
      %swap3A_45 = tpu.vector_load %arg8[%swap3A_43, %swap3A_44] {strides = array<i32>} : memref<128x128xf32, #tpu.memory_space<vmem>>, vector<1x16xf32>,
      %swap3A_46 = vector.shape_cast %swap3A_45 : vector<1x16xf32> to vector<16xf32>
      %swap3A_47 = vector.shape_cast %broadcast_in_dim3A_42 : vector<16xf32> to vector<1x16xf32>
      tpu.vector_store %arg8[%swap3A_43, %swap3A_44], %swap3A_47 {strides = array<i32>} : memref<128x128xf32, #tpu.memory_space<vmem>>, vector<1x16xf32>,
      %broadcast_in_dim3A_48 = arith.constant 0.000000e+00 : f32
      %broadcast_in_dim3A_49 = vector.broadcast %broadcast_in_dim3A_48 : f32 to vector<16xf32>
      %swap3A_50 = arith.index_cast %scan3A_28 : i32 to index
      %swap3A_51 = arith.constant 48 : index
      %swap3A_52 = tpu.vector_load %arg8[%swap3A_50, %swap3A_51] {strides = array<i32>} : memref<128x128xf32, #tpu.memory_space<vmem>>, vector<1x16xf32>,
      %swap3A_53 = vector.shape_cast %swap3A_52 : vector<1x16xf32> to vector<16xf32>
      %swap3A_54 = vector.shape_cast %broadcast_in_dim3A_49 : vector<16xf32> to vector<1x16xf32>
      tpu.vector_store %arg8[%swap3A_50, %swap3A_51], %swap3A_54 {strides = array<i32>} : memref<128x128xf32, #tpu.memory_space<vmem>>, vector<1x16xf32>,
      %broadcast_in_dim3A_55 = arith.constant 0.000000e+00 : f32
      %broadcast_in_dim3A_56 = vector.broadcast %broadcast_in_dim3A_55 : f32 to vector<16xf32>
      %swap3A_57 = arith.index_cast %scan3A_28 : i32 to index
      %swap3A_58 = arith.constant 64 : index
      %swap3A_59 = tpu.vector_load %arg8[%swap3A_57, %swap3A_58] {strides = array<i32>} : memref<128x128xf32, #tpu.memory_space<vmem>>, vector<1x16xf32>,
      %swap3A_60 = vector.shape_cast %swap3A_59 : vector<1x16xf32> to vector<16xf32>
      %swap3A_61 = vector.shape_cast %broadcast_in_dim3A_56 : vector<16xf32> to vector<1x16xf32>
      tpu.vector_store %arg8[%swap3A_57, %swap3A_58], %swap3A_61 {strides = array<i32>} : memref<128x128xf32, #tpu.memory_space<vmem>>, vector<1x16xf32>,
      %broadcast_in_dim3A_62 = arith.constant 0.000000e+00 : f32
      %broadcast_in_dim3A_63 = vector.broadcast %broadcast_in_dim3A_62 : f32 to vector<16xf32>
      %swap3A_64 = arith.index_cast %scan3A_28 : i32 to index
      %swap3A_65 = arith.constant 80 : index
      %swap3A_66 = tpu.vector_load %arg8[%swap3A_64, %swap3A_65] {strides = array<i32>} : memref<128x128xf32, #tpu.memory_space<vmem>>, vector<1x16xf32>,
      %swap3A_67 = vector.shape_cast %swap3A_66 : vector<1x16xf32> to vector<16xf32>
      %swap3A_68 = vector.shape_cast %broadcast_in_dim3A_63 : vector<16xf32> to vector<1x16xf32>
      tpu.vector_store %arg8[%swap3A_64, %swap3A_65], %swap3A_68 {strides = array<i32>} : memref<128x128xf32, #tpu.memory_space<vmem>>, vector<1x16xf32>,
      %broadcast_in_dim3A_69 = arith.constant 0.000000e+00 : f32
      %broadcast_in_dim3A_70 = vector.broadcast %broadcast_in_dim3A_69 : f32 to vector<16xf32>
      %swap3A_71 = arith.index_cast %scan3A_28 : i32 to index
      %swap3A_72 = arith.constant 96 : index
      %swap3A_73 = tpu.vector_load %arg8[%swap3A_71, %swap3A_72] {strides = array<i32>} : memref<128x128xf32, #tpu.memory_space<vmem>>, vector<1x16xf32>,
      %swap3A_74 = vector.shape_cast %swap3A_73 : vector<1x16xf32> to vector<16xf32>
      %swap3A_75 = vector.shape_cast %broadcast_in_dim3A_70 : vector<16xf32> to vector<1x16xf32>
      tpu.vector_store %arg8[%swap3A_71, %swap3A_72], %swap3A_75 {strides = array<i32>} : memref<128x128xf32, #tpu.memory_space<vmem>>, vector<1x16xf32>,
      %broadcast_in_dim3A_76 = arith.constant 0.000000e+00 : f32
      %broadcast_in_dim3A_77 = vector.broadcast %broadcast_in_dim3A_76 : f32 to vector<16xf32>
      %swap3A_78 = arith.index_cast %scan3A_28 : i32 to index
      %swap3A_79 = arith.constant 112 : index
      %swap3A_80 = tpu.vector_load %arg8[%swap3A_78, %swap3A_79] {strides = array<i32>} : memref<128x128xf32, #tpu.memory_space<vmem>>, vector<1x16xf32>,
      %swap3A_81 = vector.shape_cast %swap3A_80 : vector<1x16xf32> to vector<16xf32>
      %swap3A_82 = vector.shape_cast %broadcast_in_dim3A_77 : vector<16xf32> to vector<1x16xf32>
      tpu.vector_store %arg8[%swap3A_78, %swap3A_79], %swap3A_82 {strides = array<i32>} : memref<128x128xf32, #tpu.memory_space<vmem>>, vector<1x16xf32>,
    }
    %scan3A_7 = arith.constant 128 : i32
    %scan3A_8 = arith.constant 0 : i32
    %scan3A_9 = arith.constant 0 : i32
    %scan3A_10 = arith.constant 4 : i32
    %scan3A_11 = arith.addi %scan3A_9, %scan3A_10 : i32
    %scan3A_12 = arith.constant 1 : i32
    scf.for %scan3A_28 = %scan3A_9 to %scan3A_11 step %scan3A_12  : i32 {
      %mul3A_29 = arith.constant 128 : i32
      %mul3A_30 = arith.muli %scan3A_28, %mul3A_29 : i32
      %add3A_31 = arith.addi %mul3A_0, %mul3A_30 : i32
      "tpu.region"() ({
        %run_scoped3A = tpu.sem_alloc : memref<!tpu.dma_semaphore, #tpu.memory_space<semaphore_mem>>
        %dma_start3A = arith.constant 0 : i32
        %dma_start3A_32 = tpu.memref_slice %arg9[%add3A_31, %dma_start3A] : memref<10112x128xf32, #tpu.memory_space<vmem_shared>> -> memref<128x128xf32, #tpu.memory_space<vmem_shared>>
        %dma_start3A_33 = arith.constant 0 : i32
        %dma_start3A_34 = tpu.memref_slice %arg9[%add3A_31, %dma_start3A_33] : memref<10112x128xf32, #tpu.memory_space<vmem_shared>> -> memref<128x128xf32, #tpu.memory_space<vmem_shared>>
        tpu.enqueue_dma source(%arg8 : memref<128x128xf32, #tpu.memory_space<vmem>>) target(%dma_start3A_34 : memref<128x128xf32, #tpu.memory_space<vmem_shared>>) target_semaphore(%run_scoped3A : memref<!tpu.dma_semaphore, #tpu.memory_space<semaphore_mem>>)
        %dma_wait3A = arith.constant 0 : i32
        %dma_wait3A_35 = tpu.memref_slice %arg9[%add3A_31, %dma_wait3A] : memref<10112x128xf32, #tpu.memory_space<vmem_shared>> -> memref<128x128xf32, #tpu.memory_space<vmem_shared>>
        %dma_wait3A_36 = arith.constant 0 : i32
        %dma_wait3A_37 = tpu.memref_slice %arg9[%add3A_31, %dma_wait3A_36] : memref<10112x128xf32, #tpu.memory_space<vmem_shared>> -> memref<128x128xf32, #tpu.memory_space<vmem_shared>>
        tpu.wait_dma2 semaphore(%run_scoped3A : memref<!tpu.dma_semaphore, #tpu.memory_space<semaphore_mem>>) src(%arg8 : memref<128x128xf32, #tpu.memory_space<vmem>>) dst(%dma_wait3A_37 : memref<128x128xf32, #tpu.memory_space<vmem_shared>>)
        tpu.yield
      }) : () -> ()
    }
    %scan3A_13 = arith.constant 4 : i32
    %add3A = arith.constant 512 : i32
    %add3A_14 = arith.addi %mul3A_0, %add3A : i32
    "tpu.region"() ({
      %run_scoped3A = tpu.sem_alloc : memref<!tpu.dma_semaphore, #tpu.memory_space<semaphore_mem>>
      %dma_start3A = arith.constant 0 : i32
      %dma_start3A_28 = arith.constant 0 : i32
      %dma_start3A_29 = tpu.memref_slice %arg8[%dma_start3A, %dma_start3A_28] : memref<128x128xf32, #tpu.memory_space<vmem>> -> memref<120x128xf32, #tpu.memory_space<vmem>>
      %dma_start3A_30 = arith.constant 0 : i32
      %dma_start3A_31 = tpu.memref_slice %arg9[%add3A_14, %dma_start3A_30] : memref<10112x128xf32, #tpu.memory_space<vmem_shared>> -> memref<120x128xf32, #tpu.memory_space<vmem_shared>>
      %dma_start3A_32 = arith.constant 0 : i32
      %dma_start3A_33 = tpu.memref_slice %arg9[%add3A_14, %dma_start3A_32] : memref<10112x128xf32, #tpu.memory_space<vmem_shared>> -> memref<120x128xf32, #tpu.memory_space<vmem_shared>>
      %dma_start3A_34 = arith.constant 0 : i32
      %dma_start3A_35 = arith.constant 0 : i32
      %dma_start3A_36 = tpu.memref_slice %arg8[%dma_start3A_34, %dma_start3A_35] : memref<128x128xf32, #tpu.memory_space<vmem>> -> memref<120x128xf32, #tpu.memory_space<vmem>>
      tpu.enqueue_dma source(%dma_start3A_36 : memref<120x128xf32, #tpu.memory_space<vmem>>) target(%dma_start3A_33 : memref<120x128xf32, #tpu.memory_space<vmem_shared>>) target_semaphore(%run_scoped3A : memref<!tpu.dma_semaphore, #tpu.memory_space<semaphore_mem>>)
      %dma_wait3A = arith.constant 0 : i32
      %dma_wait3A_37 = arith.constant 0 : i32
      %dma_wait3A_38 = tpu.memref_slice %arg8[%dma_wait3A, %dma_wait3A_37] : memref<128x128xf32, #tpu.memory_space<vmem>> -> memref<120x128xf32, #tpu.memory_space<vmem>>
      %dma_wait3A_39 = arith.constant 0 : i32
      %dma_wait3A_40 = tpu.memref_slice %arg9[%add3A_14, %dma_wait3A_39] : memref<10112x128xf32, #tpu.memory_space<vmem_shared>> -> memref<120x128xf32, #tpu.memory_space<vmem_shared>>
      %dma_wait3A_41 = arith.constant 0 : i32
      %dma_wait3A_42 = tpu.memref_slice %arg9[%add3A_14, %dma_wait3A_41] : memref<10112x128xf32, #tpu.memory_space<vmem_shared>> -> memref<120x128xf32, #tpu.memory_space<vmem_shared>>
      %dma_wait3A_43 = arith.constant 0 : i32
      %dma_wait3A_44 = arith.constant 0 : i32
      %dma_wait3A_45 = tpu.memref_slice %arg8[%dma_wait3A_43, %dma_wait3A_44] : memref<128x128xf32, #tpu.memory_space<vmem>> -> memref<120x128xf32, #tpu.memory_space<vmem>>
      tpu.wait_dma2 semaphore(%run_scoped3A : memref<!tpu.dma_semaphore, #tpu.memory_space<semaphore_mem>>) src(%dma_wait3A_45 : memref<120x128xf32, #tpu.memory_space<vmem>>) dst(%dma_wait3A_42 : memref<120x128xf32, #tpu.memory_space<vmem_shared>>)
      tpu.yield
    }) : () -> ()
    %barrier3A = arith.constant 0 : index
    tpu.barrier barrier_id(%barrier3A)
    %scan3A_15 = arith.constant 0 : i32
    %scan3A_16 = arith.constant 0 : i32
    %scan3A_17 = arith.constant 54 : i32
    %scan3A_18 = arith.addi %scan3A_16, %scan3A_17 : i32
    %scan3A_19 = arith.constant 1 : i32
    scf.for %scan3A_28 = %scan3A_16 to %scan3A_18 step %scan3A_19  : i32 {
      %mul3A_29 = arith.constant 54 : i32
      %mul3A_30 = arith.muli %arg1, %mul3A_29 : i32
      %add3A_31 = arith.addi %mul3A_30, %scan3A_28 : i32
      %mul3A_32 = arith.constant 128 : i32
      %mul3A_33 = arith.muli %add3A_31, %mul3A_32 : i32
      "tpu.region"() ({
        %run_scoped3A = tpu.sem_alloc : memref<!tpu.dma_semaphore, #tpu.memory_space<semaphore_mem>>
        %dma_start3A_159 = tpu.memref_slice %arg2[%mul3A_33] : memref<110592xi32, #tpu.memory_space<hbm>> -> memref<128xi32, #tpu.memory_space<hbm>>
        %dma_start3A_160 = tpu.memref_slice %arg2[%mul3A_33] : memref<110592xi32, #tpu.memory_space<hbm>> -> memref<128xi32, #tpu.memory_space<hbm>>
        tpu.enqueue_dma source(%dma_start3A_160 : memref<128xi32, #tpu.memory_space<hbm>>) target(%arg6 : memref<128xi32, #tpu.memory_space<vmem>>) target_semaphore(%run_scoped3A : memref<!tpu.dma_semaphore, #tpu.memory_space<semaphore_mem>>)
        %dma_wait3A_161 = tpu.memref_slice %arg2[%mul3A_33] : memref<110592xi32, #tpu.memory_space<hbm>> -> memref<128xi32, #tpu.memory_space<hbm>>
        %dma_wait3A_162 = tpu.memref_slice %arg2[%mul3A_33] : memref<110592xi32, #tpu.memory_space<hbm>> -> memref<128xi32, #tpu.memory_space<hbm>>
        tpu.wait_dma2 semaphore(%run_scoped3A : memref<!tpu.dma_semaphore, #tpu.memory_space<semaphore_mem>>) src(%dma_wait3A_162 : memref<128xi32, #tpu.memory_space<hbm>>) dst(%arg6 : memref<128xi32, #tpu.memory_space<vmem>>)
        tpu.yield
      }) : () -> ()
      %get3A = arith.constant 0 : index
      %get3A_34 = tpu.vector_load %arg6[%get3A] {strides = array<i32>} : memref<128xi32, #tpu.memory_space<vmem>>, vector<16xi32>,
      %get3A_35 = vector.shape_cast %get3A_34 : vector<16xi32> to vector<16xi32>
      %lt3A_36 = arith.constant 10000 : i32
      %lt3A_37 = vector.broadcast %lt3A_36 : i32 to vector<16xi32>
      %lt3A_38 = arith.cmpi slt, %get3A_35, %lt3A_37 : vector<16xi32>
      %jit3A = arith.constant 0 : i32
      %broadcast_in_dim3A = vector.broadcast %jit3A : i32 to vector<16xi32>
      %select_n3A = arith.select %lt3A_38, %get3A_35, %broadcast_in_dim3A : vector<16xi1>, vector<16xi32>
      %add3A_39 = vector.broadcast %mul3A_2 : i32 to vector<16xi32>
      %add3A_40 = arith.addi %select_n3A, %add3A_39 : vector<16xi32>
      %swap3A = arith.constant 0 : index
      %swap3A_41 = tpu.vector_load %arg5[%swap3A] {strides = array<i32>} : memref<128xi32, #tpu.memory_space<vmem>>, vector<16xi32>,
      %swap3A_42 = vector.shape_cast %swap3A_41 : vector<16xi32> to vector<16xi32>
      %swap3A_43 = vector.shape_cast %add3A_40 : vector<16xi32> to vector<16xi32>
      tpu.vector_store %arg5[%swap3A], %swap3A_43 {strides = array<i32>} : memref<128xi32, #tpu.memory_space<vmem>>, vector<16xi32>,
      %get3A_44 = arith.constant 16 : index
      %get3A_45 = tpu.vector_load %arg6[%get3A_44] {strides = array<i32>} : memref<128xi32, #tpu.memory_space<vmem>>, vector<16xi32>,
      %get3A_46 = vector.shape_cast %get3A_45 : vector<16xi32> to vector<16xi32>
      %lt3A_47 = arith.constant 10000 : i32
      %lt3A_48 = vector.broadcast %lt3A_47 : i32 to vector<16xi32>
      %lt3A_49 = arith.cmpi slt, %get3A_46, %lt3A_48 : vector<16xi32>
      %jit3A_50 = arith.constant 0 : i32
      %broadcast_in_dim3A_51 = vector.broadcast %jit3A_50 : i32 to vector<16xi32>
      %select_n3A_52 = arith.select %lt3A_49, %get3A_46, %broadcast_in_dim3A_51 : vector<16xi1>, vector<16xi32>
      %add3A_53 = vector.broadcast %mul3A_2 : i32 to vector<16xi32>
      %add3A_54 = arith.addi %select_n3A_52, %add3A_53 : vector<16xi32>
      %swap3A_55 = arith.constant 16 : index
      %swap3A_56 = tpu.vector_load %arg5[%swap3A_55] {strides = array<i32>} : memref<128xi32, #tpu.memory_space<vmem>>, vector<16xi32>,
      %swap3A_57 = vector.shape_cast %swap3A_56 : vector<16xi32> to vector<16xi32>
      %swap3A_58 = vector.shape_cast %add3A_54 : vector<16xi32> to vector<16xi32>
      tpu.vector_store %arg5[%swap3A_55], %swap3A_58 {strides = array<i32>} : memref<128xi32, #tpu.memory_space<vmem>>, vector<16xi32>,
      %get3A_59 = arith.constant 32 : index
      %get3A_60 = tpu.vector_load %arg6[%get3A_59] {strides = array<i32>} : memref<128xi32, #tpu.memory_space<vmem>>, vector<16xi32>,
      %get3A_61 = vector.shape_cast %get3A_60 : vector<16xi32> to vector<16xi32>
      %lt3A_62 = arith.constant 10000 : i32
      %lt3A_63 = vector.broadcast %lt3A_62 : i32 to vector<16xi32>
      %lt3A_64 = arith.cmpi slt, %get3A_61, %lt3A_63 : vector<16xi32>
      %jit3A_65 = arith.constant 0 : i32
      %broadcast_in_dim3A_66 = vector.broadcast %jit3A_65 : i32 to vector<16xi32>
      %select_n3A_67 = arith.select %lt3A_64, %get3A_61, %broadcast_in_dim3A_66 : vector<16xi1>, vector<16xi32>
      %add3A_68 = vector.broadcast %mul3A_2 : i32 to vector<16xi32>
      %add3A_69 = arith.addi %select_n3A_67, %add3A_68 : vector<16xi32>
      %swap3A_70 = arith.constant 32 : index
      %swap3A_71 = tpu.vector_load %arg5[%swap3A_70] {strides = array<i32>} : memref<128xi32, #tpu.memory_space<vmem>>, vector<16xi32>,
      %swap3A_72 = vector.shape_cast %swap3A_71 : vector<16xi32> to vector<16xi32>
      %swap3A_73 = vector.shape_cast %add3A_69 : vector<16xi32> to vector<16xi32>
      tpu.vector_store %arg5[%swap3A_70], %swap3A_73 {strides = array<i32>} : memref<128xi32, #tpu.memory_space<vmem>>, vector<16xi32>,
      %get3A_74 = arith.constant 48 : index
      %get3A_75 = tpu.vector_load %arg6[%get3A_74] {strides = array<i32>} : memref<128xi32, #tpu.memory_space<vmem>>, vector<16xi32>,
      %get3A_76 = vector.shape_cast %get3A_75 : vector<16xi32> to vector<16xi32>
      %lt3A_77 = arith.constant 10000 : i32
      %lt3A_78 = vector.broadcast %lt3A_77 : i32 to vector<16xi32>
      %lt3A_79 = arith.cmpi slt, %get3A_76, %lt3A_78 : vector<16xi32>
      %jit3A_80 = arith.constant 0 : i32
      %broadcast_in_dim3A_81 = vector.broadcast %jit3A_80 : i32 to vector<16xi32>
      %select_n3A_82 = arith.select %lt3A_79, %get3A_76, %broadcast_in_dim3A_81 : vector<16xi1>, vector<16xi32>
      %add3A_83 = vector.broadcast %mul3A_2 : i32 to vector<16xi32>
      %add3A_84 = arith.addi %select_n3A_82, %add3A_83 : vector<16xi32>
      %swap3A_85 = arith.constant 48 : index
      %swap3A_86 = tpu.vector_load %arg5[%swap3A_85] {strides = array<i32>} : memref<128xi32, #tpu.memory_space<vmem>>, vector<16xi32>,
      %swap3A_87 = vector.shape_cast %swap3A_86 : vector<16xi32> to vector<16xi32>
      %swap3A_88 = vector.shape_cast %add3A_84 : vector<16xi32> to vector<16xi32>
      tpu.vector_store %arg5[%swap3A_85], %swap3A_88 {strides = array<i32>} : memref<128xi32, #tpu.memory_space<vmem>>, vector<16xi32>,
      %get3A_89 = arith.constant 64 : index
      %get3A_90 = tpu.vector_load %arg6[%get3A_89] {strides = array<i32>} : memref<128xi32, #tpu.memory_space<vmem>>, vector<16xi32>,
      %get3A_91 = vector.shape_cast %get3A_90 : vector<16xi32> to vector<16xi32>
      %lt3A_92 = arith.constant 10000 : i32
      %lt3A_93 = vector.broadcast %lt3A_92 : i32 to vector<16xi32>
      %lt3A_94 = arith.cmpi slt, %get3A_91, %lt3A_93 : vector<16xi32>
      %jit3A_95 = arith.constant 0 : i32
      %broadcast_in_dim3A_96 = vector.broadcast %jit3A_95 : i32 to vector<16xi32>
      %select_n3A_97 = arith.select %lt3A_94, %get3A_91, %broadcast_in_dim3A_96 : vector<16xi1>, vector<16xi32>
      %add3A_98 = vector.broadcast %mul3A_2 : i32 to vector<16xi32>
      %add3A_99 = arith.addi %select_n3A_97, %add3A_98 : vector<16xi32>
      %swap3A_100 = arith.constant 64 : index
      %swap3A_101 = tpu.vector_load %arg5[%swap3A_100] {strides = array<i32>} : memref<128xi32, #tpu.memory_space<vmem>>, vector<16xi32>,
      %swap3A_102 = vector.shape_cast %swap3A_101 : vector<16xi32> to vector<16xi32>
      %swap3A_103 = vector.shape_cast %add3A_99 : vector<16xi32> to vector<16xi32>
      tpu.vector_store %arg5[%swap3A_100], %swap3A_103 {strides = array<i32>} : memref<128xi32, #tpu.memory_space<vmem>>, vector<16xi32>,
      %get3A_104 = arith.constant 80 : index
      %get3A_105 = tpu.vector_load %arg6[%get3A_104] {strides = array<i32>} : memref<128xi32, #tpu.memory_space<vmem>>, vector<16xi32>,
      %get3A_106 = vector.shape_cast %get3A_105 : vector<16xi32> to vector<16xi32>
      %lt3A_107 = arith.constant 10000 : i32
      %lt3A_108 = vector.broadcast %lt3A_107 : i32 to vector<16xi32>
      %lt3A_109 = arith.cmpi slt, %get3A_106, %lt3A_108 : vector<16xi32>
      %jit3A_110 = arith.constant 0 : i32
      %broadcast_in_dim3A_111 = vector.broadcast %jit3A_110 : i32 to vector<16xi32>
      %select_n3A_112 = arith.select %lt3A_109, %get3A_106, %broadcast_in_dim3A_111 : vector<16xi1>, vector<16xi32>
      %add3A_113 = vector.broadcast %mul3A_2 : i32 to vector<16xi32>
      %add3A_114 = arith.addi %select_n3A_112, %add3A_113 : vector<16xi32>
      %swap3A_115 = arith.constant 80 : index
      %swap3A_116 = tpu.vector_load %arg5[%swap3A_115] {strides = array<i32>} : memref<128xi32, #tpu.memory_space<vmem>>, vector<16xi32>,
      %swap3A_117 = vector.shape_cast %swap3A_116 : vector<16xi32> to vector<16xi32>
      %swap3A_118 = vector.shape_cast %add3A_114 : vector<16xi32> to vector<16xi32>
      tpu.vector_store %arg5[%swap3A_115], %swap3A_118 {strides = array<i32>} : memref<128xi32, #tpu.memory_space<vmem>>, vector<16xi32>,
      %get3A_119 = arith.constant 96 : index
      %get3A_120 = tpu.vector_load %arg6[%get3A_119] {strides = array<i32>} : memref<128xi32, #tpu.memory_space<vmem>>, vector<16xi32>,
      %get3A_121 = vector.shape_cast %get3A_120 : vector<16xi32> to vector<16xi32>
      %lt3A_122 = arith.constant 10000 : i32
      %lt3A_123 = vector.broadcast %lt3A_122 : i32 to vector<16xi32>
      %lt3A_124 = arith.cmpi slt, %get3A_121, %lt3A_123 : vector<16xi32>
      %jit3A_125 = arith.constant 0 : i32
      %broadcast_in_dim3A_126 = vector.broadcast %jit3A_125 : i32 to vector<16xi32>
      %select_n3A_127 = arith.select %lt3A_124, %get3A_121, %broadcast_in_dim3A_126 : vector<16xi1>, vector<16xi32>
      %add3A_128 = vector.broadcast %mul3A_2 : i32 to vector<16xi32>
      %add3A_129 = arith.addi %select_n3A_127, %add3A_128 : vector<16xi32>
      %swap3A_130 = arith.constant 96 : index
      %swap3A_131 = tpu.vector_load %arg5[%swap3A_130] {strides = array<i32>} : memref<128xi32, #tpu.memory_space<vmem>>, vector<16xi32>,
      %swap3A_132 = vector.shape_cast %swap3A_131 : vector<16xi32> to vector<16xi32>
      %swap3A_133 = vector.shape_cast %add3A_129 : vector<16xi32> to vector<16xi32>
      tpu.vector_store %arg5[%swap3A_130], %swap3A_133 {strides = array<i32>} : memref<128xi32, #tpu.memory_space<vmem>>, vector<16xi32>,
      %get3A_134 = arith.constant 112 : index
      %get3A_135 = tpu.vector_load %arg6[%get3A_134] {strides = array<i32>} : memref<128xi32, #tpu.memory_space<vmem>>, vector<16xi32>,
      %get3A_136 = vector.shape_cast %get3A_135 : vector<16xi32> to vector<16xi32>
      %lt3A_137 = arith.constant 10000 : i32
      %lt3A_138 = vector.broadcast %lt3A_137 : i32 to vector<16xi32>
      %lt3A_139 = arith.cmpi slt, %get3A_136, %lt3A_138 : vector<16xi32>
      %jit3A_140 = arith.constant 0 : i32
      %broadcast_in_dim3A_141 = vector.broadcast %jit3A_140 : i32 to vector<16xi32>
      %select_n3A_142 = arith.select %lt3A_139, %get3A_136, %broadcast_in_dim3A_141 : vector<16xi1>, vector<16xi32>
      %add3A_143 = vector.broadcast %mul3A_2 : i32 to vector<16xi32>
      %add3A_144 = arith.addi %select_n3A_142, %add3A_143 : vector<16xi32>
      %swap3A_145 = arith.constant 112 : index
      %swap3A_146 = tpu.vector_load %arg5[%swap3A_145] {strides = array<i32>} : memref<128xi32, #tpu.memory_space<vmem>>, vector<16xi32>,
      %swap3A_147 = vector.shape_cast %swap3A_146 : vector<16xi32> to vector<16xi32>
      %swap3A_148 = vector.shape_cast %add3A_144 : vector<16xi32> to vector<16xi32>
      tpu.vector_store %arg5[%swap3A_145], %swap3A_148 {strides = array<i32>} : memref<128xi32, #tpu.memory_space<vmem>>, vector<16xi32>,
      %dma_start3A = arith.constant 0 : i32
      %dma_start3A_149 = arith.constant 0 : i32
      %dma_start3A_150 = tpu.memref_slice %arg3[%dma_start3A, %dma_start3A_149] : memref<20000x128xf32, #tpu.memory_space<hbm>> -> memref<20000x128xf32, #tpu.memory_space<hbm>>
      tpu.enqueue_indirect_dma source(%dma_start3A_150 : memref<20000x128xf32, #tpu.memory_space<hbm>>) target(%arg7 : memref<128x128xf32, #tpu.memory_space<vmem>>) offsets(%arg5 : memref<128xi32, #tpu.memory_space<vmem>>) semaphore(%arg10 : memref<!tpu.dma_semaphore, #tpu.memory_space<semaphore_mem>>)
      %dma_wait3A = arith.constant 0 : i32
      %dma_wait3A_151 = arith.constant 0 : i32
      %dma_wait3A_152 = tpu.memref_slice %arg3[%dma_wait3A, %dma_wait3A_151] : memref<20000x128xf32, #tpu.memory_space<hbm>> -> memref<20000x128xf32, #tpu.memory_space<hbm>>
      tpu.wait_indirect_dma semaphore(%arg10 : memref<!tpu.dma_semaphore, #tpu.memory_space<semaphore_mem>>) src(%dma_wait3A_152 : memref<20000x128xf32, #tpu.memory_space<hbm>>) dst(%arg7 : memref<128x128xf32, #tpu.memory_space<vmem>>)
      %scan3A_153 = arith.constant 0 : i32
      %scan3A_154 = arith.constant 0 : i32
      %scan3A_155 = arith.constant 32 : i32
      %scan3A_156 = arith.addi %scan3A_154, %scan3A_155 : i32
      %scan3A_157 = arith.constant 1 : i32
      scf.for %scan3A_159 = %scan3A_154 to %scan3A_156 step %scan3A_157  : i32 {
        %mul3A_160 = arith.constant 4 : i32
        %mul3A_161 = arith.muli %mul3A_160, %scan3A_159 : i32
        %get3A_162 = arith.index_cast %mul3A_161 : i32 to index
        %get3A_163 = arith.constant 0 : index
        %get3A_164 = tpu.vector_load %arg7[%get3A_162, %get3A_163] {strides = array<i32>} : memref<128x128xf32, #tpu.memory_space<vmem>>, vector<1x16xf32>,
        %get3A_165 = vector.shape_cast %get3A_164 : vector<1x16xf32> to vector<16xf32>
        %add3A_166 = arith.constant 1 : i32
        %add3A_167 = arith.addi %mul3A_161, %add3A_166 : i32
        %get3A_168 = arith.index_cast %add3A_167 : i32 to index
        %get3A_169 = arith.constant 0 : index
        %get3A_170 = tpu.vector_load %arg7[%get3A_168, %get3A_169] {strides = array<i32>} : memref<128x128xf32, #tpu.memory_space<vmem>>, vector<1x16xf32>,
        %get3A_171 = vector.shape_cast %get3A_170 : vector<1x16xf32> to vector<16xf32>
        %add3A_172 = arith.constant 2 : i32
        %add3A_173 = arith.addi %mul3A_161, %add3A_172 : i32
        %get3A_174 = arith.index_cast %add3A_173 : i32 to index
        %get3A_175 = arith.constant 0 : index
        %get3A_176 = tpu.vector_load %arg7[%get3A_174, %get3A_175] {strides = array<i32>} : memref<128x128xf32, #tpu.memory_space<vmem>>, vector<1x16xf32>,
        %get3A_177 = vector.shape_cast %get3A_176 : vector<1x16xf32> to vector<16xf32>
        %add3A_178 = arith.constant 3 : i32
        %add3A_179 = arith.addi %mul3A_161, %add3A_178 : i32
        %get3A_180 = arith.index_cast %add3A_179 : i32 to index
        %get3A_181 = arith.constant 0 : index
        %get3A_182 = tpu.vector_load %arg7[%get3A_180, %get3A_181] {strides = array<i32>} : memref<128x128xf32, #tpu.memory_space<vmem>>, vector<1x16xf32>,
        %get3A_183 = vector.shape_cast %get3A_182 : vector<1x16xf32> to vector<16xf32>
        %add3A_184 = arith.addf %get3A_165, %get3A_171 : vector<16xf32>
        %add3A_185 = arith.addf %get3A_177, %get3A_183 : vector<16xf32>
        %add3A_186 = arith.addf %add3A_184, %add3A_185 : vector<16xf32>
        %sub3A = arith.subf %add3A_186, %get3A_165 : vector<16xf32>
        %swap3A_187 = arith.index_cast %mul3A_161 : i32 to index
        %swap3A_188 = arith.constant 0 : index
        %swap3A_189 = tpu.vector_load %arg8[%swap3A_187, %swap3A_188] {strides = array<i32>} : memref<128x128xf32, #tpu.memory_space<vmem>>, vector<1x16xf32>,
        %swap3A_190 = vector.shape_cast %swap3A_189 : vector<1x16xf32> to vector<16xf32>
        %swap3A_191 = vector.shape_cast %sub3A : vector<16xf32> to vector<1x16xf32>
        tpu.vector_store %arg8[%swap3A_187, %swap3A_188], %swap3A_191 {strides = array<i32>} : memref<128x128xf32, #tpu.memory_space<vmem>>, vector<1x16xf32>,
        %sub3A_192 = arith.subf %add3A_186, %get3A_171 : vector<16xf32>
        %add3A_193 = arith.constant 1 : i32
        %add3A_194 = arith.addi %mul3A_161, %add3A_193 : i32
        %swap3A_195 = arith.index_cast %add3A_194 : i32 to index
        %swap3A_196 = arith.constant 0 : index
        %swap3A_197 = tpu.vector_load %arg8[%swap3A_195, %swap3A_196] {strides = array<i32>} : memref<128x128xf32, #tpu.memory_space<vmem>>, vector<1x16xf32>,
        %swap3A_198 = vector.shape_cast %swap3A_197 : vector<1x16xf32> to vector<16xf32>
        %swap3A_199 = vector.shape_cast %sub3A_192 : vector<16xf32> to vector<1x16xf32>
        tpu.vector_store %arg8[%swap3A_195, %swap3A_196], %swap3A_199 {strides = array<i32>} : memref<128x128xf32, #tpu.memory_space<vmem>>, vector<1x16xf32>,
        %sub3A_200 = arith.subf %add3A_186, %get3A_177 : vector<16xf32>
        %add3A_201 = arith.constant 2 : i32
        %add3A_202 = arith.addi %mul3A_161, %add3A_201 : i32
        %swap3A_203 = arith.index_cast %add3A_202 : i32 to index
        %swap3A_204 = arith.constant 0 : index
        %swap3A_205 = tpu.vector_load %arg8[%swap3A_203, %swap3A_204] {strides = array<i32>} : memref<128x128xf32, #tpu.memory_space<vmem>>, vector<1x16xf32>,
        %swap3A_206 = vector.shape_cast %swap3A_205 : vector<1x16xf32> to vector<16xf32>
        %swap3A_207 = vector.shape_cast %sub3A_200 : vector<16xf32> to vector<1x16xf32>
        tpu.vector_store %arg8[%swap3A_203, %swap3A_204], %swap3A_207 {strides = array<i32>} : memref<128x128xf32, #tpu.memory_space<vmem>>, vector<1x16xf32>,
        %sub3A_208 = arith.subf %add3A_186, %get3A_183 : vector<16xf32>
        %add3A_209 = arith.constant 3 : i32
        %add3A_210 = arith.addi %mul3A_161, %add3A_209 : i32
        %swap3A_211 = arith.index_cast %add3A_210 : i32 to index
        %swap3A_212 = arith.constant 0 : index
        %swap3A_213 = tpu.vector_load %arg8[%swap3A_211, %swap3A_212] {strides = array<i32>} : memref<128x128xf32, #tpu.memory_space<vmem>>, vector<1x16xf32>,
        %swap3A_214 = vector.shape_cast %swap3A_213 : vector<1x16xf32> to vector<16xf32>
        %swap3A_215 = vector.shape_cast %sub3A_208 : vector<16xf32> to vector<1x16xf32>
        tpu.vector_store %arg8[%swap3A_211, %swap3A_212], %swap3A_215 {strides = array<i32>} : memref<128x128xf32, #tpu.memory_space<vmem>>, vector<1x16xf32>,
        %get3A_216 = arith.index_cast %mul3A_161 : i32 to index
        %get3A_217 = arith.constant 16 : index
        %get3A_218 = tpu.vector_load %arg7[%get3A_216, %get3A_217] {strides = array<i32>} : memref<128x128xf32, #tpu.memory_space<vmem>>, vector<1x16xf32>,
        %get3A_219 = vector.shape_cast %get3A_218 : vector<1x16xf32> to vector<16xf32>
        %add3A_220 = arith.constant 1 : i32
        %add3A_221 = arith.addi %mul3A_161, %add3A_220 : i32
        %get3A_222 = arith.index_cast %add3A_221 : i32 to index
        %get3A_223 = arith.constant 16 : index
        %get3A_224 = tpu.vector_load %arg7[%get3A_222, %get3A_223] {strides = array<i32>} : memref<128x128xf32, #tpu.memory_space<vmem>>, vector<1x16xf32>,
        %get3A_225 = vector.shape_cast %get3A_224 : vector<1x16xf32> to vector<16xf32>
        %add3A_226 = arith.constant 2 : i32
        %add3A_227 = arith.addi %mul3A_161, %add3A_226 : i32
        %get3A_228 = arith.index_cast %add3A_227 : i32 to index
        %get3A_229 = arith.constant 16 : index
        %get3A_230 = tpu.vector_load %arg7[%get3A_228, %get3A_229] {strides = array<i32>} : memref<128x128xf32, #tpu.memory_space<vmem>>, vector<1x16xf32>,
        %get3A_231 = vector.shape_cast %get3A_230 : vector<1x16xf32> to vector<16xf32>
        %add3A_232 = arith.constant 3 : i32
        %add3A_233 = arith.addi %mul3A_161, %add3A_232 : i32
        %get3A_234 = arith.index_cast %add3A_233 : i32 to index
        %get3A_235 = arith.constant 16 : index
        %get3A_236 = tpu.vector_load %arg7[%get3A_234, %get3A_235] {strides = array<i32>} : memref<128x128xf32, #tpu.memory_space<vmem>>, vector<1x16xf32>,
        %get3A_237 = vector.shape_cast %get3A_236 : vector<1x16xf32> to vector<16xf32>
        %add3A_238 = arith.addf %get3A_219, %get3A_225 : vector<16xf32>
        %add3A_239 = arith.addf %get3A_231, %get3A_237 : vector<16xf32>
        %add3A_240 = arith.addf %add3A_238, %add3A_239 : vector<16xf32>
        %sub3A_241 = arith.subf %add3A_240, %get3A_219 : vector<16xf32>
        %swap3A_242 = arith.index_cast %mul3A_161 : i32 to index
        %swap3A_243 = arith.constant 16 : index
        %swap3A_244 = tpu.vector_load %arg8[%swap3A_242, %swap3A_243] {strides = array<i32>} : memref<128x128xf32, #tpu.memory_space<vmem>>, vector<1x16xf32>,
        %swap3A_245 = vector.shape_cast %swap3A_244 : vector<1x16xf32> to vector<16xf32>
        %swap3A_246 = vector.shape_cast %sub3A_241 : vector<16xf32> to vector<1x16xf32>
        tpu.vector_store %arg8[%swap3A_242, %swap3A_243], %swap3A_246 {strides = array<i32>} : memref<128x128xf32, #tpu.memory_space<vmem>>, vector<1x16xf32>,
        %sub3A_247 = arith.subf %add3A_240, %get3A_225 : vector<16xf32>
        %add3A_248 = arith.constant 1 : i32
        %add3A_249 = arith.addi %mul3A_161, %add3A_248 : i32
        %swap3A_250 = arith.index_cast %add3A_249 : i32 to index
        %swap3A_251 = arith.constant 16 : index
        %swap3A_252 = tpu.vector_load %arg8[%swap3A_250, %swap3A_251] {strides = array<i32>} : memref<128x128xf32, #tpu.memory_space<vmem>>, vector<1x16xf32>,
        %swap3A_253 = vector.shape_cast %swap3A_252 : vector<1x16xf32> to vector<16xf32>
        %swap3A_254 = vector.shape_cast %sub3A_247 : vector<16xf32> to vector<1x16xf32>
        tpu.vector_store %arg8[%swap3A_250, %swap3A_251], %swap3A_254 {strides = array<i32>} : memref<128x128xf32, #tpu.memory_space<vmem>>, vector<1x16xf32>,
        %sub3A_255 = arith.subf %add3A_240, %get3A_231 : vector<16xf32>
        %add3A_256 = arith.constant 2 : i32
        %add3A_257 = arith.addi %mul3A_161, %add3A_256 : i32
        %swap3A_258 = arith.index_cast %add3A_257 : i32 to index
        %swap3A_259 = arith.constant 16 : index
        %swap3A_260 = tpu.vector_load %arg8[%swap3A_258, %swap3A_259] {strides = array<i32>} : memref<128x128xf32, #tpu.memory_space<vmem>>, vector<1x16xf32>,
        %swap3A_261 = vector.shape_cast %swap3A_260 : vector<1x16xf32> to vector<16xf32>
        %swap3A_262 = vector.shape_cast %sub3A_255 : vector<16xf32> to vector<1x16xf32>
        tpu.vector_store %arg8[%swap3A_258, %swap3A_259], %swap3A_262 {strides = array<i32>} : memref<128x128xf32, #tpu.memory_space<vmem>>, vector<1x16xf32>,
        %sub3A_263 = arith.subf %add3A_240, %get3A_237 : vector<16xf32>
        %add3A_264 = arith.constant 3 : i32
        %add3A_265 = arith.addi %mul3A_161, %add3A_264 : i32
        %swap3A_266 = arith.index_cast %add3A_265 : i32 to index
        %swap3A_267 = arith.constant 16 : index
        %swap3A_268 = tpu.vector_load %arg8[%swap3A_266, %swap3A_267] {strides = array<i32>} : memref<128x128xf32, #tpu.memory_space<vmem>>, vector<1x16xf32>,
        %swap3A_269 = vector.shape_cast %swap3A_268 : vector<1x16xf32> to vector<16xf32>
        %swap3A_270 = vector.shape_cast %sub3A_263 : vector<16xf32> to vector<1x16xf32>
        tpu.vector_store %arg8[%swap3A_266, %swap3A_267], %swap3A_270 {strides = array<i32>} : memref<128x128xf32, #tpu.memory_space<vmem>>, vector<1x16xf32>,
        %get3A_271 = arith.index_cast %mul3A_161 : i32 to index
        %get3A_272 = arith.constant 32 : index
        %get3A_273 = tpu.vector_load %arg7[%get3A_271, %get3A_272] {strides = array<i32>} : memref<128x128xf32, #tpu.memory_space<vmem>>, vector<1x16xf32>,
        %get3A_274 = vector.shape_cast %get3A_273 : vector<1x16xf32> to vector<16xf32>
        %add3A_275 = arith.constant 1 : i32
        %add3A_276 = arith.addi %mul3A_161, %add3A_275 : i32
        %get3A_277 = arith.index_cast %add3A_276 : i32 to index
        %get3A_278 = arith.constant 32 : index
        %get3A_279 = tpu.vector_load %arg7[%get3A_277, %get3A_278] {strides = array<i32>} : memref<128x128xf32, #tpu.memory_space<vmem>>, vector<1x16xf32>,
        %get3A_280 = vector.shape_cast %get3A_279 : vector<1x16xf32> to vector<16xf32>
        %add3A_281 = arith.constant 2 : i32
        %add3A_282 = arith.addi %mul3A_161, %add3A_281 : i32
        %get3A_283 = arith.index_cast %add3A_282 : i32 to index
        %get3A_284 = arith.constant 32 : index
        %get3A_285 = tpu.vector_load %arg7[%get3A_283, %get3A_284] {strides = array<i32>} : memref<128x128xf32, #tpu.memory_space<vmem>>, vector<1x16xf32>,
        %get3A_286 = vector.shape_cast %get3A_285 : vector<1x16xf32> to vector<16xf32>
        %add3A_287 = arith.constant 3 : i32
        %add3A_288 = arith.addi %mul3A_161, %add3A_287 : i32
        %get3A_289 = arith.index_cast %add3A_288 : i32 to index
        %get3A_290 = arith.constant 32 : index
        %get3A_291 = tpu.vector_load %arg7[%get3A_289, %get3A_290] {strides = array<i32>} : memref<128x128xf32, #tpu.memory_space<vmem>>, vector<1x16xf32>,
        %get3A_292 = vector.shape_cast %get3A_291 : vector<1x16xf32> to vector<16xf32>
        %add3A_293 = arith.addf %get3A_274, %get3A_280 : vector<16xf32>
        %add3A_294 = arith.addf %get3A_286, %get3A_292 : vector<16xf32>
        %add3A_295 = arith.addf %add3A_293, %add3A_294 : vector<16xf32>
        %sub3A_296 = arith.subf %add3A_295, %get3A_274 : vector<16xf32>
        %swap3A_297 = arith.index_cast %mul3A_161 : i32 to index
        %swap3A_298 = arith.constant 32 : index
        %swap3A_299 = tpu.vector_load %arg8[%swap3A_297, %swap3A_298] {strides = array<i32>} : memref<128x128xf32, #tpu.memory_space<vmem>>, vector<1x16xf32>,
        %swap3A_300 = vector.shape_cast %swap3A_299 : vector<1x16xf32> to vector<16xf32>
        %swap3A_301 = vector.shape_cast %sub3A_296 : vector<16xf32> to vector<1x16xf32>
        tpu.vector_store %arg8[%swap3A_297, %swap3A_298], %swap3A_301 {strides = array<i32>} : memref<128x128xf32, #tpu.memory_space<vmem>>, vector<1x16xf32>,
        %sub3A_302 = arith.subf %add3A_295, %get3A_280 : vector<16xf32>
        %add3A_303 = arith.constant 1 : i32
        %add3A_304 = arith.addi %mul3A_161, %add3A_303 : i32
        %swap3A_305 = arith.index_cast %add3A_304 : i32 to index
        %swap3A_306 = arith.constant 32 : index
        %swap3A_307 = tpu.vector_load %arg8[%swap3A_305, %swap3A_306] {strides = array<i32>} : memref<128x128xf32, #tpu.memory_space<vmem>>, vector<1x16xf32>,
        %swap3A_308 = vector.shape_cast %swap3A_307 : vector<1x16xf32> to vector<16xf32>
        %swap3A_309 = vector.shape_cast %sub3A_302 : vector<16xf32> to vector<1x16xf32>
        tpu.vector_store %arg8[%swap3A_305, %swap3A_306], %swap3A_309 {strides = array<i32>} : memref<128x128xf32, #tpu.memory_space<vmem>>, vector<1x16xf32>,
        %sub3A_310 = arith.subf %add3A_295, %get3A_286 : vector<16xf32>
        %add3A_311 = arith.constant 2 : i32
        %add3A_312 = arith.addi %mul3A_161, %add3A_311 : i32
        %swap3A_313 = arith.index_cast %add3A_312 : i32 to index
        %swap3A_314 = arith.constant 32 : index
        %swap3A_315 = tpu.vector_load %arg8[%swap3A_313, %swap3A_314] {strides = array<i32>} : memref<128x128xf32, #tpu.memory_space<vmem>>, vector<1x16xf32>,
        %swap3A_316 = vector.shape_cast %swap3A_315 : vector<1x16xf32> to vector<16xf32>
        %swap3A_317 = vector.shape_cast %sub3A_310 : vector<16xf32> to vector<1x16xf32>
        tpu.vector_store %arg8[%swap3A_313, %swap3A_314], %swap3A_317 {strides = array<i32>} : memref<128x128xf32, #tpu.memory_space<vmem>>, vector<1x16xf32>,
        %sub3A_318 = arith.subf %add3A_295, %get3A_292 : vector<16xf32>
        %add3A_319 = arith.constant 3 : i32
        %add3A_320 = arith.addi %mul3A_161, %add3A_319 : i32
        %swap3A_321 = arith.index_cast %add3A_320 : i32 to index
        %swap3A_322 = arith.constant 32 : index
        %swap3A_323 = tpu.vector_load %arg8[%swap3A_321, %swap3A_322] {strides = array<i32>} : memref<128x128xf32, #tpu.memory_space<vmem>>, vector<1x16xf32>,
        %swap3A_324 = vector.shape_cast %swap3A_323 : vector<1x16xf32> to vector<16xf32>
        %swap3A_325 = vector.shape_cast %sub3A_318 : vector<16xf32> to vector<1x16xf32>
        tpu.vector_store %arg8[%swap3A_321, %swap3A_322], %swap3A_325 {strides = array<i32>} : memref<128x128xf32, #tpu.memory_space<vmem>>, vector<1x16xf32>,
        %get3A_326 = arith.index_cast %mul3A_161 : i32 to index
        %get3A_327 = arith.constant 48 : index
        %get3A_328 = tpu.vector_load %arg7[%get3A_326, %get3A_327] {strides = array<i32>} : memref<128x128xf32, #tpu.memory_space<vmem>>, vector<1x16xf32>,
        %get3A_329 = vector.shape_cast %get3A_328 : vector<1x16xf32> to vector<16xf32>
        %add3A_330 = arith.constant 1 : i32
        %add3A_331 = arith.addi %mul3A_161, %add3A_330 : i32
        %get3A_332 = arith.index_cast %add3A_331 : i32 to index
        %get3A_333 = arith.constant 48 : index
        %get3A_334 = tpu.vector_load %arg7[%get3A_332, %get3A_333] {strides = array<i32>} : memref<128x128xf32, #tpu.memory_space<vmem>>, vector<1x16xf32>,
        %get3A_335 = vector.shape_cast %get3A_334 : vector<1x16xf32> to vector<16xf32>
        %add3A_336 = arith.constant 2 : i32
        %add3A_337 = arith.addi %mul3A_161, %add3A_336 : i32
        %get3A_338 = arith.index_cast %add3A_337 : i32 to index
        %get3A_339 = arith.constant 48 : index
        %get3A_340 = tpu.vector_load %arg7[%get3A_338, %get3A_339] {strides = array<i32>} : memref<128x128xf32, #tpu.memory_space<vmem>>, vector<1x16xf32>,
        %get3A_341 = vector.shape_cast %get3A_340 : vector<1x16xf32> to vector<16xf32>
        %add3A_342 = arith.constant 3 : i32
        %add3A_343 = arith.addi %mul3A_161, %add3A_342 : i32
        %get3A_344 = arith.index_cast %add3A_343 : i32 to index
        %get3A_345 = arith.constant 48 : index
        %get3A_346 = tpu.vector_load %arg7[%get3A_344, %get3A_345] {strides = array<i32>} : memref<128x128xf32, #tpu.memory_space<vmem>>, vector<1x16xf32>,
        %get3A_347 = vector.shape_cast %get3A_346 : vector<1x16xf32> to vector<16xf32>
        %add3A_348 = arith.addf %get3A_329, %get3A_335 : vector<16xf32>
        %add3A_349 = arith.addf %get3A_341, %get3A_347 : vector<16xf32>
        %add3A_350 = arith.addf %add3A_348, %add3A_349 : vector<16xf32>
        %sub3A_351 = arith.subf %add3A_350, %get3A_329 : vector<16xf32>
        %swap3A_352 = arith.index_cast %mul3A_161 : i32 to index
        %swap3A_353 = arith.constant 48 : index
        %swap3A_354 = tpu.vector_load %arg8[%swap3A_352, %swap3A_353] {strides = array<i32>} : memref<128x128xf32, #tpu.memory_space<vmem>>, vector<1x16xf32>,
        %swap3A_355 = vector.shape_cast %swap3A_354 : vector<1x16xf32> to vector<16xf32>
        %swap3A_356 = vector.shape_cast %sub3A_351 : vector<16xf32> to vector<1x16xf32>
        tpu.vector_store %arg8[%swap3A_352, %swap3A_353], %swap3A_356 {strides = array<i32>} : memref<128x128xf32, #tpu.memory_space<vmem>>, vector<1x16xf32>,
        %sub3A_357 = arith.subf %add3A_350, %get3A_335 : vector<16xf32>
        %add3A_358 = arith.constant 1 : i32
        %add3A_359 = arith.addi %mul3A_161, %add3A_358 : i32
        %swap3A_360 = arith.index_cast %add3A_359 : i32 to index
        %swap3A_361 = arith.constant 48 : index
        %swap3A_362 = tpu.vector_load %arg8[%swap3A_360, %swap3A_361] {strides = array<i32>} : memref<128x128xf32, #tpu.memory_space<vmem>>, vector<1x16xf32>,
        %swap3A_363 = vector.shape_cast %swap3A_362 : vector<1x16xf32> to vector<16xf32>
        %swap3A_364 = vector.shape_cast %sub3A_357 : vector<16xf32> to vector<1x16xf32>
        tpu.vector_store %arg8[%swap3A_360, %swap3A_361], %swap3A_364 {strides = array<i32>} : memref<128x128xf32, #tpu.memory_space<vmem>>, vector<1x16xf32>,
        %sub3A_365 = arith.subf %add3A_350, %get3A_341 : vector<16xf32>
        %add3A_366 = arith.constant 2 : i32
        %add3A_367 = arith.addi %mul3A_161, %add3A_366 : i32
        %swap3A_368 = arith.index_cast %add3A_367 : i32 to index
        %swap3A_369 = arith.constant 48 : index
        %swap3A_370 = tpu.vector_load %arg8[%swap3A_368, %swap3A_369] {strides = array<i32>} : memref<128x128xf32, #tpu.memory_space<vmem>>, vector<1x16xf32>,
        %swap3A_371 = vector.shape_cast %swap3A_370 : vector<1x16xf32> to vector<16xf32>
        %swap3A_372 = vector.shape_cast %sub3A_365 : vector<16xf32> to vector<1x16xf32>
        tpu.vector_store %arg8[%swap3A_368, %swap3A_369], %swap3A_372 {strides = array<i32>} : memref<128x128xf32, #tpu.memory_space<vmem>>, vector<1x16xf32>,
        %sub3A_373 = arith.subf %add3A_350, %get3A_347 : vector<16xf32>
        %add3A_374 = arith.constant 3 : i32
        %add3A_375 = arith.addi %mul3A_161, %add3A_374 : i32
        %swap3A_376 = arith.index_cast %add3A_375 : i32 to index
        %swap3A_377 = arith.constant 48 : index
        %swap3A_378 = tpu.vector_load %arg8[%swap3A_376, %swap3A_377] {strides = array<i32>} : memref<128x128xf32, #tpu.memory_space<vmem>>, vector<1x16xf32>,
        %swap3A_379 = vector.shape_cast %swap3A_378 : vector<1x16xf32> to vector<16xf32>
        %swap3A_380 = vector.shape_cast %sub3A_373 : vector<16xf32> to vector<1x16xf32>
        tpu.vector_store %arg8[%swap3A_376, %swap3A_377], %swap3A_380 {strides = array<i32>} : memref<128x128xf32, #tpu.memory_space<vmem>>, vector<1x16xf32>,
        %get3A_381 = arith.index_cast %mul3A_161 : i32 to index
        %get3A_382 = arith.constant 64 : index
        %get3A_383 = tpu.vector_load %arg7[%get3A_381, %get3A_382] {strides = array<i32>} : memref<128x128xf32, #tpu.memory_space<vmem>>, vector<1x16xf32>,
        %get3A_384 = vector.shape_cast %get3A_383 : vector<1x16xf32> to vector<16xf32>
        %add3A_385 = arith.constant 1 : i32
        %add3A_386 = arith.addi %mul3A_161, %add3A_385 : i32
        %get3A_387 = arith.index_cast %add3A_386 : i32 to index
        %get3A_388 = arith.constant 64 : index
        %get3A_389 = tpu.vector_load %arg7[%get3A_387, %get3A_388] {strides = array<i32>} : memref<128x128xf32, #tpu.memory_space<vmem>>, vector<1x16xf32>,
        %get3A_390 = vector.shape_cast %get3A_389 : vector<1x16xf32> to vector<16xf32>
        %add3A_391 = arith.constant 2 : i32
        %add3A_392 = arith.addi %mul3A_161, %add3A_391 : i32
        %get3A_393 = arith.index_cast %add3A_392 : i32 to index
        %get3A_394 = arith.constant 64 : index
        %get3A_395 = tpu.vector_load %arg7[%get3A_393, %get3A_394] {strides = array<i32>} : memref<128x128xf32, #tpu.memory_space<vmem>>, vector<1x16xf32>,
        %get3A_396 = vector.shape_cast %get3A_395 : vector<1x16xf32> to vector<16xf32>
        %add3A_397 = arith.constant 3 : i32
        %add3A_398 = arith.addi %mul3A_161, %add3A_397 : i32
        %get3A_399 = arith.index_cast %add3A_398 : i32 to index
        %get3A_400 = arith.constant 64 : index
        %get3A_401 = tpu.vector_load %arg7[%get3A_399, %get3A_400] {strides = array<i32>} : memref<128x128xf32, #tpu.memory_space<vmem>>, vector<1x16xf32>,
        %get3A_402 = vector.shape_cast %get3A_401 : vector<1x16xf32> to vector<16xf32>
        %add3A_403 = arith.addf %get3A_384, %get3A_390 : vector<16xf32>
        %add3A_404 = arith.addf %get3A_396, %get3A_402 : vector<16xf32>
        %add3A_405 = arith.addf %add3A_403, %add3A_404 : vector<16xf32>
        %sub3A_406 = arith.subf %add3A_405, %get3A_384 : vector<16xf32>
        %swap3A_407 = arith.index_cast %mul3A_161 : i32 to index
        %swap3A_408 = arith.constant 64 : index
        %swap3A_409 = tpu.vector_load %arg8[%swap3A_407, %swap3A_408] {strides = array<i32>} : memref<128x128xf32, #tpu.memory_space<vmem>>, vector<1x16xf32>,
        %swap3A_410 = vector.shape_cast %swap3A_409 : vector<1x16xf32> to vector<16xf32>
        %swap3A_411 = vector.shape_cast %sub3A_406 : vector<16xf32> to vector<1x16xf32>
        tpu.vector_store %arg8[%swap3A_407, %swap3A_408], %swap3A_411 {strides = array<i32>} : memref<128x128xf32, #tpu.memory_space<vmem>>, vector<1x16xf32>,
        %sub3A_412 = arith.subf %add3A_405, %get3A_390 : vector<16xf32>
        %add3A_413 = arith.constant 1 : i32
        %add3A_414 = arith.addi %mul3A_161, %add3A_413 : i32
        %swap3A_415 = arith.index_cast %add3A_414 : i32 to index
        %swap3A_416 = arith.constant 64 : index
        %swap3A_417 = tpu.vector_load %arg8[%swap3A_415, %swap3A_416] {strides = array<i32>} : memref<128x128xf32, #tpu.memory_space<vmem>>, vector<1x16xf32>,
        %swap3A_418 = vector.shape_cast %swap3A_417 : vector<1x16xf32> to vector<16xf32>
        %swap3A_419 = vector.shape_cast %sub3A_412 : vector<16xf32> to vector<1x16xf32>
        tpu.vector_store %arg8[%swap3A_415, %swap3A_416], %swap3A_419 {strides = array<i32>} : memref<128x128xf32, #tpu.memory_space<vmem>>, vector<1x16xf32>,
        %sub3A_420 = arith.subf %add3A_405, %get3A_396 : vector<16xf32>
        %add3A_421 = arith.constant 2 : i32
        %add3A_422 = arith.addi %mul3A_161, %add3A_421 : i32
        %swap3A_423 = arith.index_cast %add3A_422 : i32 to index
        %swap3A_424 = arith.constant 64 : index
        %swap3A_425 = tpu.vector_load %arg8[%swap3A_423, %swap3A_424] {strides = array<i32>} : memref<128x128xf32, #tpu.memory_space<vmem>>, vector<1x16xf32>,
        %swap3A_426 = vector.shape_cast %swap3A_425 : vector<1x16xf32> to vector<16xf32>
        %swap3A_427 = vector.shape_cast %sub3A_420 : vector<16xf32> to vector<1x16xf32>
        tpu.vector_store %arg8[%swap3A_423, %swap3A_424], %swap3A_427 {strides = array<i32>} : memref<128x128xf32, #tpu.memory_space<vmem>>, vector<1x16xf32>,
        %sub3A_428 = arith.subf %add3A_405, %get3A_402 : vector<16xf32>
        %add3A_429 = arith.constant 3 : i32
        %add3A_430 = arith.addi %mul3A_161, %add3A_429 : i32
        %swap3A_431 = arith.index_cast %add3A_430 : i32 to index
        %swap3A_432 = arith.constant 64 : index
        %swap3A_433 = tpu.vector_load %arg8[%swap3A_431, %swap3A_432] {strides = array<i32>} : memref<128x128xf32, #tpu.memory_space<vmem>>, vector<1x16xf32>,
        %swap3A_434 = vector.shape_cast %swap3A_433 : vector<1x16xf32> to vector<16xf32>
        %swap3A_435 = vector.shape_cast %sub3A_428 : vector<16xf32> to vector<1x16xf32>
        tpu.vector_store %arg8[%swap3A_431, %swap3A_432], %swap3A_435 {strides = array<i32>} : memref<128x128xf32, #tpu.memory_space<vmem>>, vector<1x16xf32>,
        %get3A_436 = arith.index_cast %mul3A_161 : i32 to index
        %get3A_437 = arith.constant 80 : index
        %get3A_438 = tpu.vector_load %arg7[%get3A_436, %get3A_437] {strides = array<i32>} : memref<128x128xf32, #tpu.memory_space<vmem>>, vector<1x16xf32>,
        %get3A_439 = vector.shape_cast %get3A_438 : vector<1x16xf32> to vector<16xf32>
        %add3A_440 = arith.constant 1 : i32
        %add3A_441 = arith.addi %mul3A_161, %add3A_440 : i32
        %get3A_442 = arith.index_cast %add3A_441 : i32 to index
        %get3A_443 = arith.constant 80 : index
        %get3A_444 = tpu.vector_load %arg7[%get3A_442, %get3A_443] {strides = array<i32>} : memref<128x128xf32, #tpu.memory_space<vmem>>, vector<1x16xf32>,
        %get3A_445 = vector.shape_cast %get3A_444 : vector<1x16xf32> to vector<16xf32>
        %add3A_446 = arith.constant 2 : i32
        %add3A_447 = arith.addi %mul3A_161, %add3A_446 : i32
        %get3A_448 = arith.index_cast %add3A_447 : i32 to index
        %get3A_449 = arith.constant 80 : index
        %get3A_450 = tpu.vector_load %arg7[%get3A_448, %get3A_449] {strides = array<i32>} : memref<128x128xf32, #tpu.memory_space<vmem>>, vector<1x16xf32>,
        %get3A_451 = vector.shape_cast %get3A_450 : vector<1x16xf32> to vector<16xf32>
        %add3A_452 = arith.constant 3 : i32
        %add3A_453 = arith.addi %mul3A_161, %add3A_452 : i32
        %get3A_454 = arith.index_cast %add3A_453 : i32 to index
        %get3A_455 = arith.constant 80 : index
        %get3A_456 = tpu.vector_load %arg7[%get3A_454, %get3A_455] {strides = array<i32>} : memref<128x128xf32, #tpu.memory_space<vmem>>, vector<1x16xf32>,
        %get3A_457 = vector.shape_cast %get3A_456 : vector<1x16xf32> to vector<16xf32>
        %add3A_458 = arith.addf %get3A_439, %get3A_445 : vector<16xf32>
        %add3A_459 = arith.addf %get3A_451, %get3A_457 : vector<16xf32>
        %add3A_460 = arith.addf %add3A_458, %add3A_459 : vector<16xf32>
        %sub3A_461 = arith.subf %add3A_460, %get3A_439 : vector<16xf32>
        %swap3A_462 = arith.index_cast %mul3A_161 : i32 to index
        %swap3A_463 = arith.constant 80 : index
        %swap3A_464 = tpu.vector_load %arg8[%swap3A_462, %swap3A_463] {strides = array<i32>} : memref<128x128xf32, #tpu.memory_space<vmem>>, vector<1x16xf32>,
        %swap3A_465 = vector.shape_cast %swap3A_464 : vector<1x16xf32> to vector<16xf32>
        %swap3A_466 = vector.shape_cast %sub3A_461 : vector<16xf32> to vector<1x16xf32>
        tpu.vector_store %arg8[%swap3A_462, %swap3A_463], %swap3A_466 {strides = array<i32>} : memref<128x128xf32, #tpu.memory_space<vmem>>, vector<1x16xf32>,
        %sub3A_467 = arith.subf %add3A_460, %get3A_445 : vector<16xf32>
        %add3A_468 = arith.constant 1 : i32
        %add3A_469 = arith.addi %mul3A_161, %add3A_468 : i32
        %swap3A_470 = arith.index_cast %add3A_469 : i32 to index
        %swap3A_471 = arith.constant 80 : index
        %swap3A_472 = tpu.vector_load %arg8[%swap3A_470, %swap3A_471] {strides = array<i32>} : memref<128x128xf32, #tpu.memory_space<vmem>>, vector<1x16xf32>,
        %swap3A_473 = vector.shape_cast %swap3A_472 : vector<1x16xf32> to vector<16xf32>
        %swap3A_474 = vector.shape_cast %sub3A_467 : vector<16xf32> to vector<1x16xf32>
        tpu.vector_store %arg8[%swap3A_470, %swap3A_471], %swap3A_474 {strides = array<i32>} : memref<128x128xf32, #tpu.memory_space<vmem>>, vector<1x16xf32>,
        %sub3A_475 = arith.subf %add3A_460, %get3A_451 : vector<16xf32>
        %add3A_476 = arith.constant 2 : i32
        %add3A_477 = arith.addi %mul3A_161, %add3A_476 : i32
        %swap3A_478 = arith.index_cast %add3A_477 : i32 to index
        %swap3A_479 = arith.constant 80 : index
        %swap3A_480 = tpu.vector_load %arg8[%swap3A_478, %swap3A_479] {strides = array<i32>} : memref<128x128xf32, #tpu.memory_space<vmem>>, vector<1x16xf32>,
        %swap3A_481 = vector.shape_cast %swap3A_480 : vector<1x16xf32> to vector<16xf32>
        %swap3A_482 = vector.shape_cast %sub3A_475 : vector<16xf32> to vector<1x16xf32>
        tpu.vector_store %arg8[%swap3A_478, %swap3A_479], %swap3A_482 {strides = array<i32>} : memref<128x128xf32, #tpu.memory_space<vmem>>, vector<1x16xf32>,
        %sub3A_483 = arith.subf %add3A_460, %get3A_457 : vector<16xf32>
        %add3A_484 = arith.constant 3 : i32
        %add3A_485 = arith.addi %mul3A_161, %add3A_484 : i32
        %swap3A_486 = arith.index_cast %add3A_485 : i32 to index
        %swap3A_487 = arith.constant 80 : index
        %swap3A_488 = tpu.vector_load %arg8[%swap3A_486, %swap3A_487] {strides = array<i32>} : memref<128x128xf32, #tpu.memory_space<vmem>>, vector<1x16xf32>,
        %swap3A_489 = vector.shape_cast %swap3A_488 : vector<1x16xf32> to vector<16xf32>
        %swap3A_490 = vector.shape_cast %sub3A_483 : vector<16xf32> to vector<1x16xf32>
        tpu.vector_store %arg8[%swap3A_486, %swap3A_487], %swap3A_490 {strides = array<i32>} : memref<128x128xf32, #tpu.memory_space<vmem>>, vector<1x16xf32>,
        %get3A_491 = arith.index_cast %mul3A_161 : i32 to index
        %get3A_492 = arith.constant 96 : index
        %get3A_493 = tpu.vector_load %arg7[%get3A_491, %get3A_492] {strides = array<i32>} : memref<128x128xf32, #tpu.memory_space<vmem>>, vector<1x16xf32>,
        %get3A_494 = vector.shape_cast %get3A_493 : vector<1x16xf32> to vector<16xf32>
        %add3A_495 = arith.constant 1 : i32
        %add3A_496 = arith.addi %mul3A_161, %add3A_495 : i32
        %get3A_497 = arith.index_cast %add3A_496 : i32 to index
        %get3A_498 = arith.constant 96 : index
        %get3A_499 = tpu.vector_load %arg7[%get3A_497, %get3A_498] {strides = array<i32>} : memref<128x128xf32, #tpu.memory_space<vmem>>, vector<1x16xf32>,
        %get3A_500 = vector.shape_cast %get3A_499 : vector<1x16xf32> to vector<16xf32>
        %add3A_501 = arith.constant 2 : i32
        %add3A_502 = arith.addi %mul3A_161, %add3A_501 : i32
        %get3A_503 = arith.index_cast %add3A_502 : i32 to index
        %get3A_504 = arith.constant 96 : index
        %get3A_505 = tpu.vector_load %arg7[%get3A_503, %get3A_504] {strides = array<i32>} : memref<128x128xf32, #tpu.memory_space<vmem>>, vector<1x16xf32>,
        %get3A_506 = vector.shape_cast %get3A_505 : vector<1x16xf32> to vector<16xf32>
        %add3A_507 = arith.constant 3 : i32
        %add3A_508 = arith.addi %mul3A_161, %add3A_507 : i32
        %get3A_509 = arith.index_cast %add3A_508 : i32 to index
        %get3A_510 = arith.constant 96 : index
        %get3A_511 = tpu.vector_load %arg7[%get3A_509, %get3A_510] {strides = array<i32>} : memref<128x128xf32, #tpu.memory_space<vmem>>, vector<1x16xf32>,
        %get3A_512 = vector.shape_cast %get3A_511 : vector<1x16xf32> to vector<16xf32>
        %add3A_513 = arith.addf %get3A_494, %get3A_500 : vector<16xf32>
        %add3A_514 = arith.addf %get3A_506, %get3A_512 : vector<16xf32>
        %add3A_515 = arith.addf %add3A_513, %add3A_514 : vector<16xf32>
        %sub3A_516 = arith.subf %add3A_515, %get3A_494 : vector<16xf32>
        %swap3A_517 = arith.index_cast %mul3A_161 : i32 to index
        %swap3A_518 = arith.constant 96 : index
        %swap3A_519 = tpu.vector_load %arg8[%swap3A_517, %swap3A_518] {strides = array<i32>} : memref<128x128xf32, #tpu.memory_space<vmem>>, vector<1x16xf32>,
        %swap3A_520 = vector.shape_cast %swap3A_519 : vector<1x16xf32> to vector<16xf32>
        %swap3A_521 = vector.shape_cast %sub3A_516 : vector<16xf32> to vector<1x16xf32>
        tpu.vector_store %arg8[%swap3A_517, %swap3A_518], %swap3A_521 {strides = array<i32>} : memref<128x128xf32, #tpu.memory_space<vmem>>, vector<1x16xf32>,
        %sub3A_522 = arith.subf %add3A_515, %get3A_500 : vector<16xf32>
        %add3A_523 = arith.constant 1 : i32
        %add3A_524 = arith.addi %mul3A_161, %add3A_523 : i32
        %swap3A_525 = arith.index_cast %add3A_524 : i32 to index
        %swap3A_526 = arith.constant 96 : index
        %swap3A_527 = tpu.vector_load %arg8[%swap3A_525, %swap3A_526] {strides = array<i32>} : memref<128x128xf32, #tpu.memory_space<vmem>>, vector<1x16xf32>,
        %swap3A_528 = vector.shape_cast %swap3A_527 : vector<1x16xf32> to vector<16xf32>
        %swap3A_529 = vector.shape_cast %sub3A_522 : vector<16xf32> to vector<1x16xf32>
        tpu.vector_store %arg8[%swap3A_525, %swap3A_526], %swap3A_529 {strides = array<i32>} : memref<128x128xf32, #tpu.memory_space<vmem>>, vector<1x16xf32>,
        %sub3A_530 = arith.subf %add3A_515, %get3A_506 : vector<16xf32>
        %add3A_531 = arith.constant 2 : i32
        %add3A_532 = arith.addi %mul3A_161, %add3A_531 : i32
        %swap3A_533 = arith.index_cast %add3A_532 : i32 to index
        %swap3A_534 = arith.constant 96 : index
        %swap3A_535 = tpu.vector_load %arg8[%swap3A_533, %swap3A_534] {strides = array<i32>} : memref<128x128xf32, #tpu.memory_space<vmem>>, vector<1x16xf32>,
        %swap3A_536 = vector.shape_cast %swap3A_535 : vector<1x16xf32> to vector<16xf32>
        %swap3A_537 = vector.shape_cast %sub3A_530 : vector<16xf32> to vector<1x16xf32>
        tpu.vector_store %arg8[%swap3A_533, %swap3A_534], %swap3A_537 {strides = array<i32>} : memref<128x128xf32, #tpu.memory_space<vmem>>, vector<1x16xf32>,
        %sub3A_538 = arith.subf %add3A_515, %get3A_512 : vector<16xf32>
        %add3A_539 = arith.constant 3 : i32
        %add3A_540 = arith.addi %mul3A_161, %add3A_539 : i32
        %swap3A_541 = arith.index_cast %add3A_540 : i32 to index
        %swap3A_542 = arith.constant 96 : index
        %swap3A_543 = tpu.vector_load %arg8[%swap3A_541, %swap3A_542] {strides = array<i32>} : memref<128x128xf32, #tpu.memory_space<vmem>>, vector<1x16xf32>,
        %swap3A_544 = vector.shape_cast %swap3A_543 : vector<1x16xf32> to vector<16xf32>
        %swap3A_545 = vector.shape_cast %sub3A_538 : vector<16xf32> to vector<1x16xf32>
        tpu.vector_store %arg8[%swap3A_541, %swap3A_542], %swap3A_545 {strides = array<i32>} : memref<128x128xf32, #tpu.memory_space<vmem>>, vector<1x16xf32>,
        %get3A_546 = arith.index_cast %mul3A_161 : i32 to index
        %get3A_547 = arith.constant 112 : index
        %get3A_548 = tpu.vector_load %arg7[%get3A_546, %get3A_547] {strides = array<i32>} : memref<128x128xf32, #tpu.memory_space<vmem>>, vector<1x16xf32>,
        %get3A_549 = vector.shape_cast %get3A_548 : vector<1x16xf32> to vector<16xf32>
        %add3A_550 = arith.constant 1 : i32
        %add3A_551 = arith.addi %mul3A_161, %add3A_550 : i32
        %get3A_552 = arith.index_cast %add3A_551 : i32 to index
        %get3A_553 = arith.constant 112 : index
        %get3A_554 = tpu.vector_load %arg7[%get3A_552, %get3A_553] {strides = array<i32>} : memref<128x128xf32, #tpu.memory_space<vmem>>, vector<1x16xf32>,
        %get3A_555 = vector.shape_cast %get3A_554 : vector<1x16xf32> to vector<16xf32>
        %add3A_556 = arith.constant 2 : i32
        %add3A_557 = arith.addi %mul3A_161, %add3A_556 : i32
        %get3A_558 = arith.index_cast %add3A_557 : i32 to index
        %get3A_559 = arith.constant 112 : index
        %get3A_560 = tpu.vector_load %arg7[%get3A_558, %get3A_559] {strides = array<i32>} : memref<128x128xf32, #tpu.memory_space<vmem>>, vector<1x16xf32>,
        %get3A_561 = vector.shape_cast %get3A_560 : vector<1x16xf32> to vector<16xf32>
        %add3A_562 = arith.constant 3 : i32
        %add3A_563 = arith.addi %mul3A_161, %add3A_562 : i32
        %get3A_564 = arith.index_cast %add3A_563 : i32 to index
        %get3A_565 = arith.constant 112 : index
        %get3A_566 = tpu.vector_load %arg7[%get3A_564, %get3A_565] {strides = array<i32>} : memref<128x128xf32, #tpu.memory_space<vmem>>, vector<1x16xf32>,
        %get3A_567 = vector.shape_cast %get3A_566 : vector<1x16xf32> to vector<16xf32>
        %add3A_568 = arith.addf %get3A_549, %get3A_555 : vector<16xf32>
        %add3A_569 = arith.addf %get3A_561, %get3A_567 : vector<16xf32>
        %add3A_570 = arith.addf %add3A_568, %add3A_569 : vector<16xf32>
        %sub3A_571 = arith.subf %add3A_570, %get3A_549 : vector<16xf32>
        %swap3A_572 = arith.index_cast %mul3A_161 : i32 to index
        %swap3A_573 = arith.constant 112 : index
        %swap3A_574 = tpu.vector_load %arg8[%swap3A_572, %swap3A_573] {strides = array<i32>} : memref<128x128xf32, #tpu.memory_space<vmem>>, vector<1x16xf32>,
        %swap3A_575 = vector.shape_cast %swap3A_574 : vector<1x16xf32> to vector<16xf32>
        %swap3A_576 = vector.shape_cast %sub3A_571 : vector<16xf32> to vector<1x16xf32>
        tpu.vector_store %arg8[%swap3A_572, %swap3A_573], %swap3A_576 {strides = array<i32>} : memref<128x128xf32, #tpu.memory_space<vmem>>, vector<1x16xf32>,
        %sub3A_577 = arith.subf %add3A_570, %get3A_555 : vector<16xf32>
        %add3A_578 = arith.constant 1 : i32
        %add3A_579 = arith.addi %mul3A_161, %add3A_578 : i32
        %swap3A_580 = arith.index_cast %add3A_579 : i32 to index
        %swap3A_581 = arith.constant 112 : index
        %swap3A_582 = tpu.vector_load %arg8[%swap3A_580, %swap3A_581] {strides = array<i32>} : memref<128x128xf32, #tpu.memory_space<vmem>>, vector<1x16xf32>,
        %swap3A_583 = vector.shape_cast %swap3A_582 : vector<1x16xf32> to vector<16xf32>
        %swap3A_584 = vector.shape_cast %sub3A_577 : vector<16xf32> to vector<1x16xf32>
        tpu.vector_store %arg8[%swap3A_580, %swap3A_581], %swap3A_584 {strides = array<i32>} : memref<128x128xf32, #tpu.memory_space<vmem>>, vector<1x16xf32>,
        %sub3A_585 = arith.subf %add3A_570, %get3A_561 : vector<16xf32>
        %add3A_586 = arith.constant 2 : i32
        %add3A_587 = arith.addi %mul3A_161, %add3A_586 : i32
        %swap3A_588 = arith.index_cast %add3A_587 : i32 to index
        %swap3A_589 = arith.constant 112 : index
        %swap3A_590 = tpu.vector_load %arg8[%swap3A_588, %swap3A_589] {strides = array<i32>} : memref<128x128xf32, #tpu.memory_space<vmem>>, vector<1x16xf32>,
        %swap3A_591 = vector.shape_cast %swap3A_590 : vector<1x16xf32> to vector<16xf32>
        %swap3A_592 = vector.shape_cast %sub3A_585 : vector<16xf32> to vector<1x16xf32>
        tpu.vector_store %arg8[%swap3A_588, %swap3A_589], %swap3A_592 {strides = array<i32>} : memref<128x128xf32, #tpu.memory_space<vmem>>, vector<1x16xf32>,
        %sub3A_593 = arith.subf %add3A_570, %get3A_567 : vector<16xf32>
        %add3A_594 = arith.constant 3 : i32
        %add3A_595 = arith.addi %mul3A_161, %add3A_594 : i32
        %swap3A_596 = arith.index_cast %add3A_595 : i32 to index
        %swap3A_597 = arith.constant 112 : index
        %swap3A_598 = tpu.vector_load %arg8[%swap3A_596, %swap3A_597] {strides = array<i32>} : memref<128x128xf32, #tpu.memory_space<vmem>>, vector<1x16xf32>,
        %swap3A_599 = vector.shape_cast %swap3A_598 : vector<1x16xf32> to vector<16xf32>
        %swap3A_600 = vector.shape_cast %sub3A_593 : vector<16xf32> to vector<1x16xf32>
        tpu.vector_store %arg8[%swap3A_596, %swap3A_597], %swap3A_600 {strides = array<i32>} : memref<128x128xf32, #tpu.memory_space<vmem>>, vector<1x16xf32>,
      }
      %scan3A_158 = arith.constant 32 : i32
      "tpu.region"() ({
        %run_scoped3A = tpu.sem_alloc : memref<!tpu.dma_semaphore, #tpu.memory_space<semaphore_mem>>
        %dma_start3A_159 = arith.constant 0 : i32
        %dma_start3A_160 = arith.constant 0 : i32
        %dma_start3A_161 = tpu.memref_slice %arg9[%dma_start3A_159, %dma_start3A_160] : memref<10112x128xf32, #tpu.memory_space<vmem_shared>> -> memref<10112x128xf32, #tpu.memory_space<vmem_shared>>
        tpu.enqueue_indirect_dma source(%arg8 : memref<128x128xf32, #tpu.memory_space<vmem>>) target(%dma_start3A_161 : memref<10112x128xf32, #tpu.memory_space<vmem_shared>>) offsets(%arg6 : memref<128xi32, #tpu.memory_space<vmem>>) semaphore(%run_scoped3A : memref<!tpu.dma_semaphore, #tpu.memory_space<semaphore_mem>>) {add = true}
        %dma_wait3A_162 = arith.constant 0 : i32
        %dma_wait3A_163 = arith.constant 0 : i32
        %dma_wait3A_164 = tpu.memref_slice %arg9[%dma_wait3A_162, %dma_wait3A_163] : memref<10112x128xf32, #tpu.memory_space<vmem_shared>> -> memref<10112x128xf32, #tpu.memory_space<vmem_shared>>
        tpu.wait_indirect_dma semaphore(%run_scoped3A : memref<!tpu.dma_semaphore, #tpu.memory_space<semaphore_mem>>) src(%arg8 : memref<128x128xf32, #tpu.memory_space<vmem>>) dst(%dma_wait3A_164 : memref<10112x128xf32, #tpu.memory_space<vmem_shared>>)
        tpu.yield
      }) : () -> ()
    }
    %scan3A_20 = arith.constant 54 : i32
    %barrier3A_21 = arith.constant 0 : index
    tpu.barrier barrier_id(%barrier3A_21)
    %lt3A = arith.constant 15 : i32
    %lt3A_22 = arith.cmpi slt, %arg1, %lt3A : i32
    %convert_element_type3A = arith.extui %lt3A_22 : i1 to i32
    %cond3A = arith.constant 0 : i32
    %cond3A_23 = arith.cmpi ne, %convert_element_type3A, %cond3A : i32
    scf.if %cond3A_23 {
      "tpu.region"() ({
        %run_scoped3A = tpu.sem_alloc : memref<!tpu.dma_semaphore, #tpu.memory_space<semaphore_mem>>
        %dma_start3A = arith.constant 0 : i32
        %dma_start3A_28 = tpu.memref_slice %arg4[%arg0, %mul3A_0, %dma_start3A] : memref<2x10000x128xf32, #tpu.memory_space<hbm>> -> memref<1x632x128xf32, #tpu.memory_space<hbm>>
        %dma_start3A_29 = tpu.memref_squeeze %dma_start3A_28 : memref<1x632x128xf32, #tpu.memory_space<hbm>> -> memref<632x128xf32, #tpu.memory_space<hbm>>
        %dma_start3A_30 = arith.constant 0 : i32
        %dma_start3A_31 = tpu.memref_slice %arg9[%mul3A_0, %dma_start3A_30] : memref<10112x128xf32, #tpu.memory_space<vmem_shared>> -> memref<632x128xf32, #tpu.memory_space<vmem_shared>>
        tpu.enqueue_dma source(%dma_start3A_31 : memref<632x128xf32, #tpu.memory_space<vmem_shared>>) target(%dma_start3A_29 : memref<632x128xf32, #tpu.memory_space<hbm>>) target_semaphore(%run_scoped3A : memref<!tpu.dma_semaphore, #tpu.memory_space<semaphore_mem>>)
        %dma_wait3A = arith.constant 0 : i32
        %dma_wait3A_32 = tpu.memref_slice %arg4[%arg0, %mul3A_0, %dma_wait3A] : memref<2x10000x128xf32, #tpu.memory_space<hbm>> -> memref<1x632x128xf32, #tpu.memory_space<hbm>>
        %dma_wait3A_33 = tpu.memref_squeeze %dma_wait3A_32 : memref<1x632x128xf32, #tpu.memory_space<hbm>> -> memref<632x128xf32, #tpu.memory_space<hbm>>
        %dma_wait3A_34 = arith.constant 0 : i32
        %dma_wait3A_35 = tpu.memref_slice %arg9[%mul3A_0, %dma_wait3A_34] : memref<10112x128xf32, #tpu.memory_space<vmem_shared>> -> memref<632x128xf32, #tpu.memory_space<vmem_shared>>
        tpu.wait_dma2 semaphore(%run_scoped3A : memref<!tpu.dma_semaphore, #tpu.memory_space<semaphore_mem>>) src(%dma_wait3A_35 : memref<632x128xf32, #tpu.memory_space<vmem_shared>>) dst(%dma_wait3A_33 : memref<632x128xf32, #tpu.memory_space<hbm>>)
        tpu.yield
      }) : () -> ()
    } else {
    }
    %eq3A = arith.constant 15 : i32
    %eq3A_24 = arith.cmpi eq, %arg1, %eq3A : i32
    %convert_element_type3A_25 = arith.extui %eq3A_24 : i1 to i32
    %cond3A_26 = arith.constant 0 : i32
    %cond3A_27 = arith.cmpi ne, %convert_element_type3A_25, %cond3A_26 : i32
    scf.if %cond3A_27 {
      "tpu.region"() ({
        %run_scoped3A = tpu.sem_alloc : memref<!tpu.dma_semaphore, #tpu.memory_space<semaphore_mem>>
        %dma_start3A = arith.constant 0 : i32
        %dma_start3A_28 = tpu.memref_slice %arg4[%arg0, %mul3A_0, %dma_start3A] : memref<2x10000x128xf32, #tpu.memory_space<hbm>> -> memref<1x520x128xf32, #tpu.memory_space<hbm>>
        %dma_start3A_29 = tpu.memref_squeeze %dma_start3A_28 : memref<1x520x128xf32, #tpu.memory_space<hbm>> -> memref<520x128xf32, #tpu.memory_space<hbm>>
        %dma_start3A_30 = arith.constant 0 : i32
        %dma_start3A_31 = tpu.memref_slice %arg9[%mul3A_0, %dma_start3A_30] : memref<10112x128xf32, #tpu.memory_space<vmem_shared>> -> memref<520x128xf32, #tpu.memory_space<vmem_shared>>
        tpu.enqueue_dma source(%dma_start3A_31 : memref<520x128xf32, #tpu.memory_space<vmem_shared>>) target(%dma_start3A_29 : memref<520x128xf32, #tpu.memory_space<hbm>>) target_semaphore(%run_scoped3A : memref<!tpu.dma_semaphore, #tpu.memory_space<semaphore_mem>>)
        %dma_wait3A = arith.constant 0 : i32
        %dma_wait3A_32 = tpu.memref_slice %arg4[%arg0, %mul3A_0, %dma_wait3A] : memref<2x10000x128xf32, #tpu.memory_space<hbm>> -> memref<1x520x128xf32, #tpu.memory_space<hbm>>
        %dma_wait3A_33 = tpu.memref_squeeze %dma_wait3A_32 : memref<1x520x128xf32, #tpu.memory_space<hbm>> -> memref<520x128xf32, #tpu.memory_space<hbm>>
        %dma_wait3A_34 = arith.constant 0 : i32
        %dma_wait3A_35 = tpu.memref_slice %arg9[%mul3A_0, %dma_wait3A_34] : memref<10112x128xf32, #tpu.memory_space<vmem_shared>> -> memref<520x128xf32, #tpu.memory_space<vmem_shared>>
        tpu.wait_dma2 semaphore(%run_scoped3A : memref<!tpu.dma_semaphore, #tpu.memory_space<semaphore_mem>>) src(%dma_wait3A_35 : memref<520x128xf32, #tpu.memory_space<vmem_shared>>) dst(%dma_wait3A_33 : memref<520x128xf32, #tpu.memory_space<hbm>>)
        tpu.yield
      }) : () -> ()
    } else {
    }
    return
  }
}

#map = affine_map<(d0, d1) -> (0)>
#map1 = affine_map<(d0, d1) -> (0, 0)>
#map2 = affine_map<(d0, d1) -> (0, 0, 0)>
module attributes {stable_mosaic.version = 14 : i64} {
  func.func @k(%arg0: i32, %arg1: i32, %arg2: memref<110592xi32, #tpu.memory_space<hbm>>, %arg3: memref<10000x128xf32, #tpu.memory_space<hbm>>, %arg4: memref<2x10000x128xf32, #tpu.memory_space<hbm>>, %arg5: memref<128xi32, #tpu.memory_space<vmem>>, %arg6: memref<128xi32, #tpu.memory_space<vmem>>, %arg7: memref<128x128xf32, #tpu.memory_space<vmem>>, %arg8: memref<128x128xf32, #tpu.memory_space<vmem>>, %arg9: memref<10112x128xf32, #tpu.memory_space<vmem_shared>>, %arg10: memref<!tpu.dma_semaphore, #tpu.memory_space<semaphore_mem>>) attributes {dimension_semantics = [#tpu.dimension_semantics<core_parallel>, #tpu.dimension_semantics<subcore_parallel>], iteration_bounds = array<i64: 2, 16>, scalar_prefetch = 0 : i64, scratch_operands = 6 : i64, tpu.core_type = #tpu.core_type<sc_vector_subcore>, window_params = [{transform_indices = #map}, {transform_indices = #map1}, {transform_indices = #map2}]} {
    %mul3A = arith.constant 632 : i32
    %mul3A_0 = arith.muli %arg1, %mul3A : i32
    %scan3A = arith.constant 0 : i32
    %scan3A_1 = arith.constant 0 : i32
    %scan3A_2 = arith.constant 128 : i32
    %scan3A_3 = arith.addi %scan3A_1, %scan3A_2 : i32
    %scan3A_4 = arith.constant 1 : i32
    scf.for %scan3A_26 = %scan3A_1 to %scan3A_3 step %scan3A_4  : i32 {
      %broadcast_in_dim3A = arith.constant 0.000000e+00 : f32
      %broadcast_in_dim3A_27 = vector.broadcast %broadcast_in_dim3A : f32 to vector<16xf32>
      %swap3A = arith.index_cast %scan3A_26 : i32 to index
      %swap3A_28 = arith.constant 0 : index
      %swap3A_29 = tpu.vector_load %arg8[%swap3A, %swap3A_28] {strides = array<i32>} : memref<128x128xf32, #tpu.memory_space<vmem>>, vector<1x16xf32>,
      %swap3A_30 = vector.shape_cast %swap3A_29 : vector<1x16xf32> to vector<16xf32>
      %swap3A_31 = vector.shape_cast %broadcast_in_dim3A_27 : vector<16xf32> to vector<1x16xf32>
      tpu.vector_store %arg8[%swap3A, %swap3A_28], %swap3A_31 {strides = array<i32>} : memref<128x128xf32, #tpu.memory_space<vmem>>, vector<1x16xf32>,
      %broadcast_in_dim3A_32 = arith.constant 0.000000e+00 : f32
      %broadcast_in_dim3A_33 = vector.broadcast %broadcast_in_dim3A_32 : f32 to vector<16xf32>
      %swap3A_34 = arith.index_cast %scan3A_26 : i32 to index
      %swap3A_35 = arith.constant 16 : index
      %swap3A_36 = tpu.vector_load %arg8[%swap3A_34, %swap3A_35] {strides = array<i32>} : memref<128x128xf32, #tpu.memory_space<vmem>>, vector<1x16xf32>,
      %swap3A_37 = vector.shape_cast %swap3A_36 : vector<1x16xf32> to vector<16xf32>
      %swap3A_38 = vector.shape_cast %broadcast_in_dim3A_33 : vector<16xf32> to vector<1x16xf32>
      tpu.vector_store %arg8[%swap3A_34, %swap3A_35], %swap3A_38 {strides = array<i32>} : memref<128x128xf32, #tpu.memory_space<vmem>>, vector<1x16xf32>,
      %broadcast_in_dim3A_39 = arith.constant 0.000000e+00 : f32
      %broadcast_in_dim3A_40 = vector.broadcast %broadcast_in_dim3A_39 : f32 to vector<16xf32>
      %swap3A_41 = arith.index_cast %scan3A_26 : i32 to index
      %swap3A_42 = arith.constant 32 : index
      %swap3A_43 = tpu.vector_load %arg8[%swap3A_41, %swap3A_42] {strides = array<i32>} : memref<128x128xf32, #tpu.memory_space<vmem>>, vector<1x16xf32>,
      %swap3A_44 = vector.shape_cast %swap3A_43 : vector<1x16xf32> to vector<16xf32>
      %swap3A_45 = vector.shape_cast %broadcast_in_dim3A_40 : vector<16xf32> to vector<1x16xf32>
      tpu.vector_store %arg8[%swap3A_41, %swap3A_42], %swap3A_45 {strides = array<i32>} : memref<128x128xf32, #tpu.memory_space<vmem>>, vector<1x16xf32>,
      %broadcast_in_dim3A_46 = arith.constant 0.000000e+00 : f32
      %broadcast_in_dim3A_47 = vector.broadcast %broadcast_in_dim3A_46 : f32 to vector<16xf32>
      %swap3A_48 = arith.index_cast %scan3A_26 : i32 to index
      %swap3A_49 = arith.constant 48 : index
      %swap3A_50 = tpu.vector_load %arg8[%swap3A_48, %swap3A_49] {strides = array<i32>} : memref<128x128xf32, #tpu.memory_space<vmem>>, vector<1x16xf32>,
      %swap3A_51 = vector.shape_cast %swap3A_50 : vector<1x16xf32> to vector<16xf32>
      %swap3A_52 = vector.shape_cast %broadcast_in_dim3A_47 : vector<16xf32> to vector<1x16xf32>
      tpu.vector_store %arg8[%swap3A_48, %swap3A_49], %swap3A_52 {strides = array<i32>} : memref<128x128xf32, #tpu.memory_space<vmem>>, vector<1x16xf32>,
      %broadcast_in_dim3A_53 = arith.constant 0.000000e+00 : f32
      %broadcast_in_dim3A_54 = vector.broadcast %broadcast_in_dim3A_53 : f32 to vector<16xf32>
      %swap3A_55 = arith.index_cast %scan3A_26 : i32 to index
      %swap3A_56 = arith.constant 64 : index
      %swap3A_57 = tpu.vector_load %arg8[%swap3A_55, %swap3A_56] {strides = array<i32>} : memref<128x128xf32, #tpu.memory_space<vmem>>, vector<1x16xf32>,
      %swap3A_58 = vector.shape_cast %swap3A_57 : vector<1x16xf32> to vector<16xf32>
      %swap3A_59 = vector.shape_cast %broadcast_in_dim3A_54 : vector<16xf32> to vector<1x16xf32>
      tpu.vector_store %arg8[%swap3A_55, %swap3A_56], %swap3A_59 {strides = array<i32>} : memref<128x128xf32, #tpu.memory_space<vmem>>, vector<1x16xf32>,
      %broadcast_in_dim3A_60 = arith.constant 0.000000e+00 : f32
      %broadcast_in_dim3A_61 = vector.broadcast %broadcast_in_dim3A_60 : f32 to vector<16xf32>
      %swap3A_62 = arith.index_cast %scan3A_26 : i32 to index
      %swap3A_63 = arith.constant 80 : index
      %swap3A_64 = tpu.vector_load %arg8[%swap3A_62, %swap3A_63] {strides = array<i32>} : memref<128x128xf32, #tpu.memory_space<vmem>>, vector<1x16xf32>,
      %swap3A_65 = vector.shape_cast %swap3A_64 : vector<1x16xf32> to vector<16xf32>
      %swap3A_66 = vector.shape_cast %broadcast_in_dim3A_61 : vector<16xf32> to vector<1x16xf32>
      tpu.vector_store %arg8[%swap3A_62, %swap3A_63], %swap3A_66 {strides = array<i32>} : memref<128x128xf32, #tpu.memory_space<vmem>>, vector<1x16xf32>,
      %broadcast_in_dim3A_67 = arith.constant 0.000000e+00 : f32
      %broadcast_in_dim3A_68 = vector.broadcast %broadcast_in_dim3A_67 : f32 to vector<16xf32>
      %swap3A_69 = arith.index_cast %scan3A_26 : i32 to index
      %swap3A_70 = arith.constant 96 : index
      %swap3A_71 = tpu.vector_load %arg8[%swap3A_69, %swap3A_70] {strides = array<i32>} : memref<128x128xf32, #tpu.memory_space<vmem>>, vector<1x16xf32>,
      %swap3A_72 = vector.shape_cast %swap3A_71 : vector<1x16xf32> to vector<16xf32>
      %swap3A_73 = vector.shape_cast %broadcast_in_dim3A_68 : vector<16xf32> to vector<1x16xf32>
      tpu.vector_store %arg8[%swap3A_69, %swap3A_70], %swap3A_73 {strides = array<i32>} : memref<128x128xf32, #tpu.memory_space<vmem>>, vector<1x16xf32>,
      %broadcast_in_dim3A_74 = arith.constant 0.000000e+00 : f32
      %broadcast_in_dim3A_75 = vector.broadcast %broadcast_in_dim3A_74 : f32 to vector<16xf32>
      %swap3A_76 = arith.index_cast %scan3A_26 : i32 to index
      %swap3A_77 = arith.constant 112 : index
      %swap3A_78 = tpu.vector_load %arg8[%swap3A_76, %swap3A_77] {strides = array<i32>} : memref<128x128xf32, #tpu.memory_space<vmem>>, vector<1x16xf32>,
      %swap3A_79 = vector.shape_cast %swap3A_78 : vector<1x16xf32> to vector<16xf32>
      %swap3A_80 = vector.shape_cast %broadcast_in_dim3A_75 : vector<16xf32> to vector<1x16xf32>
      tpu.vector_store %arg8[%swap3A_76, %swap3A_77], %swap3A_80 {strides = array<i32>} : memref<128x128xf32, #tpu.memory_space<vmem>>, vector<1x16xf32>,
    }
    %scan3A_5 = arith.constant 128 : i32
    %scan3A_6 = arith.constant 0 : i32
    %scan3A_7 = arith.constant 0 : i32
    %scan3A_8 = arith.constant 4 : i32
    %scan3A_9 = arith.addi %scan3A_7, %scan3A_8 : i32
    %scan3A_10 = arith.constant 1 : i32
    scf.for %scan3A_26 = %scan3A_7 to %scan3A_9 step %scan3A_10  : i32 {
      %mul3A_27 = arith.constant 128 : i32
      %mul3A_28 = arith.muli %scan3A_26, %mul3A_27 : i32
      %add3A_29 = arith.addi %mul3A_0, %mul3A_28 : i32
      "tpu.region"() ({
        %run_scoped3A = tpu.sem_alloc : memref<!tpu.dma_semaphore, #tpu.memory_space<semaphore_mem>>
        %dma_start3A = arith.constant 0 : i32
        %dma_start3A_30 = tpu.memref_slice %arg9[%add3A_29, %dma_start3A] : memref<10112x128xf32, #tpu.memory_space<vmem_shared>> -> memref<128x128xf32, #tpu.memory_space<vmem_shared>>
        %dma_start3A_31 = arith.constant 0 : i32
        %dma_start3A_32 = tpu.memref_slice %arg9[%add3A_29, %dma_start3A_31] : memref<10112x128xf32, #tpu.memory_space<vmem_shared>> -> memref<128x128xf32, #tpu.memory_space<vmem_shared>>
        tpu.enqueue_dma source(%arg8 : memref<128x128xf32, #tpu.memory_space<vmem>>) target(%dma_start3A_32 : memref<128x128xf32, #tpu.memory_space<vmem_shared>>) target_semaphore(%run_scoped3A : memref<!tpu.dma_semaphore, #tpu.memory_space<semaphore_mem>>)
        %dma_wait3A = arith.constant 0 : i32
        %dma_wait3A_33 = tpu.memref_slice %arg9[%add3A_29, %dma_wait3A] : memref<10112x128xf32, #tpu.memory_space<vmem_shared>> -> memref<128x128xf32, #tpu.memory_space<vmem_shared>>
        %dma_wait3A_34 = arith.constant 0 : i32
        %dma_wait3A_35 = tpu.memref_slice %arg9[%add3A_29, %dma_wait3A_34] : memref<10112x128xf32, #tpu.memory_space<vmem_shared>> -> memref<128x128xf32, #tpu.memory_space<vmem_shared>>
        tpu.wait_dma2 semaphore(%run_scoped3A : memref<!tpu.dma_semaphore, #tpu.memory_space<semaphore_mem>>) src(%arg8 : memref<128x128xf32, #tpu.memory_space<vmem>>) dst(%dma_wait3A_35 : memref<128x128xf32, #tpu.memory_space<vmem_shared>>)
        tpu.yield
      }) : () -> ()
    }
    %scan3A_11 = arith.constant 4 : i32
    %add3A = arith.constant 512 : i32
    %add3A_12 = arith.addi %mul3A_0, %add3A : i32
    "tpu.region"() ({
      %run_scoped3A = tpu.sem_alloc : memref<!tpu.dma_semaphore, #tpu.memory_space<semaphore_mem>>
      %dma_start3A = arith.constant 0 : i32
      %dma_start3A_26 = arith.constant 0 : i32
      %dma_start3A_27 = tpu.memref_slice %arg8[%dma_start3A, %dma_start3A_26] : memref<128x128xf32, #tpu.memory_space<vmem>> -> memref<120x128xf32, #tpu.memory_space<vmem>>
      %dma_start3A_28 = arith.constant 0 : i32
      %dma_start3A_29 = tpu.memref_slice %arg9[%add3A_12, %dma_start3A_28] : memref<10112x128xf32, #tpu.memory_space<vmem_shared>> -> memref<120x128xf32, #tpu.memory_space<vmem_shared>>
      %dma_start3A_30 = arith.constant 0 : i32
      %dma_start3A_31 = tpu.memref_slice %arg9[%add3A_12, %dma_start3A_30] : memref<10112x128xf32, #tpu.memory_space<vmem_shared>> -> memref<120x128xf32, #tpu.memory_space<vmem_shared>>
      %dma_start3A_32 = arith.constant 0 : i32
      %dma_start3A_33 = arith.constant 0 : i32
      %dma_start3A_34 = tpu.memref_slice %arg8[%dma_start3A_32, %dma_start3A_33] : memref<128x128xf32, #tpu.memory_space<vmem>> -> memref<120x128xf32, #tpu.memory_space<vmem>>
      tpu.enqueue_dma source(%dma_start3A_34 : memref<120x128xf32, #tpu.memory_space<vmem>>) target(%dma_start3A_31 : memref<120x128xf32, #tpu.memory_space<vmem_shared>>) target_semaphore(%run_scoped3A : memref<!tpu.dma_semaphore, #tpu.memory_space<semaphore_mem>>)
      %dma_wait3A = arith.constant 0 : i32
      %dma_wait3A_35 = arith.constant 0 : i32
      %dma_wait3A_36 = tpu.memref_slice %arg8[%dma_wait3A, %dma_wait3A_35] : memref<128x128xf32, #tpu.memory_space<vmem>> -> memref<120x128xf32, #tpu.memory_space<vmem>>
      %dma_wait3A_37 = arith.constant 0 : i32
      %dma_wait3A_38 = tpu.memref_slice %arg9[%add3A_12, %dma_wait3A_37] : memref<10112x128xf32, #tpu.memory_space<vmem_shared>> -> memref<120x128xf32, #tpu.memory_space<vmem_shared>>
      %dma_wait3A_39 = arith.constant 0 : i32
      %dma_wait3A_40 = tpu.memref_slice %arg9[%add3A_12, %dma_wait3A_39] : memref<10112x128xf32, #tpu.memory_space<vmem_shared>> -> memref<120x128xf32, #tpu.memory_space<vmem_shared>>
      %dma_wait3A_41 = arith.constant 0 : i32
      %dma_wait3A_42 = arith.constant 0 : i32
      %dma_wait3A_43 = tpu.memref_slice %arg8[%dma_wait3A_41, %dma_wait3A_42] : memref<128x128xf32, #tpu.memory_space<vmem>> -> memref<120x128xf32, #tpu.memory_space<vmem>>
      tpu.wait_dma2 semaphore(%run_scoped3A : memref<!tpu.dma_semaphore, #tpu.memory_space<semaphore_mem>>) src(%dma_wait3A_43 : memref<120x128xf32, #tpu.memory_space<vmem>>) dst(%dma_wait3A_40 : memref<120x128xf32, #tpu.memory_space<vmem_shared>>)
      tpu.yield
    }) : () -> ()
    %barrier3A = arith.constant 0 : index
    tpu.barrier barrier_id(%barrier3A)
    %scan3A_13 = arith.constant 0 : i32
    %scan3A_14 = arith.constant 0 : i32
    %scan3A_15 = arith.constant 27 : i32
    %scan3A_16 = arith.addi %scan3A_14, %scan3A_15 : i32
    %scan3A_17 = arith.constant 1 : i32
    scf.for %scan3A_26 = %scan3A_14 to %scan3A_16 step %scan3A_17  : i32 {
      %mul3A_27 = arith.constant 16 : i32
      %mul3A_28 = arith.muli %arg0, %mul3A_27 : i32
      %add3A_29 = arith.addi %mul3A_28, %arg1 : i32
      %mul3A_30 = arith.constant 27 : i32
      %mul3A_31 = arith.muli %add3A_29, %mul3A_30 : i32
      %add3A_32 = arith.addi %mul3A_31, %scan3A_26 : i32
      %mul3A_33 = arith.constant 128 : i32
      %mul3A_34 = arith.muli %add3A_32, %mul3A_33 : i32
      "tpu.region"() ({
        %run_scoped3A = tpu.sem_alloc : memref<!tpu.dma_semaphore, #tpu.memory_space<semaphore_mem>>
        %dma_start3A_168 = tpu.memref_slice %arg2[%mul3A_34] : memref<110592xi32, #tpu.memory_space<hbm>> -> memref<128xi32, #tpu.memory_space<hbm>>
        %dma_start3A_169 = tpu.memref_slice %arg2[%mul3A_34] : memref<110592xi32, #tpu.memory_space<hbm>> -> memref<128xi32, #tpu.memory_space<hbm>>
        tpu.enqueue_dma source(%dma_start3A_169 : memref<128xi32, #tpu.memory_space<hbm>>) target(%arg6 : memref<128xi32, #tpu.memory_space<vmem>>) target_semaphore(%run_scoped3A : memref<!tpu.dma_semaphore, #tpu.memory_space<semaphore_mem>>)
        %dma_wait3A_170 = tpu.memref_slice %arg2[%mul3A_34] : memref<110592xi32, #tpu.memory_space<hbm>> -> memref<128xi32, #tpu.memory_space<hbm>>
        %dma_wait3A_171 = tpu.memref_slice %arg2[%mul3A_34] : memref<110592xi32, #tpu.memory_space<hbm>> -> memref<128xi32, #tpu.memory_space<hbm>>
        tpu.wait_dma2 semaphore(%run_scoped3A : memref<!tpu.dma_semaphore, #tpu.memory_space<semaphore_mem>>) src(%dma_wait3A_171 : memref<128xi32, #tpu.memory_space<hbm>>) dst(%arg6 : memref<128xi32, #tpu.memory_space<vmem>>)
        tpu.yield
      }) : () -> ()
      %get3A = arith.constant 0 : index
      %get3A_35 = tpu.vector_load %arg6[%get3A] {strides = array<i32>} : memref<128xi32, #tpu.memory_space<vmem>>, vector<16xi32>,
      %get3A_36 = vector.shape_cast %get3A_35 : vector<16xi32> to vector<16xi32>
      %lt3A_37 = arith.constant 10000 : i32
      %lt3A_38 = vector.broadcast %lt3A_37 : i32 to vector<16xi32>
      %lt3A_39 = arith.cmpi slt, %get3A_36, %lt3A_38 : vector<16xi32>
      %jit3A = arith.constant 0 : i32
      %broadcast_in_dim3A = vector.broadcast %jit3A : i32 to vector<16xi32>
      %select_n3A = arith.select %lt3A_39, %get3A_36, %broadcast_in_dim3A : vector<16xi1>, vector<16xi32>
      %add3A_40 = arith.constant 0 : i32
      %add3A_41 = vector.broadcast %add3A_40 : i32 to vector<16xi32>
      %add3A_42 = arith.addi %select_n3A, %add3A_41 : vector<16xi32>
      %swap3A = arith.constant 0 : index
      %swap3A_43 = tpu.vector_load %arg5[%swap3A] {strides = array<i32>} : memref<128xi32, #tpu.memory_space<vmem>>, vector<16xi32>,
      %swap3A_44 = vector.shape_cast %swap3A_43 : vector<16xi32> to vector<16xi32>
      %swap3A_45 = vector.shape_cast %add3A_42 : vector<16xi32> to vector<16xi32>
      tpu.vector_store %arg5[%swap3A], %swap3A_45 {strides = array<i32>} : memref<128xi32, #tpu.memory_space<vmem>>, vector<16xi32>,
      %get3A_46 = arith.constant 16 : index
      %get3A_47 = tpu.vector_load %arg6[%get3A_46] {strides = array<i32>} : memref<128xi32, #tpu.memory_space<vmem>>, vector<16xi32>,
      %get3A_48 = vector.shape_cast %get3A_47 : vector<16xi32> to vector<16xi32>
      %lt3A_49 = arith.constant 10000 : i32
      %lt3A_50 = vector.broadcast %lt3A_49 : i32 to vector<16xi32>
      %lt3A_51 = arith.cmpi slt, %get3A_48, %lt3A_50 : vector<16xi32>
      %jit3A_52 = arith.constant 0 : i32
      %broadcast_in_dim3A_53 = vector.broadcast %jit3A_52 : i32 to vector<16xi32>
      %select_n3A_54 = arith.select %lt3A_51, %get3A_48, %broadcast_in_dim3A_53 : vector<16xi1>, vector<16xi32>
      %add3A_55 = arith.constant 0 : i32
      %add3A_56 = vector.broadcast %add3A_55 : i32 to vector<16xi32>
      %add3A_57 = arith.addi %select_n3A_54, %add3A_56 : vector<16xi32>
      %swap3A_58 = arith.constant 16 : index
      %swap3A_59 = tpu.vector_load %arg5[%swap3A_58] {strides = array<i32>} : memref<128xi32, #tpu.memory_space<vmem>>, vector<16xi32>,
      %swap3A_60 = vector.shape_cast %swap3A_59 : vector<16xi32> to vector<16xi32>
      %swap3A_61 = vector.shape_cast %add3A_57 : vector<16xi32> to vector<16xi32>
      tpu.vector_store %arg5[%swap3A_58], %swap3A_61 {strides = array<i32>} : memref<128xi32, #tpu.memory_space<vmem>>, vector<16xi32>,
      %get3A_62 = arith.constant 32 : index
      %get3A_63 = tpu.vector_load %arg6[%get3A_62] {strides = array<i32>} : memref<128xi32, #tpu.memory_space<vmem>>, vector<16xi32>,
      %get3A_64 = vector.shape_cast %get3A_63 : vector<16xi32> to vector<16xi32>
      %lt3A_65 = arith.constant 10000 : i32
      %lt3A_66 = vector.broadcast %lt3A_65 : i32 to vector<16xi32>
      %lt3A_67 = arith.cmpi slt, %get3A_64, %lt3A_66 : vector<16xi32>
      %jit3A_68 = arith.constant 0 : i32
      %broadcast_in_dim3A_69 = vector.broadcast %jit3A_68 : i32 to vector<16xi32>
      %select_n3A_70 = arith.select %lt3A_67, %get3A_64, %broadcast_in_dim3A_69 : vector<16xi1>, vector<16xi32>
      %add3A_71 = arith.constant 0 : i32
      %add3A_72 = vector.broadcast %add3A_71 : i32 to vector<16xi32>
      %add3A_73 = arith.addi %select_n3A_70, %add3A_72 : vector<16xi32>
      %swap3A_74 = arith.constant 32 : index
      %swap3A_75 = tpu.vector_load %arg5[%swap3A_74] {strides = array<i32>} : memref<128xi32, #tpu.memory_space<vmem>>, vector<16xi32>,
      %swap3A_76 = vector.shape_cast %swap3A_75 : vector<16xi32> to vector<16xi32>
      %swap3A_77 = vector.shape_cast %add3A_73 : vector<16xi32> to vector<16xi32>
      tpu.vector_store %arg5[%swap3A_74], %swap3A_77 {strides = array<i32>} : memref<128xi32, #tpu.memory_space<vmem>>, vector<16xi32>,
      %get3A_78 = arith.constant 48 : index
      %get3A_79 = tpu.vector_load %arg6[%get3A_78] {strides = array<i32>} : memref<128xi32, #tpu.memory_space<vmem>>, vector<16xi32>,
      %get3A_80 = vector.shape_cast %get3A_79 : vector<16xi32> to vector<16xi32>
      %lt3A_81 = arith.constant 10000 : i32
      %lt3A_82 = vector.broadcast %lt3A_81 : i32 to vector<16xi32>
      %lt3A_83 = arith.cmpi slt, %get3A_80, %lt3A_82 : vector<16xi32>
      %jit3A_84 = arith.constant 0 : i32
      %broadcast_in_dim3A_85 = vector.broadcast %jit3A_84 : i32 to vector<16xi32>
      %select_n3A_86 = arith.select %lt3A_83, %get3A_80, %broadcast_in_dim3A_85 : vector<16xi1>, vector<16xi32>
      %add3A_87 = arith.constant 0 : i32
      %add3A_88 = vector.broadcast %add3A_87 : i32 to vector<16xi32>
      %add3A_89 = arith.addi %select_n3A_86, %add3A_88 : vector<16xi32>
      %swap3A_90 = arith.constant 48 : index
      %swap3A_91 = tpu.vector_load %arg5[%swap3A_90] {strides = array<i32>} : memref<128xi32, #tpu.memory_space<vmem>>, vector<16xi32>,
      %swap3A_92 = vector.shape_cast %swap3A_91 : vector<16xi32> to vector<16xi32>
      %swap3A_93 = vector.shape_cast %add3A_89 : vector<16xi32> to vector<16xi32>
      tpu.vector_store %arg5[%swap3A_90], %swap3A_93 {strides = array<i32>} : memref<128xi32, #tpu.memory_space<vmem>>, vector<16xi32>,
      %get3A_94 = arith.constant 64 : index
      %get3A_95 = tpu.vector_load %arg6[%get3A_94] {strides = array<i32>} : memref<128xi32, #tpu.memory_space<vmem>>, vector<16xi32>,
      %get3A_96 = vector.shape_cast %get3A_95 : vector<16xi32> to vector<16xi32>
      %lt3A_97 = arith.constant 10000 : i32
      %lt3A_98 = vector.broadcast %lt3A_97 : i32 to vector<16xi32>
      %lt3A_99 = arith.cmpi slt, %get3A_96, %lt3A_98 : vector<16xi32>
      %jit3A_100 = arith.constant 0 : i32
      %broadcast_in_dim3A_101 = vector.broadcast %jit3A_100 : i32 to vector<16xi32>
      %select_n3A_102 = arith.select %lt3A_99, %get3A_96, %broadcast_in_dim3A_101 : vector<16xi1>, vector<16xi32>
      %add3A_103 = arith.constant 0 : i32
      %add3A_104 = vector.broadcast %add3A_103 : i32 to vector<16xi32>
      %add3A_105 = arith.addi %select_n3A_102, %add3A_104 : vector<16xi32>
      %swap3A_106 = arith.constant 64 : index
      %swap3A_107 = tpu.vector_load %arg5[%swap3A_106] {strides = array<i32>} : memref<128xi32, #tpu.memory_space<vmem>>, vector<16xi32>,
      %swap3A_108 = vector.shape_cast %swap3A_107 : vector<16xi32> to vector<16xi32>
      %swap3A_109 = vector.shape_cast %add3A_105 : vector<16xi32> to vector<16xi32>
      tpu.vector_store %arg5[%swap3A_106], %swap3A_109 {strides = array<i32>} : memref<128xi32, #tpu.memory_space<vmem>>, vector<16xi32>,
      %get3A_110 = arith.constant 80 : index
      %get3A_111 = tpu.vector_load %arg6[%get3A_110] {strides = array<i32>} : memref<128xi32, #tpu.memory_space<vmem>>, vector<16xi32>,
      %get3A_112 = vector.shape_cast %get3A_111 : vector<16xi32> to vector<16xi32>
      %lt3A_113 = arith.constant 10000 : i32
      %lt3A_114 = vector.broadcast %lt3A_113 : i32 to vector<16xi32>
      %lt3A_115 = arith.cmpi slt, %get3A_112, %lt3A_114 : vector<16xi32>
      %jit3A_116 = arith.constant 0 : i32
      %broadcast_in_dim3A_117 = vector.broadcast %jit3A_116 : i32 to vector<16xi32>
      %select_n3A_118 = arith.select %lt3A_115, %get3A_112, %broadcast_in_dim3A_117 : vector<16xi1>, vector<16xi32>
      %add3A_119 = arith.constant 0 : i32
      %add3A_120 = vector.broadcast %add3A_119 : i32 to vector<16xi32>
      %add3A_121 = arith.addi %select_n3A_118, %add3A_120 : vector<16xi32>
      %swap3A_122 = arith.constant 80 : index
      %swap3A_123 = tpu.vector_load %arg5[%swap3A_122] {strides = array<i32>} : memref<128xi32, #tpu.memory_space<vmem>>, vector<16xi32>,
      %swap3A_124 = vector.shape_cast %swap3A_123 : vector<16xi32> to vector<16xi32>
      %swap3A_125 = vector.shape_cast %add3A_121 : vector<16xi32> to vector<16xi32>
      tpu.vector_store %arg5[%swap3A_122], %swap3A_125 {strides = array<i32>} : memref<128xi32, #tpu.memory_space<vmem>>, vector<16xi32>,
      %get3A_126 = arith.constant 96 : index
      %get3A_127 = tpu.vector_load %arg6[%get3A_126] {strides = array<i32>} : memref<128xi32, #tpu.memory_space<vmem>>, vector<16xi32>,
      %get3A_128 = vector.shape_cast %get3A_127 : vector<16xi32> to vector<16xi32>
      %lt3A_129 = arith.constant 10000 : i32
      %lt3A_130 = vector.broadcast %lt3A_129 : i32 to vector<16xi32>
      %lt3A_131 = arith.cmpi slt, %get3A_128, %lt3A_130 : vector<16xi32>
      %jit3A_132 = arith.constant 0 : i32
      %broadcast_in_dim3A_133 = vector.broadcast %jit3A_132 : i32 to vector<16xi32>
      %select_n3A_134 = arith.select %lt3A_131, %get3A_128, %broadcast_in_dim3A_133 : vector<16xi1>, vector<16xi32>
      %add3A_135 = arith.constant 0 : i32
      %add3A_136 = vector.broadcast %add3A_135 : i32 to vector<16xi32>
      %add3A_137 = arith.addi %select_n3A_134, %add3A_136 : vector<16xi32>
      %swap3A_138 = arith.constant 96 : index
      %swap3A_139 = tpu.vector_load %arg5[%swap3A_138] {strides = array<i32>} : memref<128xi32, #tpu.memory_space<vmem>>, vector<16xi32>,
      %swap3A_140 = vector.shape_cast %swap3A_139 : vector<16xi32> to vector<16xi32>
      %swap3A_141 = vector.shape_cast %add3A_137 : vector<16xi32> to vector<16xi32>
      tpu.vector_store %arg5[%swap3A_138], %swap3A_141 {strides = array<i32>} : memref<128xi32, #tpu.memory_space<vmem>>, vector<16xi32>,
      %get3A_142 = arith.constant 112 : index
      %get3A_143 = tpu.vector_load %arg6[%get3A_142] {strides = array<i32>} : memref<128xi32, #tpu.memory_space<vmem>>, vector<16xi32>,
      %get3A_144 = vector.shape_cast %get3A_143 : vector<16xi32> to vector<16xi32>
      %lt3A_145 = arith.constant 10000 : i32
      %lt3A_146 = vector.broadcast %lt3A_145 : i32 to vector<16xi32>
      %lt3A_147 = arith.cmpi slt, %get3A_144, %lt3A_146 : vector<16xi32>
      %jit3A_148 = arith.constant 0 : i32
      %broadcast_in_dim3A_149 = vector.broadcast %jit3A_148 : i32 to vector<16xi32>
      %select_n3A_150 = arith.select %lt3A_147, %get3A_144, %broadcast_in_dim3A_149 : vector<16xi1>, vector<16xi32>
      %add3A_151 = arith.constant 0 : i32
      %add3A_152 = vector.broadcast %add3A_151 : i32 to vector<16xi32>
      %add3A_153 = arith.addi %select_n3A_150, %add3A_152 : vector<16xi32>
      %swap3A_154 = arith.constant 112 : index
      %swap3A_155 = tpu.vector_load %arg5[%swap3A_154] {strides = array<i32>} : memref<128xi32, #tpu.memory_space<vmem>>, vector<16xi32>,
      %swap3A_156 = vector.shape_cast %swap3A_155 : vector<16xi32> to vector<16xi32>
      %swap3A_157 = vector.shape_cast %add3A_153 : vector<16xi32> to vector<16xi32>
      tpu.vector_store %arg5[%swap3A_154], %swap3A_157 {strides = array<i32>} : memref<128xi32, #tpu.memory_space<vmem>>, vector<16xi32>,
      %dma_start3A = arith.constant 0 : i32
      %dma_start3A_158 = arith.constant 0 : i32
      %dma_start3A_159 = tpu.memref_slice %arg3[%dma_start3A, %dma_start3A_158] : memref<10000x128xf32, #tpu.memory_space<hbm>> -> memref<10000x128xf32, #tpu.memory_space<hbm>>
      tpu.enqueue_indirect_dma source(%dma_start3A_159 : memref<10000x128xf32, #tpu.memory_space<hbm>>) target(%arg7 : memref<128x128xf32, #tpu.memory_space<vmem>>) offsets(%arg5 : memref<128xi32, #tpu.memory_space<vmem>>) semaphore(%arg10 : memref<!tpu.dma_semaphore, #tpu.memory_space<semaphore_mem>>)
      %dma_wait3A = arith.constant 0 : i32
      %dma_wait3A_160 = arith.constant 0 : i32
      %dma_wait3A_161 = tpu.memref_slice %arg3[%dma_wait3A, %dma_wait3A_160] : memref<10000x128xf32, #tpu.memory_space<hbm>> -> memref<10000x128xf32, #tpu.memory_space<hbm>>
      tpu.wait_indirect_dma semaphore(%arg10 : memref<!tpu.dma_semaphore, #tpu.memory_space<semaphore_mem>>) src(%dma_wait3A_161 : memref<10000x128xf32, #tpu.memory_space<hbm>>) dst(%arg7 : memref<128x128xf32, #tpu.memory_space<vmem>>)
      %scan3A_162 = arith.constant 0 : i32
      %scan3A_163 = arith.constant 0 : i32
      %scan3A_164 = arith.constant 32 : i32
      %scan3A_165 = arith.addi %scan3A_163, %scan3A_164 : i32
      %scan3A_166 = arith.constant 1 : i32
      scf.for %scan3A_168 = %scan3A_163 to %scan3A_165 step %scan3A_166  : i32 {
        %mul3A_169 = arith.constant 4 : i32
        %mul3A_170 = arith.muli %mul3A_169, %scan3A_168 : i32
        %get3A_171 = arith.index_cast %mul3A_170 : i32 to index
        %get3A_172 = arith.constant 0 : index
        %get3A_173 = tpu.vector_load %arg7[%get3A_171, %get3A_172] {strides = array<i32>} : memref<128x128xf32, #tpu.memory_space<vmem>>, vector<1x16xf32>,
        %get3A_174 = vector.shape_cast %get3A_173 : vector<1x16xf32> to vector<16xf32>
        %add3A_175 = arith.constant 1 : i32
        %add3A_176 = arith.addi %mul3A_170, %add3A_175 : i32
        %get3A_177 = arith.index_cast %add3A_176 : i32 to index
        %get3A_178 = arith.constant 0 : index
        %get3A_179 = tpu.vector_load %arg7[%get3A_177, %get3A_178] {strides = array<i32>} : memref<128x128xf32, #tpu.memory_space<vmem>>, vector<1x16xf32>,
        %get3A_180 = vector.shape_cast %get3A_179 : vector<1x16xf32> to vector<16xf32>
        %add3A_181 = arith.constant 2 : i32
        %add3A_182 = arith.addi %mul3A_170, %add3A_181 : i32
        %get3A_183 = arith.index_cast %add3A_182 : i32 to index
        %get3A_184 = arith.constant 0 : index
        %get3A_185 = tpu.vector_load %arg7[%get3A_183, %get3A_184] {strides = array<i32>} : memref<128x128xf32, #tpu.memory_space<vmem>>, vector<1x16xf32>,
        %get3A_186 = vector.shape_cast %get3A_185 : vector<1x16xf32> to vector<16xf32>
        %add3A_187 = arith.constant 3 : i32
        %add3A_188 = arith.addi %mul3A_170, %add3A_187 : i32
        %get3A_189 = arith.index_cast %add3A_188 : i32 to index
        %get3A_190 = arith.constant 0 : index
        %get3A_191 = tpu.vector_load %arg7[%get3A_189, %get3A_190] {strides = array<i32>} : memref<128x128xf32, #tpu.memory_space<vmem>>, vector<1x16xf32>,
        %get3A_192 = vector.shape_cast %get3A_191 : vector<1x16xf32> to vector<16xf32>
        %add3A_193 = arith.addf %get3A_174, %get3A_180 : vector<16xf32>
        %add3A_194 = arith.addf %get3A_186, %get3A_192 : vector<16xf32>
        %add3A_195 = arith.addf %add3A_193, %add3A_194 : vector<16xf32>
        %sub3A = arith.subf %add3A_195, %get3A_174 : vector<16xf32>
        %swap3A_196 = arith.index_cast %mul3A_170 : i32 to index
        %swap3A_197 = arith.constant 0 : index
        %swap3A_198 = tpu.vector_load %arg8[%swap3A_196, %swap3A_197] {strides = array<i32>} : memref<128x128xf32, #tpu.memory_space<vmem>>, vector<1x16xf32>,
        %swap3A_199 = vector.shape_cast %swap3A_198 : vector<1x16xf32> to vector<16xf32>
        %swap3A_200 = vector.shape_cast %sub3A : vector<16xf32> to vector<1x16xf32>
        tpu.vector_store %arg8[%swap3A_196, %swap3A_197], %swap3A_200 {strides = array<i32>} : memref<128x128xf32, #tpu.memory_space<vmem>>, vector<1x16xf32>,
        %sub3A_201 = arith.subf %add3A_195, %get3A_180 : vector<16xf32>
        %add3A_202 = arith.constant 1 : i32
        %add3A_203 = arith.addi %mul3A_170, %add3A_202 : i32
        %swap3A_204 = arith.index_cast %add3A_203 : i32 to index
        %swap3A_205 = arith.constant 0 : index
        %swap3A_206 = tpu.vector_load %arg8[%swap3A_204, %swap3A_205] {strides = array<i32>} : memref<128x128xf32, #tpu.memory_space<vmem>>, vector<1x16xf32>,
        %swap3A_207 = vector.shape_cast %swap3A_206 : vector<1x16xf32> to vector<16xf32>
        %swap3A_208 = vector.shape_cast %sub3A_201 : vector<16xf32> to vector<1x16xf32>
        tpu.vector_store %arg8[%swap3A_204, %swap3A_205], %swap3A_208 {strides = array<i32>} : memref<128x128xf32, #tpu.memory_space<vmem>>, vector<1x16xf32>,
        %sub3A_209 = arith.subf %add3A_195, %get3A_186 : vector<16xf32>
        %add3A_210 = arith.constant 2 : i32
        %add3A_211 = arith.addi %mul3A_170, %add3A_210 : i32
        %swap3A_212 = arith.index_cast %add3A_211 : i32 to index
        %swap3A_213 = arith.constant 0 : index
        %swap3A_214 = tpu.vector_load %arg8[%swap3A_212, %swap3A_213] {strides = array<i32>} : memref<128x128xf32, #tpu.memory_space<vmem>>, vector<1x16xf32>,
        %swap3A_215 = vector.shape_cast %swap3A_214 : vector<1x16xf32> to vector<16xf32>
        %swap3A_216 = vector.shape_cast %sub3A_209 : vector<16xf32> to vector<1x16xf32>
        tpu.vector_store %arg8[%swap3A_212, %swap3A_213], %swap3A_216 {strides = array<i32>} : memref<128x128xf32, #tpu.memory_space<vmem>>, vector<1x16xf32>,
        %sub3A_217 = arith.subf %add3A_195, %get3A_192 : vector<16xf32>
        %add3A_218 = arith.constant 3 : i32
        %add3A_219 = arith.addi %mul3A_170, %add3A_218 : i32
        %swap3A_220 = arith.index_cast %add3A_219 : i32 to index
        %swap3A_221 = arith.constant 0 : index
        %swap3A_222 = tpu.vector_load %arg8[%swap3A_220, %swap3A_221] {strides = array<i32>} : memref<128x128xf32, #tpu.memory_space<vmem>>, vector<1x16xf32>,
        %swap3A_223 = vector.shape_cast %swap3A_222 : vector<1x16xf32> to vector<16xf32>
        %swap3A_224 = vector.shape_cast %sub3A_217 : vector<16xf32> to vector<1x16xf32>
        tpu.vector_store %arg8[%swap3A_220, %swap3A_221], %swap3A_224 {strides = array<i32>} : memref<128x128xf32, #tpu.memory_space<vmem>>, vector<1x16xf32>,
        %get3A_225 = arith.index_cast %mul3A_170 : i32 to index
        %get3A_226 = arith.constant 16 : index
        %get3A_227 = tpu.vector_load %arg7[%get3A_225, %get3A_226] {strides = array<i32>} : memref<128x128xf32, #tpu.memory_space<vmem>>, vector<1x16xf32>,
        %get3A_228 = vector.shape_cast %get3A_227 : vector<1x16xf32> to vector<16xf32>
        %add3A_229 = arith.constant 1 : i32
        %add3A_230 = arith.addi %mul3A_170, %add3A_229 : i32
        %get3A_231 = arith.index_cast %add3A_230 : i32 to index
        %get3A_232 = arith.constant 16 : index
        %get3A_233 = tpu.vector_load %arg7[%get3A_231, %get3A_232] {strides = array<i32>} : memref<128x128xf32, #tpu.memory_space<vmem>>, vector<1x16xf32>,
        %get3A_234 = vector.shape_cast %get3A_233 : vector<1x16xf32> to vector<16xf32>
        %add3A_235 = arith.constant 2 : i32
        %add3A_236 = arith.addi %mul3A_170, %add3A_235 : i32
        %get3A_237 = arith.index_cast %add3A_236 : i32 to index
        %get3A_238 = arith.constant 16 : index
        %get3A_239 = tpu.vector_load %arg7[%get3A_237, %get3A_238] {strides = array<i32>} : memref<128x128xf32, #tpu.memory_space<vmem>>, vector<1x16xf32>,
        %get3A_240 = vector.shape_cast %get3A_239 : vector<1x16xf32> to vector<16xf32>
        %add3A_241 = arith.constant 3 : i32
        %add3A_242 = arith.addi %mul3A_170, %add3A_241 : i32
        %get3A_243 = arith.index_cast %add3A_242 : i32 to index
        %get3A_244 = arith.constant 16 : index
        %get3A_245 = tpu.vector_load %arg7[%get3A_243, %get3A_244] {strides = array<i32>} : memref<128x128xf32, #tpu.memory_space<vmem>>, vector<1x16xf32>,
        %get3A_246 = vector.shape_cast %get3A_245 : vector<1x16xf32> to vector<16xf32>
        %add3A_247 = arith.addf %get3A_228, %get3A_234 : vector<16xf32>
        %add3A_248 = arith.addf %get3A_240, %get3A_246 : vector<16xf32>
        %add3A_249 = arith.addf %add3A_247, %add3A_248 : vector<16xf32>
        %sub3A_250 = arith.subf %add3A_249, %get3A_228 : vector<16xf32>
        %swap3A_251 = arith.index_cast %mul3A_170 : i32 to index
        %swap3A_252 = arith.constant 16 : index
        %swap3A_253 = tpu.vector_load %arg8[%swap3A_251, %swap3A_252] {strides = array<i32>} : memref<128x128xf32, #tpu.memory_space<vmem>>, vector<1x16xf32>,
        %swap3A_254 = vector.shape_cast %swap3A_253 : vector<1x16xf32> to vector<16xf32>
        %swap3A_255 = vector.shape_cast %sub3A_250 : vector<16xf32> to vector<1x16xf32>
        tpu.vector_store %arg8[%swap3A_251, %swap3A_252], %swap3A_255 {strides = array<i32>} : memref<128x128xf32, #tpu.memory_space<vmem>>, vector<1x16xf32>,
        %sub3A_256 = arith.subf %add3A_249, %get3A_234 : vector<16xf32>
        %add3A_257 = arith.constant 1 : i32
        %add3A_258 = arith.addi %mul3A_170, %add3A_257 : i32
        %swap3A_259 = arith.index_cast %add3A_258 : i32 to index
        %swap3A_260 = arith.constant 16 : index
        %swap3A_261 = tpu.vector_load %arg8[%swap3A_259, %swap3A_260] {strides = array<i32>} : memref<128x128xf32, #tpu.memory_space<vmem>>, vector<1x16xf32>,
        %swap3A_262 = vector.shape_cast %swap3A_261 : vector<1x16xf32> to vector<16xf32>
        %swap3A_263 = vector.shape_cast %sub3A_256 : vector<16xf32> to vector<1x16xf32>
        tpu.vector_store %arg8[%swap3A_259, %swap3A_260], %swap3A_263 {strides = array<i32>} : memref<128x128xf32, #tpu.memory_space<vmem>>, vector<1x16xf32>,
        %sub3A_264 = arith.subf %add3A_249, %get3A_240 : vector<16xf32>
        %add3A_265 = arith.constant 2 : i32
        %add3A_266 = arith.addi %mul3A_170, %add3A_265 : i32
        %swap3A_267 = arith.index_cast %add3A_266 : i32 to index
        %swap3A_268 = arith.constant 16 : index
        %swap3A_269 = tpu.vector_load %arg8[%swap3A_267, %swap3A_268] {strides = array<i32>} : memref<128x128xf32, #tpu.memory_space<vmem>>, vector<1x16xf32>,
        %swap3A_270 = vector.shape_cast %swap3A_269 : vector<1x16xf32> to vector<16xf32>
        %swap3A_271 = vector.shape_cast %sub3A_264 : vector<16xf32> to vector<1x16xf32>
        tpu.vector_store %arg8[%swap3A_267, %swap3A_268], %swap3A_271 {strides = array<i32>} : memref<128x128xf32, #tpu.memory_space<vmem>>, vector<1x16xf32>,
        %sub3A_272 = arith.subf %add3A_249, %get3A_246 : vector<16xf32>
        %add3A_273 = arith.constant 3 : i32
        %add3A_274 = arith.addi %mul3A_170, %add3A_273 : i32
        %swap3A_275 = arith.index_cast %add3A_274 : i32 to index
        %swap3A_276 = arith.constant 16 : index
        %swap3A_277 = tpu.vector_load %arg8[%swap3A_275, %swap3A_276] {strides = array<i32>} : memref<128x128xf32, #tpu.memory_space<vmem>>, vector<1x16xf32>,
        %swap3A_278 = vector.shape_cast %swap3A_277 : vector<1x16xf32> to vector<16xf32>
        %swap3A_279 = vector.shape_cast %sub3A_272 : vector<16xf32> to vector<1x16xf32>
        tpu.vector_store %arg8[%swap3A_275, %swap3A_276], %swap3A_279 {strides = array<i32>} : memref<128x128xf32, #tpu.memory_space<vmem>>, vector<1x16xf32>,
        %get3A_280 = arith.index_cast %mul3A_170 : i32 to index
        %get3A_281 = arith.constant 32 : index
        %get3A_282 = tpu.vector_load %arg7[%get3A_280, %get3A_281] {strides = array<i32>} : memref<128x128xf32, #tpu.memory_space<vmem>>, vector<1x16xf32>,
        %get3A_283 = vector.shape_cast %get3A_282 : vector<1x16xf32> to vector<16xf32>
        %add3A_284 = arith.constant 1 : i32
        %add3A_285 = arith.addi %mul3A_170, %add3A_284 : i32
        %get3A_286 = arith.index_cast %add3A_285 : i32 to index
        %get3A_287 = arith.constant 32 : index
        %get3A_288 = tpu.vector_load %arg7[%get3A_286, %get3A_287] {strides = array<i32>} : memref<128x128xf32, #tpu.memory_space<vmem>>, vector<1x16xf32>,
        %get3A_289 = vector.shape_cast %get3A_288 : vector<1x16xf32> to vector<16xf32>
        %add3A_290 = arith.constant 2 : i32
        %add3A_291 = arith.addi %mul3A_170, %add3A_290 : i32
        %get3A_292 = arith.index_cast %add3A_291 : i32 to index
        %get3A_293 = arith.constant 32 : index
        %get3A_294 = tpu.vector_load %arg7[%get3A_292, %get3A_293] {strides = array<i32>} : memref<128x128xf32, #tpu.memory_space<vmem>>, vector<1x16xf32>,
        %get3A_295 = vector.shape_cast %get3A_294 : vector<1x16xf32> to vector<16xf32>
        %add3A_296 = arith.constant 3 : i32
        %add3A_297 = arith.addi %mul3A_170, %add3A_296 : i32
        %get3A_298 = arith.index_cast %add3A_297 : i32 to index
        %get3A_299 = arith.constant 32 : index
        %get3A_300 = tpu.vector_load %arg7[%get3A_298, %get3A_299] {strides = array<i32>} : memref<128x128xf32, #tpu.memory_space<vmem>>, vector<1x16xf32>,
        %get3A_301 = vector.shape_cast %get3A_300 : vector<1x16xf32> to vector<16xf32>
        %add3A_302 = arith.addf %get3A_283, %get3A_289 : vector<16xf32>
        %add3A_303 = arith.addf %get3A_295, %get3A_301 : vector<16xf32>
        %add3A_304 = arith.addf %add3A_302, %add3A_303 : vector<16xf32>
        %sub3A_305 = arith.subf %add3A_304, %get3A_283 : vector<16xf32>
        %swap3A_306 = arith.index_cast %mul3A_170 : i32 to index
        %swap3A_307 = arith.constant 32 : index
        %swap3A_308 = tpu.vector_load %arg8[%swap3A_306, %swap3A_307] {strides = array<i32>} : memref<128x128xf32, #tpu.memory_space<vmem>>, vector<1x16xf32>,
        %swap3A_309 = vector.shape_cast %swap3A_308 : vector<1x16xf32> to vector<16xf32>
        %swap3A_310 = vector.shape_cast %sub3A_305 : vector<16xf32> to vector<1x16xf32>
        tpu.vector_store %arg8[%swap3A_306, %swap3A_307], %swap3A_310 {strides = array<i32>} : memref<128x128xf32, #tpu.memory_space<vmem>>, vector<1x16xf32>,
        %sub3A_311 = arith.subf %add3A_304, %get3A_289 : vector<16xf32>
        %add3A_312 = arith.constant 1 : i32
        %add3A_313 = arith.addi %mul3A_170, %add3A_312 : i32
        %swap3A_314 = arith.index_cast %add3A_313 : i32 to index
        %swap3A_315 = arith.constant 32 : index
        %swap3A_316 = tpu.vector_load %arg8[%swap3A_314, %swap3A_315] {strides = array<i32>} : memref<128x128xf32, #tpu.memory_space<vmem>>, vector<1x16xf32>,
        %swap3A_317 = vector.shape_cast %swap3A_316 : vector<1x16xf32> to vector<16xf32>
        %swap3A_318 = vector.shape_cast %sub3A_311 : vector<16xf32> to vector<1x16xf32>
        tpu.vector_store %arg8[%swap3A_314, %swap3A_315], %swap3A_318 {strides = array<i32>} : memref<128x128xf32, #tpu.memory_space<vmem>>, vector<1x16xf32>,
        %sub3A_319 = arith.subf %add3A_304, %get3A_295 : vector<16xf32>
        %add3A_320 = arith.constant 2 : i32
        %add3A_321 = arith.addi %mul3A_170, %add3A_320 : i32
        %swap3A_322 = arith.index_cast %add3A_321 : i32 to index
        %swap3A_323 = arith.constant 32 : index
        %swap3A_324 = tpu.vector_load %arg8[%swap3A_322, %swap3A_323] {strides = array<i32>} : memref<128x128xf32, #tpu.memory_space<vmem>>, vector<1x16xf32>,
        %swap3A_325 = vector.shape_cast %swap3A_324 : vector<1x16xf32> to vector<16xf32>
        %swap3A_326 = vector.shape_cast %sub3A_319 : vector<16xf32> to vector<1x16xf32>
        tpu.vector_store %arg8[%swap3A_322, %swap3A_323], %swap3A_326 {strides = array<i32>} : memref<128x128xf32, #tpu.memory_space<vmem>>, vector<1x16xf32>,
        %sub3A_327 = arith.subf %add3A_304, %get3A_301 : vector<16xf32>
        %add3A_328 = arith.constant 3 : i32
        %add3A_329 = arith.addi %mul3A_170, %add3A_328 : i32
        %swap3A_330 = arith.index_cast %add3A_329 : i32 to index
        %swap3A_331 = arith.constant 32 : index
        %swap3A_332 = tpu.vector_load %arg8[%swap3A_330, %swap3A_331] {strides = array<i32>} : memref<128x128xf32, #tpu.memory_space<vmem>>, vector<1x16xf32>,
        %swap3A_333 = vector.shape_cast %swap3A_332 : vector<1x16xf32> to vector<16xf32>
        %swap3A_334 = vector.shape_cast %sub3A_327 : vector<16xf32> to vector<1x16xf32>
        tpu.vector_store %arg8[%swap3A_330, %swap3A_331], %swap3A_334 {strides = array<i32>} : memref<128x128xf32, #tpu.memory_space<vmem>>, vector<1x16xf32>,
        %get3A_335 = arith.index_cast %mul3A_170 : i32 to index
        %get3A_336 = arith.constant 48 : index
        %get3A_337 = tpu.vector_load %arg7[%get3A_335, %get3A_336] {strides = array<i32>} : memref<128x128xf32, #tpu.memory_space<vmem>>, vector<1x16xf32>,
        %get3A_338 = vector.shape_cast %get3A_337 : vector<1x16xf32> to vector<16xf32>
        %add3A_339 = arith.constant 1 : i32
        %add3A_340 = arith.addi %mul3A_170, %add3A_339 : i32
        %get3A_341 = arith.index_cast %add3A_340 : i32 to index
        %get3A_342 = arith.constant 48 : index
        %get3A_343 = tpu.vector_load %arg7[%get3A_341, %get3A_342] {strides = array<i32>} : memref<128x128xf32, #tpu.memory_space<vmem>>, vector<1x16xf32>,
        %get3A_344 = vector.shape_cast %get3A_343 : vector<1x16xf32> to vector<16xf32>
        %add3A_345 = arith.constant 2 : i32
        %add3A_346 = arith.addi %mul3A_170, %add3A_345 : i32
        %get3A_347 = arith.index_cast %add3A_346 : i32 to index
        %get3A_348 = arith.constant 48 : index
        %get3A_349 = tpu.vector_load %arg7[%get3A_347, %get3A_348] {strides = array<i32>} : memref<128x128xf32, #tpu.memory_space<vmem>>, vector<1x16xf32>,
        %get3A_350 = vector.shape_cast %get3A_349 : vector<1x16xf32> to vector<16xf32>
        %add3A_351 = arith.constant 3 : i32
        %add3A_352 = arith.addi %mul3A_170, %add3A_351 : i32
        %get3A_353 = arith.index_cast %add3A_352 : i32 to index
        %get3A_354 = arith.constant 48 : index
        %get3A_355 = tpu.vector_load %arg7[%get3A_353, %get3A_354] {strides = array<i32>} : memref<128x128xf32, #tpu.memory_space<vmem>>, vector<1x16xf32>,
        %get3A_356 = vector.shape_cast %get3A_355 : vector<1x16xf32> to vector<16xf32>
        %add3A_357 = arith.addf %get3A_338, %get3A_344 : vector<16xf32>
        %add3A_358 = arith.addf %get3A_350, %get3A_356 : vector<16xf32>
        %add3A_359 = arith.addf %add3A_357, %add3A_358 : vector<16xf32>
        %sub3A_360 = arith.subf %add3A_359, %get3A_338 : vector<16xf32>
        %swap3A_361 = arith.index_cast %mul3A_170 : i32 to index
        %swap3A_362 = arith.constant 48 : index
        %swap3A_363 = tpu.vector_load %arg8[%swap3A_361, %swap3A_362] {strides = array<i32>} : memref<128x128xf32, #tpu.memory_space<vmem>>, vector<1x16xf32>,
        %swap3A_364 = vector.shape_cast %swap3A_363 : vector<1x16xf32> to vector<16xf32>
        %swap3A_365 = vector.shape_cast %sub3A_360 : vector<16xf32> to vector<1x16xf32>
        tpu.vector_store %arg8[%swap3A_361, %swap3A_362], %swap3A_365 {strides = array<i32>} : memref<128x128xf32, #tpu.memory_space<vmem>>, vector<1x16xf32>,
        %sub3A_366 = arith.subf %add3A_359, %get3A_344 : vector<16xf32>
        %add3A_367 = arith.constant 1 : i32
        %add3A_368 = arith.addi %mul3A_170, %add3A_367 : i32
        %swap3A_369 = arith.index_cast %add3A_368 : i32 to index
        %swap3A_370 = arith.constant 48 : index
        %swap3A_371 = tpu.vector_load %arg8[%swap3A_369, %swap3A_370] {strides = array<i32>} : memref<128x128xf32, #tpu.memory_space<vmem>>, vector<1x16xf32>,
        %swap3A_372 = vector.shape_cast %swap3A_371 : vector<1x16xf32> to vector<16xf32>
        %swap3A_373 = vector.shape_cast %sub3A_366 : vector<16xf32> to vector<1x16xf32>
        tpu.vector_store %arg8[%swap3A_369, %swap3A_370], %swap3A_373 {strides = array<i32>} : memref<128x128xf32, #tpu.memory_space<vmem>>, vector<1x16xf32>,
        %sub3A_374 = arith.subf %add3A_359, %get3A_350 : vector<16xf32>
        %add3A_375 = arith.constant 2 : i32
        %add3A_376 = arith.addi %mul3A_170, %add3A_375 : i32
        %swap3A_377 = arith.index_cast %add3A_376 : i32 to index
        %swap3A_378 = arith.constant 48 : index
        %swap3A_379 = tpu.vector_load %arg8[%swap3A_377, %swap3A_378] {strides = array<i32>} : memref<128x128xf32, #tpu.memory_space<vmem>>, vector<1x16xf32>,
        %swap3A_380 = vector.shape_cast %swap3A_379 : vector<1x16xf32> to vector<16xf32>
        %swap3A_381 = vector.shape_cast %sub3A_374 : vector<16xf32> to vector<1x16xf32>
        tpu.vector_store %arg8[%swap3A_377, %swap3A_378], %swap3A_381 {strides = array<i32>} : memref<128x128xf32, #tpu.memory_space<vmem>>, vector<1x16xf32>,
        %sub3A_382 = arith.subf %add3A_359, %get3A_356 : vector<16xf32>
        %add3A_383 = arith.constant 3 : i32
        %add3A_384 = arith.addi %mul3A_170, %add3A_383 : i32
        %swap3A_385 = arith.index_cast %add3A_384 : i32 to index
        %swap3A_386 = arith.constant 48 : index
        %swap3A_387 = tpu.vector_load %arg8[%swap3A_385, %swap3A_386] {strides = array<i32>} : memref<128x128xf32, #tpu.memory_space<vmem>>, vector<1x16xf32>,
        %swap3A_388 = vector.shape_cast %swap3A_387 : vector<1x16xf32> to vector<16xf32>
        %swap3A_389 = vector.shape_cast %sub3A_382 : vector<16xf32> to vector<1x16xf32>
        tpu.vector_store %arg8[%swap3A_385, %swap3A_386], %swap3A_389 {strides = array<i32>} : memref<128x128xf32, #tpu.memory_space<vmem>>, vector<1x16xf32>,
        %get3A_390 = arith.index_cast %mul3A_170 : i32 to index
        %get3A_391 = arith.constant 64 : index
        %get3A_392 = tpu.vector_load %arg7[%get3A_390, %get3A_391] {strides = array<i32>} : memref<128x128xf32, #tpu.memory_space<vmem>>, vector<1x16xf32>,
        %get3A_393 = vector.shape_cast %get3A_392 : vector<1x16xf32> to vector<16xf32>
        %add3A_394 = arith.constant 1 : i32
        %add3A_395 = arith.addi %mul3A_170, %add3A_394 : i32
        %get3A_396 = arith.index_cast %add3A_395 : i32 to index
        %get3A_397 = arith.constant 64 : index
        %get3A_398 = tpu.vector_load %arg7[%get3A_396, %get3A_397] {strides = array<i32>} : memref<128x128xf32, #tpu.memory_space<vmem>>, vector<1x16xf32>,
        %get3A_399 = vector.shape_cast %get3A_398 : vector<1x16xf32> to vector<16xf32>
        %add3A_400 = arith.constant 2 : i32
        %add3A_401 = arith.addi %mul3A_170, %add3A_400 : i32
        %get3A_402 = arith.index_cast %add3A_401 : i32 to index
        %get3A_403 = arith.constant 64 : index
        %get3A_404 = tpu.vector_load %arg7[%get3A_402, %get3A_403] {strides = array<i32>} : memref<128x128xf32, #tpu.memory_space<vmem>>, vector<1x16xf32>,
        %get3A_405 = vector.shape_cast %get3A_404 : vector<1x16xf32> to vector<16xf32>
        %add3A_406 = arith.constant 3 : i32
        %add3A_407 = arith.addi %mul3A_170, %add3A_406 : i32
        %get3A_408 = arith.index_cast %add3A_407 : i32 to index
        %get3A_409 = arith.constant 64 : index
        %get3A_410 = tpu.vector_load %arg7[%get3A_408, %get3A_409] {strides = array<i32>} : memref<128x128xf32, #tpu.memory_space<vmem>>, vector<1x16xf32>,
        %get3A_411 = vector.shape_cast %get3A_410 : vector<1x16xf32> to vector<16xf32>
        %add3A_412 = arith.addf %get3A_393, %get3A_399 : vector<16xf32>
        %add3A_413 = arith.addf %get3A_405, %get3A_411 : vector<16xf32>
        %add3A_414 = arith.addf %add3A_412, %add3A_413 : vector<16xf32>
        %sub3A_415 = arith.subf %add3A_414, %get3A_393 : vector<16xf32>
        %swap3A_416 = arith.index_cast %mul3A_170 : i32 to index
        %swap3A_417 = arith.constant 64 : index
        %swap3A_418 = tpu.vector_load %arg8[%swap3A_416, %swap3A_417] {strides = array<i32>} : memref<128x128xf32, #tpu.memory_space<vmem>>, vector<1x16xf32>,
        %swap3A_419 = vector.shape_cast %swap3A_418 : vector<1x16xf32> to vector<16xf32>
        %swap3A_420 = vector.shape_cast %sub3A_415 : vector<16xf32> to vector<1x16xf32>
        tpu.vector_store %arg8[%swap3A_416, %swap3A_417], %swap3A_420 {strides = array<i32>} : memref<128x128xf32, #tpu.memory_space<vmem>>, vector<1x16xf32>,
        %sub3A_421 = arith.subf %add3A_414, %get3A_399 : vector<16xf32>
        %add3A_422 = arith.constant 1 : i32
        %add3A_423 = arith.addi %mul3A_170, %add3A_422 : i32
        %swap3A_424 = arith.index_cast %add3A_423 : i32 to index
        %swap3A_425 = arith.constant 64 : index
        %swap3A_426 = tpu.vector_load %arg8[%swap3A_424, %swap3A_425] {strides = array<i32>} : memref<128x128xf32, #tpu.memory_space<vmem>>, vector<1x16xf32>,
        %swap3A_427 = vector.shape_cast %swap3A_426 : vector<1x16xf32> to vector<16xf32>
        %swap3A_428 = vector.shape_cast %sub3A_421 : vector<16xf32> to vector<1x16xf32>
        tpu.vector_store %arg8[%swap3A_424, %swap3A_425], %swap3A_428 {strides = array<i32>} : memref<128x128xf32, #tpu.memory_space<vmem>>, vector<1x16xf32>,
        %sub3A_429 = arith.subf %add3A_414, %get3A_405 : vector<16xf32>
        %add3A_430 = arith.constant 2 : i32
        %add3A_431 = arith.addi %mul3A_170, %add3A_430 : i32
        %swap3A_432 = arith.index_cast %add3A_431 : i32 to index
        %swap3A_433 = arith.constant 64 : index
        %swap3A_434 = tpu.vector_load %arg8[%swap3A_432, %swap3A_433] {strides = array<i32>} : memref<128x128xf32, #tpu.memory_space<vmem>>, vector<1x16xf32>,
        %swap3A_435 = vector.shape_cast %swap3A_434 : vector<1x16xf32> to vector<16xf32>
        %swap3A_436 = vector.shape_cast %sub3A_429 : vector<16xf32> to vector<1x16xf32>
        tpu.vector_store %arg8[%swap3A_432, %swap3A_433], %swap3A_436 {strides = array<i32>} : memref<128x128xf32, #tpu.memory_space<vmem>>, vector<1x16xf32>,
        %sub3A_437 = arith.subf %add3A_414, %get3A_411 : vector<16xf32>
        %add3A_438 = arith.constant 3 : i32
        %add3A_439 = arith.addi %mul3A_170, %add3A_438 : i32
        %swap3A_440 = arith.index_cast %add3A_439 : i32 to index
        %swap3A_441 = arith.constant 64 : index
        %swap3A_442 = tpu.vector_load %arg8[%swap3A_440, %swap3A_441] {strides = array<i32>} : memref<128x128xf32, #tpu.memory_space<vmem>>, vector<1x16xf32>,
        %swap3A_443 = vector.shape_cast %swap3A_442 : vector<1x16xf32> to vector<16xf32>
        %swap3A_444 = vector.shape_cast %sub3A_437 : vector<16xf32> to vector<1x16xf32>
        tpu.vector_store %arg8[%swap3A_440, %swap3A_441], %swap3A_444 {strides = array<i32>} : memref<128x128xf32, #tpu.memory_space<vmem>>, vector<1x16xf32>,
        %get3A_445 = arith.index_cast %mul3A_170 : i32 to index
        %get3A_446 = arith.constant 80 : index
        %get3A_447 = tpu.vector_load %arg7[%get3A_445, %get3A_446] {strides = array<i32>} : memref<128x128xf32, #tpu.memory_space<vmem>>, vector<1x16xf32>,
        %get3A_448 = vector.shape_cast %get3A_447 : vector<1x16xf32> to vector<16xf32>
        %add3A_449 = arith.constant 1 : i32
        %add3A_450 = arith.addi %mul3A_170, %add3A_449 : i32
        %get3A_451 = arith.index_cast %add3A_450 : i32 to index
        %get3A_452 = arith.constant 80 : index
        %get3A_453 = tpu.vector_load %arg7[%get3A_451, %get3A_452] {strides = array<i32>} : memref<128x128xf32, #tpu.memory_space<vmem>>, vector<1x16xf32>,
        %get3A_454 = vector.shape_cast %get3A_453 : vector<1x16xf32> to vector<16xf32>
        %add3A_455 = arith.constant 2 : i32
        %add3A_456 = arith.addi %mul3A_170, %add3A_455 : i32
        %get3A_457 = arith.index_cast %add3A_456 : i32 to index
        %get3A_458 = arith.constant 80 : index
        %get3A_459 = tpu.vector_load %arg7[%get3A_457, %get3A_458] {strides = array<i32>} : memref<128x128xf32, #tpu.memory_space<vmem>>, vector<1x16xf32>,
        %get3A_460 = vector.shape_cast %get3A_459 : vector<1x16xf32> to vector<16xf32>
        %add3A_461 = arith.constant 3 : i32
        %add3A_462 = arith.addi %mul3A_170, %add3A_461 : i32
        %get3A_463 = arith.index_cast %add3A_462 : i32 to index
        %get3A_464 = arith.constant 80 : index
        %get3A_465 = tpu.vector_load %arg7[%get3A_463, %get3A_464] {strides = array<i32>} : memref<128x128xf32, #tpu.memory_space<vmem>>, vector<1x16xf32>,
        %get3A_466 = vector.shape_cast %get3A_465 : vector<1x16xf32> to vector<16xf32>
        %add3A_467 = arith.addf %get3A_448, %get3A_454 : vector<16xf32>
        %add3A_468 = arith.addf %get3A_460, %get3A_466 : vector<16xf32>
        %add3A_469 = arith.addf %add3A_467, %add3A_468 : vector<16xf32>
        %sub3A_470 = arith.subf %add3A_469, %get3A_448 : vector<16xf32>
        %swap3A_471 = arith.index_cast %mul3A_170 : i32 to index
        %swap3A_472 = arith.constant 80 : index
        %swap3A_473 = tpu.vector_load %arg8[%swap3A_471, %swap3A_472] {strides = array<i32>} : memref<128x128xf32, #tpu.memory_space<vmem>>, vector<1x16xf32>,
        %swap3A_474 = vector.shape_cast %swap3A_473 : vector<1x16xf32> to vector<16xf32>
        %swap3A_475 = vector.shape_cast %sub3A_470 : vector<16xf32> to vector<1x16xf32>
        tpu.vector_store %arg8[%swap3A_471, %swap3A_472], %swap3A_475 {strides = array<i32>} : memref<128x128xf32, #tpu.memory_space<vmem>>, vector<1x16xf32>,
        %sub3A_476 = arith.subf %add3A_469, %get3A_454 : vector<16xf32>
        %add3A_477 = arith.constant 1 : i32
        %add3A_478 = arith.addi %mul3A_170, %add3A_477 : i32
        %swap3A_479 = arith.index_cast %add3A_478 : i32 to index
        %swap3A_480 = arith.constant 80 : index
        %swap3A_481 = tpu.vector_load %arg8[%swap3A_479, %swap3A_480] {strides = array<i32>} : memref<128x128xf32, #tpu.memory_space<vmem>>, vector<1x16xf32>,
        %swap3A_482 = vector.shape_cast %swap3A_481 : vector<1x16xf32> to vector<16xf32>
        %swap3A_483 = vector.shape_cast %sub3A_476 : vector<16xf32> to vector<1x16xf32>
        tpu.vector_store %arg8[%swap3A_479, %swap3A_480], %swap3A_483 {strides = array<i32>} : memref<128x128xf32, #tpu.memory_space<vmem>>, vector<1x16xf32>,
        %sub3A_484 = arith.subf %add3A_469, %get3A_460 : vector<16xf32>
        %add3A_485 = arith.constant 2 : i32
        %add3A_486 = arith.addi %mul3A_170, %add3A_485 : i32
        %swap3A_487 = arith.index_cast %add3A_486 : i32 to index
        %swap3A_488 = arith.constant 80 : index
        %swap3A_489 = tpu.vector_load %arg8[%swap3A_487, %swap3A_488] {strides = array<i32>} : memref<128x128xf32, #tpu.memory_space<vmem>>, vector<1x16xf32>,
        %swap3A_490 = vector.shape_cast %swap3A_489 : vector<1x16xf32> to vector<16xf32>
        %swap3A_491 = vector.shape_cast %sub3A_484 : vector<16xf32> to vector<1x16xf32>
        tpu.vector_store %arg8[%swap3A_487, %swap3A_488], %swap3A_491 {strides = array<i32>} : memref<128x128xf32, #tpu.memory_space<vmem>>, vector<1x16xf32>,
        %sub3A_492 = arith.subf %add3A_469, %get3A_466 : vector<16xf32>
        %add3A_493 = arith.constant 3 : i32
        %add3A_494 = arith.addi %mul3A_170, %add3A_493 : i32
        %swap3A_495 = arith.index_cast %add3A_494 : i32 to index
        %swap3A_496 = arith.constant 80 : index
        %swap3A_497 = tpu.vector_load %arg8[%swap3A_495, %swap3A_496] {strides = array<i32>} : memref<128x128xf32, #tpu.memory_space<vmem>>, vector<1x16xf32>,
        %swap3A_498 = vector.shape_cast %swap3A_497 : vector<1x16xf32> to vector<16xf32>
        %swap3A_499 = vector.shape_cast %sub3A_492 : vector<16xf32> to vector<1x16xf32>
        tpu.vector_store %arg8[%swap3A_495, %swap3A_496], %swap3A_499 {strides = array<i32>} : memref<128x128xf32, #tpu.memory_space<vmem>>, vector<1x16xf32>,
        %get3A_500 = arith.index_cast %mul3A_170 : i32 to index
        %get3A_501 = arith.constant 96 : index
        %get3A_502 = tpu.vector_load %arg7[%get3A_500, %get3A_501] {strides = array<i32>} : memref<128x128xf32, #tpu.memory_space<vmem>>, vector<1x16xf32>,
        %get3A_503 = vector.shape_cast %get3A_502 : vector<1x16xf32> to vector<16xf32>
        %add3A_504 = arith.constant 1 : i32
        %add3A_505 = arith.addi %mul3A_170, %add3A_504 : i32
        %get3A_506 = arith.index_cast %add3A_505 : i32 to index
        %get3A_507 = arith.constant 96 : index
        %get3A_508 = tpu.vector_load %arg7[%get3A_506, %get3A_507] {strides = array<i32>} : memref<128x128xf32, #tpu.memory_space<vmem>>, vector<1x16xf32>,
        %get3A_509 = vector.shape_cast %get3A_508 : vector<1x16xf32> to vector<16xf32>
        %add3A_510 = arith.constant 2 : i32
        %add3A_511 = arith.addi %mul3A_170, %add3A_510 : i32
        %get3A_512 = arith.index_cast %add3A_511 : i32 to index
        %get3A_513 = arith.constant 96 : index
        %get3A_514 = tpu.vector_load %arg7[%get3A_512, %get3A_513] {strides = array<i32>} : memref<128x128xf32, #tpu.memory_space<vmem>>, vector<1x16xf32>,
        %get3A_515 = vector.shape_cast %get3A_514 : vector<1x16xf32> to vector<16xf32>
        %add3A_516 = arith.constant 3 : i32
        %add3A_517 = arith.addi %mul3A_170, %add3A_516 : i32
        %get3A_518 = arith.index_cast %add3A_517 : i32 to index
        %get3A_519 = arith.constant 96 : index
        %get3A_520 = tpu.vector_load %arg7[%get3A_518, %get3A_519] {strides = array<i32>} : memref<128x128xf32, #tpu.memory_space<vmem>>, vector<1x16xf32>,
        %get3A_521 = vector.shape_cast %get3A_520 : vector<1x16xf32> to vector<16xf32>
        %add3A_522 = arith.addf %get3A_503, %get3A_509 : vector<16xf32>
        %add3A_523 = arith.addf %get3A_515, %get3A_521 : vector<16xf32>
        %add3A_524 = arith.addf %add3A_522, %add3A_523 : vector<16xf32>
        %sub3A_525 = arith.subf %add3A_524, %get3A_503 : vector<16xf32>
        %swap3A_526 = arith.index_cast %mul3A_170 : i32 to index
        %swap3A_527 = arith.constant 96 : index
        %swap3A_528 = tpu.vector_load %arg8[%swap3A_526, %swap3A_527] {strides = array<i32>} : memref<128x128xf32, #tpu.memory_space<vmem>>, vector<1x16xf32>,
        %swap3A_529 = vector.shape_cast %swap3A_528 : vector<1x16xf32> to vector<16xf32>
        %swap3A_530 = vector.shape_cast %sub3A_525 : vector<16xf32> to vector<1x16xf32>
        tpu.vector_store %arg8[%swap3A_526, %swap3A_527], %swap3A_530 {strides = array<i32>} : memref<128x128xf32, #tpu.memory_space<vmem>>, vector<1x16xf32>,
        %sub3A_531 = arith.subf %add3A_524, %get3A_509 : vector<16xf32>
        %add3A_532 = arith.constant 1 : i32
        %add3A_533 = arith.addi %mul3A_170, %add3A_532 : i32
        %swap3A_534 = arith.index_cast %add3A_533 : i32 to index
        %swap3A_535 = arith.constant 96 : index
        %swap3A_536 = tpu.vector_load %arg8[%swap3A_534, %swap3A_535] {strides = array<i32>} : memref<128x128xf32, #tpu.memory_space<vmem>>, vector<1x16xf32>,
        %swap3A_537 = vector.shape_cast %swap3A_536 : vector<1x16xf32> to vector<16xf32>
        %swap3A_538 = vector.shape_cast %sub3A_531 : vector<16xf32> to vector<1x16xf32>
        tpu.vector_store %arg8[%swap3A_534, %swap3A_535], %swap3A_538 {strides = array<i32>} : memref<128x128xf32, #tpu.memory_space<vmem>>, vector<1x16xf32>,
        %sub3A_539 = arith.subf %add3A_524, %get3A_515 : vector<16xf32>
        %add3A_540 = arith.constant 2 : i32
        %add3A_541 = arith.addi %mul3A_170, %add3A_540 : i32
        %swap3A_542 = arith.index_cast %add3A_541 : i32 to index
        %swap3A_543 = arith.constant 96 : index
        %swap3A_544 = tpu.vector_load %arg8[%swap3A_542, %swap3A_543] {strides = array<i32>} : memref<128x128xf32, #tpu.memory_space<vmem>>, vector<1x16xf32>,
        %swap3A_545 = vector.shape_cast %swap3A_544 : vector<1x16xf32> to vector<16xf32>
        %swap3A_546 = vector.shape_cast %sub3A_539 : vector<16xf32> to vector<1x16xf32>
        tpu.vector_store %arg8[%swap3A_542, %swap3A_543], %swap3A_546 {strides = array<i32>} : memref<128x128xf32, #tpu.memory_space<vmem>>, vector<1x16xf32>,
        %sub3A_547 = arith.subf %add3A_524, %get3A_521 : vector<16xf32>
        %add3A_548 = arith.constant 3 : i32
        %add3A_549 = arith.addi %mul3A_170, %add3A_548 : i32
        %swap3A_550 = arith.index_cast %add3A_549 : i32 to index
        %swap3A_551 = arith.constant 96 : index
        %swap3A_552 = tpu.vector_load %arg8[%swap3A_550, %swap3A_551] {strides = array<i32>} : memref<128x128xf32, #tpu.memory_space<vmem>>, vector<1x16xf32>,
        %swap3A_553 = vector.shape_cast %swap3A_552 : vector<1x16xf32> to vector<16xf32>
        %swap3A_554 = vector.shape_cast %sub3A_547 : vector<16xf32> to vector<1x16xf32>
        tpu.vector_store %arg8[%swap3A_550, %swap3A_551], %swap3A_554 {strides = array<i32>} : memref<128x128xf32, #tpu.memory_space<vmem>>, vector<1x16xf32>,
        %get3A_555 = arith.index_cast %mul3A_170 : i32 to index
        %get3A_556 = arith.constant 112 : index
        %get3A_557 = tpu.vector_load %arg7[%get3A_555, %get3A_556] {strides = array<i32>} : memref<128x128xf32, #tpu.memory_space<vmem>>, vector<1x16xf32>,
        %get3A_558 = vector.shape_cast %get3A_557 : vector<1x16xf32> to vector<16xf32>
        %add3A_559 = arith.constant 1 : i32
        %add3A_560 = arith.addi %mul3A_170, %add3A_559 : i32
        %get3A_561 = arith.index_cast %add3A_560 : i32 to index
        %get3A_562 = arith.constant 112 : index
        %get3A_563 = tpu.vector_load %arg7[%get3A_561, %get3A_562] {strides = array<i32>} : memref<128x128xf32, #tpu.memory_space<vmem>>, vector<1x16xf32>,
        %get3A_564 = vector.shape_cast %get3A_563 : vector<1x16xf32> to vector<16xf32>
        %add3A_565 = arith.constant 2 : i32
        %add3A_566 = arith.addi %mul3A_170, %add3A_565 : i32
        %get3A_567 = arith.index_cast %add3A_566 : i32 to index
        %get3A_568 = arith.constant 112 : index
        %get3A_569 = tpu.vector_load %arg7[%get3A_567, %get3A_568] {strides = array<i32>} : memref<128x128xf32, #tpu.memory_space<vmem>>, vector<1x16xf32>,
        %get3A_570 = vector.shape_cast %get3A_569 : vector<1x16xf32> to vector<16xf32>
        %add3A_571 = arith.constant 3 : i32
        %add3A_572 = arith.addi %mul3A_170, %add3A_571 : i32
        %get3A_573 = arith.index_cast %add3A_572 : i32 to index
        %get3A_574 = arith.constant 112 : index
        %get3A_575 = tpu.vector_load %arg7[%get3A_573, %get3A_574] {strides = array<i32>} : memref<128x128xf32, #tpu.memory_space<vmem>>, vector<1x16xf32>,
        %get3A_576 = vector.shape_cast %get3A_575 : vector<1x16xf32> to vector<16xf32>
        %add3A_577 = arith.addf %get3A_558, %get3A_564 : vector<16xf32>
        %add3A_578 = arith.addf %get3A_570, %get3A_576 : vector<16xf32>
        %add3A_579 = arith.addf %add3A_577, %add3A_578 : vector<16xf32>
        %sub3A_580 = arith.subf %add3A_579, %get3A_558 : vector<16xf32>
        %swap3A_581 = arith.index_cast %mul3A_170 : i32 to index
        %swap3A_582 = arith.constant 112 : index
        %swap3A_583 = tpu.vector_load %arg8[%swap3A_581, %swap3A_582] {strides = array<i32>} : memref<128x128xf32, #tpu.memory_space<vmem>>, vector<1x16xf32>,
        %swap3A_584 = vector.shape_cast %swap3A_583 : vector<1x16xf32> to vector<16xf32>
        %swap3A_585 = vector.shape_cast %sub3A_580 : vector<16xf32> to vector<1x16xf32>
        tpu.vector_store %arg8[%swap3A_581, %swap3A_582], %swap3A_585 {strides = array<i32>} : memref<128x128xf32, #tpu.memory_space<vmem>>, vector<1x16xf32>,
        %sub3A_586 = arith.subf %add3A_579, %get3A_564 : vector<16xf32>
        %add3A_587 = arith.constant 1 : i32
        %add3A_588 = arith.addi %mul3A_170, %add3A_587 : i32
        %swap3A_589 = arith.index_cast %add3A_588 : i32 to index
        %swap3A_590 = arith.constant 112 : index
        %swap3A_591 = tpu.vector_load %arg8[%swap3A_589, %swap3A_590] {strides = array<i32>} : memref<128x128xf32, #tpu.memory_space<vmem>>, vector<1x16xf32>,
        %swap3A_592 = vector.shape_cast %swap3A_591 : vector<1x16xf32> to vector<16xf32>
        %swap3A_593 = vector.shape_cast %sub3A_586 : vector<16xf32> to vector<1x16xf32>
        tpu.vector_store %arg8[%swap3A_589, %swap3A_590], %swap3A_593 {strides = array<i32>} : memref<128x128xf32, #tpu.memory_space<vmem>>, vector<1x16xf32>,
        %sub3A_594 = arith.subf %add3A_579, %get3A_570 : vector<16xf32>
        %add3A_595 = arith.constant 2 : i32
        %add3A_596 = arith.addi %mul3A_170, %add3A_595 : i32
        %swap3A_597 = arith.index_cast %add3A_596 : i32 to index
        %swap3A_598 = arith.constant 112 : index
        %swap3A_599 = tpu.vector_load %arg8[%swap3A_597, %swap3A_598] {strides = array<i32>} : memref<128x128xf32, #tpu.memory_space<vmem>>, vector<1x16xf32>,
        %swap3A_600 = vector.shape_cast %swap3A_599 : vector<1x16xf32> to vector<16xf32>
        %swap3A_601 = vector.shape_cast %sub3A_594 : vector<16xf32> to vector<1x16xf32>
        tpu.vector_store %arg8[%swap3A_597, %swap3A_598], %swap3A_601 {strides = array<i32>} : memref<128x128xf32, #tpu.memory_space<vmem>>, vector<1x16xf32>,
        %sub3A_602 = arith.subf %add3A_579, %get3A_576 : vector<16xf32>
        %add3A_603 = arith.constant 3 : i32
        %add3A_604 = arith.addi %mul3A_170, %add3A_603 : i32
        %swap3A_605 = arith.index_cast %add3A_604 : i32 to index
        %swap3A_606 = arith.constant 112 : index
        %swap3A_607 = tpu.vector_load %arg8[%swap3A_605, %swap3A_606] {strides = array<i32>} : memref<128x128xf32, #tpu.memory_space<vmem>>, vector<1x16xf32>,
        %swap3A_608 = vector.shape_cast %swap3A_607 : vector<1x16xf32> to vector<16xf32>
        %swap3A_609 = vector.shape_cast %sub3A_602 : vector<16xf32> to vector<1x16xf32>
        tpu.vector_store %arg8[%swap3A_605, %swap3A_606], %swap3A_609 {strides = array<i32>} : memref<128x128xf32, #tpu.memory_space<vmem>>, vector<1x16xf32>,
      }
      %scan3A_167 = arith.constant 32 : i32
      "tpu.region"() ({
        %run_scoped3A = tpu.sem_alloc : memref<!tpu.dma_semaphore, #tpu.memory_space<semaphore_mem>>
        %dma_start3A_168 = arith.constant 0 : i32
        %dma_start3A_169 = arith.constant 0 : i32
        %dma_start3A_170 = tpu.memref_slice %arg9[%dma_start3A_168, %dma_start3A_169] : memref<10112x128xf32, #tpu.memory_space<vmem_shared>> -> memref<10112x128xf32, #tpu.memory_space<vmem_shared>>
        tpu.enqueue_indirect_dma source(%arg8 : memref<128x128xf32, #tpu.memory_space<vmem>>) target(%dma_start3A_170 : memref<10112x128xf32, #tpu.memory_space<vmem_shared>>) offsets(%arg6 : memref<128xi32, #tpu.memory_space<vmem>>) semaphore(%run_scoped3A : memref<!tpu.dma_semaphore, #tpu.memory_space<semaphore_mem>>) {add = true}
        %dma_wait3A_171 = arith.constant 0 : i32
        %dma_wait3A_172 = arith.constant 0 : i32
        %dma_wait3A_173 = tpu.memref_slice %arg9[%dma_wait3A_171, %dma_wait3A_172] : memref<10112x128xf32, #tpu.memory_space<vmem_shared>> -> memref<10112x128xf32, #tpu.memory_space<vmem_shared>>
        tpu.wait_indirect_dma semaphore(%run_scoped3A : memref<!tpu.dma_semaphore, #tpu.memory_space<semaphore_mem>>) src(%arg8 : memref<128x128xf32, #tpu.memory_space<vmem>>) dst(%dma_wait3A_173 : memref<10112x128xf32, #tpu.memory_space<vmem_shared>>)
        tpu.yield
      }) : () -> ()
    }
    %scan3A_18 = arith.constant 27 : i32
    %barrier3A_19 = arith.constant 0 : index
    tpu.barrier barrier_id(%barrier3A_19)
    %lt3A = arith.constant 15 : i32
    %lt3A_20 = arith.cmpi slt, %arg1, %lt3A : i32
    %convert_element_type3A = arith.extui %lt3A_20 : i1 to i32
    %cond3A = arith.constant 0 : i32
    %cond3A_21 = arith.cmpi ne, %convert_element_type3A, %cond3A : i32
    scf.if %cond3A_21 {
      "tpu.region"() ({
        %run_scoped3A = tpu.sem_alloc : memref<!tpu.dma_semaphore, #tpu.memory_space<semaphore_mem>>
        %dma_start3A = arith.constant 0 : i32
        %dma_start3A_26 = tpu.memref_slice %arg4[%arg0, %mul3A_0, %dma_start3A] : memref<2x10000x128xf32, #tpu.memory_space<hbm>> -> memref<1x632x128xf32, #tpu.memory_space<hbm>>
        %dma_start3A_27 = tpu.memref_squeeze %dma_start3A_26 : memref<1x632x128xf32, #tpu.memory_space<hbm>> -> memref<632x128xf32, #tpu.memory_space<hbm>>
        %dma_start3A_28 = arith.constant 0 : i32
        %dma_start3A_29 = tpu.memref_slice %arg9[%mul3A_0, %dma_start3A_28] : memref<10112x128xf32, #tpu.memory_space<vmem_shared>> -> memref<632x128xf32, #tpu.memory_space<vmem_shared>>
        tpu.enqueue_dma source(%dma_start3A_29 : memref<632x128xf32, #tpu.memory_space<vmem_shared>>) target(%dma_start3A_27 : memref<632x128xf32, #tpu.memory_space<hbm>>) target_semaphore(%run_scoped3A : memref<!tpu.dma_semaphore, #tpu.memory_space<semaphore_mem>>)
        %dma_wait3A = arith.constant 0 : i32
        %dma_wait3A_30 = tpu.memref_slice %arg4[%arg0, %mul3A_0, %dma_wait3A] : memref<2x10000x128xf32, #tpu.memory_space<hbm>> -> memref<1x632x128xf32, #tpu.memory_space<hbm>>
        %dma_wait3A_31 = tpu.memref_squeeze %dma_wait3A_30 : memref<1x632x128xf32, #tpu.memory_space<hbm>> -> memref<632x128xf32, #tpu.memory_space<hbm>>
        %dma_wait3A_32 = arith.constant 0 : i32
        %dma_wait3A_33 = tpu.memref_slice %arg9[%mul3A_0, %dma_wait3A_32] : memref<10112x128xf32, #tpu.memory_space<vmem_shared>> -> memref<632x128xf32, #tpu.memory_space<vmem_shared>>
        tpu.wait_dma2 semaphore(%run_scoped3A : memref<!tpu.dma_semaphore, #tpu.memory_space<semaphore_mem>>) src(%dma_wait3A_33 : memref<632x128xf32, #tpu.memory_space<vmem_shared>>) dst(%dma_wait3A_31 : memref<632x128xf32, #tpu.memory_space<hbm>>)
        tpu.yield
      }) : () -> ()
    } else {
    }
    %eq3A = arith.constant 15 : i32
    %eq3A_22 = arith.cmpi eq, %arg1, %eq3A : i32
    %convert_element_type3A_23 = arith.extui %eq3A_22 : i1 to i32
    %cond3A_24 = arith.constant 0 : i32
    %cond3A_25 = arith.cmpi ne, %convert_element_type3A_23, %cond3A_24 : i32
    scf.if %cond3A_25 {
      "tpu.region"() ({
        %run_scoped3A = tpu.sem_alloc : memref<!tpu.dma_semaphore, #tpu.memory_space<semaphore_mem>>
        %dma_start3A = arith.constant 0 : i32
        %dma_start3A_26 = tpu.memref_slice %arg4[%arg0, %mul3A_0, %dma_start3A] : memref<2x10000x128xf32, #tpu.memory_space<hbm>> -> memref<1x520x128xf32, #tpu.memory_space<hbm>>
        %dma_start3A_27 = tpu.memref_squeeze %dma_start3A_26 : memref<1x520x128xf32, #tpu.memory_space<hbm>> -> memref<520x128xf32, #tpu.memory_space<hbm>>
        %dma_start3A_28 = arith.constant 0 : i32
        %dma_start3A_29 = tpu.memref_slice %arg9[%mul3A_0, %dma_start3A_28] : memref<10112x128xf32, #tpu.memory_space<vmem_shared>> -> memref<520x128xf32, #tpu.memory_space<vmem_shared>>
        tpu.enqueue_dma source(%dma_start3A_29 : memref<520x128xf32, #tpu.memory_space<vmem_shared>>) target(%dma_start3A_27 : memref<520x128xf32, #tpu.memory_space<hbm>>) target_semaphore(%run_scoped3A : memref<!tpu.dma_semaphore, #tpu.memory_space<semaphore_mem>>)
        %dma_wait3A = arith.constant 0 : i32
        %dma_wait3A_30 = tpu.memref_slice %arg4[%arg0, %mul3A_0, %dma_wait3A] : memref<2x10000x128xf32, #tpu.memory_space<hbm>> -> memref<1x520x128xf32, #tpu.memory_space<hbm>>
        %dma_wait3A_31 = tpu.memref_squeeze %dma_wait3A_30 : memref<1x520x128xf32, #tpu.memory_space<hbm>> -> memref<520x128xf32, #tpu.memory_space<hbm>>
        %dma_wait3A_32 = arith.constant 0 : i32
        %dma_wait3A_33 = tpu.memref_slice %arg9[%mul3A_0, %dma_wait3A_32] : memref<10112x128xf32, #tpu.memory_space<vmem_shared>> -> memref<520x128xf32, #tpu.memory_space<vmem_shared>>
        tpu.wait_dma2 semaphore(%run_scoped3A : memref<!tpu.dma_semaphore, #tpu.memory_space<semaphore_mem>>) src(%dma_wait3A_33 : memref<520x128xf32, #tpu.memory_space<vmem_shared>>) dst(%dma_wait3A_31 : memref<520x128xf32, #tpu.memory_space<hbm>>)
        tpu.yield
      }) : () -> ()
    } else {
    }
    return
  }
}

module attributes {stable_mosaic.version = 14 : i64} {
  func.func @body(%arg0: i32, %arg1: memref<2x1000x1xf32, #tpu.memory_space<vmem>>, %arg2: memref<1000x128xf32, #tpu.memory_space<vmem>>, %arg3: memref<128x256xf32, #tpu.memory_space<vmem>>, %arg4: memref<1x256xf32, #tpu.memory_space<vmem>>, %arg5: memref<256x256xf32, #tpu.memory_space<vmem>>, %arg6: memref<1000x256xf32, #tpu.memory_space<vmem>>, %arg7: memref<2x1000x128xf32, #tpu.memory_space<vmem>>) attributes {dimension_semantics = [#tpu.dimension_semantics<arbitrary>], iteration_bounds = array<i64: 10>, scalar_prefetch = 0 : i64, scratch_operands = 0 : i64, tpu.core_type = #tpu.core_type<tc>, window_params = [{transform_indices = @transform_0, window_bounds = array<i64: 2, 1000, 1>}, {transform_indices = @transform_1, window_bounds = array<i64: 1000, 128>}, {pipeline_mode = #tpu.pipeline_mode<synchronous>, transform_indices = @transform_2, window_bounds = array<i64: 128, 256>}, {pipeline_mode = #tpu.pipeline_mode<synchronous>, transform_indices = @transform_3, window_bounds = array<i64: 1, 256>}, {pipeline_mode = #tpu.pipeline_mode<synchronous>, transform_indices = @transform_4, window_bounds = array<i64: 256, 256>}, {transform_indices = @transform_5, window_bounds = array<i64: 1000, 256>}, {transform_indices = @transform_6, window_bounds = array<i64: 2, 1000, 128>}]} {
    %get3A = arith.constant 0 : index
    %get3A_0 = arith.constant 0 : index
    %get3A_1 = arith.constant 0 : index
    %get3A_2 = vector.load %arg1[%get3A, %get3A_0, %get3A_1] : memref<2x1000x1xf32, #tpu.memory_space<vmem>>, vector<1x1000x1xf32>
    %get3A_3 = vector.shape_cast %get3A_2 : vector<1x1000x1xf32> to vector<1000x1xf32>
    %get3A_4 = arith.constant 1 : index
    %get3A_5 = arith.constant 0 : index
    %get3A_6 = arith.constant 0 : index
    %get3A_7 = vector.load %arg1[%get3A_4, %get3A_5, %get3A_6] : memref<2x1000x1xf32, #tpu.memory_space<vmem>>, vector<1x1000x1xf32>
    %get3A_8 = vector.shape_cast %get3A_7 : vector<1x1000x1xf32> to vector<1000x1xf32>
    %add3A = arith.addf %get3A_3, %get3A_8 : vector<1000x1xf32>
    %mul3A = arith.constant 3.000000e+00 : f32
    %mul3A_9 = vector.broadcast %mul3A : f32 to vector<1000x1xf32>
    %mul3A_10 = arith.mulf %mul3A_9, %add3A : vector<1000x1xf32>
    %add3A_11 = arith.constant 1.000000e+00 : f32
    %add3A_12 = vector.broadcast %add3A_11 : f32 to vector<1000x1xf32>
    %add3A_13 = arith.addf %add3A_12, %mul3A_10 : vector<1000x1xf32>
    %rsqrt3A = math.rsqrt %add3A_13 : vector<1000x1xf32>
    %get3A_14 = arith.constant 0 : index
    %get3A_15 = arith.constant 0 : index
    %get3A_16 = vector.load %arg2[%get3A_14, %get3A_15] : memref<1000x128xf32, #tpu.memory_space<vmem>>, vector<1000x128xf32>
    %get3A_17 = arith.constant 0 : index
    %get3A_18 = arith.constant 0 : index
    %get3A_19 = vector.load %arg3[%get3A_17, %get3A_18] : memref<128x256xf32, #tpu.memory_space<vmem>>, vector<128x256xf32>
    %dot_general3A = arith.constant dense<0.000000e+00> : vector<1000x256xf32>
    %dot_general3A_20 = tpu.matmul %get3A_16, %get3A_19, %dot_general3A {dimension_numbers = #tpu.dot_dimension_numbers<[1], [0], [0], [1], [0, 0, 1, 1], [], []>, transpose_lhs_hint = false} : vector<1000x128xf32>, vector<128x256xf32>, vector<1000x256xf32> -> vector<1000x256xf32>
    %get3A_21 = arith.constant 0 : index
    %get3A_22 = arith.constant 0 : index
    %get3A_23 = vector.load %arg4[%get3A_21, %get3A_22] : memref<1x256xf32, #tpu.memory_space<vmem>>, vector<1x256xf32>
    %add3A_24 = vector.broadcast %get3A_23 : vector<1x256xf32> to vector<1000x256xf32>
    %add3A_25 = arith.addf %dot_general3A_20, %add3A_24 : vector<1000x256xf32>
    %gt3A = arith.constant 0.000000e+00 : f32
    %gt3A_26 = vector.broadcast %gt3A : f32 to vector<1000x256xf32>
    %gt3A_27 = arith.cmpf ogt, %add3A_25, %gt3A_26 : vector<1000x256xf32>
    %mul3A_28 = arith.constant 0.00999999977 : f32
    %mul3A_29 = vector.broadcast %mul3A_28 : f32 to vector<1000x256xf32>
    %mul3A_30 = arith.mulf %mul3A_29, %add3A_25 : vector<1000x256xf32>
    %select_n3A = arith.select %gt3A_27, %add3A_25, %mul3A_30 : vector<1000x256xi1>, vector<1000x256xf32>
    %get3A_31 = arith.constant 0 : index
    %get3A_32 = arith.constant 0 : index
    %get3A_33 = vector.load %arg5[%get3A_31, %get3A_32] : memref<256x256xf32, #tpu.memory_space<vmem>>, vector<256x256xf32>
    %dot_general3A_34 = arith.constant dense<0.000000e+00> : vector<1000x256xf32>
    %dot_general3A_35 = tpu.matmul %select_n3A, %get3A_33, %dot_general3A_34 {dimension_numbers = #tpu.dot_dimension_numbers<[1], [0], [0], [1], [0, 0, 1, 1], [], []>, transpose_lhs_hint = false} : vector<1000x256xf32>, vector<256x256xf32>, vector<1000x256xf32> -> vector<1000x256xf32>
    %mul3A_36 = vector.broadcast %rsqrt3A : vector<1000x1xf32> to vector<1000x256xf32>
    %mul3A_37 = arith.mulf %mul3A_36, %dot_general3A_35 : vector<1000x256xf32>
    %swap3A = arith.constant 0 : index
    %swap3A_38 = arith.constant 0 : index
    %swap3A_39 = vector.load %arg6[%swap3A, %swap3A_38] : memref<1000x256xf32, #tpu.memory_space<vmem>>, vector<1000x256xf32>
    tpu.vector_store %arg6[%swap3A, %swap3A_38], %add3A_25 {strides = array<i32>} : memref<1000x256xf32, #tpu.memory_space<vmem>>, vector<1000x256xf32>,
    %slice3A = vector.extract_strided_slice %mul3A_37 {offsets = [0, 0], sizes = [1000, 128], strides = [1, 1]} : vector<1000x256xf32> to vector<1000x128xf32>
    %swap3A_40 = arith.constant 0 : index
    %swap3A_41 = arith.constant 0 : index
    %swap3A_42 = arith.constant 0 : index
    %swap3A_43 = vector.load %arg7[%swap3A_40, %swap3A_41, %swap3A_42] : memref<2x1000x128xf32, #tpu.memory_space<vmem>>, vector<1x1000x128xf32>
    %swap3A_44 = vector.shape_cast %swap3A_43 : vector<1x1000x128xf32> to vector<1000x128xf32>
    %swap3A_45 = vector.shape_cast %slice3A : vector<1000x128xf32> to vector<1x1000x128xf32>
    tpu.vector_store %arg7[%swap3A_40, %swap3A_41, %swap3A_42], %swap3A_45 {strides = array<i32>} : memref<2x1000x128xf32, #tpu.memory_space<vmem>>, vector<1x1000x128xf32>,
    %slice3A_46 = vector.extract_strided_slice %mul3A_37 {offsets = [0, 128], sizes = [1000, 128], strides = [1, 1]} : vector<1000x256xf32> to vector<1000x128xf32>
    %swap3A_47 = arith.constant 1 : index
    %swap3A_48 = arith.constant 0 : index
    %swap3A_49 = arith.constant 0 : index
    %swap3A_50 = vector.load %arg7[%swap3A_47, %swap3A_48, %swap3A_49] : memref<2x1000x128xf32, #tpu.memory_space<vmem>>, vector<1x1000x128xf32>
    %swap3A_51 = vector.shape_cast %swap3A_50 : vector<1x1000x128xf32> to vector<1000x128xf32>
    %swap3A_52 = vector.shape_cast %slice3A_46 : vector<1000x128xf32> to vector<1x1000x128xf32>
    tpu.vector_store %arg7[%swap3A_47, %swap3A_48, %swap3A_49], %swap3A_52 {strides = array<i32>} : memref<2x1000x128xf32, #tpu.memory_space<vmem>>, vector<1x1000x128xf32>,
    return
  }
  func.func @transform_0(%arg0: i32) -> (i32, i32, i32) {
    %c0_i32 = arith.constant 0 : i32
    %c0_i32_0 = arith.constant 0 : i32
    %c0_i32_1 = arith.constant 0 : i32
    return %c0_i32, %arg0, %c0_i32_0 : i32, i32, i32
  }
  func.func @transform_1(%arg0: i32) -> (i32, i32) {
    %c0_i32 = arith.constant 0 : i32
    %c0_i32_0 = arith.constant 0 : i32
    return %arg0, %c0_i32 : i32, i32
  }
  func.func @transform_2(%arg0: i32) -> (i32, i32) {
    %c0_i32 = arith.constant 0 : i32
    %c0_i32_0 = arith.constant 0 : i32
    %c0_i32_1 = arith.constant 0 : i32
    return %c0_i32, %c0_i32_0 : i32, i32
  }
  func.func @transform_3(%arg0: i32) -> (i32, i32) {
    %c0_i32 = arith.constant 0 : i32
    %c0_i32_0 = arith.constant 0 : i32
    %c0_i32_1 = arith.constant 0 : i32
    return %c0_i32, %c0_i32_0 : i32, i32
  }
  func.func @transform_4(%arg0: i32) -> (i32, i32) {
    %c0_i32 = arith.constant 0 : i32
    %c0_i32_0 = arith.constant 0 : i32
    %c0_i32_1 = arith.constant 0 : i32
    return %c0_i32, %c0_i32_0 : i32, i32
  }
  func.func @transform_5(%arg0: i32) -> (i32, i32) {
    %c0_i32 = arith.constant 0 : i32
    %c0_i32_0 = arith.constant 0 : i32
    return %arg0, %c0_i32 : i32, i32
  }
  func.func @transform_6(%arg0: i32) -> (i32, i32, i32) {
    %c0_i32 = arith.constant 0 : i32
    %c0_i32_0 = arith.constant 0 : i32
    %c0_i32_1 = arith.constant 0 : i32
    return %c0_i32, %arg0, %c0_i32_0 : i32, i32, i32
  }
}

module attributes {stable_mosaic.version = 14 : i64} {
  func.func @body(%arg0: i32, %arg1: memref<2x1000x1xf32, #tpu.memory_space<vmem>>, %arg2: memref<2x1000x128xf32, #tpu.memory_space<vmem>>, %arg3: memref<2x1000x128xf32, #tpu.memory_space<vmem>>, %arg4: memref<1x256xf32, #tpu.memory_space<vmem>>, %arg5: memref<256x256xf32, #tpu.memory_space<vmem>>, %arg6: memref<2x1000x128xf32, #tpu.memory_space<vmem>>) attributes {dimension_semantics = [#tpu.dimension_semantics<arbitrary>], iteration_bounds = array<i64: 10>, scalar_prefetch = 0 : i64, scratch_operands = 0 : i64, tpu.core_type = #tpu.core_type<tc>, window_params = [{transform_indices = @transform_0, window_bounds = array<i64: 2, 1000, 1>}, {transform_indices = @transform_1, window_bounds = array<i64: 2, 1000, 128>}, {transform_indices = @transform_2, window_bounds = array<i64: 2, 1000, 128>}, {pipeline_mode = #tpu.pipeline_mode<synchronous>, transform_indices = @transform_3, window_bounds = array<i64: 1, 256>}, {pipeline_mode = #tpu.pipeline_mode<synchronous>, transform_indices = @transform_4, window_bounds = array<i64: 256, 256>}, {transform_indices = @transform_5, window_bounds = array<i64: 2, 1000, 128>}]} {
    %get3A = arith.constant 0 : index
    %get3A_0 = arith.constant 0 : index
    %get3A_1 = arith.constant 0 : index
    %get3A_2 = vector.load %arg1[%get3A, %get3A_0, %get3A_1] : memref<2x1000x1xf32, #tpu.memory_space<vmem>>, vector<1x1000x1xf32>
    %get3A_3 = vector.shape_cast %get3A_2 : vector<1x1000x1xf32> to vector<1000x1xf32>
    %get3A_4 = arith.constant 1 : index
    %get3A_5 = arith.constant 0 : index
    %get3A_6 = arith.constant 0 : index
    %get3A_7 = vector.load %arg1[%get3A_4, %get3A_5, %get3A_6] : memref<2x1000x1xf32, #tpu.memory_space<vmem>>, vector<1x1000x1xf32>
    %get3A_8 = vector.shape_cast %get3A_7 : vector<1x1000x1xf32> to vector<1000x1xf32>
    %add3A = arith.addf %get3A_3, %get3A_8 : vector<1000x1xf32>
    %mul3A = arith.constant 3.000000e+00 : f32
    %mul3A_9 = vector.broadcast %mul3A : f32 to vector<1000x1xf32>
    %mul3A_10 = arith.mulf %mul3A_9, %add3A : vector<1000x1xf32>
    %add3A_11 = arith.constant 1.000000e+00 : f32
    %add3A_12 = vector.broadcast %add3A_11 : f32 to vector<1000x1xf32>
    %add3A_13 = arith.addf %add3A_12, %mul3A_10 : vector<1000x1xf32>
    %rsqrt3A = math.rsqrt %add3A_13 : vector<1000x1xf32>
    %get3A_14 = arith.constant 0 : index
    %get3A_15 = arith.constant 0 : index
    %get3A_16 = arith.constant 0 : index
    %get3A_17 = vector.load %arg2[%get3A_14, %get3A_15, %get3A_16] : memref<2x1000x128xf32, #tpu.memory_space<vmem>>, vector<1x1000x128xf32>
    %get3A_18 = vector.shape_cast %get3A_17 : vector<1x1000x128xf32> to vector<1000x128xf32>
    %get3A_19 = arith.constant 0 : index
    %get3A_20 = arith.constant 0 : index
    %get3A_21 = arith.constant 0 : index
    %get3A_22 = vector.load %arg3[%get3A_19, %get3A_20, %get3A_21] : memref<2x1000x128xf32, #tpu.memory_space<vmem>>, vector<1x1000x128xf32>
    %get3A_23 = vector.shape_cast %get3A_22 : vector<1x1000x128xf32> to vector<1000x128xf32>
    %add3A_24 = arith.addf %get3A_18, %get3A_23 : vector<1000x128xf32>
    %mul3A_25 = vector.broadcast %rsqrt3A : vector<1000x1xf32> to vector<1000x128xf32>
    %mul3A_26 = arith.mulf %mul3A_25, %add3A_24 : vector<1000x128xf32>
    %get3A_27 = arith.constant 0 : index
    %get3A_28 = arith.constant 0 : index
    %get3A_29 = vector.load %arg4[%get3A_27, %get3A_28] : memref<1x256xf32, #tpu.memory_space<vmem>>, vector<1x128xf32>
    %add3A_30 = vector.broadcast %get3A_29 : vector<1x128xf32> to vector<1000x128xf32>
    %add3A_31 = arith.addf %mul3A_26, %add3A_30 : vector<1000x128xf32>
    %gt3A = arith.constant 0.000000e+00 : f32
    %gt3A_32 = vector.broadcast %gt3A : f32 to vector<1000x128xf32>
    %gt3A_33 = arith.cmpf ogt, %add3A_31, %gt3A_32 : vector<1000x128xf32>
    %mul3A_34 = arith.constant 0.00999999977 : f32
    %mul3A_35 = vector.broadcast %mul3A_34 : f32 to vector<1000x128xf32>
    %mul3A_36 = arith.mulf %mul3A_35, %add3A_31 : vector<1000x128xf32>
    %select_n3A = arith.select %gt3A_33, %add3A_31, %mul3A_36 : vector<1000x128xi1>, vector<1000x128xf32>
    %get3A_37 = arith.constant 1 : index
    %get3A_38 = arith.constant 0 : index
    %get3A_39 = arith.constant 0 : index
    %get3A_40 = vector.load %arg2[%get3A_37, %get3A_38, %get3A_39] : memref<2x1000x128xf32, #tpu.memory_space<vmem>>, vector<1x1000x128xf32>
    %get3A_41 = vector.shape_cast %get3A_40 : vector<1x1000x128xf32> to vector<1000x128xf32>
    %get3A_42 = arith.constant 1 : index
    %get3A_43 = arith.constant 0 : index
    %get3A_44 = arith.constant 0 : index
    %get3A_45 = vector.load %arg3[%get3A_42, %get3A_43, %get3A_44] : memref<2x1000x128xf32, #tpu.memory_space<vmem>>, vector<1x1000x128xf32>
    %get3A_46 = vector.shape_cast %get3A_45 : vector<1x1000x128xf32> to vector<1000x128xf32>
    %add3A_47 = arith.addf %get3A_41, %get3A_46 : vector<1000x128xf32>
    %mul3A_48 = vector.broadcast %rsqrt3A : vector<1000x1xf32> to vector<1000x128xf32>
    %mul3A_49 = arith.mulf %mul3A_48, %add3A_47 : vector<1000x128xf32>
    %get3A_50 = arith.constant 0 : index
    %get3A_51 = arith.constant 128 : index
    %get3A_52 = vector.load %arg4[%get3A_50, %get3A_51] : memref<1x256xf32, #tpu.memory_space<vmem>>, vector<1x128xf32>
    %add3A_53 = vector.broadcast %get3A_52 : vector<1x128xf32> to vector<1000x128xf32>
    %add3A_54 = arith.addf %mul3A_49, %add3A_53 : vector<1000x128xf32>
    %gt3A_55 = arith.constant 0.000000e+00 : f32
    %gt3A_56 = vector.broadcast %gt3A_55 : f32 to vector<1000x128xf32>
    %gt3A_57 = arith.cmpf ogt, %add3A_54, %gt3A_56 : vector<1000x128xf32>
    %mul3A_58 = arith.constant 0.00999999977 : f32
    %mul3A_59 = vector.broadcast %mul3A_58 : f32 to vector<1000x128xf32>
    %mul3A_60 = arith.mulf %mul3A_59, %add3A_54 : vector<1000x128xf32>
    %select_n3A_61 = arith.select %gt3A_57, %add3A_54, %mul3A_60 : vector<1000x128xi1>, vector<1000x128xf32>
    %get3A_62 = arith.constant 0 : index
    %get3A_63 = arith.constant 0 : index
    %get3A_64 = vector.load %arg5[%get3A_62, %get3A_63] : memref<256x256xf32, #tpu.memory_space<vmem>>, vector<128x256xf32>
    %dot_general3A = arith.constant dense<0.000000e+00> : vector<1000x256xf32>
    %dot_general3A_65 = tpu.matmul %select_n3A, %get3A_64, %dot_general3A {dimension_numbers = #tpu.dot_dimension_numbers<[1], [0], [0], [1], [0, 0, 1, 1], [], []>, transpose_lhs_hint = false} : vector<1000x128xf32>, vector<128x256xf32>, vector<1000x256xf32> -> vector<1000x256xf32>
    %get3A_66 = arith.constant 128 : index
    %get3A_67 = arith.constant 0 : index
    %get3A_68 = vector.load %arg5[%get3A_66, %get3A_67] : memref<256x256xf32, #tpu.memory_space<vmem>>, vector<128x256xf32>
    %dot_general3A_69 = arith.constant dense<0.000000e+00> : vector<1000x256xf32>
    %dot_general3A_70 = tpu.matmul %select_n3A_61, %get3A_68, %dot_general3A_69 {dimension_numbers = #tpu.dot_dimension_numbers<[1], [0], [0], [1], [0, 0, 1, 1], [], []>, transpose_lhs_hint = false} : vector<1000x128xf32>, vector<128x256xf32>, vector<1000x256xf32> -> vector<1000x256xf32>
    %add3A_71 = arith.addf %dot_general3A_65, %dot_general3A_70 : vector<1000x256xf32>
    %mul3A_72 = vector.broadcast %rsqrt3A : vector<1000x1xf32> to vector<1000x256xf32>
    %mul3A_73 = arith.mulf %mul3A_72, %add3A_71 : vector<1000x256xf32>
    %slice3A = vector.extract_strided_slice %mul3A_73 {offsets = [0, 0], sizes = [1000, 128], strides = [1, 1]} : vector<1000x256xf32> to vector<1000x128xf32>
    %swap3A = arith.constant 0 : index
    %swap3A_74 = arith.constant 0 : index
    %swap3A_75 = arith.constant 0 : index
    %swap3A_76 = vector.load %arg6[%swap3A, %swap3A_74, %swap3A_75] : memref<2x1000x128xf32, #tpu.memory_space<vmem>>, vector<1x1000x128xf32>
    %swap3A_77 = vector.shape_cast %swap3A_76 : vector<1x1000x128xf32> to vector<1000x128xf32>
    %swap3A_78 = vector.shape_cast %slice3A : vector<1000x128xf32> to vector<1x1000x128xf32>
    tpu.vector_store %arg6[%swap3A, %swap3A_74, %swap3A_75], %swap3A_78 {strides = array<i32>} : memref<2x1000x128xf32, #tpu.memory_space<vmem>>, vector<1x1000x128xf32>,
    %slice3A_79 = vector.extract_strided_slice %mul3A_73 {offsets = [0, 128], sizes = [1000, 128], strides = [1, 1]} : vector<1000x256xf32> to vector<1000x128xf32>
    %swap3A_80 = arith.constant 1 : index
    %swap3A_81 = arith.constant 0 : index
    %swap3A_82 = arith.constant 0 : index
    %swap3A_83 = vector.load %arg6[%swap3A_80, %swap3A_81, %swap3A_82] : memref<2x1000x128xf32, #tpu.memory_space<vmem>>, vector<1x1000x128xf32>
    %swap3A_84 = vector.shape_cast %swap3A_83 : vector<1x1000x128xf32> to vector<1000x128xf32>
    %swap3A_85 = vector.shape_cast %slice3A_79 : vector<1000x128xf32> to vector<1x1000x128xf32>
    tpu.vector_store %arg6[%swap3A_80, %swap3A_81, %swap3A_82], %swap3A_85 {strides = array<i32>} : memref<2x1000x128xf32, #tpu.memory_space<vmem>>, vector<1x1000x128xf32>,
    return
  }
  func.func @transform_0(%arg0: i32) -> (i32, i32, i32) {
    %c0_i32 = arith.constant 0 : i32
    %c0_i32_0 = arith.constant 0 : i32
    %c0_i32_1 = arith.constant 0 : i32
    return %c0_i32, %arg0, %c0_i32_0 : i32, i32, i32
  }
  func.func @transform_1(%arg0: i32) -> (i32, i32, i32) {
    %c0_i32 = arith.constant 0 : i32
    %c0_i32_0 = arith.constant 0 : i32
    %c0_i32_1 = arith.constant 0 : i32
    return %c0_i32, %arg0, %c0_i32_0 : i32, i32, i32
  }
  func.func @transform_2(%arg0: i32) -> (i32, i32, i32) {
    %c0_i32 = arith.constant 0 : i32
    %c0_i32_0 = arith.constant 0 : i32
    %c0_i32_1 = arith.constant 0 : i32
    return %c0_i32, %arg0, %c0_i32_0 : i32, i32, i32
  }
  func.func @transform_3(%arg0: i32) -> (i32, i32) {
    %c0_i32 = arith.constant 0 : i32
    %c0_i32_0 = arith.constant 0 : i32
    %c0_i32_1 = arith.constant 0 : i32
    return %c0_i32, %c0_i32_0 : i32, i32
  }
  func.func @transform_4(%arg0: i32) -> (i32, i32) {
    %c0_i32 = arith.constant 0 : i32
    %c0_i32_0 = arith.constant 0 : i32
    %c0_i32_1 = arith.constant 0 : i32
    return %c0_i32, %c0_i32_0 : i32, i32
  }
  func.func @transform_5(%arg0: i32) -> (i32, i32, i32) {
    %c0_i32 = arith.constant 0 : i32
    %c0_i32_0 = arith.constant 0 : i32
    %c0_i32_1 = arith.constant 0 : i32
    return %c0_i32, %arg0, %c0_i32_0 : i32, i32, i32
  }
}

module attributes {stable_mosaic.version = 14 : i64} {
  func.func @body(%arg0: i32, %arg1: memref<2x1000x1xf32, #tpu.memory_space<vmem>>, %arg2: memref<2x1000x128xf32, #tpu.memory_space<vmem>>, %arg3: memref<2x1000x128xf32, #tpu.memory_space<vmem>>, %arg4: memref<1x256xf32, #tpu.memory_space<vmem>>, %arg5: memref<1000x256xf32, #tpu.memory_space<vmem>>, %arg6: memref<256x128xf32, #tpu.memory_space<vmem>>, %arg7: memref<1x128xf32, #tpu.memory_space<vmem>>, %arg8: memref<128x128xf32, #tpu.memory_space<vmem>>, %arg9: memref<1000x128xf32, #tpu.memory_space<vmem>>, %arg10: memref<1000x128xf32, #tpu.memory_space<vmem>>) attributes {dimension_semantics = [#tpu.dimension_semantics<arbitrary>], iteration_bounds = array<i64: 10>, scalar_prefetch = 0 : i64, scratch_operands = 0 : i64, tpu.core_type = #tpu.core_type<tc>, window_params = [{transform_indices = @transform_0, window_bounds = array<i64: 2, 1000, 1>}, {transform_indices = @transform_1, window_bounds = array<i64: 2, 1000, 128>}, {transform_indices = @transform_2, window_bounds = array<i64: 2, 1000, 128>}, {pipeline_mode = #tpu.pipeline_mode<synchronous>, transform_indices = @transform_3, window_bounds = array<i64: 1, 256>}, {transform_indices = @transform_4, window_bounds = array<i64: 1000, 256>}, {pipeline_mode = #tpu.pipeline_mode<synchronous>, transform_indices = @transform_5, window_bounds = array<i64: 256, 128>}, {pipeline_mode = #tpu.pipeline_mode<synchronous>, transform_indices = @transform_6, window_bounds = array<i64: 1, 128>}, {pipeline_mode = #tpu.pipeline_mode<synchronous>, transform_indices = @transform_7, window_bounds = array<i64: 128, 128>}, {transform_indices = @transform_8, window_bounds = array<i64: 1000, 128>}, {transform_indices = @transform_9, window_bounds = array<i64: 1000, 128>}]} {
    %get3A = arith.constant 0 : index
    %get3A_0 = arith.constant 0 : index
    %get3A_1 = arith.constant 0 : index
    %get3A_2 = vector.load %arg1[%get3A, %get3A_0, %get3A_1] : memref<2x1000x1xf32, #tpu.memory_space<vmem>>, vector<1x1000x1xf32>
    %get3A_3 = vector.shape_cast %get3A_2 : vector<1x1000x1xf32> to vector<1000x1xf32>
    %get3A_4 = arith.constant 1 : index
    %get3A_5 = arith.constant 0 : index
    %get3A_6 = arith.constant 0 : index
    %get3A_7 = vector.load %arg1[%get3A_4, %get3A_5, %get3A_6] : memref<2x1000x1xf32, #tpu.memory_space<vmem>>, vector<1x1000x1xf32>
    %get3A_8 = vector.shape_cast %get3A_7 : vector<1x1000x1xf32> to vector<1000x1xf32>
    %add3A = arith.addf %get3A_3, %get3A_8 : vector<1000x1xf32>
    %mul3A = arith.constant 3.000000e+00 : f32
    %mul3A_9 = vector.broadcast %mul3A : f32 to vector<1000x1xf32>
    %mul3A_10 = arith.mulf %mul3A_9, %add3A : vector<1000x1xf32>
    %add3A_11 = arith.constant 1.000000e+00 : f32
    %add3A_12 = vector.broadcast %add3A_11 : f32 to vector<1000x1xf32>
    %add3A_13 = arith.addf %add3A_12, %mul3A_10 : vector<1000x1xf32>
    %rsqrt3A = math.rsqrt %add3A_13 : vector<1000x1xf32>
    %get3A_14 = arith.constant 0 : index
    %get3A_15 = arith.constant 0 : index
    %get3A_16 = arith.constant 0 : index
    %get3A_17 = vector.load %arg2[%get3A_14, %get3A_15, %get3A_16] : memref<2x1000x128xf32, #tpu.memory_space<vmem>>, vector<1x1000x128xf32>
    %get3A_18 = vector.shape_cast %get3A_17 : vector<1x1000x128xf32> to vector<1000x128xf32>
    %get3A_19 = arith.constant 0 : index
    %get3A_20 = arith.constant 0 : index
    %get3A_21 = arith.constant 0 : index
    %get3A_22 = vector.load %arg3[%get3A_19, %get3A_20, %get3A_21] : memref<2x1000x128xf32, #tpu.memory_space<vmem>>, vector<1x1000x128xf32>
    %get3A_23 = vector.shape_cast %get3A_22 : vector<1x1000x128xf32> to vector<1000x128xf32>
    %add3A_24 = arith.addf %get3A_18, %get3A_23 : vector<1000x128xf32>
    %mul3A_25 = vector.broadcast %rsqrt3A : vector<1000x1xf32> to vector<1000x128xf32>
    %mul3A_26 = arith.mulf %mul3A_25, %add3A_24 : vector<1000x128xf32>
    %get3A_27 = arith.constant 0 : index
    %get3A_28 = arith.constant 0 : index
    %get3A_29 = vector.load %arg4[%get3A_27, %get3A_28] : memref<1x256xf32, #tpu.memory_space<vmem>>, vector<1x128xf32>
    %add3A_30 = vector.broadcast %get3A_29 : vector<1x128xf32> to vector<1000x128xf32>
    %add3A_31 = arith.addf %mul3A_26, %add3A_30 : vector<1000x128xf32>
    %get3A_32 = arith.constant 1 : index
    %get3A_33 = arith.constant 0 : index
    %get3A_34 = arith.constant 0 : index
    %get3A_35 = vector.load %arg2[%get3A_32, %get3A_33, %get3A_34] : memref<2x1000x128xf32, #tpu.memory_space<vmem>>, vector<1x1000x128xf32>
    %get3A_36 = vector.shape_cast %get3A_35 : vector<1x1000x128xf32> to vector<1000x128xf32>
    %get3A_37 = arith.constant 1 : index
    %get3A_38 = arith.constant 0 : index
    %get3A_39 = arith.constant 0 : index
    %get3A_40 = vector.load %arg3[%get3A_37, %get3A_38, %get3A_39] : memref<2x1000x128xf32, #tpu.memory_space<vmem>>, vector<1x1000x128xf32>
    %get3A_41 = vector.shape_cast %get3A_40 : vector<1x1000x128xf32> to vector<1000x128xf32>
    %add3A_42 = arith.addf %get3A_36, %get3A_41 : vector<1000x128xf32>
    %mul3A_43 = vector.broadcast %rsqrt3A : vector<1000x1xf32> to vector<1000x128xf32>
    %mul3A_44 = arith.mulf %mul3A_43, %add3A_42 : vector<1000x128xf32>
    %get3A_45 = arith.constant 0 : index
    %get3A_46 = arith.constant 128 : index
    %get3A_47 = vector.load %arg4[%get3A_45, %get3A_46] : memref<1x256xf32, #tpu.memory_space<vmem>>, vector<1x128xf32>
    %add3A_48 = vector.broadcast %get3A_47 : vector<1x128xf32> to vector<1000x128xf32>
    %add3A_49 = arith.addf %mul3A_44, %add3A_48 : vector<1000x128xf32>
    %sqrt3A = arith.constant 2.000000e+00 : f32
    %sqrt3A_50 = math.sqrt %sqrt3A : f32
    %div3A = arith.constant 1.000000e+00 : f32
    %div3A_51 = arith.divf %div3A, %sqrt3A_50 : f32
    %get3A_52 = arith.constant 0 : index
    %get3A_53 = arith.constant 0 : index
    %get3A_54 = vector.load %arg5[%get3A_52, %get3A_53] : memref<1000x256xf32, #tpu.memory_space<vmem>>, vector<1000x128xf32>
    %add3A_55 = arith.addf %get3A_54, %add3A_31 : vector<1000x128xf32>
    %mul3A_56 = vector.broadcast %div3A_51 : f32 to vector<1000x128xf32>
    %mul3A_57 = arith.mulf %add3A_55, %mul3A_56 : vector<1000x128xf32>
    %gt3A = arith.constant 0.000000e+00 : f32
    %gt3A_58 = vector.broadcast %gt3A : f32 to vector<1000x128xf32>
    %gt3A_59 = arith.cmpf ogt, %mul3A_57, %gt3A_58 : vector<1000x128xf32>
    %mul3A_60 = arith.constant 0.00999999977 : f32
    %mul3A_61 = vector.broadcast %mul3A_60 : f32 to vector<1000x128xf32>
    %mul3A_62 = arith.mulf %mul3A_61, %mul3A_57 : vector<1000x128xf32>
    %select_n3A = arith.select %gt3A_59, %mul3A_57, %mul3A_62 : vector<1000x128xi1>, vector<1000x128xf32>
    %get3A_63 = arith.constant 0 : index
    %get3A_64 = arith.constant 128 : index
    %get3A_65 = vector.load %arg5[%get3A_63, %get3A_64] : memref<1000x256xf32, #tpu.memory_space<vmem>>, vector<1000x128xf32>
    %add3A_66 = arith.addf %get3A_65, %add3A_49 : vector<1000x128xf32>
    %mul3A_67 = vector.broadcast %div3A_51 : f32 to vector<1000x128xf32>
    %mul3A_68 = arith.mulf %add3A_66, %mul3A_67 : vector<1000x128xf32>
    %gt3A_69 = arith.constant 0.000000e+00 : f32
    %gt3A_70 = vector.broadcast %gt3A_69 : f32 to vector<1000x128xf32>
    %gt3A_71 = arith.cmpf ogt, %mul3A_68, %gt3A_70 : vector<1000x128xf32>
    %mul3A_72 = arith.constant 0.00999999977 : f32
    %mul3A_73 = vector.broadcast %mul3A_72 : f32 to vector<1000x128xf32>
    %mul3A_74 = arith.mulf %mul3A_73, %mul3A_68 : vector<1000x128xf32>
    %select_n3A_75 = arith.select %gt3A_71, %mul3A_68, %mul3A_74 : vector<1000x128xi1>, vector<1000x128xf32>
    %get3A_76 = arith.constant 0 : index
    %get3A_77 = arith.constant 0 : index
    %get3A_78 = vector.load %arg6[%get3A_76, %get3A_77] : memref<256x128xf32, #tpu.memory_space<vmem>>, vector<128x128xf32>
    %dot_general3A = arith.constant dense<0.000000e+00> : vector<1000x128xf32>
    %dot_general3A_79 = tpu.matmul %select_n3A, %get3A_78, %dot_general3A {dimension_numbers = #tpu.dot_dimension_numbers<[1], [0], [0], [1], [0, 0, 1, 1], [], []>, transpose_lhs_hint = false} : vector<1000x128xf32>, vector<128x128xf32>, vector<1000x128xf32> -> vector<1000x128xf32>
    %get3A_80 = arith.constant 128 : index
    %get3A_81 = arith.constant 0 : index
    %get3A_82 = vector.load %arg6[%get3A_80, %get3A_81] : memref<256x128xf32, #tpu.memory_space<vmem>>, vector<128x128xf32>
    %dot_general3A_83 = arith.constant dense<0.000000e+00> : vector<1000x128xf32>
    %dot_general3A_84 = tpu.matmul %select_n3A_75, %get3A_82, %dot_general3A_83 {dimension_numbers = #tpu.dot_dimension_numbers<[1], [0], [0], [1], [0, 0, 1, 1], [], []>, transpose_lhs_hint = false} : vector<1000x128xf32>, vector<128x128xf32>, vector<1000x128xf32> -> vector<1000x128xf32>
    %add3A_85 = arith.addf %dot_general3A_79, %dot_general3A_84 : vector<1000x128xf32>
    %get3A_86 = arith.constant 0 : index
    %get3A_87 = arith.constant 0 : index
    %get3A_88 = vector.load %arg7[%get3A_86, %get3A_87] : memref<1x128xf32, #tpu.memory_space<vmem>>, vector<1x128xf32>
    %add3A_89 = vector.broadcast %get3A_88 : vector<1x128xf32> to vector<1000x128xf32>
    %add3A_90 = arith.addf %add3A_85, %add3A_89 : vector<1000x128xf32>
    %gt3A_91 = arith.constant 0.000000e+00 : f32
    %gt3A_92 = vector.broadcast %gt3A_91 : f32 to vector<1000x128xf32>
    %gt3A_93 = arith.cmpf ogt, %add3A_90, %gt3A_92 : vector<1000x128xf32>
    %mul3A_94 = arith.constant 0.00999999977 : f32
    %mul3A_95 = vector.broadcast %mul3A_94 : f32 to vector<1000x128xf32>
    %mul3A_96 = arith.mulf %mul3A_95, %add3A_90 : vector<1000x128xf32>
    %select_n3A_97 = arith.select %gt3A_93, %add3A_90, %mul3A_96 : vector<1000x128xi1>, vector<1000x128xf32>
    %get3A_98 = arith.constant 0 : index
    %get3A_99 = arith.constant 0 : index
    %get3A_100 = vector.load %arg8[%get3A_98, %get3A_99] : memref<128x128xf32, #tpu.memory_space<vmem>>, vector<128x128xf32>
    %dot_general3A_101 = arith.constant dense<0.000000e+00> : vector<1000x128xf32>
    %dot_general3A_102 = tpu.matmul %select_n3A_97, %get3A_100, %dot_general3A_101 {dimension_numbers = #tpu.dot_dimension_numbers<[1], [0], [0], [1], [0, 0, 1, 1], [], []>, transpose_lhs_hint = false} : vector<1000x128xf32>, vector<128x128xf32>, vector<1000x128xf32> -> vector<1000x128xf32>
    %swap3A = arith.constant 0 : index
    %swap3A_103 = arith.constant 0 : index
    %swap3A_104 = vector.load %arg9[%swap3A, %swap3A_103] : memref<1000x128xf32, #tpu.memory_space<vmem>>, vector<1000x128xf32>
    tpu.vector_store %arg9[%swap3A, %swap3A_103], %add3A_90 {strides = array<i32>} : memref<1000x128xf32, #tpu.memory_space<vmem>>, vector<1000x128xf32>,
    %mul3A_105 = vector.broadcast %rsqrt3A : vector<1000x1xf32> to vector<1000x128xf32>
    %mul3A_106 = arith.mulf %mul3A_105, %dot_general3A_102 : vector<1000x128xf32>
    %swap3A_107 = arith.constant 0 : index
    %swap3A_108 = arith.constant 0 : index
    %swap3A_109 = vector.load %arg10[%swap3A_107, %swap3A_108] : memref<1000x128xf32, #tpu.memory_space<vmem>>, vector<1000x128xf32>
    tpu.vector_store %arg10[%swap3A_107, %swap3A_108], %mul3A_106 {strides = array<i32>} : memref<1000x128xf32, #tpu.memory_space<vmem>>, vector<1000x128xf32>,
    return
  }
  func.func @transform_0(%arg0: i32) -> (i32, i32, i32) {
    %c0_i32 = arith.constant 0 : i32
    %c0_i32_0 = arith.constant 0 : i32
    %c0_i32_1 = arith.constant 0 : i32
    return %c0_i32, %arg0, %c0_i32_0 : i32, i32, i32
  }
  func.func @transform_1(%arg0: i32) -> (i32, i32, i32) {
    %c0_i32 = arith.constant 0 : i32
    %c0_i32_0 = arith.constant 0 : i32
    %c0_i32_1 = arith.constant 0 : i32
    return %c0_i32, %arg0, %c0_i32_0 : i32, i32, i32
  }
  func.func @transform_2(%arg0: i32) -> (i32, i32, i32) {
    %c0_i32 = arith.constant 0 : i32
    %c0_i32_0 = arith.constant 0 : i32
    %c0_i32_1 = arith.constant 0 : i32
    return %c0_i32, %arg0, %c0_i32_0 : i32, i32, i32
  }
  func.func @transform_3(%arg0: i32) -> (i32, i32) {
    %c0_i32 = arith.constant 0 : i32
    %c0_i32_0 = arith.constant 0 : i32
    %c0_i32_1 = arith.constant 0 : i32
    return %c0_i32, %c0_i32_0 : i32, i32
  }
  func.func @transform_4(%arg0: i32) -> (i32, i32) {
    %c0_i32 = arith.constant 0 : i32
    %c0_i32_0 = arith.constant 0 : i32
    return %arg0, %c0_i32 : i32, i32
  }
  func.func @transform_5(%arg0: i32) -> (i32, i32) {
    %c0_i32 = arith.constant 0 : i32
    %c0_i32_0 = arith.constant 0 : i32
    %c0_i32_1 = arith.constant 0 : i32
    return %c0_i32, %c0_i32_0 : i32, i32
  }
  func.func @transform_6(%arg0: i32) -> (i32, i32) {
    %c0_i32 = arith.constant 0 : i32
    %c0_i32_0 = arith.constant 0 : i32
    %c0_i32_1 = arith.constant 0 : i32
    return %c0_i32, %c0_i32_0 : i32, i32
  }
  func.func @transform_7(%arg0: i32) -> (i32, i32) {
    %c0_i32 = arith.constant 0 : i32
    %c0_i32_0 = arith.constant 0 : i32
    %c0_i32_1 = arith.constant 0 : i32
    return %c0_i32, %c0_i32_0 : i32, i32
  }
  func.func @transform_8(%arg0: i32) -> (i32, i32) {
    %c0_i32 = arith.constant 0 : i32
    %c0_i32_0 = arith.constant 0 : i32
    return %arg0, %c0_i32 : i32, i32
  }
  func.func @transform_9(%arg0: i32) -> (i32, i32) {
    %c0_i32 = arith.constant 0 : i32
    %c0_i32_0 = arith.constant 0 : i32
    return %arg0, %c0_i32 : i32, i32
  }
}

module attributes {stable_mosaic.version = 14 : i64} {
  func.func @body(%arg0: i32, %arg1: memref<2x1000x1xf32, #tpu.memory_space<vmem>>, %arg2: memref<2x1000x128xf32, #tpu.memory_space<vmem>>, %arg3: memref<1000x128xf32, #tpu.memory_space<vmem>>, %arg4: memref<1x128xf32, #tpu.memory_space<vmem>>, %arg5: memref<128x128xf32, #tpu.memory_space<vmem>>, %arg6: memref<1000x128xf32, #tpu.memory_space<vmem>>) attributes {dimension_semantics = [#tpu.dimension_semantics<arbitrary>], iteration_bounds = array<i64: 10>, scalar_prefetch = 0 : i64, scratch_operands = 0 : i64, tpu.core_type = #tpu.core_type<tc>, window_params = [{transform_indices = @transform_0, window_bounds = array<i64: 2, 1000, 1>}, {transform_indices = @transform_1, window_bounds = array<i64: 2, 1000, 128>}, {transform_indices = @transform_2, window_bounds = array<i64: 1000, 128>}, {pipeline_mode = #tpu.pipeline_mode<synchronous>, transform_indices = @transform_3, window_bounds = array<i64: 1, 128>}, {pipeline_mode = #tpu.pipeline_mode<synchronous>, transform_indices = @transform_4, window_bounds = array<i64: 128, 128>}, {transform_indices = @transform_5, window_bounds = array<i64: 1000, 128>}]} {
    %get3A = arith.constant 0 : index
    %get3A_0 = arith.constant 0 : index
    %get3A_1 = arith.constant 0 : index
    %get3A_2 = vector.load %arg1[%get3A, %get3A_0, %get3A_1] : memref<2x1000x1xf32, #tpu.memory_space<vmem>>, vector<1x1000x1xf32>
    %get3A_3 = vector.shape_cast %get3A_2 : vector<1x1000x1xf32> to vector<1000x1xf32>
    %get3A_4 = arith.constant 1 : index
    %get3A_5 = arith.constant 0 : index
    %get3A_6 = arith.constant 0 : index
    %get3A_7 = vector.load %arg1[%get3A_4, %get3A_5, %get3A_6] : memref<2x1000x1xf32, #tpu.memory_space<vmem>>, vector<1x1000x1xf32>
    %get3A_8 = vector.shape_cast %get3A_7 : vector<1x1000x1xf32> to vector<1000x1xf32>
    %add3A = arith.addf %get3A_3, %get3A_8 : vector<1000x1xf32>
    %mul3A = arith.constant 3.000000e+00 : f32
    %mul3A_9 = vector.broadcast %mul3A : f32 to vector<1000x1xf32>
    %mul3A_10 = arith.mulf %mul3A_9, %add3A : vector<1000x1xf32>
    %add3A_11 = arith.constant 1.000000e+00 : f32
    %add3A_12 = vector.broadcast %add3A_11 : f32 to vector<1000x1xf32>
    %add3A_13 = arith.addf %add3A_12, %mul3A_10 : vector<1000x1xf32>
    %rsqrt3A = math.rsqrt %add3A_13 : vector<1000x1xf32>
    %get3A_14 = arith.constant 0 : index
    %get3A_15 = arith.constant 0 : index
    %get3A_16 = arith.constant 0 : index
    %get3A_17 = vector.load %arg2[%get3A_14, %get3A_15, %get3A_16] : memref<2x1000x128xf32, #tpu.memory_space<vmem>>, vector<1x1000x128xf32>
    %get3A_18 = vector.shape_cast %get3A_17 : vector<1x1000x128xf32> to vector<1000x128xf32>
    %get3A_19 = arith.constant 1 : index
    %get3A_20 = arith.constant 0 : index
    %get3A_21 = arith.constant 0 : index
    %get3A_22 = vector.load %arg2[%get3A_19, %get3A_20, %get3A_21] : memref<2x1000x128xf32, #tpu.memory_space<vmem>>, vector<1x1000x128xf32>
    %get3A_23 = vector.shape_cast %get3A_22 : vector<1x1000x128xf32> to vector<1000x128xf32>
    %add3A_24 = arith.addf %get3A_18, %get3A_23 : vector<1000x128xf32>
    %get3A_25 = arith.constant 0 : index
    %get3A_26 = arith.constant 0 : index
    %get3A_27 = vector.load %arg3[%get3A_25, %get3A_26] : memref<1000x128xf32, #tpu.memory_space<vmem>>, vector<1000x128xf32>
    %add3A_28 = arith.addf %add3A_24, %get3A_27 : vector<1000x128xf32>
    %mul3A_29 = vector.broadcast %rsqrt3A : vector<1000x1xf32> to vector<1000x128xf32>
    %mul3A_30 = arith.mulf %mul3A_29, %add3A_28 : vector<1000x128xf32>
    %get3A_31 = arith.constant 0 : index
    %get3A_32 = arith.constant 0 : index
    %get3A_33 = vector.load %arg4[%get3A_31, %get3A_32] : memref<1x128xf32, #tpu.memory_space<vmem>>, vector<1x128xf32>
    %add3A_34 = vector.broadcast %get3A_33 : vector<1x128xf32> to vector<1000x128xf32>
    %add3A_35 = arith.addf %mul3A_30, %add3A_34 : vector<1000x128xf32>
    %gt3A = arith.constant 0.000000e+00 : f32
    %gt3A_36 = vector.broadcast %gt3A : f32 to vector<1000x128xf32>
    %gt3A_37 = arith.cmpf ogt, %add3A_35, %gt3A_36 : vector<1000x128xf32>
    %mul3A_38 = arith.constant 0.00999999977 : f32
    %mul3A_39 = vector.broadcast %mul3A_38 : f32 to vector<1000x128xf32>
    %mul3A_40 = arith.mulf %mul3A_39, %add3A_35 : vector<1000x128xf32>
    %select_n3A = arith.select %gt3A_37, %add3A_35, %mul3A_40 : vector<1000x128xi1>, vector<1000x128xf32>
    %get3A_41 = arith.constant 0 : index
    %get3A_42 = arith.constant 0 : index
    %get3A_43 = vector.load %arg5[%get3A_41, %get3A_42] : memref<128x128xf32, #tpu.memory_space<vmem>>, vector<128x128xf32>
    %dot_general3A = arith.constant dense<0.000000e+00> : vector<1000x128xf32>
    %dot_general3A_44 = tpu.matmul %select_n3A, %get3A_43, %dot_general3A {dimension_numbers = #tpu.dot_dimension_numbers<[1], [0], [0], [1], [0, 0, 1, 1], [], []>, transpose_lhs_hint = false} : vector<1000x128xf32>, vector<128x128xf32>, vector<1000x128xf32> -> vector<1000x128xf32>
    %mul3A_45 = vector.broadcast %rsqrt3A : vector<1000x1xf32> to vector<1000x128xf32>
    %mul3A_46 = arith.mulf %mul3A_45, %dot_general3A_44 : vector<1000x128xf32>
    %swap3A = arith.constant 0 : index
    %swap3A_47 = arith.constant 0 : index
    %swap3A_48 = vector.load %arg6[%swap3A, %swap3A_47] : memref<1000x128xf32, #tpu.memory_space<vmem>>, vector<1000x128xf32>
    tpu.vector_store %arg6[%swap3A, %swap3A_47], %mul3A_46 {strides = array<i32>} : memref<1000x128xf32, #tpu.memory_space<vmem>>, vector<1000x128xf32>,
    return
  }
  func.func @transform_0(%arg0: i32) -> (i32, i32, i32) {
    %c0_i32 = arith.constant 0 : i32
    %c0_i32_0 = arith.constant 0 : i32
    %c0_i32_1 = arith.constant 0 : i32
    return %c0_i32, %arg0, %c0_i32_0 : i32, i32, i32
  }
  func.func @transform_1(%arg0: i32) -> (i32, i32, i32) {
    %c0_i32 = arith.constant 0 : i32
    %c0_i32_0 = arith.constant 0 : i32
    %c0_i32_1 = arith.constant 0 : i32
    return %c0_i32, %arg0, %c0_i32_0 : i32, i32, i32
  }
  func.func @transform_2(%arg0: i32) -> (i32, i32) {
    %c0_i32 = arith.constant 0 : i32
    %c0_i32_0 = arith.constant 0 : i32
    return %arg0, %c0_i32 : i32, i32
  }
  func.func @transform_3(%arg0: i32) -> (i32, i32) {
    %c0_i32 = arith.constant 0 : i32
    %c0_i32_0 = arith.constant 0 : i32
    %c0_i32_1 = arith.constant 0 : i32
    return %c0_i32, %c0_i32_0 : i32, i32
  }
  func.func @transform_4(%arg0: i32) -> (i32, i32) {
    %c0_i32 = arith.constant 0 : i32
    %c0_i32_0 = arith.constant 0 : i32
    %c0_i32_1 = arith.constant 0 : i32
    return %c0_i32, %c0_i32_0 : i32, i32
  }
  func.func @transform_5(%arg0: i32) -> (i32, i32) {
    %c0_i32 = arith.constant 0 : i32
    %c0_i32_0 = arith.constant 0 : i32
    return %arg0, %c0_i32 : i32, i32
  }
}

module attributes {stable_mosaic.version = 14 : i64} {
  func.func @body(%arg0: i32, %arg1: memref<2x1000x1xf32, #tpu.memory_space<vmem>>, %arg2: memref<2x1000x128xf32, #tpu.memory_space<vmem>>, %arg3: memref<1000x128xf32, #tpu.memory_space<vmem>>, %arg4: memref<1x128xf32, #tpu.memory_space<vmem>>, %arg5: memref<1000x128xf32, #tpu.memory_space<vmem>>, %arg6: memref<128x128xf32, #tpu.memory_space<vmem>>, %arg7: memref<1x128xf32, #tpu.memory_space<vmem>>, %arg8: memref<128x64xf32, #tpu.memory_space<vmem>>, %arg9: memref<1x64xf32, #tpu.memory_space<vmem>>, %arg10: memref<64x8xf32, #tpu.memory_space<vmem>>, %arg11: memref<1x8xf32, #tpu.memory_space<vmem>>, %arg12: memref<1000x8xf32, #tpu.memory_space<vmem>>) attributes {dimension_semantics = [#tpu.dimension_semantics<arbitrary>], iteration_bounds = array<i64: 10>, scalar_prefetch = 0 : i64, scratch_operands = 0 : i64, tpu.core_type = #tpu.core_type<tc>, window_params = [{transform_indices = @transform_0, window_bounds = array<i64: 2, 1000, 1>}, {transform_indices = @transform_1, window_bounds = array<i64: 2, 1000, 128>}, {transform_indices = @transform_2, window_bounds = array<i64: 1000, 128>}, {pipeline_mode = #tpu.pipeline_mode<synchronous>, transform_indices = @transform_3, window_bounds = array<i64: 1, 128>}, {transform_indices = @transform_4, window_bounds = array<i64: 1000, 128>}, {pipeline_mode = #tpu.pipeline_mode<synchronous>, transform_indices = @transform_5, window_bounds = array<i64: 128, 128>}, {pipeline_mode = #tpu.pipeline_mode<synchronous>, transform_indices = @transform_6, window_bounds = array<i64: 1, 128>}, {pipeline_mode = #tpu.pipeline_mode<synchronous>, transform_indices = @transform_7, window_bounds = array<i64: 128, 64>}, {pipeline_mode = #tpu.pipeline_mode<synchronous>, transform_indices = @transform_8, window_bounds = array<i64: 1, 64>}, {pipeline_mode = #tpu.pipeline_mode<synchronous>, transform_indices = @transform_9, window_bounds = array<i64: 64, 8>}, {pipeline_mode = #tpu.pipeline_mode<synchronous>, transform_indices = @transform_10, window_bounds = array<i64: 1, 8>}, {transform_indices = @transform_11, window_bounds = array<i64: 1000, 8>}]} {
    %get3A = arith.constant 0 : index
    %get3A_0 = arith.constant 0 : index
    %get3A_1 = arith.constant 0 : index
    %get3A_2 = vector.load %arg1[%get3A, %get3A_0, %get3A_1] : memref<2x1000x1xf32, #tpu.memory_space<vmem>>, vector<1x1000x1xf32>
    %get3A_3 = vector.shape_cast %get3A_2 : vector<1x1000x1xf32> to vector<1000x1xf32>
    %get3A_4 = arith.constant 1 : index
    %get3A_5 = arith.constant 0 : index
    %get3A_6 = arith.constant 0 : index
    %get3A_7 = vector.load %arg1[%get3A_4, %get3A_5, %get3A_6] : memref<2x1000x1xf32, #tpu.memory_space<vmem>>, vector<1x1000x1xf32>
    %get3A_8 = vector.shape_cast %get3A_7 : vector<1x1000x1xf32> to vector<1000x1xf32>
    %add3A = arith.addf %get3A_3, %get3A_8 : vector<1000x1xf32>
    %mul3A = arith.constant 3.000000e+00 : f32
    %mul3A_9 = vector.broadcast %mul3A : f32 to vector<1000x1xf32>
    %mul3A_10 = arith.mulf %mul3A_9, %add3A : vector<1000x1xf32>
    %add3A_11 = arith.constant 1.000000e+00 : f32
    %add3A_12 = vector.broadcast %add3A_11 : f32 to vector<1000x1xf32>
    %add3A_13 = arith.addf %add3A_12, %mul3A_10 : vector<1000x1xf32>
    %rsqrt3A = math.rsqrt %add3A_13 : vector<1000x1xf32>
    %get3A_14 = arith.constant 0 : index
    %get3A_15 = arith.constant 0 : index
    %get3A_16 = arith.constant 0 : index
    %get3A_17 = vector.load %arg2[%get3A_14, %get3A_15, %get3A_16] : memref<2x1000x128xf32, #tpu.memory_space<vmem>>, vector<1x1000x128xf32>
    %get3A_18 = vector.shape_cast %get3A_17 : vector<1x1000x128xf32> to vector<1000x128xf32>
    %get3A_19 = arith.constant 1 : index
    %get3A_20 = arith.constant 0 : index
    %get3A_21 = arith.constant 0 : index
    %get3A_22 = vector.load %arg2[%get3A_19, %get3A_20, %get3A_21] : memref<2x1000x128xf32, #tpu.memory_space<vmem>>, vector<1x1000x128xf32>
    %get3A_23 = vector.shape_cast %get3A_22 : vector<1x1000x128xf32> to vector<1000x128xf32>
    %add3A_24 = arith.addf %get3A_18, %get3A_23 : vector<1000x128xf32>
    %get3A_25 = arith.constant 0 : index
    %get3A_26 = arith.constant 0 : index
    %get3A_27 = vector.load %arg3[%get3A_25, %get3A_26] : memref<1000x128xf32, #tpu.memory_space<vmem>>, vector<1000x128xf32>
    %add3A_28 = arith.addf %add3A_24, %get3A_27 : vector<1000x128xf32>
    %mul3A_29 = vector.broadcast %rsqrt3A : vector<1000x1xf32> to vector<1000x128xf32>
    %mul3A_30 = arith.mulf %mul3A_29, %add3A_28 : vector<1000x128xf32>
    %get3A_31 = arith.constant 0 : index
    %get3A_32 = arith.constant 0 : index
    %get3A_33 = vector.load %arg4[%get3A_31, %get3A_32] : memref<1x128xf32, #tpu.memory_space<vmem>>, vector<1x128xf32>
    %add3A_34 = vector.broadcast %get3A_33 : vector<1x128xf32> to vector<1000x128xf32>
    %add3A_35 = arith.addf %mul3A_30, %add3A_34 : vector<1000x128xf32>
    %sqrt3A = arith.constant 2.000000e+00 : f32
    %sqrt3A_36 = math.sqrt %sqrt3A : f32
    %div3A = arith.constant 1.000000e+00 : f32
    %div3A_37 = arith.divf %div3A, %sqrt3A_36 : f32
    %get3A_38 = arith.constant 0 : index
    %get3A_39 = arith.constant 0 : index
    %get3A_40 = vector.load %arg5[%get3A_38, %get3A_39] : memref<1000x128xf32, #tpu.memory_space<vmem>>, vector<1000x128xf32>
    %add3A_41 = arith.addf %get3A_40, %add3A_35 : vector<1000x128xf32>
    %mul3A_42 = vector.broadcast %div3A_37 : f32 to vector<1000x128xf32>
    %mul3A_43 = arith.mulf %add3A_41, %mul3A_42 : vector<1000x128xf32>
    %get3A_44 = arith.constant 0 : index
    %get3A_45 = arith.constant 0 : index
    %get3A_46 = vector.load %arg6[%get3A_44, %get3A_45] : memref<128x128xf32, #tpu.memory_space<vmem>>, vector<128x128xf32>
    %dot_general3A = arith.constant dense<0.000000e+00> : vector<1000x128xf32>
    %dot_general3A_47 = tpu.matmul %mul3A_43, %get3A_46, %dot_general3A {dimension_numbers = #tpu.dot_dimension_numbers<[1], [0], [0], [1], [0, 0, 1, 1], [], []>, transpose_lhs_hint = false} : vector<1000x128xf32>, vector<128x128xf32>, vector<1000x128xf32> -> vector<1000x128xf32>
    %get3A_48 = arith.constant 0 : index
    %get3A_49 = arith.constant 0 : index
    %get3A_50 = vector.load %arg7[%get3A_48, %get3A_49] : memref<1x128xf32, #tpu.memory_space<vmem>>, vector<1x128xf32>
    %add3A_51 = vector.broadcast %get3A_50 : vector<1x128xf32> to vector<1000x128xf32>
    %add3A_52 = arith.addf %dot_general3A_47, %add3A_51 : vector<1000x128xf32>
    %gt3A = arith.constant 0.000000e+00 : f32
    %gt3A_53 = vector.broadcast %gt3A : f32 to vector<1000x128xf32>
    %gt3A_54 = arith.cmpf ogt, %add3A_52, %gt3A_53 : vector<1000x128xf32>
    %mul3A_55 = arith.constant 0.00999999977 : f32
    %mul3A_56 = vector.broadcast %mul3A_55 : f32 to vector<1000x128xf32>
    %mul3A_57 = arith.mulf %mul3A_56, %add3A_52 : vector<1000x128xf32>
    %select_n3A = arith.select %gt3A_54, %add3A_52, %mul3A_57 : vector<1000x128xi1>, vector<1000x128xf32>
    %get3A_58 = arith.constant 0 : index
    %get3A_59 = arith.constant 0 : index
    %get3A_60 = vector.load %arg8[%get3A_58, %get3A_59] : memref<128x64xf32, #tpu.memory_space<vmem>>, vector<128x64xf32>
    %dot_general3A_61 = arith.constant dense<0.000000e+00> : vector<1000x64xf32>
    %dot_general3A_62 = tpu.matmul %select_n3A, %get3A_60, %dot_general3A_61 {dimension_numbers = #tpu.dot_dimension_numbers<[1], [0], [0], [1], [0, 0, 1, 1], [], []>, transpose_lhs_hint = false} : vector<1000x128xf32>, vector<128x64xf32>, vector<1000x64xf32> -> vector<1000x64xf32>
    %get3A_63 = arith.constant 0 : index
    %get3A_64 = arith.constant 0 : index
    %get3A_65 = vector.load %arg9[%get3A_63, %get3A_64] : memref<1x64xf32, #tpu.memory_space<vmem>>, vector<1x64xf32>
    %add3A_66 = vector.broadcast %get3A_65 : vector<1x64xf32> to vector<1000x64xf32>
    %add3A_67 = arith.addf %dot_general3A_62, %add3A_66 : vector<1000x64xf32>
    %gt3A_68 = arith.constant 0.000000e+00 : f32
    %gt3A_69 = vector.broadcast %gt3A_68 : f32 to vector<1000x64xf32>
    %gt3A_70 = arith.cmpf ogt, %add3A_67, %gt3A_69 : vector<1000x64xf32>
    %mul3A_71 = arith.constant 0.00999999977 : f32
    %mul3A_72 = vector.broadcast %mul3A_71 : f32 to vector<1000x64xf32>
    %mul3A_73 = arith.mulf %mul3A_72, %add3A_67 : vector<1000x64xf32>
    %select_n3A_74 = arith.select %gt3A_70, %add3A_67, %mul3A_73 : vector<1000x64xi1>, vector<1000x64xf32>
    %get3A_75 = arith.constant 0 : index
    %get3A_76 = arith.constant 0 : index
    %get3A_77 = vector.load %arg10[%get3A_75, %get3A_76] : memref<64x8xf32, #tpu.memory_space<vmem>>, vector<64x8xf32>
    %dot_general3A_78 = arith.constant dense<0.000000e+00> : vector<1000x8xf32>
    %dot_general3A_79 = tpu.matmul %select_n3A_74, %get3A_77, %dot_general3A_78 {dimension_numbers = #tpu.dot_dimension_numbers<[1], [0], [0], [1], [0, 0, 1, 1], [], []>, transpose_lhs_hint = false} : vector<1000x64xf32>, vector<64x8xf32>, vector<1000x8xf32> -> vector<1000x8xf32>
    %get3A_80 = arith.constant 0 : index
    %get3A_81 = arith.constant 0 : index
    %get3A_82 = vector.load %arg11[%get3A_80, %get3A_81] : memref<1x8xf32, #tpu.memory_space<vmem>>, vector<1x8xf32>
    %add3A_83 = vector.broadcast %get3A_82 : vector<1x8xf32> to vector<1000x8xf32>
    %add3A_84 = arith.addf %dot_general3A_79, %add3A_83 : vector<1000x8xf32>
    %swap3A = arith.constant 0 : index
    %swap3A_85 = arith.constant 0 : index
    %swap3A_86 = vector.load %arg12[%swap3A, %swap3A_85] : memref<1000x8xf32, #tpu.memory_space<vmem>>, vector<1000x8xf32>
    tpu.vector_store %arg12[%swap3A, %swap3A_85], %add3A_84 {strides = array<i32>} : memref<1000x8xf32, #tpu.memory_space<vmem>>, vector<1000x8xf32>,
    return
  }
  func.func @transform_0(%arg0: i32) -> (i32, i32, i32) {
    %c0_i32 = arith.constant 0 : i32
    %c0_i32_0 = arith.constant 0 : i32
    %c0_i32_1 = arith.constant 0 : i32
    return %c0_i32, %arg0, %c0_i32_0 : i32, i32, i32
  }
  func.func @transform_1(%arg0: i32) -> (i32, i32, i32) {
    %c0_i32 = arith.constant 0 : i32
    %c0_i32_0 = arith.constant 0 : i32
    %c0_i32_1 = arith.constant 0 : i32
    return %c0_i32, %arg0, %c0_i32_0 : i32, i32, i32
  }
  func.func @transform_2(%arg0: i32) -> (i32, i32) {
    %c0_i32 = arith.constant 0 : i32
    %c0_i32_0 = arith.constant 0 : i32
    return %arg0, %c0_i32 : i32, i32
  }
  func.func @transform_3(%arg0: i32) -> (i32, i32) {
    %c0_i32 = arith.constant 0 : i32
    %c0_i32_0 = arith.constant 0 : i32
    %c0_i32_1 = arith.constant 0 : i32
    return %c0_i32, %c0_i32_0 : i32, i32
  }
  func.func @transform_4(%arg0: i32) -> (i32, i32) {
    %c0_i32 = arith.constant 0 : i32
    %c0_i32_0 = arith.constant 0 : i32
    return %arg0, %c0_i32 : i32, i32
  }
  func.func @transform_5(%arg0: i32) -> (i32, i32) {
    %c0_i32 = arith.constant 0 : i32
    %c0_i32_0 = arith.constant 0 : i32
    %c0_i32_1 = arith.constant 0 : i32
    return %c0_i32, %c0_i32_0 : i32, i32
  }
  func.func @transform_6(%arg0: i32) -> (i32, i32) {
    %c0_i32 = arith.constant 0 : i32
    %c0_i32_0 = arith.constant 0 : i32
    %c0_i32_1 = arith.constant 0 : i32
    return %c0_i32, %c0_i32_0 : i32, i32
  }
  func.func @transform_7(%arg0: i32) -> (i32, i32) {
    %c0_i32 = arith.constant 0 : i32
    %c0_i32_0 = arith.constant 0 : i32
    %c0_i32_1 = arith.constant 0 : i32
    return %c0_i32, %c0_i32_0 : i32, i32
  }
  func.func @transform_8(%arg0: i32) -> (i32, i32) {
    %c0_i32 = arith.constant 0 : i32
    %c0_i32_0 = arith.constant 0 : i32
    %c0_i32_1 = arith.constant 0 : i32
    return %c0_i32, %c0_i32_0 : i32, i32
  }
  func.func @transform_9(%arg0: i32) -> (i32, i32) {
    %c0_i32 = arith.constant 0 : i32
    %c0_i32_0 = arith.constant 0 : i32
    %c0_i32_1 = arith.constant 0 : i32
    return %c0_i32, %c0_i32_0 : i32, i32
  }
  func.func @transform_10(%arg0: i32) -> (i32, i32) {
    %c0_i32 = arith.constant 0 : i32
    %c0_i32_0 = arith.constant 0 : i32
    %c0_i32_1 = arith.constant 0 : i32
    return %c0_i32, %c0_i32_0 : i32, i32
  }
  func.func @transform_11(%arg0: i32) -> (i32, i32) {
    %c0_i32 = arith.constant 0 : i32
    %c0_i32_0 = arith.constant 0 : i32
    return %arg0, %c0_i32 : i32, i32
  }
}

</mosaic_0001>

<sc_bundles>
// kernel: kernel.12.cloned.1.call-start
scs
__scs_entry_jumppad:
0x0: {  	(pc) =	sbr.rel $0x88, $3  }
0x1: {  	(tag) =	ssettag $0x0;
	lr =	simm.s32 $0x1  }
0x2: {  	[smem:$0x3F8D] =	sst lr;
	_ =	strace $0xD0000000  }
0x3: {  	_ = 	snop  }
0x4: {  	_ = 	snop  }
0x5: {  	_ = 	snop  }
0x6: {  	_ = 	snop  }
0x7: {  	_ = 	snop  }
__scs_overlays_trampoline_lowered:
0x8: {  	[smem:$0x3F9C] =	sst s0  }
0x9: {  	[smem:$0x3F9D] =	sst s1  }
0xa: {  	[smem:$0x3F9E] =	sst s2  }
0xb: {  	[smem:$0x3F9F] =	sst s3  }
0xc: {  	[smem:$0x3FA0] =	sst s4  }
0xd: {  	[smem:$0x3FA1] =	sst s5  }
0xe: {  	[smem:$0x3FA2] =	sst s6  }
0xf: {  	[smem:$0x3FA3] =	sst s7  }
0x10: {  	[smem:$0x3FA4] =	sst s8  }
0x11: {  	[smem:$0x3FA5] =	sst s9;
	s0 =	simm.s32 @!p0 $0x0  }
0x12: {  	s1 =	sld [smem:$0x3F8B];
	s0 =	simm.s32 @p0 $0x1  }
0x13: {  	[smem:$0x3FA6] =	sst s0;
	s0 =	simm.s32 @!p1 $0x0  }
0x14: {  	s2 =	sld [smem:$0x3F8A];
	s0 =	simm.s32 @p1 $0x1  }
0x15: {  	[smem:$0x3FA7] =	sst s0;
	s0 =	simm.s32 @!p2 $0x0  }
0x16: {  	s3 =	sld [smem:$0x3FDB];
	s0 =	simm.s32 @p2 $0x1  }
0x17: {  	s4 =	simm.s32 $0x1BF5;
	[smem:$0x3FA9] =	sst s0  }
0x18: {  	s0 =	sld [smem:$0x3F8C];
	_ =	swait.ge [sflag:s4], $0x0  }
0x19: {  	s7 =	sld [smem:$0x3F8D]  }
0x1a: {  	s8 =	sadd.s32 $0xFFFFE003, lr  }
0x1b: {  	s9 =	sadd.s32 $0xFFFFFEF7, lr;
	s5 =	simm.s32 $0xFFFFFFFF;
	p2 =	slt.u32 s8, $0xFFFFF086  }
0x1c: {  	p1 =	slt.u32 s9, $0xF7A;
	s5 =	simm.s32 @!p2 $0x0  }
0x1d: {  	s5 =	simm.s32 @p1 $0x1;
	p0 =	seq.s32 s7, s2  }
0x1e: {  	s7 =	smul.u32 @!p0 $0xF7A, s2;
	p2 =	seq.s32 @!p0 s5, $0x0  }
0x1f: {  	s9 =	smul.u32 $0xF7A, s1;
	s8 =	simm.s32 @!p0 $0x1BF5;
	p2 =	por !p2, p0  }
0x20: {  	[sflag:s8] =	ssyncset.s32 @!p0 $0xFFFFF086;
	s6 =	sadd.s32 @!p0 s3, s7;
	s7 =	simm.s32 @!p0 $0x108  }
0x21: {  	s3 =	sadd.s32 s3, s9;
	s6 =	sadd.s32 @!p0 $0x88, s6;
	s7 =	simm.s32 @p2 $0x1082  }
0x22: {  	[simem:s7], [sflag:s8] =	dma.local @!p0 [hbm:s6], $0xF7A  }
0x23: {  	s9 =	sor.u32 $0xD0000000, s2;
	s6 =	simm.s32 $0x108;
	_ =	swait.ge @!p0 [sflag:s8], $0x0  }
0x24: {  	s3 =	sadd.s32 $0x88, s3;
	s6 =	simm.s32 @!p1 $0x1082;
	[sflag:s4] =	ssyncset.s32 $0xFFFFF086  }
0x25: {  	[simem:s6], [sflag:s4] =	dma.local [hbm:s3], $0xF7A  }
0x26: {  	[smem:$0x3F8D] =	sst s1;
	(tag) =	ssettag s2;
	_ =	strace s9  }
0x27: {  	s1 =	sld [smem:$0x3F9D]  }
0x28: {  	s2 =	sld [smem:$0x3F9E]  }
0x29: {  	s4 =	sld [smem:$0x3FA0]  }
0x2a: {  	p0 =	seq.s32 s5, $0x0;
	s5 =	sld [smem:$0x3FA1]  }
0x2b: {  	s6 =	sld [smem:$0x3FA2]  }
0x2c: {  	s7 =	sld [smem:$0x3FA3]  }
0x2d: {  	s3 =	simm.s32 $0x108;
	s8 =	sld [smem:$0x3FA4]  }
0x2e: {  	s3 =	simm.s32 @!p0 $0x1082;
	s9 =	sld [smem:$0x3FA5]  }
0x2f: {  	lr =	sadd.s32 s0, s3;
	s0 =	sld [smem:$0x3F9C]  }
0x30: {  	s3 =	sld [smem:$0x3F9F]  }
0x31: {  	[smem:$0x3FA8] =	sst s10  }
0x32: {  	s10 =	sld [smem:$0x3FA6];
	_ =	sdelay $0x3  }
0x33: {  	p0 =	seq.s32 s10, $0x1;
	s10 =	sld [smem:$0x3FA8];
	_ =	sdelay $0x3  }
0x34: {  	[smem:$0x3FA8] =	sst s10  }
0x35: {  	s10 =	sld [smem:$0x3FA7];
	_ =	sdelay $0x3  }
0x36: {  	p1 =	seq.s32 s10, $0x1;
	s10 =	sld [smem:$0x3FA8];
	_ =	sdelay $0x3  }
0x37: {  	[smem:$0x3FA8] =	sst s10  }
0x38: {  	s10 =	sld [smem:$0x3FA9]  }
0x39: {  	_ = 	snop;
	(pc) =	sbr.ind lr, $3  }
0x3a: {  	_ = 	snop  }
0x3b: {  	_ = 	snop  }
0x3c: {  	p2 =	seq.s32 s10, $0x1;
	s10 =	sld [smem:$0x3FA8]  }
0x3d: {  	_ =	shalt  }
0x3e: {  	_ =	shalt  }
0x3f: {  	_ =	shalt  }
0x40: {  	_ =	shalt  }
0x41: {  	_ =	shalt  }
0x42: {  	_ =	shalt  }
0x43: {  	_ =	shalt  }
0x44: {  	_ =	shalt  }
0x45: {  	_ =	shalt  }
0x46: {  	_ =	shalt  }
0x47: {  	_ =	shalt  }
0x48: {  	_ =	shalt  }
0x49: {  	_ =	shalt  }
0x4a: {  	_ =	shalt  }
0x4b: {  	_ =	shalt  }
0x4c: {  	_ =	shalt  }
0x4d: {  	_ =	shalt  }
0x4e: {  	_ =	shalt  }
0x4f: {  	_ =	shalt  }
0x50: {  	_ =	shalt  }
0x51: {  	_ =	shalt  }
0x52: {  	_ =	shalt  }
0x53: {  	_ =	shalt  }
0x54: {  	_ =	shalt  }
0x55: {  	_ =	shalt  }
0x56: {  	_ =	shalt  }
0x57: {  	_ =	shalt  }
0x58: {  	_ =	shalt  }
0x59: {  	_ =	shalt  }
0x5a: {  	_ =	shalt  }
0x5b: {  	_ =	shalt  }
0x5c: {  	_ =	shalt  }
0x5d: {  	_ =	shalt  }
0x5e: {  	_ =	shalt  }
0x5f: {  	_ =	shalt  }
0x60: {  	_ =	shalt  }
0x61: {  	_ =	shalt  }
0x62: {  	_ =	shalt  }
0x63: {  	_ =	shalt  }
0x64: {  	_ =	shalt  }
0x65: {  	_ =	shalt  }
0x66: {  	_ =	shalt  }
0x67: {  	_ =	shalt  }
0x68: {  	_ =	shalt  }
0x69: {  	_ =	shalt  }
0x6a: {  	_ =	shalt  }
0x6b: {  	_ =	shalt  }
0x6c: {  	_ =	shalt  }
0x6d: {  	_ =	shalt  }
0x6e: {  	_ =	shalt  }
0x6f: {  	_ =	shalt  }
0x70: {  	_ =	shalt  }
0x71: {  	_ =	shalt  }
0x72: {  	_ =	shalt  }
0x73: {  	_ =	shalt  }
0x74: {  	_ =	shalt  }
0x75: {  	_ =	shalt  }
0x76: {  	_ =	shalt  }
0x77: {  	_ =	shalt  }
0x78: {  	_ =	shalt  }
0x79: {  	_ =	shalt  }
0x7a: {  	_ =	shalt  }
0x7b: {  	_ =	shalt  }
0x7c: {  	_ =	shalt  }
0x7d: {  	_ =	shalt  }
0x7e: {  	_ =	shalt  }
0x7f: {  	_ =	shalt  }
0x80: {  	_ =	shalt  }
0x81: {  	_ =	shalt  }
0x82: {  	_ =	shalt  }
0x83: {  	_ =	shalt  }
0x84: {  	_ =	shalt  }
0x85: {  	_ =	shalt  }
0x86: {  	_ =	shalt  }
0x87: {  	_ =	shalt  }
.Lfunc_end0:
.L_simem_size_0:
called_computation_lowered:
.L_overlay_start_0:
0x88: {  	s2 =	sld [smem:$0x3FD9]  }
0x89: {  	s3 =	sld [smem:$0x3FFE];
	_ =	sdelay $0x1  }
0x8a: {  	s1 =	srdreg.scid  }
0x8b: {  	s0 =	sand.u32 $0x1, s1  }
0x8c: {  	s16 =	sshll.u32 s0, $0xA;
	s2 =	sadd.s32 s3, s2  }
0x8d: {  	s2 =	sadd.s32 s2, s16  }
0x8e: {  	[smem:$0x3FB4] =	sst s2  }
0x8f: {  	_ = 	snop  }
0x90: {  	(tm) =	ssettm $0x1  }
0x91: {  	s17 =	sld [smem:$0x3FFB];
	_ =	sdelay $0x3  }
0x92: {  	_ =	strace s17  }
0x93: {  	s2 =	sld [smem:$0x3FFC];
	_ =	sdelay $0x3  }
0x94: {  	_ =	strace s2  }
0x95: {  	s2 =	sld [smem:$0x3FFD];
	_ =	sdelay $0x3  }
0x96: {  	_ =	strace s2  }
0x97: {  	_ =	strace $0x8FFFFFFF  }
0x98: {  	s18 =	sld [smem:$0x3FDB];
	_ =	sdelay $0x1  }
0x99: {  	s19 =	simm.s32 $_scs_section_size  }
0x9a: {  	s4 =	simm.s32 $_size__tile_overlayer_lowered;
	s5 =	simm.s32 $_tile_overlayer_lowered  }
0x9b: {  	s22 =	simm.s32 $0x1BFF;
	s21 =	sshll.u32 s5, $0x1;
	s2 =	sadd.s32 s19, s18  }
0x9c: {  	s6 =	simm.s32 $0x0;
	s20 =	sshll.u32 s4, $0x1;
	s4 =	sadd.s32 s21, s2  }
0x9d: {  	[timem:s6], [sflag:s22] =	dma.local [hbm:s4], s20  }
0x9e: {  	_ =	swait.ge [sflag:s22], s20  }
0x9f: {  	s3 =	ssub.s32 $0x0, s20;
	[sflag:s22] =	ssyncset.done $0x0  }
0xa0: {  	[sflag:s22] =	ssyncadd.s32 s3;
	_ =	sdelay $0x1  }
0xa1: {  	s23 =	simm.s32 $0x1B8B  }
0xa2: {  	_ =	swait.ge [sflag:s23], $0x1  }
0xa3: {  	[sflag:s23] =	ssyncset.done $0x0  }
0xa4: {  	s25 =	simm.s32 $0x1B8E;
	s24 =	sld [smem:$0x3FFE];
	[sflag:s23] =	ssyncadd.s32 $0xFFFFFFFF  }
0xa5: {  	s26 =	simm.s32 $execute0_lowered;
	[smem:$0x3FD2] =	sst s25  }
0xa6: {  	s4 =	sshll.u32 s26, $0x1;
	_ =	strace $0x80000046;
	[dreg:$0x1] =	wrdreg $0xFFFFFFFF  }
0xa7: {  	s28 =	simm.s32 $_size_execute0_lowered;
	s2 =	sadd.s32 s2, s4;
	[dreg:$0x0] =	wrdreg $0x0  }
0xa8: {  	s4 =	sshll.u32 s28, $0x1;
	[dreg:$0x2] =	wrdreg s2  }
0xa9: {  	[dreg:$0x3] =	wrdreg s4  }
0xaa: {  	[dreg:$0x4] =	wrdreg $0xC0  }
0xab: {  	_ =	task [dreg:s6], $0x5FFFF  }
0xac: {  	[dreg:$0x1] =	wrdreg $0xFFFFFFFF  }
0xad: {  	[dreg:$0x0] =	wrdreg $0x60  }
0xae: {  	[dreg:$0x2] =	wrdreg s24  }
0xaf: {  	[dreg:$0x3] =	wrdreg $0x40800  }
0xb0: {  	[dreg:$0x4] =	wrdreg $0x9  }
0xb1: {  	_ =	task.clear_ibuf [dreg:s6], $0x5FFFF;
	_ =	strace $0x90000046  }
0xb2: {  	s29 =	simm.s32 $0x9;
	_ =	strace $0x80000048  }
0xb3: {  	_ =	swait.ge [sflag:s29], $0x1  }
0xb4: {  	[sflag:s29] =	ssyncadd.s32 $0xFFFFFFFF  }
0xb5: {  	_ =	strace $0x90000048  }
0xb6: {  	_ =	sfence  }
0xb7: {  	s30 =	sld [smem:$0x0];
	_ =	sdelay $0x2  }
0xb8: {  	s31 =	sshll.u32 s1, $0xD;
	s1 =	sshrl.u32 s1, $0x2  }
0xb9: {  	s3 =	sand.u32 $0x4000, s31;
	s1 =	sadd.s32 s1, s30  }
0xba: {  	s0 =	sor.u32 s3, s0;
	s1 =	sshll.u32 s1, $0x11  }
0xbb: {  	s0 =	sor.u32 s1, s0  }
0xbc: {  	s0 =	sadd.s32 $0x8F2B, s0  }
0xbd: {  	[sflag:s0] =	ssyncadd.remote.s32 $0x1  }
0xbe: {  	_ =	sfence.sel $0xFFFF  }
0xbf: {  	[dreg:$0x0] =	wrdreg $0xFFFFFFFF;
	(pc) =	sbr.abs _section_cstart, $3  }
0xc0: {  	[dreg:$0x1] =	wrdreg $0xFFFFFFFF  }
0xc1: {  	_ =	task.clear_ibuf [dreg:s6], $0x2FFFF;
	_ =	strace $0x9FFFFFFF  }
0xc2: {  	(tm) =	ssettm $0x7FFFFFFF  }
0xc3: {  	_ =	shalt  }
tec
execute0_lowered:
.L_overlay_start_1:
0x0: {  	(tag) =	ssettag $0x1  }
0x1: {  	s4 =	rddreg [dreg:$0x0]  }
0x2: {  	s1 =	rddreg [dreg:$0x1]  }
0x3: {  	s2 =	srdreg.scid;
	s0 =	rddreg [dreg:$0x2]  }
0x4: {  	s3 =	simm.s32 $0x0;
	s14 =	simm.s32 $0x1;
	s5 =	sand.u32 $0x1, s2  }
0x5: {  	s18 =	simm.s32 $0x0;
	s2 =	stileid.u32;
	s6 =	smul.u32 $0x1B00, s5  }
0x6: {  	[smem:$0x7FF] =	sst s3;
	s10 =	sadd.s32 $0x9800, s4;
	s7 =	smul.u32 $0x4F000, s2  }
0x7: {  	s15 =	sadd.s32 $0x128400, s1;
	s8 =	ssub.s32 $0x2, s5;
	s5 =	smul.u32 $0x13C000, s5  }
0x8: {  	_ =	strace $0x80000047;
	s9 =	smul.u32 $0x13C00, s2;
	p0 =	seq.s32 s2, $0xF  }
0x9: {  	s13 =	smul.u32 $0x1B0, s2;
	s28 =	sshrl.u32 s8, $0x1;
	s15 =	sshrl.u32 @p0 s15, $0x3  }
0xa: {  	s16 =	sshll.u32 @!p0 s2, $0x6;
	s12 =	sadd.s32 s6, s4;
	s8 =	ssub.s32 s8, s28  }
0xb: {  	s29 =	sshrl.u32 s7, $0x2;
	s30 =	sadd.s32 s9, s5;
	s31 =	sshrl.u32 s5, $0x3  }
0xc: {  	s16 =	sor.u32 @!p0 $0x1C01, s16;
	s4 =	sadd.s32 s29, s1;
	s6 =	sshrl.u32 s30, $0x3  }
0xd: {  	s7 =	sadd.s32 s10, s31;
	s8 =	smax.u32 s8, $0x1;
	s12 =	sadd.s32 s13, s12  }
0xe: {  	s13 =	simm.s32 $0x80;
	s5 =	sadd.s32 $0x10000, s4;
	s6 =	sadd.s32 s10, s6  }
0xf: {  	s7 =	sadd.s32 $0x25080, s7;
	s9 =	sadd.s32 $0x4000, s4;
	s10 =	sadd.s32 $0x8000, s4  }
0x10: {  	v0 =	vimm.f32 $0.0e+00;
	v1 =	vimm.f32 $1.000000000e+00;
	s11 =	sadd.s32 $0xC000, s4;
	s12 =	sadd.s32 $0x6200, s12;
	s17 =	sshrl.u32 @!p0 s4, $0x3  }
.LBB2_1:
0x11: {  	s19 =	simm.s32 $0x0;
	s20 =	simm.s32 $0x200  }
.LBB2_2:
0x12: {  	p1 =	sne.s32 s20, $0xFE00;
	[tilespmem:s19+$0xF0] =	vst v0  }
0x13: {  	[tilespmem:s19+$0x80] =	vst v0  }
0x14: {  	[tilespmem:s19+$0x90] =	vst v0  }
.Ltmp0:
0x15: {  	[tilespmem:s19+$0xA0] =	vst v0;
	(pc) =	sbr.rel @p1 .LBB2_2-.Ltmp0, $4  }
0x16: {  	[tilespmem:s19+$0xB0] =	vst v0  }
0x17: {  	[tilespmem:s19+$0xC0] =	vst v0  }
0x18: {  	[tilespmem:s19+$0xD0] =	vst v0  }
0x19: {  	[tilespmem:s19+$0xE0] =	vst v0;
	s19 =	sshra.s32 s20, $0x2;
	s20 =	sadd.s32 $0x200, s20  }
0x1a: {  	[tilespmem:s19+$0xF0] =	vst v0  }
0x1b: {  	[tilespmem:s19+$0x80] =	vst v0  }
0x1c: {  	[tilespmem:s19+$0x90] =	vst v0  }
0x1d: {  	[tilespmem:s19+$0xA0] =	vst v0  }
0x1e: {  	[tilespmem:s19+$0xB0] =	vst v0  }
0x1f: {  	[tilespmem:s19+$0xC0] =	vst v0  }
0x20: {  	[tilespmem:s19+$0xD0] =	vst v0  }
0x21: {  	[tilespmem:s19+$0xE0] =	vst v0  }
0x22: {  	[spmem:s4] =	stream.linear.scatter [tilespmem:s13], [sflag:$0x1], $0x4000, $0x38;
	[tilespmem:$0x17C80] =	vst v63  }
0x23: {  	_ =	swait.ge [sflag:s14], $0x4000  }
0x24: {  	[sflag:s14] =	ssyncset.done $0x0  }
0x25: {  	[sflag:s14] =	ssyncadd.s32 $0xFFFFC000  }
0x26: {  	[spmem:s9] =	stream.linear.scatter [tilespmem:s13], [sflag:$0x1], $0x4000, $0x38;
	[tilespmem:$0x17C80] =	vst v63  }
0x27: {  	_ =	swait.ge [sflag:s14], $0x4000  }
0x28: {  	[sflag:s14] =	ssyncset.done $0x0  }
0x29: {  	[sflag:s14] =	ssyncadd.s32 $0xFFFFC000  }
0x2a: {  	[spmem:s10] =	stream.linear.scatter [tilespmem:s13], [sflag:$0x1], $0x4000, $0x38;
	[tilespmem:$0x17C80] =	vst v63  }
0x2b: {  	_ =	swait.ge [sflag:s14], $0x4000  }
0x2c: {  	[sflag:s14] =	ssyncset.done $0x0  }
0x2d: {  	[sflag:s14] =	ssyncadd.s32 $0xFFFFC000  }
0x2e: {  	[spmem:s11] =	stream.linear.scatter [tilespmem:s13], [sflag:$0x1], $0x4000, $0x38;
	[tilespmem:$0x17C80] =	vst v63  }
0x2f: {  	_ =	swait.ge [sflag:s14], $0x4000  }
0x30: {  	[sflag:s14] =	ssyncset.done $0x0  }
0x31: {  	[sflag:s14] =	ssyncadd.s32 $0xFFFFC000  }
0x32: {  	[spmem:s5] =	stream.linear.scatter [tilespmem:s13], [sflag:$0x1], $0x3C00, $0x38;
	[tilespmem:$0x17C80] =	vst v63  }
0x33: {  	_ =	swait.ge [sflag:s14], $0x3C00  }
0x34: {  	[sflag:s14] =	ssyncset.done $0x0  }
0x35: {  	s19 =	simm.s32 $0x0;
	s20 =	simm.s32 $0x200;
	[sflag:s14] =	ssyncadd.s32 $0xFFFFC400  }
.LBB2_4:
0x36: {  	p1 =	sne.s32 s20, $0xFE00;
	[tilespmem:s19+$0xF0] =	vst v1  }
0x37: {  	[tilespmem:s19+$0x80] =	vst v1  }
0x38: {  	[tilespmem:s19+$0x90] =	vst v1  }
.Ltmp1:
0x39: {  	[tilespmem:s19+$0xA0] =	vst v1;
	(pc) =	sbr.rel @p1 .LBB2_4-.Ltmp1, $4  }
0x3a: {  	[tilespmem:s19+$0xB0] =	vst v1  }
0x3b: {  	[tilespmem:s19+$0xC0] =	vst v1  }
0x3c: {  	[tilespmem:s19+$0xD0] =	vst v1  }
0x3d: {  	[tilespmem:s19+$0xE0] =	vst v1;
	s19 =	sshra.s32 s20, $0x2;
	s20 =	sadd.s32 $0x200, s20  }
0x3e: {  	[tilespmem:s19+$0xF0] =	vst v1  }
0x3f: {  	[tilespmem:s19+$0x80] =	vst v1  }
0x40: {  	[tilespmem:s19+$0x90] =	vst v1  }
0x41: {  	[tilespmem:s19+$0xA0] =	vst v1  }
0x42: {  	[tilespmem:s19+$0xB0] =	vst v1  }
0x43: {  	[tilespmem:s19+$0xC0] =	vst v1  }
0x44: {  	[tilespmem:s19+$0xD0] =	vst v1  }
0x45: {  	[tilespmem:s19+$0xE0] =	vst v1  }
0x46: {  	s31 =	sadd.s32 $0x0, s12;
	[bflag:$0x0] =	sbarrier.arrive $0xFFFF  }
0x47: {  	[tilespmem:s3], [sflag:$0x1] =	stream.linear.gather [hbm4b:s31+s3], $0x80, $0x38;
	[tilespmem:$0x17C80] =	vst v63  }
0x48: {  	_ =	swait.ge [sflag:s14], $0x80  }
0x49: {  	[sflag:s14] =	ssyncset.done $0x0  }
0x4a: {  	[sflag:s14] =	ssyncadd.s32 $0xFFFFFF80  }
0x4b: {  	[spmem:s1] =	stream.indirect.scatter.add.f32 [tilespmem:s13], [sflag:$0x1], $0x80, s3, s13, $0xb8;
	[tilespmem:$0x17C80] =	vst v63  }
0x4c: {  	_ =	swait.ge [sflag:s14], $0x4000  }
0x4d: {  	s19 =	simm.s32 $0x10;
	s20 =	simm.s32 $0x20;
	[sflag:s14] =	ssyncset.done $0x0  }
.LBB2_6:
0x4e: {  	s21 =	sadd.s32 s19, s12  }
0x4f: {  	[sflag:s14] =	ssyncadd.s32 $0xFFFFC000;
	s19 =	smov.u32 s20;
	s22 =	sadd.s32 $0x10, s20  }
0x50: {  	[tilespmem:s3], [sflag:$0x1] =	stream.linear.gather [hbm4b:s21+s3], $0x80, $0x38;
	[tilespmem:$0x17C80] =	vst v63  }
0x51: {  	p1 =	sne.s32 s20, $0x1A0;
	_ =	swait.ge [sflag:s14], $0x80  }
.Ltmp2:
0x52: {  	[sflag:s14] =	ssyncset.done $0x0;
	(pc) =	sbr.rel @p1 .LBB2_6-.Ltmp2, $4  }
0x53: {  	[sflag:s14] =	ssyncadd.s32 $0xFFFFFF80  }
0x54: {  	[spmem:s1] =	stream.indirect.scatter.add.f32 [tilespmem:s13], [sflag:$0x1], $0x80, s3, s13, $0xb8;
	[tilespmem:$0x17C80] =	vst v63  }
0x55: {  	_ =	swait.ge [sflag:s14], $0x4000  }
0x56: {  	s20 =	smov.u32 s22;
	[sflag:s14] =	ssyncset.done $0x0  }
0x57: {  	s19 =	sadd.s32 s19, s12;
	[sflag:s14] =	ssyncadd.s32 $0xFFFFC000  }
0x58: {  	[tilespmem:s3], [sflag:$0x1] =	stream.linear.gather [hbm4b:s19+s3], $0x80, $0x38;
	[tilespmem:$0x17C80] =	vst v63  }
0x59: {  	_ =	swait.ge [sflag:s14], $0x80  }
0x5a: {  	[sflag:s14] =	ssyncset.done $0x0  }
0x5b: {  	[sflag:s14] =	ssyncadd.s32 $0xFFFFFF80  }
0x5c: {  	[spmem:s1] =	stream.indirect.scatter.add.f32 [tilespmem:s13], [sflag:$0x1], $0x80, s3, s13, $0xb8;
	[tilespmem:$0x17C80] =	vst v63  }
0x5d: {  	_ =	swait.ge [sflag:s14], $0x4000  }
0x5e: {  	[sflag:s14] =	ssyncset.done $0x0  }
0x5f: {  	[sflag:s14] =	ssyncadd.s32 $0xFFFFC000  }
0x60: {  	s19 =	simm.s32 @p0 $0x1FC1;
	[bflag:$0x0] =	sbarrier.arrive $0xFFFF  }
0x61: {  	[hbm:s7], [sflag:s19] =	dma.local @p0 [spmem:s15], $0x2080  }
0x62: {  	s19 =	simm.s32 @p0 $0x1  }
0x63: {  	s18 =	sadd.s32 $0x1, s18;
	_ =	swait.ge @p0 [sflag:s19], $0x2080  }
0x64: {  	p1 =	sne.s32 s18, s8;
	[sflag:s19] =	ssyncset.done @p0 $0x0  }
.Ltmp3:
0x65: {  	[sflag:s19] =	ssyncadd.s32 @p0 $0xFFFFDF80;
	s19 =	simm.s32 @!p0 $0x1;
	(pc) =	sbr.rel @p1 .LBB2_1-.Ltmp3, $4  }
0x66: {  	[hbm:s6], [sflag:s16] =	dma.local @!p0 [spmem:s17], $0x2780  }
0x67: {  	_ =	swait.ge @!p0 [sflag:s19], $0x2780  }
0x68: {  	[sflag:s19] =	ssyncset.done @!p0 $0x0  }
0x69: {  	[sflag:s19] =	ssyncadd.s32 @!p0 $0xFFFFD880  }
0x6a: {  	_ =	sfence.sel $0x180000  }
0x6b: {  	[bflag:$0x0] =	sbarrier.arrive $0xFFFF  }
0x6c: {  	p0 =	sne.s32 s2, $0x0;
	_ =	strace $0x90000047  }
0x6d: {  	s0 =	sadd.s32 @!p0 $0x100000, s0;
	[bflag:$0x2] =	sbarrier.arrive $0xFFFF  }
0x6e: {  	[sflag:s0] =	ssyncadd.tile.s32 @!p0 $0x1;
	_ =	shalt  }
.Lfunc_end2:
_tile_overlayer_lowered:
.L_overlay_start_2:
0x6f: {  	(tag) =	ssettag $0x2  }
0x70: {  	s0 =	rddreg [dreg:$0x0];
	s2 =	stileid.u32  }
0x71: {  	s1 =	rddreg [dreg:$0x1];
	p0 =	sne.s32 s2, $0x0  }
0x72: {  	s3 =	rddreg [dreg:$0x2];
	[bflag:$0x3] =	sbarrier.arrive $0xFFFF;
	s2 =	simm.s32 @!p0 $0x1C01  }
0x73: {  	[timem:s3], [sflag:s2] =	dma.local @!p0 [hbm:s0], s1  }
0x74: {  	s0 =	simm.s32 @!p0 $0x1  }
0x75: {  	_ =	swait.ge @!p0 [sflag:s0], s1  }
0x76: {  	s1 =	ssub.s32 @!p0 $0x0, s1;
	[sflag:s0] =	ssyncset.done @!p0 $0x0  }
0x77: {  	[sflag:s0] =	ssyncadd.s32 @!p0 s1  }
0x78: {  	[bflag:$0x3] =	sbarrier.arrive $0xFFFF  }
0x79: {  	_ =	shalt  }

// kernel: kernel.15.cloned.1.call-start
scs
__scs_entry_jumppad:
0x0: {  	(pc) =	sbr.rel $0x88, $3  }
0x1: {  	(tag) =	ssettag $0x0;
	lr =	simm.s32 $0x1  }
0x2: {  	[smem:$0x3F8D] =	sst lr;
	_ =	strace $0xD0000000  }
0x3: {  	_ = 	snop  }
0x4: {  	_ = 	snop  }
0x5: {  	_ = 	snop  }
0x6: {  	_ = 	snop  }
0x7: {  	_ = 	snop  }
__scs_overlays_trampoline_lowered:
0x8: {  	[smem:$0x3F9C] =	sst s0  }
0x9: {  	[smem:$0x3F9D] =	sst s1  }
0xa: {  	[smem:$0x3F9E] =	sst s2  }
0xb: {  	[smem:$0x3F9F] =	sst s3  }
0xc: {  	[smem:$0x3FA0] =	sst s4  }
0xd: {  	[smem:$0x3FA1] =	sst s5  }
0xe: {  	[smem:$0x3FA2] =	sst s6  }
0xf: {  	[smem:$0x3FA3] =	sst s7  }
0x10: {  	[smem:$0x3FA4] =	sst s8  }
0x11: {  	[smem:$0x3FA5] =	sst s9;
	s0 =	simm.s32 @!p0 $0x0  }
0x12: {  	s1 =	sld [smem:$0x3F8B];
	s0 =	simm.s32 @p0 $0x1  }
0x13: {  	[smem:$0x3FA6] =	sst s0;
	s0 =	simm.s32 @!p1 $0x0  }
0x14: {  	s2 =	sld [smem:$0x3F8A];
	s0 =	simm.s32 @p1 $0x1  }
0x15: {  	[smem:$0x3FA7] =	sst s0;
	s0 =	simm.s32 @!p2 $0x0  }
0x16: {  	s3 =	sld [smem:$0x3FDB];
	s0 =	simm.s32 @p2 $0x1  }
0x17: {  	s4 =	simm.s32 $0x1BF5;
	[smem:$0x3FA9] =	sst s0  }
0x18: {  	s0 =	sld [smem:$0x3F8C];
	_ =	swait.ge [sflag:s4], $0x0  }
0x19: {  	s7 =	sld [smem:$0x3F8D]  }
0x1a: {  	s8 =	sadd.s32 $0xFFFFE003, lr  }
0x1b: {  	s9 =	sadd.s32 $0xFFFFFEF7, lr;
	s5 =	simm.s32 $0xFFFFFFFF;
	p2 =	slt.u32 s8, $0xFFFFF086  }
0x1c: {  	p1 =	slt.u32 s9, $0xF7A;
	s5 =	simm.s32 @!p2 $0x0  }
0x1d: {  	s5 =	simm.s32 @p1 $0x1;
	p0 =	seq.s32 s7, s2  }
0x1e: {  	s7 =	smul.u32 @!p0 $0xF7A, s2;
	p2 =	seq.s32 @!p0 s5, $0x0  }
0x1f: {  	s9 =	smul.u32 $0xF7A, s1;
	s8 =	simm.s32 @!p0 $0x1BF5;
	p2 =	por !p2, p0  }
0x20: {  	[sflag:s8] =	ssyncset.s32 @!p0 $0xFFFFF086;
	s6 =	sadd.s32 @!p0 s3, s7;
	s7 =	simm.s32 @!p0 $0x108  }
0x21: {  	s3 =	sadd.s32 s3, s9;
	s6 =	sadd.s32 @!p0 $0x88, s6;
	s7 =	simm.s32 @p2 $0x1082  }
0x22: {  	[simem:s7], [sflag:s8] =	dma.local @!p0 [hbm:s6], $0xF7A  }
0x23: {  	s9 =	sor.u32 $0xD0000000, s2;
	s6 =	simm.s32 $0x108;
	_ =	swait.ge @!p0 [sflag:s8], $0x0  }
0x24: {  	s3 =	sadd.s32 $0x88, s3;
	s6 =	simm.s32 @!p1 $0x1082;
	[sflag:s4] =	ssyncset.s32 $0xFFFFF086  }
0x25: {  	[simem:s6], [sflag:s4] =	dma.local [hbm:s3], $0xF7A  }
0x26: {  	[smem:$0x3F8D] =	sst s1;
	(tag) =	ssettag s2;
	_ =	strace s9  }
0x27: {  	s1 =	sld [smem:$0x3F9D]  }
0x28: {  	s2 =	sld [smem:$0x3F9E]  }
0x29: {  	s4 =	sld [smem:$0x3FA0]  }
0x2a: {  	p0 =	seq.s32 s5, $0x0;
	s5 =	sld [smem:$0x3FA1]  }
0x2b: {  	s6 =	sld [smem:$0x3FA2]  }
0x2c: {  	s7 =	sld [smem:$0x3FA3]  }
0x2d: {  	s3 =	simm.s32 $0x108;
	s8 =	sld [smem:$0x3FA4]  }
0x2e: {  	s3 =	simm.s32 @!p0 $0x1082;
	s9 =	sld [smem:$0x3FA5]  }
0x2f: {  	lr =	sadd.s32 s0, s3;
	s0 =	sld [smem:$0x3F9C]  }
0x30: {  	s3 =	sld [smem:$0x3F9F]  }
0x31: {  	[smem:$0x3FA8] =	sst s10  }
0x32: {  	s10 =	sld [smem:$0x3FA6];
	_ =	sdelay $0x3  }
0x33: {  	p0 =	seq.s32 s10, $0x1;
	s10 =	sld [smem:$0x3FA8];
	_ =	sdelay $0x3  }
0x34: {  	[smem:$0x3FA8] =	sst s10  }
0x35: {  	s10 =	sld [smem:$0x3FA7];
	_ =	sdelay $0x3  }
0x36: {  	p1 =	seq.s32 s10, $0x1;
	s10 =	sld [smem:$0x3FA8];
	_ =	sdelay $0x3  }
0x37: {  	[smem:$0x3FA8] =	sst s10  }
0x38: {  	s10 =	sld [smem:$0x3FA9]  }
0x39: {  	_ = 	snop;
	(pc) =	sbr.ind lr, $3  }
0x3a: {  	_ = 	snop  }
0x3b: {  	_ = 	snop  }
0x3c: {  	p2 =	seq.s32 s10, $0x1;
	s10 =	sld [smem:$0x3FA8]  }
0x3d: {  	_ =	shalt  }
0x3e: {  	_ =	shalt  }
0x3f: {  	_ =	shalt  }
0x40: {  	_ =	shalt  }
0x41: {  	_ =	shalt  }
0x42: {  	_ =	shalt  }
0x43: {  	_ =	shalt  }
0x44: {  	_ =	shalt  }
0x45: {  	_ =	shalt  }
0x46: {  	_ =	shalt  }
0x47: {  	_ =	shalt  }
0x48: {  	_ =	shalt  }
0x49: {  	_ =	shalt  }
0x4a: {  	_ =	shalt  }
0x4b: {  	_ =	shalt  }
0x4c: {  	_ =	shalt  }
0x4d: {  	_ =	shalt  }
0x4e: {  	_ =	shalt  }
0x4f: {  	_ =	shalt  }
0x50: {  	_ =	shalt  }
0x51: {  	_ =	shalt  }
0x52: {  	_ =	shalt  }
0x53: {  	_ =	shalt  }
0x54: {  	_ =	shalt  }
0x55: {  	_ =	shalt  }
0x56: {  	_ =	shalt  }
0x57: {  	_ =	shalt  }
0x58: {  	_ =	shalt  }
0x59: {  	_ =	shalt  }
0x5a: {  	_ =	shalt  }
0x5b: {  	_ =	shalt  }
0x5c: {  	_ =	shalt  }
0x5d: {  	_ =	shalt  }
0x5e: {  	_ =	shalt  }
0x5f: {  	_ =	shalt  }
0x60: {  	_ =	shalt  }
0x61: {  	_ =	shalt  }
0x62: {  	_ =	shalt  }
0x63: {  	_ =	shalt  }
0x64: {  	_ =	shalt  }
0x65: {  	_ =	shalt  }
0x66: {  	_ =	shalt  }
0x67: {  	_ =	shalt  }
0x68: {  	_ =	shalt  }
0x69: {  	_ =	shalt  }
0x6a: {  	_ =	shalt  }
0x6b: {  	_ =	shalt  }
0x6c: {  	_ =	shalt  }
0x6d: {  	_ =	shalt  }
0x6e: {  	_ =	shalt  }
0x6f: {  	_ =	shalt  }
0x70: {  	_ =	shalt  }
0x71: {  	_ =	shalt  }
0x72: {  	_ =	shalt  }
0x73: {  	_ =	shalt  }
0x74: {  	_ =	shalt  }
0x75: {  	_ =	shalt  }
0x76: {  	_ =	shalt  }
0x77: {  	_ =	shalt  }
0x78: {  	_ =	shalt  }
0x79: {  	_ =	shalt  }
0x7a: {  	_ =	shalt  }
0x7b: {  	_ =	shalt  }
0x7c: {  	_ =	shalt  }
0x7d: {  	_ =	shalt  }
0x7e: {  	_ =	shalt  }
0x7f: {  	_ =	shalt  }
0x80: {  	_ =	shalt  }
0x81: {  	_ =	shalt  }
0x82: {  	_ =	shalt  }
0x83: {  	_ =	shalt  }
0x84: {  	_ =	shalt  }
0x85: {  	_ =	shalt  }
0x86: {  	_ =	shalt  }
0x87: {  	_ =	shalt  }
.Lfunc_end0:
.L_simem_size_0:
called_computation.1_lowered:
.L_overlay_start_0:
0x88: {  	s2 =	sld [smem:$0x3FD9]  }
0x89: {  	s3 =	sld [smem:$0x3FFE];
	_ =	sdelay $0x1  }
0x8a: {  	s1 =	srdreg.scid  }
0x8b: {  	s0 =	sand.u32 $0x1, s1  }
0x8c: {  	s16 =	sshll.u32 s0, $0xA;
	s2 =	sadd.s32 s3, s2  }
0x8d: {  	s2 =	sadd.s32 s2, s16  }
0x8e: {  	[smem:$0x3FB4] =	sst s2  }
0x8f: {  	_ = 	snop  }
0x90: {  	(tm) =	ssettm $0x1  }
0x91: {  	s17 =	sld [smem:$0x3FFB];
	_ =	sdelay $0x3  }
0x92: {  	_ =	strace s17  }
0x93: {  	s2 =	sld [smem:$0x3FFC];
	_ =	sdelay $0x3  }
0x94: {  	_ =	strace s2  }
0x95: {  	s2 =	sld [smem:$0x3FFD];
	_ =	sdelay $0x3  }
0x96: {  	_ =	strace s2  }
0x97: {  	_ =	strace $0x8FFFFFFF  }
0x98: {  	s18 =	sld [smem:$0x3FDB];
	_ =	sdelay $0x1  }
0x99: {  	s19 =	simm.s32 $_scs_section_size  }
0x9a: {  	s4 =	simm.s32 $_size__tile_overlayer_lowered;
	s5 =	simm.s32 $_tile_overlayer_lowered  }
0x9b: {  	s22 =	simm.s32 $0x1BFF;
	s21 =	sshll.u32 s5, $0x1;
	s2 =	sadd.s32 s19, s18  }
0x9c: {  	s6 =	simm.s32 $0x0;
	s20 =	sshll.u32 s4, $0x1;
	s4 =	sadd.s32 s21, s2  }
0x9d: {  	[timem:s6], [sflag:s22] =	dma.local [hbm:s4], s20  }
0x9e: {  	_ =	swait.ge [sflag:s22], s20  }
0x9f: {  	s3 =	ssub.s32 $0x0, s20;
	[sflag:s22] =	ssyncset.done $0x0  }
0xa0: {  	[sflag:s22] =	ssyncadd.s32 s3;
	_ =	sdelay $0x1  }
0xa1: {  	s23 =	simm.s32 $0x1B8B  }
0xa2: {  	_ =	swait.ge [sflag:s23], $0x1  }
0xa3: {  	[sflag:s23] =	ssyncset.done $0x0  }
0xa4: {  	s25 =	simm.s32 $0x1B8E;
	s24 =	sld [smem:$0x3FFE];
	[sflag:s23] =	ssyncadd.s32 $0xFFFFFFFF  }
0xa5: {  	s26 =	simm.s32 $execute0_lowered;
	[smem:$0x3FD2] =	sst s25  }
0xa6: {  	s4 =	sshll.u32 s26, $0x1;
	_ =	strace $0x80000049;
	[dreg:$0x1] =	wrdreg $0xFFFFFFFF  }
0xa7: {  	s28 =	simm.s32 $_size_execute0_lowered;
	s2 =	sadd.s32 s2, s4;
	[dreg:$0x0] =	wrdreg $0x0  }
0xa8: {  	s4 =	sshll.u32 s28, $0x1;
	[dreg:$0x2] =	wrdreg s2  }
0xa9: {  	[dreg:$0x3] =	wrdreg s4  }
0xaa: {  	[dreg:$0x4] =	wrdreg $0xC0  }
0xab: {  	_ =	task [dreg:s6], $0x5FFFF  }
0xac: {  	[dreg:$0x1] =	wrdreg $0xFFFFFFFF  }
0xad: {  	[dreg:$0x0] =	wrdreg $0x60  }
0xae: {  	[dreg:$0x2] =	wrdreg s24  }
0xaf: {  	[dreg:$0x3] =	wrdreg $0x81000  }
0xb0: {  	[dreg:$0x4] =	wrdreg $0x9  }
0xb1: {  	_ =	task.clear_ibuf [dreg:s6], $0x5FFFF;
	_ =	strace $0x90000049  }
0xb2: {  	s29 =	simm.s32 $0x9;
	_ =	strace $0x8000004B  }
0xb3: {  	_ =	swait.ge [sflag:s29], $0x1  }
0xb4: {  	[sflag:s29] =	ssyncadd.s32 $0xFFFFFFFF  }
0xb5: {  	_ =	strace $0x9000004B  }
0xb6: {  	_ =	sfence  }
0xb7: {  	s30 =	sld [smem:$0x0];
	_ =	sdelay $0x2  }
0xb8: {  	s31 =	sshll.u32 s1, $0xD;
	s1 =	sshrl.u32 s1, $0x2  }
0xb9: {  	s3 =	sand.u32 $0x4000, s31;
	s1 =	sadd.s32 s1, s30  }
0xba: {  	s0 =	sor.u32 s3, s0;
	s1 =	sshll.u32 s1, $0x11  }
0xbb: {  	s0 =	sor.u32 s1, s0  }
0xbc: {  	s0 =	sadd.s32 $0x8F2B, s0  }
0xbd: {  	[sflag:s0] =	ssyncadd.remote.s32 $0x1  }
0xbe: {  	_ =	sfence.sel $0xFFFF  }
0xbf: {  	[dreg:$0x0] =	wrdreg $0xFFFFFFFF;
	(pc) =	sbr.abs _section_cstart, $3  }
0xc0: {  	[dreg:$0x1] =	wrdreg $0xFFFFFFFF  }
0xc1: {  	_ =	task.clear_ibuf [dreg:s6], $0x2FFFF;
	_ =	strace $0x9FFFFFFF  }
0xc2: {  	(tm) =	ssettm $0x7FFFFFFF  }
0xc3: {  	_ =	shalt  }
tec
execute0_lowered:
.L_overlay_start_1:
0x0: {  	(tag) =	ssettag $0x1  }
0x1: {  	s6 =	rddreg [dreg:$0x0]  }
0x2: {  	s1 =	rddreg [dreg:$0x1]  }
0x3: {  	s0 =	rddreg [dreg:$0x2];
	s3 =	simm.s32 $0x0;
	s5 =	srdreg.scid  }
0x4: {  	s2 =	stileid.u32;
	s15 =	simm.s32 $0x4100;
	s16 =	simm.s32 $0x2  }
0x5: {  	s17 =	simm.s32 $0x80;
	s19 =	simm.s32 $0x1;
	[smem:$0x7FF] =	sst s3  }
0x6: {  	s4 =	sadd.s32 $0x6200, s6;
	s7 =	sand.u32 $0x1, s5;
	s8 =	smul.u32 $0x4F000, s2  }
0x7: {  	s5 =	sadd.s32 $0x9800, s6;
	s12 =	smul.u32 $0x13C00, s2;
	s20 =	sadd.s32 $0x128400, s1  }
0x8: {  	s11 =	sadd.s32 $0xF4C00, s6;
	p0 =	seq.s32 s2, $0xF;
	s10 =	smul.u32 $0x138800, s7  }
0x9: {  	_ =	strace $0x8000004A;
	s9 =	ssub.s32 $0x2, s7;
	s18 =	smul.u32 $0x2710, s7  }
0xa: {  	s20 =	sshrl.u32 @p0 s20, $0x3;
	s25 =	sshrl.u32 s9, $0x1;
	s26 =	sshrl.u32 s8, $0x2  }
0xb: {  	s8 =	smul.u32 $0x36, s2;
	s13 =	ssub.s32 s9, s25;
	s6 =	sadd.s32 s26, s1  }
0xc: {  	s28 =	sadd.s32 s12, s10;
	s29 =	sshrl.u32 s10, $0x3;
	v0 =	vmov s18;
	s18 =	simm.s32 $0x100  }
0xd: {  	s7 =	sadd.s32 $0x10000, s6;
	s30 =	sshrl.u32 s28, $0x3;
	s31 =	sadd.s32 s11, s29  }
0xe: {  	s12 =	sadd.s32 $0x4000, s6;
	s14 =	sadd.s32 $0xC000, s6;
	s9 =	sadd.s32 s11, s30  }
0xf: {  	v1 =	vimm.f32 $0.0e+00;
	s10 =	sadd.s32 $0x25080, s31;
	s11 =	smax.u32 s13, $0x1;
	s13 =	sadd.s32 $0x8000, s6  }
.LBB2_1:
0x10: {  	s21 =	simm.s32 $0x0;
	s22 =	simm.s32 $0x200  }
.LBB2_2:
0x11: {  	p1 =	sne.s32 s22, $0xFE00;
	[tilespmem:s21+$0x4170] =	vst v1  }
0x12: {  	[tilespmem:s21+$0x4100] =	vst v1  }
0x13: {  	[tilespmem:s21+$0x4110] =	vst v1  }
.Ltmp0:
0x14: {  	[tilespmem:s21+$0x4120] =	vst v1;
	(pc) =	sbr.rel @p1 .LBB2_2-.Ltmp0, $4  }
0x15: {  	[tilespmem:s21+$0x4130] =	vst v1  }
0x16: {  	[tilespmem:s21+$0x4140] =	vst v1  }
0x17: {  	[tilespmem:s21+$0x4150] =	vst v1  }
0x18: {  	[tilespmem:s21+$0x4160] =	vst v1;
	s21 =	sshra.s32 s22, $0x2;
	s22 =	sadd.s32 $0x200, s22  }
0x19: {  	[tilespmem:s21+$0x4170] =	vst v1  }
0x1a: {  	[tilespmem:s21+$0x4100] =	vst v1  }
0x1b: {  	[tilespmem:s21+$0x4110] =	vst v1  }
0x1c: {  	[tilespmem:s21+$0x4120] =	vst v1  }
0x1d: {  	[tilespmem:s21+$0x4130] =	vst v1  }
0x1e: {  	[tilespmem:s21+$0x4140] =	vst v1  }
0x1f: {  	[tilespmem:s21+$0x4150] =	vst v1  }
0x20: {  	[tilespmem:s21+$0x4160] =	vst v1  }
0x21: {  	[spmem:s6] =	stream.linear.scatter [tilespmem:s15], [sflag:$0x2], $0x4000, $0x38;
	[tilespmem:$0x1BD00] =	vst v63  }
0x22: {  	_ =	swait.ge [sflag:s16], $0x4000  }
0x23: {  	[sflag:s16] =	ssyncset.done $0x0  }
0x24: {  	[sflag:s16] =	ssyncadd.s32 $0xFFFFC000  }
0x25: {  	[spmem:s12] =	stream.linear.scatter [tilespmem:s15], [sflag:$0x2], $0x4000, $0x38;
	[tilespmem:$0x1BD00] =	vst v63  }
0x26: {  	_ =	swait.ge [sflag:s16], $0x4000  }
0x27: {  	[sflag:s16] =	ssyncset.done $0x0  }
0x28: {  	[sflag:s16] =	ssyncadd.s32 $0xFFFFC000  }
0x29: {  	[spmem:s13] =	stream.linear.scatter [tilespmem:s15], [sflag:$0x2], $0x4000, $0x38;
	[tilespmem:$0x1BD00] =	vst v63  }
0x2a: {  	_ =	swait.ge [sflag:s16], $0x4000  }
0x2b: {  	[sflag:s16] =	ssyncset.done $0x0  }
0x2c: {  	[sflag:s16] =	ssyncadd.s32 $0xFFFFC000  }
0x2d: {  	[spmem:s14] =	stream.linear.scatter [tilespmem:s15], [sflag:$0x2], $0x4000, $0x38;
	[tilespmem:$0x1BD00] =	vst v63  }
0x2e: {  	_ =	swait.ge [sflag:s16], $0x4000  }
0x2f: {  	[sflag:s16] =	ssyncset.done $0x0  }
0x30: {  	[sflag:s16] =	ssyncadd.s32 $0xFFFFC000  }
0x31: {  	[spmem:s7] =	stream.linear.scatter [tilespmem:s15], [sflag:$0x2], $0x3C00, $0x38;
	[tilespmem:$0x1BD00] =	vst v63  }
0x32: {  	_ =	swait.ge [sflag:s16], $0x3C00  }
0x33: {  	[sflag:s16] =	ssyncset.done $0x0  }
0x34: {  	[sflag:s16] =	ssyncadd.s32 $0xFFFFC400  }
0x35: {  	s21 =	simm.s32 $0x0;
	s22 =	simm.s32 $0x0;
	[bflag:$0x0] =	sbarrier.arrive $0xFFFF  }
.LBB2_4:
0x36: {  	s23 =	sadd.s32 s8, s22  }
0x37: {  	s23 =	sshll.u32 s23, $0x4  }
0x38: {  	s23 =	sadd.s32 s4, s23  }
0x39: {  	[tilespmem:s17], [sflag:$0x2] =	stream.linear.gather [hbm4b:s23+s21], $0x80, $0x38;
	[tilespmem:$0x1BD00] =	vst v63  }
0x3a: {  	_ =	swait.ge [sflag:s16], $0x80  }
0x3b: {  	[sflag:s16] =	ssyncset.done $0x0  }
0x3c: {  	[sflag:s16] =	ssyncadd.s32 $0xFFFFFF80  }
0x3d: {  	v2 =	vld [tilespmem:$0x80]  }
0x3e: {  	v3 =	vld [tilespmem:$0x90]  }
0x3f: {  	v4 =	vld [tilespmem:$0xA0]  }
0x40: {  	v5 =	vld [tilespmem:$0xB0]  }
0x41: {  	v6 =	vld [tilespmem:$0xC0]  }
0x42: {  	v7 =	vld [tilespmem:$0xD0];
	vm0 =	vlt.s32 v2, $0x2710  }
0x43: {  	v8 =	vld [tilespmem:$0xE0];
	vm9 =	vlt.s32 v3, $0x2710;
	v2 =	vnsel vm0, $0x0, v2  }
0x44: {  	v9 =	vld [tilespmem:$0xF0];
	vm10 =	vlt.s32 v4, $0x2710;
	v3 =	vnsel vm9, $0x0, v3;
	v2 =	vadd.s32 v0, v2  }
0x45: {  	vm11 =	vlt.s32 v5, $0x2710;
	[tilespmem:$0x0] =	vst v2;
	v2 =	vadd.s32 v0, v3;
	v3 =	vnsel vm10, $0x0, v4  }
0x46: {  	vm12 =	vlt.s32 v6, $0x2710;
	[tilespmem:$0x10] =	vst v2;
	v2 =	vadd.s32 v0, v3;
	v3 =	vnsel vm11, $0x0, v5  }
0x47: {  	vm13 =	vlt.s32 v7, $0x2710;
	[tilespmem:$0x20] =	vst v2;
	v2 =	vadd.s32 v0, v3;
	v3 =	vnsel vm12, $0x0, v6  }
0x48: {  	vm14 =	vlt.s32 v8, $0x2710;
	[tilespmem:$0x30] =	vst v2;
	v2 =	vadd.s32 v0, v3;
	v3 =	vnsel vm13, $0x0, v7  }
0x49: {  	vm15 =	vlt.s32 v9, $0x2710;
	[tilespmem:$0x40] =	vst v2;
	v2 =	vadd.s32 v0, v3;
	v3 =	vnsel vm14, $0x0, v8  }
0x4a: {  	[tilespmem:$0x50] =	vst v2;
	v2 =	vadd.s32 v0, v3;
	v3 =	vnsel vm15, $0x0, v9  }
0x4b: {  	[tilespmem:$0x60] =	vst v2;
	v2 =	vadd.s32 v0, v3  }
0x4c: {  	[tilespmem:$0x70] =	vst v2  }
0x4d: {  	[tilespmem:s18], [sflag:$0x1] =	stream.indirect.gather [hbm4b:s5+s17], $0x80, s21, s17, $0xb8;
	[tilespmem:$0x1BD00] =	vst v63  }
0x4e: {  	_ =	swait.ge [sflag:s19], $0x4000  }
0x4f: {  	[sflag:s19] =	ssyncset.done $0x0  }
0x50: {  	s23 =	simm.s32 $0x0;
	[sflag:s19] =	ssyncadd.s32 $0xFFFFC000  }
0x51: {  	v2 =	vld [tilespmem:s23+$0x170]  }
0x52: {  	v3 =	vld [tilespmem:s23+$0x1F0]  }
0x53: {  	v6 =	vld [tilespmem:s23+$0x270]  }
0x54: {  	v4 =	vld [tilespmem:s23+$0x2F0]  }
0x55: {  	v5 =	vld [tilespmem:s23+$0x100]  }
0x56: {  	v7 =	vld [tilespmem:s23+$0x180]  }
0x57: {  	v8 =	vld [tilespmem:s23+$0x200]  }
0x58: {  	v9 =	vld [tilespmem:s23+$0x280];
	_ =	sdelay $0x1  }
0x59: {  	v11 =	vadd.f32 v3, v2;
	v12 =	vadd.f32 v4, v6  }
0x5a: {  	v10 =	vld [tilespmem:s23+$0x110]  }
0x5b: {  	v13 =	vld [tilespmem:s23+$0x190];
	v16 =	vadd.f32 v12, v11  }
0x5c: {  	v14 =	vld [tilespmem:s23+$0x210];
	v18 =	vadd.f32 v7, v5;
	v19 =	vadd.f32 v9, v8  }
0x5d: {  	v11 =	vld [tilespmem:s23+$0x290];
	v4 =	vsub.f32 v16, v4  }
0x5e: {  	v18 =	vadd.f32 v19, v18;
	v2 =	vsub.f32 v16, v2  }
0x5f: {  	v3 =	vsub.f32 v16, v3;
	[tilespmem:s23+$0x42F0] =	vst v4  }
0x60: {  	v15 =	vld [tilespmem:s23+$0x1A0];
	[tilespmem:s23+$0x4170] =	vst v2;
	v2 =	vsub.f32 v18, v5  }
0x61: {  	v17 =	vld [tilespmem:s23+$0x220];
	[tilespmem:s23+$0x41F0] =	vst v3;
	v3 =	vsub.f32 v18, v7  }
0x62: {  	v4 =	vld [tilespmem:s23+$0x2A0];
	v7 =	vadd.f32 v11, v14;
	[tilespmem:s23+$0x4100] =	vst v2;
	v2 =	vadd.f32 v13, v10  }
0x63: {  	v12 =	vld [tilespmem:s23+$0x120];
	v8 =	vsub.f32 v18, v8  }
0x64: {  	v2 =	vadd.f32 v7, v2  }
0x65: {  	v20 =	vld [tilespmem:s23+$0x230];
	[tilespmem:s23+$0x4200] =	vst v8;
	v7 =	vsub.f32 v18, v9  }
0x66: {  	v21 =	vld [tilespmem:s23+$0x1C0];
	[tilespmem:s23+$0x4180] =	vst v3;
	v8 =	vsub.f32 v2, v10  }
0x67: {  	v19 =	vld [tilespmem:s23+$0x130];
	v9 =	vadd.f32 v4, v17;
	[tilespmem:s23+$0x4280] =	vst v7  }
0x68: {  	v3 =	vld [tilespmem:s23+$0x2B0];
	v7 =	vsub.f32 v2, v13;
	[tilespmem:s23+$0x4110] =	vst v8;
	v8 =	vadd.f32 v15, v12  }
0x69: {  	v5 =	vld [tilespmem:s23+$0x1B0]  }
0x6a: {  	v22 =	vld [tilespmem:s23+$0x240];
	[tilespmem:s23+$0x4190] =	vst v7;
	v7 =	vadd.f32 v9, v8  }
0x6b: {  	v18 =	vld [tilespmem:s23+$0x140];
	v13 =	vsub.f32 v2, v14;
	v2 =	vsub.f32 v2, v11  }
0x6c: {  	v10 =	vld [tilespmem:s23+$0x2C0];
	v8 =	vsub.f32 v7, v12  }
0x6d: {  	[tilespmem:s23+$0x4290] =	vst v2;
	v9 =	vadd.f32 v3, v20  }
0x6e: {  	v11 =	vld [tilespmem:s23+$0x150];
	v2 =	vsub.f32 v7, v15;
	[tilespmem:s23+$0x4120] =	vst v8;
	v8 =	vadd.f32 v5, v19  }
0x6f: {  	v14 =	vld [tilespmem:s23+$0x2D0];
	[tilespmem:s23+$0x4210] =	vst v13;
	v15 =	vsub.f32 v7, v17  }
0x70: {  	v12 =	vld [tilespmem:s23+$0x1D0];
	v4 =	vsub.f32 v7, v4;
	[tilespmem:s23+$0x41A0] =	vst v2;
	v2 =	vadd.f32 v9, v8  }
0x71: {  	v13 =	vld [tilespmem:s23+$0x250];
	v17 =	vadd.f32 v10, v22;
	[tilespmem:s23+$0x4220] =	vst v15;
	v15 =	vadd.f32 v21, v18  }
0x72: {  	v7 =	vld [tilespmem:s23+$0x160];
	v8 =	vsub.f32 v2, v19  }
0x73: {  	[tilespmem:s23+$0x42A0] =	vst v4;
	v9 =	vld [tilespmem:s23+$0x1E0];
	v15 =	vadd.f32 v17, v15;
	v4 =	vsub.f32 v2, v5  }
0x74: {  	v5 =	vld [tilespmem:s23+$0x260];
	v19 =	vsub.f32 v2, v20;
	v2 =	vsub.f32 v2, v3;
	[tilespmem:s23+$0x4130] =	vst v8  }
0x75: {  	s24 =	simm.s32 $0x200;
	v3 =	vsub.f32 v16, v6;
	v16 =	vadd.f32 v12, v11;
	[tilespmem:s23+$0x41B0] =	vst v4;
	v8 =	vld [tilespmem:s23+$0x2E0]  }
0x76: {  	v17 =	vsub.f32 v15, v18;
	v20 =	vadd.f32 v14, v13;
	v4 =	vld [tilespmem:s24+$0x170];
	[tilespmem:s23+$0x4230] =	vst v19  }
0x77: {  	v18 =	vsub.f32 v15, v22;
	v19 =	vsub.f32 v15, v21;
	v6 =	vld [tilespmem:s24+$0x1F0];
	[tilespmem:s23+$0x42B0] =	vst v2  }
0x78: {  	s25 =	simm.s32 $0x1000;
	v2 =	vld [tilespmem:s24+$0x270];
	[tilespmem:s23+$0x4140] =	vst v17;
	v17 =	vadd.f32 v20, v16;
	v16 =	vadd.f32 v9, v7  }
.LBB2_5:
0x79: {  	p1 =	sne.s32 s25, $0xF800;
	v20 =	vld [tilespmem:s24+$0x2F0];
	[tilespmem:s23+$0x41C0] =	vst v19;
	v10 =	vsub.f32 v15, v10  }
0x7a: {  	v15 =	vld [tilespmem:s24+$0x100];
	[tilespmem:s23+$0x4240] =	vst v18;
	v11 =	vsub.f32 v17, v11;
	v18 =	vadd.f32 v8, v5  }
0x7b: {  	v19 =	vld [tilespmem:s24+$0x180];
	[tilespmem:s23+$0x42C0] =	vst v10;
	v10 =	vsub.f32 v17, v12;
	v12 =	vsub.f32 v17, v13  }
0x7c: {  	v13 =	vld [tilespmem:s24+$0x200];
	[tilespmem:s23+$0x4150] =	vst v11;
	v11 =	vsub.f32 v17, v14;
	v14 =	vadd.f32 v18, v16  }
0x7d: {  	v16 =	vld [tilespmem:s24+$0x280];
	[tilespmem:s23+$0x41D0] =	vst v10  }
0x7e: {  	v17 =	vadd.f32 v6, v4;
	v10 =	vld [tilespmem:s24+$0x110];
	v18 =	vadd.f32 v20, v2;
	[tilespmem:s23+$0x4250] =	vst v12  }
0x7f: {  	v7 =	vsub.f32 v14, v7;
	v9 =	vsub.f32 v14, v9;
	v12 =	vld [tilespmem:s24+$0x190];
	[tilespmem:s23+$0x42D0] =	vst v11  }
0x80: {  	v11 =	vadd.f32 v19, v15;
	v21 =	vld [tilespmem:s24+$0x210];
	v17 =	vadd.f32 v18, v17;
	[tilespmem:s23+$0x4270] =	vst v3  }
0x81: {  	v3 =	vsub.f32 v14, v5;
	v5 =	vsub.f32 v14, v8;
	v18 =	vld [tilespmem:s24+$0x290];
	[tilespmem:s23+$0x4160] =	vst v7  }
0x82: {  	v7 =	vadd.f32 v16, v13;
	v8 =	vld [tilespmem:s24+$0x120];
	v14 =	vsub.f32 v17, v20;
	[tilespmem:s23+$0x41E0] =	vst v9  }
0x83: {  	v4 =	vsub.f32 v17, v4;
	v6 =	vsub.f32 v17, v6;
	v9 =	vld [tilespmem:s24+$0x1A0];
	[tilespmem:s23+$0x4260] =	vst v3  }
0x84: {  	v7 =	vadd.f32 v7, v11;
	v11 =	vadd.f32 v12, v10;
	v20 =	vld [tilespmem:s24+$0x220];
	[tilespmem:s24+$0x42F0] =	vst v14  }
0x85: {  	v3 =	vsub.f32 v17, v2;
	v14 =	vld [tilespmem:s24+$0x2A0];
	[tilespmem:s23+$0x42E0] =	vst v5;
	s23 =	smov.u32 s24  }
0x86: {  	v2 =	vsub.f32 v7, v15;
	v5 =	vadd.f32 v18, v21;
	v15 =	vld [tilespmem:s23+$0x130];
	[tilespmem:s23+$0x4170] =	vst v4  }
0x87: {  	v4 =	vsub.f32 v7, v19;
	v13 =	vsub.f32 v7, v13;
	v17 =	vld [tilespmem:s23+$0x1B0];
	[tilespmem:s23+$0x41F0] =	vst v6  }
0x88: {  	[tilespmem:s23+$0x4100] =	vst v2;
	v2 =	vadd.f32 v5, v11;
	v5 =	vadd.f32 v9, v8;
	v6 =	vld [tilespmem:s23+$0x230]  }
0x89: {  	[tilespmem:s23+$0x4180] =	vst v4;
	v4 =	vsub.f32 v7, v16;
	v16 =	vld [tilespmem:s23+$0x2B0]  }
0x8a: {  	[tilespmem:s23+$0x4200] =	vst v13;
	v7 =	vsub.f32 v2, v10;
	v10 =	vadd.f32 v14, v20;
	v19 =	vld [tilespmem:s23+$0x140]  }
0x8b: {  	v11 =	vsub.f32 v2, v21;
	[tilespmem:s23+$0x4280] =	vst v4;
	v4 =	vsub.f32 v2, v12;
	v21 =	vld [tilespmem:s23+$0x1C0]  }
0x8c: {  	[tilespmem:s23+$0x4110] =	vst v7;
	v5 =	vadd.f32 v10, v5;
	v7 =	vadd.f32 v17, v15;
	v22 =	vld [tilespmem:s23+$0x240]  }
0x8d: {  	v2 =	vsub.f32 v2, v18;
	[tilespmem:s23+$0x4190] =	vst v4;
	v10 =	vld [tilespmem:s23+$0x2C0]  }
0x8e: {  	[tilespmem:s23+$0x4210] =	vst v11;
	v4 =	vsub.f32 v5, v8;
	v8 =	vadd.f32 v16, v6;
	v11 =	vld [tilespmem:s23+$0x150]  }
0x8f: {  	[tilespmem:s23+$0x4290] =	vst v2;
	v2 =	vsub.f32 v5, v9;
	v9 =	vsub.f32 v5, v20;
	v12 =	vld [tilespmem:s23+$0x1D0]  }
0x90: {  	[tilespmem:s23+$0x4120] =	vst v4;
	v4 =	vadd.f32 v8, v7;
	v8 =	vadd.f32 v21, v19;
	v13 =	vld [tilespmem:s23+$0x250]  }
0x91: {  	[tilespmem:s23+$0x41A0] =	vst v2;
	v2 =	vsub.f32 v5, v14;
	v14 =	vld [tilespmem:s23+$0x2D0]  }
0x92: {  	[tilespmem:s23+$0x4220] =	vst v9;
	v5 =	vsub.f32 v4, v15;
	v15 =	vadd.f32 v10, v22;
	v7 =	vld [tilespmem:s23+$0x160]  }
0x93: {  	v6 =	vsub.f32 v4, v6;
	[tilespmem:s23+$0x42A0] =	vst v2;
	v2 =	vsub.f32 v4, v17;
	v9 =	vld [tilespmem:s23+$0x1E0]  }
.Ltmp1:
0x94: {  	[tilespmem:s23+$0x4130] =	vst v5;
	v15 =	vadd.f32 v15, v8;
	v17 =	vadd.f32 v12, v11;
	v5 =	vld [tilespmem:s23+$0x260];
	(pc) =	sbr.rel @p1 .LBB2_5-.Ltmp1, $4  }
0x95: {  	s24 =	sshra.s32 s25, $0x2;
	[tilespmem:s23+$0x41B0] =	vst v2;
	v2 =	vsub.f32 v4, v16;
	v8 =	vld [tilespmem:s23+$0x2E0]  }
0x96: {  	v4 =	vld [tilespmem:s24+$0x170];
	[tilespmem:s23+$0x4230] =	vst v6;
	v16 =	vsub.f32 v15, v19;
	v20 =	vadd.f32 v14, v13  }
0x97: {  	v19 =	vsub.f32 v15, v21;
	v18 =	vsub.f32 v15, v22;
	v6 =	vld [tilespmem:s24+$0x1F0];
	[tilespmem:s23+$0x42B0] =	vst v2  }
0x98: {  	s25 =	sadd.s32 $0x800, s25;
	v2 =	vld [tilespmem:s24+$0x270];
	[tilespmem:s23+$0x4140] =	vst v16;
	v17 =	vadd.f32 v20, v17;
	v16 =	vadd.f32 v9, v7  }
0x99: {  	v20 =	vld [tilespmem:s24+$0x2F0];
	[tilespmem:s23+$0x41C0] =	vst v19;
	v10 =	vsub.f32 v15, v10  }
0x9a: {  	v19 =	vld [tilespmem:s24+$0x100];
	[tilespmem:s23+$0x4240] =	vst v18;
	v11 =	vsub.f32 v17, v11  }
0x9b: {  	v12 =	vsub.f32 v17, v12;
	v54 =	vld [tilespmem:s24+$0x180];
	[tilespmem:s23+$0x42C0] =	vst v10  }
0x9c: {  	v13 =	vsub.f32 v17, v13;
	v10 =	vld [tilespmem:s24+$0x200];
	[tilespmem:s23+$0x4150] =	vst v11  }
0x9d: {  	v55 =	vadd.f32 v8, v5;
	v14 =	vsub.f32 v17, v14;
	v11 =	vld [tilespmem:s24+$0x280];
	[tilespmem:s23+$0x41D0] =	vst v12  }
0x9e: {  	v12 =	vld [tilespmem:s24+$0x110];
	[tilespmem:s23+$0x4250] =	vst v13  }
0x9f: {  	v16 =	vadd.f32 v55, v16;
	v13 =	vld [tilespmem:s24+$0x190];
	[tilespmem:s23+$0x42D0] =	vst v14  }
0xa0: {  	v57 =	vadd.f32 v20, v2;
	v14 =	vld [tilespmem:s24+$0x210];
	[tilespmem:s23+$0x4270] =	vst v3;
	v3 =	vadd.f32 v6, v4  }
0xa1: {  	v7 =	vsub.f32 v16, v7  }
0xa2: {  	v9 =	vsub.f32 v16, v9;
	v3 =	vadd.f32 v57, v3  }
0xa3: {  	v58 =	vsub.f32 v16, v5;
	v60 =	vadd.f32 v54, v19;
	v56 =	vld [tilespmem:s24+$0x290];
	[tilespmem:s23+$0x4160] =	vst v7  }
0xa4: {  	v7 =	vld [tilespmem:s24+$0x120];
	[tilespmem:s23+$0x41E0] =	vst v9;
	v61 =	vadd.f32 v11, v10;
	v18 =	vsub.f32 v3, v20  }
0xa5: {  	v59 =	vsub.f32 v16, v8;
	v9 =	vld [tilespmem:s24+$0x1A0];
	[tilespmem:s23+$0x4260] =	vst v58  }
0xa6: {  	v5 =	vld [tilespmem:s24+$0x220];
	v63 =	vsub.f32 v3, v4;
	v21 =	vadd.f32 v61, v60;
	[tilespmem:s24+$0x42F0] =	vst v18  }
0xa7: {  	v62 =	vld [tilespmem:s24+$0x2A0];
	v23 =	vsub.f32 v3, v6;
	[tilespmem:s23+$0x42E0] =	vst v59  }
0xa8: {  	v27 =	vadd.f32 v13, v12;
	v24 =	vsub.f32 v21, v19;
	[tilespmem:s24+$0x4170] =	vst v63  }
0xa9: {  	v26 =	vsub.f32 v21, v54;
	v29 =	vadd.f32 v56, v14;
	v22 =	vld [tilespmem:s24+$0x130];
	[tilespmem:s24+$0x41F0] =	vst v23  }
0xaa: {  	v2 =	vsub.f32 v3, v2;
	v10 =	vsub.f32 v21, v10;
	v25 =	vld [tilespmem:s24+$0x1B0];
	[tilespmem:s24+$0x4100] =	vst v24  }
0xab: {  	v8 =	vsub.f32 v21, v11;
	v28 =	vld [tilespmem:s24+$0x230];
	[tilespmem:s24+$0x4180] =	vst v26;
	v4 =	vadd.f32 v29, v27  }
0xac: {  	v30 =	vld [tilespmem:s24+$0x2B0];
	[tilespmem:s24+$0x4200] =	vst v10;
	v35 =	vadd.f32 v9, v7;
	v37 =	vadd.f32 v62, v5  }
0xad: {  	v31 =	vld [tilespmem:s24+$0x140];
	[tilespmem:s24+$0x4280] =	vst v8;
	v32 =	vsub.f32 v4, v12  }
0xae: {  	v33 =	vld [tilespmem:s24+$0x1C0];
	[tilespmem:s24+$0x4270] =	vst v2;
	v34 =	vsub.f32 v4, v13;
	v11 =	vadd.f32 v37, v35  }
0xaf: {  	v36 =	vld [tilespmem:s24+$0x240];
	v14 =	vsub.f32 v4, v14;
	[tilespmem:s24+$0x4110] =	vst v32  }
0xb0: {  	v38 =	vld [tilespmem:s24+$0x2C0];
	v4 =	vsub.f32 v4, v56;
	[tilespmem:s24+$0x4190] =	vst v34;
	v7 =	vsub.f32 v11, v7  }
0xb1: {  	v39 =	vld [tilespmem:s24+$0x150];
	[tilespmem:s24+$0x4210] =	vst v14;
	v41 =	vadd.f32 v25, v22;
	v43 =	vadd.f32 v30, v28  }
0xb2: {  	v40 =	vld [tilespmem:s24+$0x1D0];
	[tilespmem:s24+$0x4290] =	vst v4;
	v9 =	vsub.f32 v11, v9  }
0xb3: {  	v42 =	vld [tilespmem:s24+$0x250];
	v5 =	vsub.f32 v11, v5;
	[tilespmem:s24+$0x4120] =	vst v7;
	v7 =	vadd.f32 v43, v41  }
0xb4: {  	v44 =	vld [tilespmem:s24+$0x2D0];
	v11 =	vsub.f32 v11, v62;
	v46 =	vadd.f32 v33, v31;
	[tilespmem:s24+$0x41A0] =	vst v9  }
0xb5: {  	v45 =	vld [tilespmem:s24+$0x160];
	v48 =	vadd.f32 v38, v36;
	[tilespmem:s24+$0x4220] =	vst v5;
	v16 =	vsub.f32 v7, v22  }
0xb6: {  	v47 =	vld [tilespmem:s24+$0x1E0];
	[tilespmem:s24+$0x42A0] =	vst v11;
	v18 =	vsub.f32 v7, v25  }
0xb7: {  	v49 =	vld [tilespmem:s24+$0x260];
	v11 =	vadd.f32 v48, v46;
	v15 =	vsub.f32 v7, v28;
	[tilespmem:s24+$0x4130] =	vst v16  }
0xb8: {  	v51 =	vld [tilespmem:s24+$0x2E0];
	v50 =	vadd.f32 v40, v39;
	v6 =	vsub.f32 v7, v30;
	[tilespmem:s24+$0x41B0] =	vst v18  }
0xb9: {  	v52 =	vadd.f32 v44, v42;
	v10 =	vsub.f32 v11, v31;
	[tilespmem:s24+$0x4230] =	vst v15  }
0xba: {  	v53 =	vsub.f32 v11, v33;
	[tilespmem:s24+$0x42B0] =	vst v6  }
0xbb: {  	v55 =	vadd.f32 v52, v50;
	v54 =	vsub.f32 v11, v36;
	[tilespmem:s24+$0x4140] =	vst v10  }
0xbc: {  	v57 =	vadd.f32 v47, v45;
	v56 =	vsub.f32 v11, v38;
	[tilespmem:s24+$0x41C0] =	vst v53  }
0xbd: {  	v59 =	vadd.f32 v51, v49;
	v58 =	vsub.f32 v55, v39;
	[tilespmem:s24+$0x4240] =	vst v54  }
0xbe: {  	v4 =	vsub.f32 v55, v40;
	[tilespmem:s24+$0x42C0] =	vst v56  }
0xbf: {  	v62 =	vadd.f32 v59, v57;
	v60 =	vsub.f32 v55, v42;
	[tilespmem:s24+$0x4150] =	vst v58  }
0xc0: {  	v61 =	vsub.f32 v55, v44;
	[tilespmem:s24+$0x41D0] =	vst v4  }
0xc1: {  	v3 =	vsub.f32 v62, v45;
	[tilespmem:s24+$0x4250] =	vst v60  }
0xc2: {  	v63 =	vsub.f32 v62, v47;
	[tilespmem:s24+$0x42D0] =	vst v61  }
0xc3: {  	v2 =	vsub.f32 v62, v49;
	[tilespmem:s24+$0x4160] =	vst v3  }
0xc4: {  	s22 =	sadd.s32 $0x1, s22;
	v3 =	vsub.f32 v62, v51;
	[tilespmem:s24+$0x41E0] =	vst v63  }
0xc5: {  	p1 =	sne.s32 s22, $0x36;
	[tilespmem:s24+$0x4260] =	vst v2  }
.Ltmp2:
0xc6: {  	[tilespmem:s24+$0x42E0] =	vst v3;
	(pc) =	sbr.rel @p1 .LBB2_4-.Ltmp2, $4  }
0xc7: {  	[spmem:s1] =	stream.indirect.scatter.add.f32 [tilespmem:s15], [sflag:$0x2], $0x80, s17, s17, $0xb8;
	[tilespmem:$0x1BD00] =	vst v63  }
0xc8: {  	_ =	swait.ge [sflag:s16], $0x4000  }
0xc9: {  	[sflag:s16] =	ssyncset.done $0x0  }
0xca: {  	[sflag:s16] =	ssyncadd.s32 $0xFFFFC000  }
0xcb: {  	[bflag:$0x0] =	sbarrier.arrive $0xFFFF;
	s21 =	simm.s32 @p0 $0x1FC2  }
0xcc: {  	[hbm:s10], [sflag:s21] =	dma.local @p0 [spmem:s20], $0x2080  }
0xcd: {  	s21 =	simm.s32 @p0 $0x2  }
0xce: {  	s3 =	sadd.s32 $0x1, s3;
	_ =	swait.ge @p0 [sflag:s21], $0x2080  }
0xcf: {  	s22 =	sshll.u32 @!p0 s2, $0x6;
	p1 =	sne.s32 s3, s11;
	[sflag:s21] =	ssyncset.done @p0 $0x0  }
0xd0: {  	[sflag:s21] =	ssyncadd.s32 @p0 $0xFFFFDF80;
	s21 =	sor.u32 @!p0 $0x1C02, s22;
	s22 =	sshrl.u32 @!p0 s6, $0x3  }
0xd1: {  	[hbm:s9], [sflag:s21] =	dma.local @!p0 [spmem:s22], $0x2780  }
.Ltmp3:
0xd2: {  	_ = 	snop;
	(pc) =	sbr.rel @p1 .LBB2_1-.Ltmp3, $4  }
0xd3: {  	s21 =	simm.s32 @!p0 $0x2  }
0xd4: {  	_ =	swait.ge @!p0 [sflag:s21], $0x2780  }
0xd5: {  	[sflag:s21] =	ssyncset.done @!p0 $0x0  }
0xd6: {  	[sflag:s21] =	ssyncadd.s32 @!p0 $0xFFFFD880  }
0xd7: {  	_ =	sfence.sel $0x180000  }
0xd8: {  	[bflag:$0x0] =	sbarrier.arrive $0xFFFF  }
0xd9: {  	p0 =	sne.s32 s2, $0x0;
	_ =	strace $0x9000004A  }
0xda: {  	s0 =	sadd.s32 @!p0 $0x100000, s0;
	[bflag:$0x2] =	sbarrier.arrive $0xFFFF  }
0xdb: {  	[sflag:s0] =	ssyncadd.tile.s32 @!p0 $0x1;
	_ =	shalt  }
.Lfunc_end2:
_tile_overlayer_lowered:
.L_overlay_start_2:
0xdc: {  	(tag) =	ssettag $0x2  }
0xdd: {  	s0 =	rddreg [dreg:$0x0];
	s2 =	stileid.u32  }
0xde: {  	s1 =	rddreg [dreg:$0x1];
	p0 =	sne.s32 s2, $0x0  }
0xdf: {  	s3 =	rddreg [dreg:$0x2];
	[bflag:$0x3] =	sbarrier.arrive $0xFFFF;
	s2 =	simm.s32 @!p0 $0x1C02  }
0xe0: {  	[timem:s3], [sflag:s2] =	dma.local @!p0 [hbm:s0], s1  }
0xe1: {  	s0 =	simm.s32 @!p0 $0x2  }
0xe2: {  	_ =	swait.ge @!p0 [sflag:s0], s1  }
0xe3: {  	s1 =	ssub.s32 @!p0 $0x0, s1;
	[sflag:s0] =	ssyncset.done @!p0 $0x0  }
0xe4: {  	[sflag:s0] =	ssyncadd.s32 @!p0 s1  }
0xe5: {  	[bflag:$0x3] =	sbarrier.arrive $0xFFFF  }
0xe6: {  	_ =	shalt  }

// kernel: kernel.18.cloned.1.call-start
scs
__scs_entry_jumppad:
0x0: {  	(pc) =	sbr.rel $0x88, $3  }
0x1: {  	(tag) =	ssettag $0x0;
	lr =	simm.s32 $0x1  }
0x2: {  	[smem:$0x3F8D] =	sst lr;
	_ =	strace $0xD0000000  }
0x3: {  	_ = 	snop  }
0x4: {  	_ = 	snop  }
0x5: {  	_ = 	snop  }
0x6: {  	_ = 	snop  }
0x7: {  	_ = 	snop  }
__scs_overlays_trampoline_lowered:
0x8: {  	[smem:$0x3F9C] =	sst s0  }
0x9: {  	[smem:$0x3F9D] =	sst s1  }
0xa: {  	[smem:$0x3F9E] =	sst s2  }
0xb: {  	[smem:$0x3F9F] =	sst s3  }
0xc: {  	[smem:$0x3FA0] =	sst s4  }
0xd: {  	[smem:$0x3FA1] =	sst s5  }
0xe: {  	[smem:$0x3FA2] =	sst s6  }
0xf: {  	[smem:$0x3FA3] =	sst s7  }
0x10: {  	[smem:$0x3FA4] =	sst s8  }
0x11: {  	[smem:$0x3FA5] =	sst s9;
	s0 =	simm.s32 @!p0 $0x0  }
0x12: {  	s1 =	sld [smem:$0x3F8B];
	s0 =	simm.s32 @p0 $0x1  }
0x13: {  	[smem:$0x3FA6] =	sst s0;
	s0 =	simm.s32 @!p1 $0x0  }
0x14: {  	s2 =	sld [smem:$0x3F8A];
	s0 =	simm.s32 @p1 $0x1  }
0x15: {  	[smem:$0x3FA7] =	sst s0;
	s0 =	simm.s32 @!p2 $0x0  }
0x16: {  	s3 =	sld [smem:$0x3FDB];
	s0 =	simm.s32 @p2 $0x1  }
0x17: {  	s4 =	simm.s32 $0x1BF5;
	[smem:$0x3FA9] =	sst s0  }
0x18: {  	s0 =	sld [smem:$0x3F8C];
	_ =	swait.ge [sflag:s4], $0x0  }
0x19: {  	s7 =	sld [smem:$0x3F8D]  }
0x1a: {  	s8 =	sadd.s32 $0xFFFFE003, lr  }
0x1b: {  	s9 =	sadd.s32 $0xFFFFFEF7, lr;
	s5 =	simm.s32 $0xFFFFFFFF;
	p2 =	slt.u32 s8, $0xFFFFF086  }
0x1c: {  	p1 =	slt.u32 s9, $0xF7A;
	s5 =	simm.s32 @!p2 $0x0  }
0x1d: {  	s5 =	simm.s32 @p1 $0x1;
	p0 =	seq.s32 s7, s2  }
0x1e: {  	s7 =	smul.u32 @!p0 $0xF7A, s2;
	p2 =	seq.s32 @!p0 s5, $0x0  }
0x1f: {  	s9 =	smul.u32 $0xF7A, s1;
	s8 =	simm.s32 @!p0 $0x1BF5;
	p2 =	por !p2, p0  }
0x20: {  	[sflag:s8] =	ssyncset.s32 @!p0 $0xFFFFF086;
	s6 =	sadd.s32 @!p0 s3, s7;
	s7 =	simm.s32 @!p0 $0x108  }
0x21: {  	s3 =	sadd.s32 s3, s9;
	s6 =	sadd.s32 @!p0 $0x88, s6;
	s7 =	simm.s32 @p2 $0x1082  }
0x22: {  	[simem:s7], [sflag:s8] =	dma.local @!p0 [hbm:s6], $0xF7A  }
0x23: {  	s9 =	sor.u32 $0xD0000000, s2;
	s6 =	simm.s32 $0x108;
	_ =	swait.ge @!p0 [sflag:s8], $0x0  }
0x24: {  	s3 =	sadd.s32 $0x88, s3;
	s6 =	simm.s32 @!p1 $0x1082;
	[sflag:s4] =	ssyncset.s32 $0xFFFFF086  }
0x25: {  	[simem:s6], [sflag:s4] =	dma.local [hbm:s3], $0xF7A  }
0x26: {  	[smem:$0x3F8D] =	sst s1;
	(tag) =	ssettag s2;
	_ =	strace s9  }
0x27: {  	s1 =	sld [smem:$0x3F9D]  }
0x28: {  	s2 =	sld [smem:$0x3F9E]  }
0x29: {  	s4 =	sld [smem:$0x3FA0]  }
0x2a: {  	p0 =	seq.s32 s5, $0x0;
	s5 =	sld [smem:$0x3FA1]  }
0x2b: {  	s6 =	sld [smem:$0x3FA2]  }
0x2c: {  	s7 =	sld [smem:$0x3FA3]  }
0x2d: {  	s3 =	simm.s32 $0x108;
	s8 =	sld [smem:$0x3FA4]  }
0x2e: {  	s3 =	simm.s32 @!p0 $0x1082;
	s9 =	sld [smem:$0x3FA5]  }
0x2f: {  	lr =	sadd.s32 s0, s3;
	s0 =	sld [smem:$0x3F9C]  }
0x30: {  	s3 =	sld [smem:$0x3F9F]  }
0x31: {  	[smem:$0x3FA8] =	sst s10  }
0x32: {  	s10 =	sld [smem:$0x3FA6];
	_ =	sdelay $0x3  }
0x33: {  	p0 =	seq.s32 s10, $0x1;
	s10 =	sld [smem:$0x3FA8];
	_ =	sdelay $0x3  }
0x34: {  	[smem:$0x3FA8] =	sst s10  }
0x35: {  	s10 =	sld [smem:$0x3FA7];
	_ =	sdelay $0x3  }
0x36: {  	p1 =	seq.s32 s10, $0x1;
	s10 =	sld [smem:$0x3FA8];
	_ =	sdelay $0x3  }
0x37: {  	[smem:$0x3FA8] =	sst s10  }
0x38: {  	s10 =	sld [smem:$0x3FA9]  }
0x39: {  	_ = 	snop;
	(pc) =	sbr.ind lr, $3  }
0x3a: {  	_ = 	snop  }
0x3b: {  	_ = 	snop  }
0x3c: {  	p2 =	seq.s32 s10, $0x1;
	s10 =	sld [smem:$0x3FA8]  }
0x3d: {  	_ =	shalt  }
0x3e: {  	_ =	shalt  }
0x3f: {  	_ =	shalt  }
0x40: {  	_ =	shalt  }
0x41: {  	_ =	shalt  }
0x42: {  	_ =	shalt  }
0x43: {  	_ =	shalt  }
0x44: {  	_ =	shalt  }
0x45: {  	_ =	shalt  }
0x46: {  	_ =	shalt  }
0x47: {  	_ =	shalt  }
0x48: {  	_ =	shalt  }
0x49: {  	_ =	shalt  }
0x4a: {  	_ =	shalt  }
0x4b: {  	_ =	shalt  }
0x4c: {  	_ =	shalt  }
0x4d: {  	_ =	shalt  }
0x4e: {  	_ =	shalt  }
0x4f: {  	_ =	shalt  }
0x50: {  	_ =	shalt  }
0x51: {  	_ =	shalt  }
0x52: {  	_ =	shalt  }
0x53: {  	_ =	shalt  }
0x54: {  	_ =	shalt  }
0x55: {  	_ =	shalt  }
0x56: {  	_ =	shalt  }
0x57: {  	_ =	shalt  }
0x58: {  	_ =	shalt  }
0x59: {  	_ =	shalt  }
0x5a: {  	_ =	shalt  }
0x5b: {  	_ =	shalt  }
0x5c: {  	_ =	shalt  }
0x5d: {  	_ =	shalt  }
0x5e: {  	_ =	shalt  }
0x5f: {  	_ =	shalt  }
0x60: {  	_ =	shalt  }
0x61: {  	_ =	shalt  }
0x62: {  	_ =	shalt  }
0x63: {  	_ =	shalt  }
0x64: {  	_ =	shalt  }
0x65: {  	_ =	shalt  }
0x66: {  	_ =	shalt  }
0x67: {  	_ =	shalt  }
0x68: {  	_ =	shalt  }
0x69: {  	_ =	shalt  }
0x6a: {  	_ =	shalt  }
0x6b: {  	_ =	shalt  }
0x6c: {  	_ =	shalt  }
0x6d: {  	_ =	shalt  }
0x6e: {  	_ =	shalt  }
0x6f: {  	_ =	shalt  }
0x70: {  	_ =	shalt  }
0x71: {  	_ =	shalt  }
0x72: {  	_ =	shalt  }
0x73: {  	_ =	shalt  }
0x74: {  	_ =	shalt  }
0x75: {  	_ =	shalt  }
0x76: {  	_ =	shalt  }
0x77: {  	_ =	shalt  }
0x78: {  	_ =	shalt  }
0x79: {  	_ =	shalt  }
0x7a: {  	_ =	shalt  }
0x7b: {  	_ =	shalt  }
0x7c: {  	_ =	shalt  }
0x7d: {  	_ =	shalt  }
0x7e: {  	_ =	shalt  }
0x7f: {  	_ =	shalt  }
0x80: {  	_ =	shalt  }
0x81: {  	_ =	shalt  }
0x82: {  	_ =	shalt  }
0x83: {  	_ =	shalt  }
0x84: {  	_ =	shalt  }
0x85: {  	_ =	shalt  }
0x86: {  	_ =	shalt  }
0x87: {  	_ =	shalt  }
.Lfunc_end0:
.L_simem_size_0:
called_computation.2_lowered:
.L_overlay_start_0:
0x88: {  	s2 =	sld [smem:$0x3FD9]  }
0x89: {  	s3 =	sld [smem:$0x3FFE];
	_ =	sdelay $0x1  }
0x8a: {  	s1 =	srdreg.scid  }
0x8b: {  	s0 =	sand.u32 $0x1, s1  }
0x8c: {  	s16 =	sshll.u32 s0, $0xA;
	s2 =	sadd.s32 s3, s2  }
0x8d: {  	s2 =	sadd.s32 s2, s16  }
0x8e: {  	[smem:$0x3FB4] =	sst s2  }
0x8f: {  	_ = 	snop  }
0x90: {  	(tm) =	ssettm $0x1  }
0x91: {  	s17 =	sld [smem:$0x3FFB];
	_ =	sdelay $0x3  }
0x92: {  	_ =	strace s17  }
0x93: {  	s2 =	sld [smem:$0x3FFC];
	_ =	sdelay $0x3  }
0x94: {  	_ =	strace s2  }
0x95: {  	s2 =	sld [smem:$0x3FFD];
	_ =	sdelay $0x3  }
0x96: {  	_ =	strace s2  }
0x97: {  	_ =	strace $0x8FFFFFFF  }
0x98: {  	s18 =	sld [smem:$0x3FDB];
	_ =	sdelay $0x1  }
0x99: {  	s19 =	simm.s32 $_scs_section_size  }
0x9a: {  	s4 =	simm.s32 $_size__tile_overlayer_lowered;
	s5 =	simm.s32 $_tile_overlayer_lowered  }
0x9b: {  	s22 =	simm.s32 $0x1BFF;
	s21 =	sshll.u32 s5, $0x1;
	s2 =	sadd.s32 s19, s18  }
0x9c: {  	s6 =	simm.s32 $0x0;
	s20 =	sshll.u32 s4, $0x1;
	s4 =	sadd.s32 s21, s2  }
0x9d: {  	[timem:s6], [sflag:s22] =	dma.local [hbm:s4], s20  }
0x9e: {  	_ =	swait.ge [sflag:s22], s20  }
0x9f: {  	s3 =	ssub.s32 $0x0, s20;
	[sflag:s22] =	ssyncset.done $0x0  }
0xa0: {  	[sflag:s22] =	ssyncadd.s32 s3;
	_ =	sdelay $0x1  }
0xa1: {  	s23 =	simm.s32 $0x1B8B  }
0xa2: {  	_ =	swait.ge [sflag:s23], $0x1  }
0xa3: {  	[sflag:s23] =	ssyncset.done $0x0  }
0xa4: {  	s25 =	simm.s32 $0x1B8E;
	s24 =	sld [smem:$0x3FFE];
	[sflag:s23] =	ssyncadd.s32 $0xFFFFFFFF  }
0xa5: {  	s26 =	simm.s32 $execute0_lowered;
	[smem:$0x3FD2] =	sst s25  }
0xa6: {  	s4 =	sshll.u32 s26, $0x1;
	_ =	strace $0x8000004C;
	[dreg:$0x1] =	wrdreg $0xFFFFFFFF  }
0xa7: {  	s28 =	simm.s32 $_size_execute0_lowered;
	s2 =	sadd.s32 s2, s4;
	[dreg:$0x0] =	wrdreg $0x0  }
0xa8: {  	s4 =	sshll.u32 s28, $0x1;
	[dreg:$0x2] =	wrdreg s2  }
0xa9: {  	[dreg:$0x3] =	wrdreg s4  }
0xaa: {  	[dreg:$0x4] =	wrdreg $0xC0  }
0xab: {  	_ =	task [dreg:s6], $0x5FFFF  }
0xac: {  	[dreg:$0x1] =	wrdreg $0xFFFFFFFF  }
0xad: {  	[dreg:$0x0] =	wrdreg $0x60  }
0xae: {  	[dreg:$0x2] =	wrdreg s24  }
0xaf: {  	[dreg:$0x3] =	wrdreg $0x81000  }
0xb0: {  	[dreg:$0x4] =	wrdreg $0x9  }
0xb1: {  	_ =	task.clear_ibuf [dreg:s6], $0x5FFFF;
	_ =	strace $0x9000004C  }
0xb2: {  	s29 =	simm.s32 $0x9;
	_ =	strace $0x8000004E  }
0xb3: {  	_ =	swait.ge [sflag:s29], $0x1  }
0xb4: {  	[sflag:s29] =	ssyncadd.s32 $0xFFFFFFFF  }
0xb5: {  	_ =	strace $0x9000004E  }
0xb6: {  	_ =	sfence  }
0xb7: {  	s30 =	sld [smem:$0x0];
	_ =	sdelay $0x2  }
0xb8: {  	s31 =	sshll.u32 s1, $0xD;
	s1 =	sshrl.u32 s1, $0x2  }
0xb9: {  	s3 =	sand.u32 $0x4000, s31;
	s1 =	sadd.s32 s1, s30  }
0xba: {  	s0 =	sor.u32 s3, s0;
	s1 =	sshll.u32 s1, $0x11  }
0xbb: {  	s0 =	sor.u32 s1, s0  }
0xbc: {  	s0 =	sadd.s32 $0x8F2B, s0  }
0xbd: {  	[sflag:s0] =	ssyncadd.remote.s32 $0x1  }
0xbe: {  	_ =	sfence.sel $0xFFFF  }
0xbf: {  	[dreg:$0x0] =	wrdreg $0xFFFFFFFF;
	(pc) =	sbr.abs _section_cstart, $3  }
0xc0: {  	[dreg:$0x1] =	wrdreg $0xFFFFFFFF  }
0xc1: {  	_ =	task.clear_ibuf [dreg:s6], $0x2FFFF;
	_ =	strace $0x9FFFFFFF  }
0xc2: {  	(tm) =	ssettm $0x7FFFFFFF  }
0xc3: {  	_ =	shalt  }
tec
execute0_lowered:
.L_overlay_start_1:
0x0: {  	(tag) =	ssettag $0x1  }
0x1: {  	s6 =	rddreg [dreg:$0x0]  }
0x2: {  	s1 =	rddreg [dreg:$0x1]  }
0x3: {  	s0 =	rddreg [dreg:$0x2];
	s3 =	simm.s32 $0x0;
	s5 =	srdreg.scid  }
0x4: {  	s2 =	stileid.u32;
	s15 =	simm.s32 $0x4100;
	s16 =	simm.s32 $0x2  }
0x5: {  	s17 =	simm.s32 $0x80;
	s19 =	simm.s32 $0x1;
	[smem:$0x7FF] =	sst s3  }
0x6: {  	s4 =	sadd.s32 $0x6200, s6;
	s7 =	sand.u32 $0x1, s5;
	s8 =	smul.u32 $0x4F000, s2  }
0x7: {  	s5 =	sadd.s32 $0x9800, s6;
	s12 =	smul.u32 $0x13C00, s2;
	s20 =	sadd.s32 $0x128400, s1  }
0x8: {  	s11 =	sadd.s32 $0xF4C00, s6;
	p0 =	seq.s32 s2, $0xF;
	s10 =	smul.u32 $0x138800, s7  }
0x9: {  	_ =	strace $0x8000004D;
	s9 =	ssub.s32 $0x2, s7;
	s18 =	smul.u32 $0x2710, s7  }
0xa: {  	s20 =	sshrl.u32 @p0 s20, $0x3;
	s25 =	sshrl.u32 s9, $0x1;
	s26 =	sshrl.u32 s8, $0x2  }
0xb: {  	s8 =	smul.u32 $0x36, s2;
	s13 =	ssub.s32 s9, s25;
	s6 =	sadd.s32 s26, s1  }
0xc: {  	s28 =	sadd.s32 s12, s10;
	s29 =	sshrl.u32 s10, $0x3;
	v0 =	vmov s18;
	s18 =	simm.s32 $0x100  }
0xd: {  	s7 =	sadd.s32 $0x10000, s6;
	s30 =	sshrl.u32 s28, $0x3;
	s31 =	sadd.s32 s11, s29  }
0xe: {  	s12 =	sadd.s32 $0x4000, s6;
	s14 =	sadd.s32 $0xC000, s6;
	s9 =	sadd.s32 s11, s30  }
0xf: {  	v1 =	vimm.f32 $0.0e+00;
	s10 =	sadd.s32 $0x25080, s31;
	s11 =	smax.u32 s13, $0x1;
	s13 =	sadd.s32 $0x8000, s6  }
.LBB2_1:
0x10: {  	s21 =	simm.s32 $0x0;
	s22 =	simm.s32 $0x200  }
.LBB2_2:
0x11: {  	p1 =	sne.s32 s22, $0xFE00;
	[tilespmem:s21+$0x4170] =	vst v1  }
0x12: {  	[tilespmem:s21+$0x4100] =	vst v1  }
0x13: {  	[tilespmem:s21+$0x4110] =	vst v1  }
.Ltmp0:
0x14: {  	[tilespmem:s21+$0x4120] =	vst v1;
	(pc) =	sbr.rel @p1 .LBB2_2-.Ltmp0, $4  }
0x15: {  	[tilespmem:s21+$0x4130] =	vst v1  }
0x16: {  	[tilespmem:s21+$0x4140] =	vst v1  }
0x17: {  	[tilespmem:s21+$0x4150] =	vst v1  }
0x18: {  	[tilespmem:s21+$0x4160] =	vst v1;
	s21 =	sshra.s32 s22, $0x2;
	s22 =	sadd.s32 $0x200, s22  }
0x19: {  	[tilespmem:s21+$0x4170] =	vst v1  }
0x1a: {  	[tilespmem:s21+$0x4100] =	vst v1  }
0x1b: {  	[tilespmem:s21+$0x4110] =	vst v1  }
0x1c: {  	[tilespmem:s21+$0x4120] =	vst v1  }
0x1d: {  	[tilespmem:s21+$0x4130] =	vst v1  }
0x1e: {  	[tilespmem:s21+$0x4140] =	vst v1  }
0x1f: {  	[tilespmem:s21+$0x4150] =	vst v1  }
0x20: {  	[tilespmem:s21+$0x4160] =	vst v1  }
0x21: {  	[spmem:s6] =	stream.linear.scatter [tilespmem:s15], [sflag:$0x2], $0x4000, $0x38;
	[tilespmem:$0x1BD00] =	vst v63  }
0x22: {  	_ =	swait.ge [sflag:s16], $0x4000  }
0x23: {  	[sflag:s16] =	ssyncset.done $0x0  }
0x24: {  	[sflag:s16] =	ssyncadd.s32 $0xFFFFC000  }
0x25: {  	[spmem:s12] =	stream.linear.scatter [tilespmem:s15], [sflag:$0x2], $0x4000, $0x38;
	[tilespmem:$0x1BD00] =	vst v63  }
0x26: {  	_ =	swait.ge [sflag:s16], $0x4000  }
0x27: {  	[sflag:s16] =	ssyncset.done $0x0  }
0x28: {  	[sflag:s16] =	ssyncadd.s32 $0xFFFFC000  }
0x29: {  	[spmem:s13] =	stream.linear.scatter [tilespmem:s15], [sflag:$0x2], $0x4000, $0x38;
	[tilespmem:$0x1BD00] =	vst v63  }
0x2a: {  	_ =	swait.ge [sflag:s16], $0x4000  }
0x2b: {  	[sflag:s16] =	ssyncset.done $0x0  }
0x2c: {  	[sflag:s16] =	ssyncadd.s32 $0xFFFFC000  }
0x2d: {  	[spmem:s14] =	stream.linear.scatter [tilespmem:s15], [sflag:$0x2], $0x4000, $0x38;
	[tilespmem:$0x1BD00] =	vst v63  }
0x2e: {  	_ =	swait.ge [sflag:s16], $0x4000  }
0x2f: {  	[sflag:s16] =	ssyncset.done $0x0  }
0x30: {  	[sflag:s16] =	ssyncadd.s32 $0xFFFFC000  }
0x31: {  	[spmem:s7] =	stream.linear.scatter [tilespmem:s15], [sflag:$0x2], $0x3C00, $0x38;
	[tilespmem:$0x1BD00] =	vst v63  }
0x32: {  	_ =	swait.ge [sflag:s16], $0x3C00  }
0x33: {  	[sflag:s16] =	ssyncset.done $0x0  }
0x34: {  	[sflag:s16] =	ssyncadd.s32 $0xFFFFC400  }
0x35: {  	s21 =	simm.s32 $0x0;
	s22 =	simm.s32 $0x0;
	[bflag:$0x0] =	sbarrier.arrive $0xFFFF  }
.LBB2_4:
0x36: {  	s23 =	sadd.s32 s8, s22  }
0x37: {  	s23 =	sshll.u32 s23, $0x4  }
0x38: {  	s23 =	sadd.s32 s4, s23  }
0x39: {  	[tilespmem:s17], [sflag:$0x2] =	stream.linear.gather [hbm4b:s23+s21], $0x80, $0x38;
	[tilespmem:$0x1BD00] =	vst v63  }
0x3a: {  	_ =	swait.ge [sflag:s16], $0x80  }
0x3b: {  	[sflag:s16] =	ssyncset.done $0x0  }
0x3c: {  	[sflag:s16] =	ssyncadd.s32 $0xFFFFFF80  }
0x3d: {  	v2 =	vld [tilespmem:$0x80]  }
0x3e: {  	v3 =	vld [tilespmem:$0x90]  }
0x3f: {  	v4 =	vld [tilespmem:$0xA0]  }
0x40: {  	v5 =	vld [tilespmem:$0xB0]  }
0x41: {  	v6 =	vld [tilespmem:$0xC0]  }
0x42: {  	v7 =	vld [tilespmem:$0xD0];
	vm0 =	vlt.s32 v2, $0x2710  }
0x43: {  	v8 =	vld [tilespmem:$0xE0];
	vm9 =	vlt.s32 v3, $0x2710;
	v2 =	vnsel vm0, $0x0, v2  }
0x44: {  	v9 =	vld [tilespmem:$0xF0];
	vm10 =	vlt.s32 v4, $0x2710;
	v3 =	vnsel vm9, $0x0, v3;
	v2 =	vadd.s32 v0, v2  }
0x45: {  	vm11 =	vlt.s32 v5, $0x2710;
	[tilespmem:$0x0] =	vst v2;
	v2 =	vadd.s32 v0, v3;
	v3 =	vnsel vm10, $0x0, v4  }
0x46: {  	vm12 =	vlt.s32 v6, $0x2710;
	[tilespmem:$0x10] =	vst v2;
	v2 =	vadd.s32 v0, v3;
	v3 =	vnsel vm11, $0x0, v5  }
0x47: {  	vm13 =	vlt.s32 v7, $0x2710;
	[tilespmem:$0x20] =	vst v2;
	v2 =	vadd.s32 v0, v3;
	v3 =	vnsel vm12, $0x0, v6  }
0x48: {  	vm14 =	vlt.s32 v8, $0x2710;
	[tilespmem:$0x30] =	vst v2;
	v2 =	vadd.s32 v0, v3;
	v3 =	vnsel vm13, $0x0, v7  }
0x49: {  	vm15 =	vlt.s32 v9, $0x2710;
	[tilespmem:$0x40] =	vst v2;
	v2 =	vadd.s32 v0, v3;
	v3 =	vnsel vm14, $0x0, v8  }
0x4a: {  	[tilespmem:$0x50] =	vst v2;
	v2 =	vadd.s32 v0, v3;
	v3 =	vnsel vm15, $0x0, v9  }
0x4b: {  	[tilespmem:$0x60] =	vst v2;
	v2 =	vadd.s32 v0, v3  }
0x4c: {  	[tilespmem:$0x70] =	vst v2  }
0x4d: {  	[tilespmem:s18], [sflag:$0x1] =	stream.indirect.gather [hbm4b:s5+s17], $0x80, s21, s17, $0xb8;
	[tilespmem:$0x1BD00] =	vst v63  }
0x4e: {  	_ =	swait.ge [sflag:s19], $0x4000  }
0x4f: {  	[sflag:s19] =	ssyncset.done $0x0  }
0x50: {  	s23 =	simm.s32 $0x0;
	[sflag:s19] =	ssyncadd.s32 $0xFFFFC000  }
0x51: {  	v2 =	vld [tilespmem:s23+$0x170]  }
0x52: {  	v3 =	vld [tilespmem:s23+$0x1F0]  }
0x53: {  	v6 =	vld [tilespmem:s23+$0x270]  }
0x54: {  	v4 =	vld [tilespmem:s23+$0x2F0]  }
0x55: {  	v5 =	vld [tilespmem:s23+$0x100]  }
0x56: {  	v7 =	vld [tilespmem:s23+$0x180]  }
0x57: {  	v8 =	vld [tilespmem:s23+$0x200]  }
0x58: {  	v9 =	vld [tilespmem:s23+$0x280];
	_ =	sdelay $0x1  }
0x59: {  	v11 =	vadd.f32 v3, v2;
	v12 =	vadd.f32 v4, v6  }
0x5a: {  	v10 =	vld [tilespmem:s23+$0x110]  }
0x5b: {  	v13 =	vld [tilespmem:s23+$0x190];
	v16 =	vadd.f32 v12, v11  }
0x5c: {  	v14 =	vld [tilespmem:s23+$0x210];
	v18 =	vadd.f32 v7, v5;
	v19 =	vadd.f32 v9, v8  }
0x5d: {  	v11 =	vld [tilespmem:s23+$0x290];
	v4 =	vsub.f32 v16, v4  }
0x5e: {  	v18 =	vadd.f32 v19, v18;
	v2 =	vsub.f32 v16, v2  }
0x5f: {  	v3 =	vsub.f32 v16, v3;
	[tilespmem:s23+$0x42F0] =	vst v4  }
0x60: {  	v15 =	vld [tilespmem:s23+$0x1A0];
	[tilespmem:s23+$0x4170] =	vst v2;
	v2 =	vsub.f32 v18, v5  }
0x61: {  	v17 =	vld [tilespmem:s23+$0x220];
	[tilespmem:s23+$0x41F0] =	vst v3;
	v3 =	vsub.f32 v18, v7  }
0x62: {  	v4 =	vld [tilespmem:s23+$0x2A0];
	v7 =	vadd.f32 v11, v14;
	[tilespmem:s23+$0x4100] =	vst v2;
	v2 =	vadd.f32 v13, v10  }
0x63: {  	v12 =	vld [tilespmem:s23+$0x120];
	v8 =	vsub.f32 v18, v8  }
0x64: {  	v2 =	vadd.f32 v7, v2  }
0x65: {  	v20 =	vld [tilespmem:s23+$0x230];
	[tilespmem:s23+$0x4200] =	vst v8;
	v7 =	vsub.f32 v18, v9  }
0x66: {  	v21 =	vld [tilespmem:s23+$0x1C0];
	[tilespmem:s23+$0x4180] =	vst v3;
	v8 =	vsub.f32 v2, v10  }
0x67: {  	v19 =	vld [tilespmem:s23+$0x130];
	v9 =	vadd.f32 v4, v17;
	[tilespmem:s23+$0x4280] =	vst v7  }
0x68: {  	v3 =	vld [tilespmem:s23+$0x2B0];
	v7 =	vsub.f32 v2, v13;
	[tilespmem:s23+$0x4110] =	vst v8;
	v8 =	vadd.f32 v15, v12  }
0x69: {  	v5 =	vld [tilespmem:s23+$0x1B0]  }
0x6a: {  	v22 =	vld [tilespmem:s23+$0x240];
	[tilespmem:s23+$0x4190] =	vst v7;
	v7 =	vadd.f32 v9, v8  }
0x6b: {  	v18 =	vld [tilespmem:s23+$0x140];
	v13 =	vsub.f32 v2, v14;
	v2 =	vsub.f32 v2, v11  }
0x6c: {  	v10 =	vld [tilespmem:s23+$0x2C0];
	v8 =	vsub.f32 v7, v12  }
0x6d: {  	[tilespmem:s23+$0x4290] =	vst v2;
	v9 =	vadd.f32 v3, v20  }
0x6e: {  	v11 =	vld [tilespmem:s23+$0x150];
	v2 =	vsub.f32 v7, v15;
	[tilespmem:s23+$0x4120] =	vst v8;
	v8 =	vadd.f32 v5, v19  }
0x6f: {  	v14 =	vld [tilespmem:s23+$0x2D0];
	[tilespmem:s23+$0x4210] =	vst v13;
	v15 =	vsub.f32 v7, v17  }
0x70: {  	v12 =	vld [tilespmem:s23+$0x1D0];
	v4 =	vsub.f32 v7, v4;
	[tilespmem:s23+$0x41A0] =	vst v2;
	v2 =	vadd.f32 v9, v8  }
0x71: {  	v13 =	vld [tilespmem:s23+$0x250];
	v17 =	vadd.f32 v10, v22;
	[tilespmem:s23+$0x4220] =	vst v15;
	v15 =	vadd.f32 v21, v18  }
0x72: {  	v7 =	vld [tilespmem:s23+$0x160];
	v8 =	vsub.f32 v2, v19  }
0x73: {  	[tilespmem:s23+$0x42A0] =	vst v4;
	v9 =	vld [tilespmem:s23+$0x1E0];
	v15 =	vadd.f32 v17, v15;
	v4 =	vsub.f32 v2, v5  }
0x74: {  	v5 =	vld [tilespmem:s23+$0x260];
	v19 =	vsub.f32 v2, v20;
	v2 =	vsub.f32 v2, v3;
	[tilespmem:s23+$0x4130] =	vst v8  }
0x75: {  	s24 =	simm.s32 $0x200;
	v3 =	vsub.f32 v16, v6;
	v16 =	vadd.f32 v12, v11;
	[tilespmem:s23+$0x41B0] =	vst v4;
	v8 =	vld [tilespmem:s23+$0x2E0]  }
0x76: {  	v17 =	vsub.f32 v15, v18;
	v20 =	vadd.f32 v14, v13;
	v4 =	vld [tilespmem:s24+$0x170];
	[tilespmem:s23+$0x4230] =	vst v19  }
0x77: {  	v18 =	vsub.f32 v15, v22;
	v19 =	vsub.f32 v15, v21;
	v6 =	vld [tilespmem:s24+$0x1F0];
	[tilespmem:s23+$0x42B0] =	vst v2  }
0x78: {  	s25 =	simm.s32 $0x1000;
	v2 =	vld [tilespmem:s24+$0x270];
	[tilespmem:s23+$0x4140] =	vst v17;
	v17 =	vadd.f32 v20, v16;
	v16 =	vadd.f32 v9, v7  }
.LBB2_5:
0x79: {  	p1 =	sne.s32 s25, $0xF800;
	v20 =	vld [tilespmem:s24+$0x2F0];
	[tilespmem:s23+$0x41C0] =	vst v19;
	v10 =	vsub.f32 v15, v10  }
0x7a: {  	v15 =	vld [tilespmem:s24+$0x100];
	[tilespmem:s23+$0x4240] =	vst v18;
	v11 =	vsub.f32 v17, v11;
	v18 =	vadd.f32 v8, v5  }
0x7b: {  	v19 =	vld [tilespmem:s24+$0x180];
	[tilespmem:s23+$0x42C0] =	vst v10;
	v10 =	vsub.f32 v17, v12;
	v12 =	vsub.f32 v17, v13  }
0x7c: {  	v13 =	vld [tilespmem:s24+$0x200];
	[tilespmem:s23+$0x4150] =	vst v11;
	v11 =	vsub.f32 v17, v14;
	v14 =	vadd.f32 v18, v16  }
0x7d: {  	v16 =	vld [tilespmem:s24+$0x280];
	[tilespmem:s23+$0x41D0] =	vst v10  }
0x7e: {  	v17 =	vadd.f32 v6, v4;
	v10 =	vld [tilespmem:s24+$0x110];
	v18 =	vadd.f32 v20, v2;
	[tilespmem:s23+$0x4250] =	vst v12  }
0x7f: {  	v7 =	vsub.f32 v14, v7;
	v9 =	vsub.f32 v14, v9;
	v12 =	vld [tilespmem:s24+$0x190];
	[tilespmem:s23+$0x42D0] =	vst v11  }
0x80: {  	v11 =	vadd.f32 v19, v15;
	v21 =	vld [tilespmem:s24+$0x210];
	v17 =	vadd.f32 v18, v17;
	[tilespmem:s23+$0x4270] =	vst v3  }
0x81: {  	v3 =	vsub.f32 v14, v5;
	v5 =	vsub.f32 v14, v8;
	v18 =	vld [tilespmem:s24+$0x290];
	[tilespmem:s23+$0x4160] =	vst v7  }
0x82: {  	v7 =	vadd.f32 v16, v13;
	v8 =	vld [tilespmem:s24+$0x120];
	v14 =	vsub.f32 v17, v20;
	[tilespmem:s23+$0x41E0] =	vst v9  }
0x83: {  	v4 =	vsub.f32 v17, v4;
	v6 =	vsub.f32 v17, v6;
	v9 =	vld [tilespmem:s24+$0x1A0];
	[tilespmem:s23+$0x4260] =	vst v3  }
0x84: {  	v7 =	vadd.f32 v7, v11;
	v11 =	vadd.f32 v12, v10;
	v20 =	vld [tilespmem:s24+$0x220];
	[tilespmem:s24+$0x42F0] =	vst v14  }
0x85: {  	v3 =	vsub.f32 v17, v2;
	v14 =	vld [tilespmem:s24+$0x2A0];
	[tilespmem:s23+$0x42E0] =	vst v5;
	s23 =	smov.u32 s24  }
0x86: {  	v2 =	vsub.f32 v7, v15;
	v5 =	vadd.f32 v18, v21;
	v15 =	vld [tilespmem:s23+$0x130];
	[tilespmem:s23+$0x4170] =	vst v4  }
0x87: {  	v4 =	vsub.f32 v7, v19;
	v13 =	vsub.f32 v7, v13;
	v17 =	vld [tilespmem:s23+$0x1B0];
	[tilespmem:s23+$0x41F0] =	vst v6  }
0x88: {  	[tilespmem:s23+$0x4100] =	vst v2;
	v2 =	vadd.f32 v5, v11;
	v5 =	vadd.f32 v9, v8;
	v6 =	vld [tilespmem:s23+$0x230]  }
0x89: {  	[tilespmem:s23+$0x4180] =	vst v4;
	v4 =	vsub.f32 v7, v16;
	v16 =	vld [tilespmem:s23+$0x2B0]  }
0x8a: {  	[tilespmem:s23+$0x4200] =	vst v13;
	v7 =	vsub.f32 v2, v10;
	v10 =	vadd.f32 v14, v20;
	v19 =	vld [tilespmem:s23+$0x140]  }
0x8b: {  	v11 =	vsub.f32 v2, v21;
	[tilespmem:s23+$0x4280] =	vst v4;
	v4 =	vsub.f32 v2, v12;
	v21 =	vld [tilespmem:s23+$0x1C0]  }
0x8c: {  	[tilespmem:s23+$0x4110] =	vst v7;
	v5 =	vadd.f32 v10, v5;
	v7 =	vadd.f32 v17, v15;
	v22 =	vld [tilespmem:s23+$0x240]  }
0x8d: {  	v2 =	vsub.f32 v2, v18;
	[tilespmem:s23+$0x4190] =	vst v4;
	v10 =	vld [tilespmem:s23+$0x2C0]  }
0x8e: {  	[tilespmem:s23+$0x4210] =	vst v11;
	v4 =	vsub.f32 v5, v8;
	v8 =	vadd.f32 v16, v6;
	v11 =	vld [tilespmem:s23+$0x150]  }
0x8f: {  	[tilespmem:s23+$0x4290] =	vst v2;
	v2 =	vsub.f32 v5, v9;
	v9 =	vsub.f32 v5, v20;
	v12 =	vld [tilespmem:s23+$0x1D0]  }
0x90: {  	[tilespmem:s23+$0x4120] =	vst v4;
	v4 =	vadd.f32 v8, v7;
	v8 =	vadd.f32 v21, v19;
	v13 =	vld [tilespmem:s23+$0x250]  }
0x91: {  	[tilespmem:s23+$0x41A0] =	vst v2;
	v2 =	vsub.f32 v5, v14;
	v14 =	vld [tilespmem:s23+$0x2D0]  }
0x92: {  	[tilespmem:s23+$0x4220] =	vst v9;
	v5 =	vsub.f32 v4, v15;
	v15 =	vadd.f32 v10, v22;
	v7 =	vld [tilespmem:s23+$0x160]  }
0x93: {  	v6 =	vsub.f32 v4, v6;
	[tilespmem:s23+$0x42A0] =	vst v2;
	v2 =	vsub.f32 v4, v17;
	v9 =	vld [tilespmem:s23+$0x1E0]  }
.Ltmp1:
0x94: {  	[tilespmem:s23+$0x4130] =	vst v5;
	v15 =	vadd.f32 v15, v8;
	v17 =	vadd.f32 v12, v11;
	v5 =	vld [tilespmem:s23+$0x260];
	(pc) =	sbr.rel @p1 .LBB2_5-.Ltmp1, $4  }
0x95: {  	s24 =	sshra.s32 s25, $0x2;
	[tilespmem:s23+$0x41B0] =	vst v2;
	v2 =	vsub.f32 v4, v16;
	v8 =	vld [tilespmem:s23+$0x2E0]  }
0x96: {  	v4 =	vld [tilespmem:s24+$0x170];
	[tilespmem:s23+$0x4230] =	vst v6;
	v16 =	vsub.f32 v15, v19;
	v20 =	vadd.f32 v14, v13  }
0x97: {  	v19 =	vsub.f32 v15, v21;
	v18 =	vsub.f32 v15, v22;
	v6 =	vld [tilespmem:s24+$0x1F0];
	[tilespmem:s23+$0x42B0] =	vst v2  }
0x98: {  	s25 =	sadd.s32 $0x800, s25;
	v2 =	vld [tilespmem:s24+$0x270];
	[tilespmem:s23+$0x4140] =	vst v16;
	v17 =	vadd.f32 v20, v17;
	v16 =	vadd.f32 v9, v7  }
0x99: {  	v20 =	vld [tilespmem:s24+$0x2F0];
	[tilespmem:s23+$0x41C0] =	vst v19;
	v10 =	vsub.f32 v15, v10  }
0x9a: {  	v19 =	vld [tilespmem:s24+$0x100];
	[tilespmem:s23+$0x4240] =	vst v18;
	v11 =	vsub.f32 v17, v11  }
0x9b: {  	v12 =	vsub.f32 v17, v12;
	v54 =	vld [tilespmem:s24+$0x180];
	[tilespmem:s23+$0x42C0] =	vst v10  }
0x9c: {  	v13 =	vsub.f32 v17, v13;
	v10 =	vld [tilespmem:s24+$0x200];
	[tilespmem:s23+$0x4150] =	vst v11  }
0x9d: {  	v55 =	vadd.f32 v8, v5;
	v14 =	vsub.f32 v17, v14;
	v11 =	vld [tilespmem:s24+$0x280];
	[tilespmem:s23+$0x41D0] =	vst v12  }
0x9e: {  	v12 =	vld [tilespmem:s24+$0x110];
	[tilespmem:s23+$0x4250] =	vst v13  }
0x9f: {  	v16 =	vadd.f32 v55, v16;
	v13 =	vld [tilespmem:s24+$0x190];
	[tilespmem:s23+$0x42D0] =	vst v14  }
0xa0: {  	v57 =	vadd.f32 v20, v2;
	v14 =	vld [tilespmem:s24+$0x210];
	[tilespmem:s23+$0x4270] =	vst v3;
	v3 =	vadd.f32 v6, v4  }
0xa1: {  	v7 =	vsub.f32 v16, v7  }
0xa2: {  	v9 =	vsub.f32 v16, v9;
	v3 =	vadd.f32 v57, v3  }
0xa3: {  	v58 =	vsub.f32 v16, v5;
	v60 =	vadd.f32 v54, v19;
	v56 =	vld [tilespmem:s24+$0x290];
	[tilespmem:s23+$0x4160] =	vst v7  }
0xa4: {  	v7 =	vld [tilespmem:s24+$0x120];
	[tilespmem:s23+$0x41E0] =	vst v9;
	v61 =	vadd.f32 v11, v10;
	v18 =	vsub.f32 v3, v20  }
0xa5: {  	v59 =	vsub.f32 v16, v8;
	v9 =	vld [tilespmem:s24+$0x1A0];
	[tilespmem:s23+$0x4260] =	vst v58  }
0xa6: {  	v5 =	vld [tilespmem:s24+$0x220];
	v63 =	vsub.f32 v3, v4;
	v21 =	vadd.f32 v61, v60;
	[tilespmem:s24+$0x42F0] =	vst v18  }
0xa7: {  	v62 =	vld [tilespmem:s24+$0x2A0];
	v23 =	vsub.f32 v3, v6;
	[tilespmem:s23+$0x42E0] =	vst v59  }
0xa8: {  	v27 =	vadd.f32 v13, v12;
	v24 =	vsub.f32 v21, v19;
	[tilespmem:s24+$0x4170] =	vst v63  }
0xa9: {  	v26 =	vsub.f32 v21, v54;
	v29 =	vadd.f32 v56, v14;
	v22 =	vld [tilespmem:s24+$0x130];
	[tilespmem:s24+$0x41F0] =	vst v23  }
0xaa: {  	v2 =	vsub.f32 v3, v2;
	v10 =	vsub.f32 v21, v10;
	v25 =	vld [tilespmem:s24+$0x1B0];
	[tilespmem:s24+$0x4100] =	vst v24  }
0xab: {  	v8 =	vsub.f32 v21, v11;
	v28 =	vld [tilespmem:s24+$0x230];
	[tilespmem:s24+$0x4180] =	vst v26;
	v4 =	vadd.f32 v29, v27  }
0xac: {  	v30 =	vld [tilespmem:s24+$0x2B0];
	[tilespmem:s24+$0x4200] =	vst v10;
	v35 =	vadd.f32 v9, v7;
	v37 =	vadd.f32 v62, v5  }
0xad: {  	v31 =	vld [tilespmem:s24+$0x140];
	[tilespmem:s24+$0x4280] =	vst v8;
	v32 =	vsub.f32 v4, v12  }
0xae: {  	v33 =	vld [tilespmem:s24+$0x1C0];
	[tilespmem:s24+$0x4270] =	vst v2;
	v34 =	vsub.f32 v4, v13;
	v11 =	vadd.f32 v37, v35  }
0xaf: {  	v36 =	vld [tilespmem:s24+$0x240];
	v14 =	vsub.f32 v4, v14;
	[tilespmem:s24+$0x4110] =	vst v32  }
0xb0: {  	v38 =	vld [tilespmem:s24+$0x2C0];
	v4 =	vsub.f32 v4, v56;
	[tilespmem:s24+$0x4190] =	vst v34;
	v7 =	vsub.f32 v11, v7  }
0xb1: {  	v39 =	vld [tilespmem:s24+$0x150];
	[tilespmem:s24+$0x4210] =	vst v14;
	v41 =	vadd.f32 v25, v22;
	v43 =	vadd.f32 v30, v28  }
0xb2: {  	v40 =	vld [tilespmem:s24+$0x1D0];
	[tilespmem:s24+$0x4290] =	vst v4;
	v9 =	vsub.f32 v11, v9  }
0xb3: {  	v42 =	vld [tilespmem:s24+$0x250];
	v5 =	vsub.f32 v11, v5;
	[tilespmem:s24+$0x4120] =	vst v7;
	v7 =	vadd.f32 v43, v41  }
0xb4: {  	v44 =	vld [tilespmem:s24+$0x2D0];
	v11 =	vsub.f32 v11, v62;
	v46 =	vadd.f32 v33, v31;
	[tilespmem:s24+$0x41A0] =	vst v9  }
0xb5: {  	v45 =	vld [tilespmem:s24+$0x160];
	v48 =	vadd.f32 v38, v36;
	[tilespmem:s24+$0x4220] =	vst v5;
	v16 =	vsub.f32 v7, v22  }
0xb6: {  	v47 =	vld [tilespmem:s24+$0x1E0];
	[tilespmem:s24+$0x42A0] =	vst v11;
	v18 =	vsub.f32 v7, v25  }
0xb7: {  	v49 =	vld [tilespmem:s24+$0x260];
	v11 =	vadd.f32 v48, v46;
	v15 =	vsub.f32 v7, v28;
	[tilespmem:s24+$0x4130] =	vst v16  }
0xb8: {  	v51 =	vld [tilespmem:s24+$0x2E0];
	v50 =	vadd.f32 v40, v39;
	v6 =	vsub.f32 v7, v30;
	[tilespmem:s24+$0x41B0] =	vst v18  }
0xb9: {  	v52 =	vadd.f32 v44, v42;
	v10 =	vsub.f32 v11, v31;
	[tilespmem:s24+$0x4230] =	vst v15  }
0xba: {  	v53 =	vsub.f32 v11, v33;
	[tilespmem:s24+$0x42B0] =	vst v6  }
0xbb: {  	v55 =	vadd.f32 v52, v50;
	v54 =	vsub.f32 v11, v36;
	[tilespmem:s24+$0x4140] =	vst v10  }
0xbc: {  	v57 =	vadd.f32 v47, v45;
	v56 =	vsub.f32 v11, v38;
	[tilespmem:s24+$0x41C0] =	vst v53  }
0xbd: {  	v59 =	vadd.f32 v51, v49;
	v58 =	vsub.f32 v55, v39;
	[tilespmem:s24+$0x4240] =	vst v54  }
0xbe: {  	v4 =	vsub.f32 v55, v40;
	[tilespmem:s24+$0x42C0] =	vst v56  }
0xbf: {  	v62 =	vadd.f32 v59, v57;
	v60 =	vsub.f32 v55, v42;
	[tilespmem:s24+$0x4150] =	vst v58  }
0xc0: {  	v61 =	vsub.f32 v55, v44;
	[tilespmem:s24+$0x41D0] =	vst v4  }
0xc1: {  	v3 =	vsub.f32 v62, v45;
	[tilespmem:s24+$0x4250] =	vst v60  }
0xc2: {  	v63 =	vsub.f32 v62, v47;
	[tilespmem:s24+$0x42D0] =	vst v61  }
0xc3: {  	v2 =	vsub.f32 v62, v49;
	[tilespmem:s24+$0x4160] =	vst v3  }
0xc4: {  	s22 =	sadd.s32 $0x1, s22;
	v3 =	vsub.f32 v62, v51;
	[tilespmem:s24+$0x41E0] =	vst v63  }
0xc5: {  	p1 =	sne.s32 s22, $0x36;
	[tilespmem:s24+$0x4260] =	vst v2  }
.Ltmp2:
0xc6: {  	[tilespmem:s24+$0x42E0] =	vst v3;
	(pc) =	sbr.rel @p1 .LBB2_4-.Ltmp2, $4  }
0xc7: {  	[spmem:s1] =	stream.indirect.scatter.add.f32 [tilespmem:s15], [sflag:$0x2], $0x80, s17, s17, $0xb8;
	[tilespmem:$0x1BD00] =	vst v63  }
0xc8: {  	_ =	swait.ge [sflag:s16], $0x4000  }
0xc9: {  	[sflag:s16] =	ssyncset.done $0x0  }
0xca: {  	[sflag:s16] =	ssyncadd.s32 $0xFFFFC000  }
0xcb: {  	[bflag:$0x0] =	sbarrier.arrive $0xFFFF;
	s21 =	simm.s32 @p0 $0x1FC2  }
0xcc: {  	[hbm:s10], [sflag:s21] =	dma.local @p0 [spmem:s20], $0x2080  }
0xcd: {  	s21 =	simm.s32 @p0 $0x2  }
0xce: {  	s3 =	sadd.s32 $0x1, s3;
	_ =	swait.ge @p0 [sflag:s21], $0x2080  }
0xcf: {  	s22 =	sshll.u32 @!p0 s2, $0x6;
	p1 =	sne.s32 s3, s11;
	[sflag:s21] =	ssyncset.done @p0 $0x0  }
0xd0: {  	[sflag:s21] =	ssyncadd.s32 @p0 $0xFFFFDF80;
	s21 =	sor.u32 @!p0 $0x1C02, s22;
	s22 =	sshrl.u32 @!p0 s6, $0x3  }
0xd1: {  	[hbm:s9], [sflag:s21] =	dma.local @!p0 [spmem:s22], $0x2780  }
.Ltmp3:
0xd2: {  	_ = 	snop;
	(pc) =	sbr.rel @p1 .LBB2_1-.Ltmp3, $4  }
0xd3: {  	s21 =	simm.s32 @!p0 $0x2  }
0xd4: {  	_ =	swait.ge @!p0 [sflag:s21], $0x2780  }
0xd5: {  	[sflag:s21] =	ssyncset.done @!p0 $0x0  }
0xd6: {  	[sflag:s21] =	ssyncadd.s32 @!p0 $0xFFFFD880  }
0xd7: {  	_ =	sfence.sel $0x180000  }
0xd8: {  	[bflag:$0x0] =	sbarrier.arrive $0xFFFF  }
0xd9: {  	p0 =	sne.s32 s2, $0x0;
	_ =	strace $0x9000004D  }
0xda: {  	s0 =	sadd.s32 @!p0 $0x100000, s0;
	[bflag:$0x2] =	sbarrier.arrive $0xFFFF  }
0xdb: {  	[sflag:s0] =	ssyncadd.tile.s32 @!p0 $0x1;
	_ =	shalt  }
.Lfunc_end2:
_tile_overlayer_lowered:
.L_overlay_start_2:
0xdc: {  	(tag) =	ssettag $0x2  }
0xdd: {  	s0 =	rddreg [dreg:$0x0];
	s2 =	stileid.u32  }
0xde: {  	s1 =	rddreg [dreg:$0x1];
	p0 =	sne.s32 s2, $0x0  }
0xdf: {  	s3 =	rddreg [dreg:$0x2];
	[bflag:$0x3] =	sbarrier.arrive $0xFFFF;
	s2 =	simm.s32 @!p0 $0x1C02  }
0xe0: {  	[timem:s3], [sflag:s2] =	dma.local @!p0 [hbm:s0], s1  }
0xe1: {  	s0 =	simm.s32 @!p0 $0x2  }
0xe2: {  	_ =	swait.ge @!p0 [sflag:s0], s1  }
0xe3: {  	s1 =	ssub.s32 @!p0 $0x0, s1;
	[sflag:s0] =	ssyncset.done @!p0 $0x0  }
0xe4: {  	[sflag:s0] =	ssyncadd.s32 @!p0 s1  }
0xe5: {  	[bflag:$0x3] =	sbarrier.arrive $0xFFFF  }
0xe6: {  	_ =	shalt  }

// kernel: kernel.21.cloned.1.call-start
scs
__scs_entry_jumppad:
0x0: {  	(pc) =	sbr.rel $0x88, $3  }
0x1: {  	(tag) =	ssettag $0x0;
	lr =	simm.s32 $0x1  }
0x2: {  	[smem:$0x3F8D] =	sst lr;
	_ =	strace $0xD0000000  }
0x3: {  	_ = 	snop  }
0x4: {  	_ = 	snop  }
0x5: {  	_ = 	snop  }
0x6: {  	_ = 	snop  }
0x7: {  	_ = 	snop  }
__scs_overlays_trampoline_lowered:
0x8: {  	[smem:$0x3F9C] =	sst s0  }
0x9: {  	[smem:$0x3F9D] =	sst s1  }
0xa: {  	[smem:$0x3F9E] =	sst s2  }
0xb: {  	[smem:$0x3F9F] =	sst s3  }
0xc: {  	[smem:$0x3FA0] =	sst s4  }
0xd: {  	[smem:$0x3FA1] =	sst s5  }
0xe: {  	[smem:$0x3FA2] =	sst s6  }
0xf: {  	[smem:$0x3FA3] =	sst s7  }
0x10: {  	[smem:$0x3FA4] =	sst s8  }
0x11: {  	[smem:$0x3FA5] =	sst s9;
	s0 =	simm.s32 @!p0 $0x0  }
0x12: {  	s1 =	sld [smem:$0x3F8B];
	s0 =	simm.s32 @p0 $0x1  }
0x13: {  	[smem:$0x3FA6] =	sst s0;
	s0 =	simm.s32 @!p1 $0x0  }
0x14: {  	s2 =	sld [smem:$0x3F8A];
	s0 =	simm.s32 @p1 $0x1  }
0x15: {  	[smem:$0x3FA7] =	sst s0;
	s0 =	simm.s32 @!p2 $0x0  }
0x16: {  	s3 =	sld [smem:$0x3FDB];
	s0 =	simm.s32 @p2 $0x1  }
0x17: {  	s4 =	simm.s32 $0x1BF5;
	[smem:$0x3FA9] =	sst s0  }
0x18: {  	s0 =	sld [smem:$0x3F8C];
	_ =	swait.ge [sflag:s4], $0x0  }
0x19: {  	s7 =	sld [smem:$0x3F8D]  }
0x1a: {  	s8 =	sadd.s32 $0xFFFFE003, lr  }
0x1b: {  	s9 =	sadd.s32 $0xFFFFFEF7, lr;
	s5 =	simm.s32 $0xFFFFFFFF;
	p2 =	slt.u32 s8, $0xFFFFF086  }
0x1c: {  	p1 =	slt.u32 s9, $0xF7A;
	s5 =	simm.s32 @!p2 $0x0  }
0x1d: {  	s5 =	simm.s32 @p1 $0x1;
	p0 =	seq.s32 s7, s2  }
0x1e: {  	s7 =	smul.u32 @!p0 $0xF7A, s2;
	p2 =	seq.s32 @!p0 s5, $0x0  }
0x1f: {  	s9 =	smul.u32 $0xF7A, s1;
	s8 =	simm.s32 @!p0 $0x1BF5;
	p2 =	por !p2, p0  }
0x20: {  	[sflag:s8] =	ssyncset.s32 @!p0 $0xFFFFF086;
	s6 =	sadd.s32 @!p0 s3, s7;
	s7 =	simm.s32 @!p0 $0x108  }
0x21: {  	s3 =	sadd.s32 s3, s9;
	s6 =	sadd.s32 @!p0 $0x88, s6;
	s7 =	simm.s32 @p2 $0x1082  }
0x22: {  	[simem:s7], [sflag:s8] =	dma.local @!p0 [hbm:s6], $0xF7A  }
0x23: {  	s9 =	sor.u32 $0xD0000000, s2;
	s6 =	simm.s32 $0x108;
	_ =	swait.ge @!p0 [sflag:s8], $0x0  }
0x24: {  	s3 =	sadd.s32 $0x88, s3;
	s6 =	simm.s32 @!p1 $0x1082;
	[sflag:s4] =	ssyncset.s32 $0xFFFFF086  }
0x25: {  	[simem:s6], [sflag:s4] =	dma.local [hbm:s3], $0xF7A  }
0x26: {  	[smem:$0x3F8D] =	sst s1;
	(tag) =	ssettag s2;
	_ =	strace s9  }
0x27: {  	s1 =	sld [smem:$0x3F9D]  }
0x28: {  	s2 =	sld [smem:$0x3F9E]  }
0x29: {  	s4 =	sld [smem:$0x3FA0]  }
0x2a: {  	p0 =	seq.s32 s5, $0x0;
	s5 =	sld [smem:$0x3FA1]  }
0x2b: {  	s6 =	sld [smem:$0x3FA2]  }
0x2c: {  	s7 =	sld [smem:$0x3FA3]  }
0x2d: {  	s3 =	simm.s32 $0x108;
	s8 =	sld [smem:$0x3FA4]  }
0x2e: {  	s3 =	simm.s32 @!p0 $0x1082;
	s9 =	sld [smem:$0x3FA5]  }
0x2f: {  	lr =	sadd.s32 s0, s3;
	s0 =	sld [smem:$0x3F9C]  }
0x30: {  	s3 =	sld [smem:$0x3F9F]  }
0x31: {  	[smem:$0x3FA8] =	sst s10  }
0x32: {  	s10 =	sld [smem:$0x3FA6];
	_ =	sdelay $0x3  }
0x33: {  	p0 =	seq.s32 s10, $0x1;
	s10 =	sld [smem:$0x3FA8];
	_ =	sdelay $0x3  }
0x34: {  	[smem:$0x3FA8] =	sst s10  }
0x35: {  	s10 =	sld [smem:$0x3FA7];
	_ =	sdelay $0x3  }
0x36: {  	p1 =	seq.s32 s10, $0x1;
	s10 =	sld [smem:$0x3FA8];
	_ =	sdelay $0x3  }
0x37: {  	[smem:$0x3FA8] =	sst s10  }
0x38: {  	s10 =	sld [smem:$0x3FA9]  }
0x39: {  	_ = 	snop;
	(pc) =	sbr.ind lr, $3  }
0x3a: {  	_ = 	snop  }
0x3b: {  	_ = 	snop  }
0x3c: {  	p2 =	seq.s32 s10, $0x1;
	s10 =	sld [smem:$0x3FA8]  }
0x3d: {  	_ =	shalt  }
0x3e: {  	_ =	shalt  }
0x3f: {  	_ =	shalt  }
0x40: {  	_ =	shalt  }
0x41: {  	_ =	shalt  }
0x42: {  	_ =	shalt  }
0x43: {  	_ =	shalt  }
0x44: {  	_ =	shalt  }
0x45: {  	_ =	shalt  }
0x46: {  	_ =	shalt  }
0x47: {  	_ =	shalt  }
0x48: {  	_ =	shalt  }
0x49: {  	_ =	shalt  }
0x4a: {  	_ =	shalt  }
0x4b: {  	_ =	shalt  }
0x4c: {  	_ =	shalt  }
0x4d: {  	_ =	shalt  }
0x4e: {  	_ =	shalt  }
0x4f: {  	_ =	shalt  }
0x50: {  	_ =	shalt  }
0x51: {  	_ =	shalt  }
0x52: {  	_ =	shalt  }
0x53: {  	_ =	shalt  }
0x54: {  	_ =	shalt  }
0x55: {  	_ =	shalt  }
0x56: {  	_ =	shalt  }
0x57: {  	_ =	shalt  }
0x58: {  	_ =	shalt  }
0x59: {  	_ =	shalt  }
0x5a: {  	_ =	shalt  }
0x5b: {  	_ =	shalt  }
0x5c: {  	_ =	shalt  }
0x5d: {  	_ =	shalt  }
0x5e: {  	_ =	shalt  }
0x5f: {  	_ =	shalt  }
0x60: {  	_ =	shalt  }
0x61: {  	_ =	shalt  }
0x62: {  	_ =	shalt  }
0x63: {  	_ =	shalt  }
0x64: {  	_ =	shalt  }
0x65: {  	_ =	shalt  }
0x66: {  	_ =	shalt  }
0x67: {  	_ =	shalt  }
0x68: {  	_ =	shalt  }
0x69: {  	_ =	shalt  }
0x6a: {  	_ =	shalt  }
0x6b: {  	_ =	shalt  }
0x6c: {  	_ =	shalt  }
0x6d: {  	_ =	shalt  }
0x6e: {  	_ =	shalt  }
0x6f: {  	_ =	shalt  }
0x70: {  	_ =	shalt  }
0x71: {  	_ =	shalt  }
0x72: {  	_ =	shalt  }
0x73: {  	_ =	shalt  }
0x74: {  	_ =	shalt  }
0x75: {  	_ =	shalt  }
0x76: {  	_ =	shalt  }
0x77: {  	_ =	shalt  }
0x78: {  	_ =	shalt  }
0x79: {  	_ =	shalt  }
0x7a: {  	_ =	shalt  }
0x7b: {  	_ =	shalt  }
0x7c: {  	_ =	shalt  }
0x7d: {  	_ =	shalt  }
0x7e: {  	_ =	shalt  }
0x7f: {  	_ =	shalt  }
0x80: {  	_ =	shalt  }
0x81: {  	_ =	shalt  }
0x82: {  	_ =	shalt  }
0x83: {  	_ =	shalt  }
0x84: {  	_ =	shalt  }
0x85: {  	_ =	shalt  }
0x86: {  	_ =	shalt  }
0x87: {  	_ =	shalt  }
.Lfunc_end0:
.L_simem_size_0:
called_computation.3_lowered:
.L_overlay_start_0:
0x88: {  	s2 =	sld [smem:$0x3FD9]  }
0x89: {  	s3 =	sld [smem:$0x3FFE];
	_ =	sdelay $0x1  }
0x8a: {  	s1 =	srdreg.scid  }
0x8b: {  	s0 =	sand.u32 $0x1, s1  }
0x8c: {  	s16 =	sshll.u32 s0, $0xA;
	s2 =	sadd.s32 s3, s2  }
0x8d: {  	s2 =	sadd.s32 s2, s16  }
0x8e: {  	[smem:$0x3FB4] =	sst s2  }
0x8f: {  	_ = 	snop  }
0x90: {  	(tm) =	ssettm $0x1  }
0x91: {  	s17 =	sld [smem:$0x3FFB];
	_ =	sdelay $0x3  }
0x92: {  	_ =	strace s17  }
0x93: {  	s2 =	sld [smem:$0x3FFC];
	_ =	sdelay $0x3  }
0x94: {  	_ =	strace s2  }
0x95: {  	s2 =	sld [smem:$0x3FFD];
	_ =	sdelay $0x3  }
0x96: {  	_ =	strace s2  }
0x97: {  	_ =	strace $0x8FFFFFFF  }
0x98: {  	s18 =	sld [smem:$0x3FDB];
	_ =	sdelay $0x1  }
0x99: {  	s19 =	simm.s32 $_scs_section_size  }
0x9a: {  	s4 =	simm.s32 $_size__tile_overlayer_lowered;
	s5 =	simm.s32 $_tile_overlayer_lowered  }
0x9b: {  	s22 =	simm.s32 $0x1BFF;
	s21 =	sshll.u32 s5, $0x1;
	s2 =	sadd.s32 s19, s18  }
0x9c: {  	s6 =	simm.s32 $0x0;
	s20 =	sshll.u32 s4, $0x1;
	s4 =	sadd.s32 s21, s2  }
0x9d: {  	[timem:s6], [sflag:s22] =	dma.local [hbm:s4], s20  }
0x9e: {  	_ =	swait.ge [sflag:s22], s20  }
0x9f: {  	s3 =	ssub.s32 $0x0, s20;
	[sflag:s22] =	ssyncset.done $0x0  }
0xa0: {  	[sflag:s22] =	ssyncadd.s32 s3;
	_ =	sdelay $0x1  }
0xa1: {  	s23 =	simm.s32 $0x1B8B  }
0xa2: {  	_ =	swait.ge [sflag:s23], $0x1  }
0xa3: {  	[sflag:s23] =	ssyncset.done $0x0  }
0xa4: {  	s25 =	simm.s32 $0x1B8E;
	s24 =	sld [smem:$0x3FFE];
	[sflag:s23] =	ssyncadd.s32 $0xFFFFFFFF  }
0xa5: {  	s26 =	simm.s32 $execute0_lowered;
	[smem:$0x3FD2] =	sst s25  }
0xa6: {  	s4 =	sshll.u32 s26, $0x1;
	_ =	strace $0x8000004F;
	[dreg:$0x1] =	wrdreg $0xFFFFFFFF  }
0xa7: {  	s28 =	simm.s32 $_size_execute0_lowered;
	s2 =	sadd.s32 s2, s4;
	[dreg:$0x0] =	wrdreg $0x0  }
0xa8: {  	s4 =	sshll.u32 s28, $0x1;
	[dreg:$0x2] =	wrdreg s2  }
0xa9: {  	[dreg:$0x3] =	wrdreg s4  }
0xaa: {  	[dreg:$0x4] =	wrdreg $0xC0  }
0xab: {  	_ =	task [dreg:s6], $0x5FFFF  }
0xac: {  	[dreg:$0x1] =	wrdreg $0xFFFFFFFF  }
0xad: {  	[dreg:$0x0] =	wrdreg $0x60  }
0xae: {  	[dreg:$0x2] =	wrdreg s24  }
0xaf: {  	[dreg:$0x3] =	wrdreg $0x81000  }
0xb0: {  	[dreg:$0x4] =	wrdreg $0x9  }
0xb1: {  	_ =	task.clear_ibuf [dreg:s6], $0x5FFFF;
	_ =	strace $0x9000004F  }
0xb2: {  	s29 =	simm.s32 $0x9;
	_ =	strace $0x80000051  }
0xb3: {  	_ =	swait.ge [sflag:s29], $0x1  }
0xb4: {  	[sflag:s29] =	ssyncadd.s32 $0xFFFFFFFF  }
0xb5: {  	_ =	strace $0x90000051  }
0xb6: {  	_ =	sfence  }
0xb7: {  	s30 =	sld [smem:$0x0];
	_ =	sdelay $0x2  }
0xb8: {  	s31 =	sshll.u32 s1, $0xD;
	s1 =	sshrl.u32 s1, $0x2  }
0xb9: {  	s3 =	sand.u32 $0x4000, s31;
	s1 =	sadd.s32 s1, s30  }
0xba: {  	s0 =	sor.u32 s3, s0;
	s1 =	sshll.u32 s1, $0x11  }
0xbb: {  	s0 =	sor.u32 s1, s0  }
0xbc: {  	s0 =	sadd.s32 $0x8F2B, s0  }
0xbd: {  	[sflag:s0] =	ssyncadd.remote.s32 $0x1  }
0xbe: {  	_ =	sfence.sel $0xFFFF  }
0xbf: {  	[dreg:$0x0] =	wrdreg $0xFFFFFFFF;
	(pc) =	sbr.abs _section_cstart, $3  }
0xc0: {  	[dreg:$0x1] =	wrdreg $0xFFFFFFFF  }
0xc1: {  	_ =	task.clear_ibuf [dreg:s6], $0x2FFFF;
	_ =	strace $0x9FFFFFFF  }
0xc2: {  	(tm) =	ssettm $0x7FFFFFFF  }
0xc3: {  	_ =	shalt  }
tec
execute0_lowered:
.L_overlay_start_1:
0x0: {  	(tag) =	ssettag $0x1  }
0x1: {  	s7 =	rddreg [dreg:$0x0]  }
0x2: {  	s2 =	rddreg [dreg:$0x1]  }
0x3: {  	s0 =	rddreg [dreg:$0x2]  }
0x4: {  	s3 =	simm.s32 $0x0;
	s1 =	stileid.u32;
	s6 =	srdreg.scid  }
0x5: {  	s15 =	simm.s32 $0x4100;
	s16 =	simm.s32 $0x2;
	s17 =	simm.s32 $0x80  }
0x6: {  	s18 =	simm.s32 $0x100;
	s19 =	simm.s32 $0x1;
	[smem:$0x7FF] =	sst s3  }
0x7: {  	s8 =	smul.u32 $0x4F000, s1;
	s4 =	sadd.s32 $0x6200, s7;
	s5 =	sadd.s32 $0x9800, s7  }
0x8: {  	s9 =	sand.u32 $0x1, s6;
	s12 =	smul.u32 $0x13C00, s1;
	s20 =	sadd.s32 $0x128400, s2  }
0x9: {  	s13 =	sadd.s32 $0xA6A00, s7;
	p0 =	seq.s32 s1, $0xF;
	_ =	strace $0x80000050  }
0xa: {  	s10 =	ssub.s32 $0x2, s9;
	s29 =	smul.u32 $0x138800, s9;
	s9 =	sshll.u32 s9, $0x4  }
0xb: {  	s20 =	sshrl.u32 @p0 s20, $0x3;
	s28 =	sshrl.u32 s8, $0x2;
	s11 =	sshrl.u32 s10, $0x1  }
0xc: {  	s9 =	sor.u32 s1, s9;
	s6 =	sadd.s32 s28, s2;
	s11 =	ssub.s32 s10, s11  }
0xd: {  	s30 =	sadd.s32 s12, s29;
	s8 =	sshrl.u32 s29, $0x3;
	s7 =	sadd.s32 $0x10000, s6  }
0xe: {  	s10 =	sshrl.u32 s30, $0x3;
	s31 =	sadd.s32 s13, s8;
	s8 =	smul.u32 $0x1B, s9  }
0xf: {  	s11 =	smax.u32 s11, $0x1;
	s12 =	sadd.s32 $0x4000, s6;
	s14 =	sadd.s32 $0xC000, s6  }
0x10: {  	v0 =	vimm.f32 $0.0e+00;
	s9 =	sadd.s32 s13, s10;
	s10 =	sadd.s32 $0x25080, s31;
	s13 =	sadd.s32 $0x8000, s6  }
.LBB2_1:
0x11: {  	s21 =	simm.s32 $0x0;
	s22 =	simm.s32 $0x200  }
.LBB2_2:
0x12: {  	p1 =	sne.s32 s22, $0xFE00;
	[tilespmem:s21+$0x4170] =	vst v0  }
0x13: {  	[tilespmem:s21+$0x4100] =	vst v0  }
0x14: {  	[tilespmem:s21+$0x4110] =	vst v0  }
.Ltmp0:
0x15: {  	[tilespmem:s21+$0x4120] =	vst v0;
	(pc) =	sbr.rel @p1 .LBB2_2-.Ltmp0, $4  }
0x16: {  	[tilespmem:s21+$0x4130] =	vst v0  }
0x17: {  	[tilespmem:s21+$0x4140] =	vst v0  }
0x18: {  	[tilespmem:s21+$0x4150] =	vst v0  }
0x19: {  	[tilespmem:s21+$0x4160] =	vst v0;
	s21 =	sshra.s32 s22, $0x2;
	s22 =	sadd.s32 $0x200, s22  }
0x1a: {  	[tilespmem:s21+$0x4170] =	vst v0  }
0x1b: {  	[tilespmem:s21+$0x4100] =	vst v0  }
0x1c: {  	[tilespmem:s21+$0x4110] =	vst v0  }
0x1d: {  	[tilespmem:s21+$0x4120] =	vst v0  }
0x1e: {  	[tilespmem:s21+$0x4130] =	vst v0  }
0x1f: {  	[tilespmem:s21+$0x4140] =	vst v0  }
0x20: {  	[tilespmem:s21+$0x4150] =	vst v0  }
0x21: {  	[tilespmem:s21+$0x4160] =	vst v0  }
0x22: {  	[spmem:s6] =	stream.linear.scatter [tilespmem:s15], [sflag:$0x2], $0x4000, $0x38;
	[tilespmem:$0x1BD00] =	vst v63  }
0x23: {  	_ =	swait.ge [sflag:s16], $0x4000  }
0x24: {  	[sflag:s16] =	ssyncset.done $0x0  }
0x25: {  	[sflag:s16] =	ssyncadd.s32 $0xFFFFC000  }
0x26: {  	[spmem:s12] =	stream.linear.scatter [tilespmem:s15], [sflag:$0x2], $0x4000, $0x38;
	[tilespmem:$0x1BD00] =	vst v63  }
0x27: {  	_ =	swait.ge [sflag:s16], $0x4000  }
0x28: {  	[sflag:s16] =	ssyncset.done $0x0  }
0x29: {  	[sflag:s16] =	ssyncadd.s32 $0xFFFFC000  }
0x2a: {  	[spmem:s13] =	stream.linear.scatter [tilespmem:s15], [sflag:$0x2], $0x4000, $0x38;
	[tilespmem:$0x1BD00] =	vst v63  }
0x2b: {  	_ =	swait.ge [sflag:s16], $0x4000  }
0x2c: {  	[sflag:s16] =	ssyncset.done $0x0  }
0x2d: {  	[sflag:s16] =	ssyncadd.s32 $0xFFFFC000  }
0x2e: {  	[spmem:s14] =	stream.linear.scatter [tilespmem:s15], [sflag:$0x2], $0x4000, $0x38;
	[tilespmem:$0x1BD00] =	vst v63  }
0x2f: {  	_ =	swait.ge [sflag:s16], $0x4000  }
0x30: {  	[sflag:s16] =	ssyncset.done $0x0  }
0x31: {  	[sflag:s16] =	ssyncadd.s32 $0xFFFFC000  }
0x32: {  	[spmem:s7] =	stream.linear.scatter [tilespmem:s15], [sflag:$0x2], $0x3C00, $0x38;
	[tilespmem:$0x1BD00] =	vst v63  }
0x33: {  	_ =	swait.ge [sflag:s16], $0x3C00  }
0x34: {  	[sflag:s16] =	ssyncset.done $0x0  }
0x35: {  	[sflag:s16] =	ssyncadd.s32 $0xFFFFC400  }
0x36: {  	s21 =	simm.s32 $0x0;
	s22 =	simm.s32 $0x0;
	[bflag:$0x0] =	sbarrier.arrive $0xFFFF  }
.LBB2_4:
0x37: {  	s23 =	sadd.s32 s8, s22  }
0x38: {  	s23 =	sshll.u32 s23, $0x4  }
0x39: {  	s23 =	sadd.s32 s4, s23  }
0x3a: {  	[tilespmem:s17], [sflag:$0x2] =	stream.linear.gather [hbm4b:s23+s21], $0x80, $0x38;
	[tilespmem:$0x1BD00] =	vst v63  }
0x3b: {  	_ =	swait.ge [sflag:s16], $0x80  }
0x3c: {  	[sflag:s16] =	ssyncset.done $0x0  }
0x3d: {  	[sflag:s16] =	ssyncadd.s32 $0xFFFFFF80  }
0x3e: {  	v1 =	vld [tilespmem:$0x80]  }
0x3f: {  	v2 =	vld [tilespmem:$0x90]  }
0x40: {  	v3 =	vld [tilespmem:$0xA0]  }
0x41: {  	v4 =	vld [tilespmem:$0xB0]  }
0x42: {  	v5 =	vld [tilespmem:$0xC0]  }
0x43: {  	v6 =	vld [tilespmem:$0xD0];
	vm0 =	vlt.s32 v1, $0x2710  }
0x44: {  	v7 =	vld [tilespmem:$0xE0];
	vm9 =	vlt.s32 v2, $0x2710;
	v1 =	vnsel vm0, $0x0, v1  }
0x45: {  	vm10 =	vlt.s32 v3, $0x2710;
	[tilespmem:$0x0] =	vst v1;
	v1 =	vnsel vm9, $0x0, v2;
	v2 =	vld [tilespmem:$0xF0]  }
0x46: {  	vm11 =	vlt.s32 v4, $0x2710;
	[tilespmem:$0x10] =	vst v1;
	v1 =	vnsel vm10, $0x0, v3  }
0x47: {  	vm12 =	vlt.s32 v5, $0x2710;
	[tilespmem:$0x20] =	vst v1;
	v1 =	vnsel vm11, $0x0, v4  }
0x48: {  	vm13 =	vlt.s32 v6, $0x2710;
	[tilespmem:$0x30] =	vst v1;
	v1 =	vnsel vm12, $0x0, v5  }
0x49: {  	vm14 =	vlt.s32 v7, $0x2710;
	[tilespmem:$0x40] =	vst v1;
	v1 =	vnsel vm13, $0x0, v6  }
0x4a: {  	[tilespmem:$0x50] =	vst v1;
	v1 =	vnsel vm14, $0x0, v7;
	vm15 =	vlt.s32 v2, $0x2710  }
0x4b: {  	[tilespmem:$0x60] =	vst v1;
	v1 =	vnsel vm15, $0x0, v2  }
0x4c: {  	[tilespmem:$0x70] =	vst v1  }
0x4d: {  	[tilespmem:s18], [sflag:$0x1] =	stream.indirect.gather [hbm4b:s5+s17], $0x80, s21, s17, $0xb8;
	[tilespmem:$0x1BD00] =	vst v63  }
0x4e: {  	_ =	swait.ge [sflag:s19], $0x4000  }
0x4f: {  	[sflag:s19] =	ssyncset.done $0x0  }
0x50: {  	s23 =	simm.s32 $0x0;
	[sflag:s19] =	ssyncadd.s32 $0xFFFFC000  }
0x51: {  	v1 =	vld [tilespmem:s23+$0x170]  }
0x52: {  	v2 =	vld [tilespmem:s23+$0x1F0]  }
0x53: {  	v5 =	vld [tilespmem:s23+$0x270]  }
0x54: {  	v3 =	vld [tilespmem:s23+$0x2F0]  }
0x55: {  	v4 =	vld [tilespmem:s23+$0x100]  }
0x56: {  	v6 =	vld [tilespmem:s23+$0x180]  }
0x57: {  	v7 =	vld [tilespmem:s23+$0x200]  }
0x58: {  	v8 =	vld [tilespmem:s23+$0x280];
	_ =	sdelay $0x1  }
0x59: {  	v10 =	vadd.f32 v2, v1;
	v11 =	vadd.f32 v3, v5  }
0x5a: {  	v9 =	vld [tilespmem:s23+$0x110]  }
0x5b: {  	v12 =	vld [tilespmem:s23+$0x190];
	v15 =	vadd.f32 v11, v10  }
0x5c: {  	v13 =	vld [tilespmem:s23+$0x210];
	v17 =	vadd.f32 v6, v4;
	v18 =	vadd.f32 v8, v7  }
0x5d: {  	v10 =	vld [tilespmem:s23+$0x290];
	v3 =	vsub.f32 v15, v3  }
0x5e: {  	v17 =	vadd.f32 v18, v17;
	v1 =	vsub.f32 v15, v1  }
0x5f: {  	v2 =	vsub.f32 v15, v2;
	[tilespmem:s23+$0x42F0] =	vst v3  }
0x60: {  	v14 =	vld [tilespmem:s23+$0x1A0];
	[tilespmem:s23+$0x4170] =	vst v1;
	v1 =	vsub.f32 v17, v4  }
0x61: {  	v16 =	vld [tilespmem:s23+$0x220];
	[tilespmem:s23+$0x41F0] =	vst v2;
	v2 =	vsub.f32 v17, v6  }
0x62: {  	v3 =	vld [tilespmem:s23+$0x2A0];
	v6 =	vadd.f32 v10, v13;
	[tilespmem:s23+$0x4100] =	vst v1;
	v1 =	vadd.f32 v12, v9  }
0x63: {  	v11 =	vld [tilespmem:s23+$0x120];
	v7 =	vsub.f32 v17, v7  }
0x64: {  	v1 =	vadd.f32 v6, v1  }
0x65: {  	v19 =	vld [tilespmem:s23+$0x230];
	[tilespmem:s23+$0x4200] =	vst v7;
	v6 =	vsub.f32 v17, v8  }
0x66: {  	v20 =	vld [tilespmem:s23+$0x1C0];
	[tilespmem:s23+$0x4180] =	vst v2;
	v7 =	vsub.f32 v1, v9  }
0x67: {  	v18 =	vld [tilespmem:s23+$0x130];
	v8 =	vadd.f32 v3, v16;
	[tilespmem:s23+$0x4280] =	vst v6  }
0x68: {  	v2 =	vld [tilespmem:s23+$0x2B0];
	v6 =	vsub.f32 v1, v12;
	[tilespmem:s23+$0x4110] =	vst v7;
	v7 =	vadd.f32 v14, v11  }
0x69: {  	v4 =	vld [tilespmem:s23+$0x1B0]  }
0x6a: {  	v21 =	vld [tilespmem:s23+$0x240];
	[tilespmem:s23+$0x4190] =	vst v6;
	v6 =	vadd.f32 v8, v7  }
0x6b: {  	v17 =	vld [tilespmem:s23+$0x140];
	v12 =	vsub.f32 v1, v13;
	v1 =	vsub.f32 v1, v10  }
0x6c: {  	v9 =	vld [tilespmem:s23+$0x2C0];
	v7 =	vsub.f32 v6, v11  }
0x6d: {  	[tilespmem:s23+$0x4290] =	vst v1;
	v8 =	vadd.f32 v2, v19  }
0x6e: {  	v10 =	vld [tilespmem:s23+$0x150];
	v1 =	vsub.f32 v6, v14;
	[tilespmem:s23+$0x4120] =	vst v7;
	v7 =	vadd.f32 v4, v18  }
0x6f: {  	v13 =	vld [tilespmem:s23+$0x2D0];
	[tilespmem:s23+$0x4210] =	vst v12;
	v14 =	vsub.f32 v6, v16  }
0x70: {  	v11 =	vld [tilespmem:s23+$0x1D0];
	v3 =	vsub.f32 v6, v3;
	[tilespmem:s23+$0x41A0] =	vst v1;
	v1 =	vadd.f32 v8, v7  }
0x71: {  	v12 =	vld [tilespmem:s23+$0x250];
	v16 =	vadd.f32 v9, v21;
	[tilespmem:s23+$0x4220] =	vst v14;
	v14 =	vadd.f32 v20, v17  }
0x72: {  	v6 =	vld [tilespmem:s23+$0x160];
	v7 =	vsub.f32 v1, v18  }
0x73: {  	[tilespmem:s23+$0x42A0] =	vst v3;
	v8 =	vld [tilespmem:s23+$0x1E0];
	v14 =	vadd.f32 v16, v14;
	v3 =	vsub.f32 v1, v4  }
0x74: {  	v4 =	vld [tilespmem:s23+$0x260];
	v18 =	vsub.f32 v1, v19;
	v1 =	vsub.f32 v1, v2;
	[tilespmem:s23+$0x4130] =	vst v7  }
0x75: {  	s24 =	simm.s32 $0x200;
	v2 =	vsub.f32 v15, v5;
	v15 =	vadd.f32 v11, v10;
	[tilespmem:s23+$0x41B0] =	vst v3;
	v7 =	vld [tilespmem:s23+$0x2E0]  }
0x76: {  	v16 =	vsub.f32 v14, v17;
	v19 =	vadd.f32 v13, v12;
	v3 =	vld [tilespmem:s24+$0x170];
	[tilespmem:s23+$0x4230] =	vst v18  }
0x77: {  	v17 =	vsub.f32 v14, v21;
	v18 =	vsub.f32 v14, v20;
	v5 =	vld [tilespmem:s24+$0x1F0];
	[tilespmem:s23+$0x42B0] =	vst v1  }
0x78: {  	s25 =	simm.s32 $0x1000;
	v1 =	vld [tilespmem:s24+$0x270];
	[tilespmem:s23+$0x4140] =	vst v16;
	v16 =	vadd.f32 v19, v15;
	v15 =	vadd.f32 v8, v6  }
.LBB2_5:
0x79: {  	p1 =	sne.s32 s25, $0xF800;
	v19 =	vld [tilespmem:s24+$0x2F0];
	[tilespmem:s23+$0x41C0] =	vst v18;
	v9 =	vsub.f32 v14, v9  }
0x7a: {  	v14 =	vld [tilespmem:s24+$0x100];
	[tilespmem:s23+$0x4240] =	vst v17;
	v10 =	vsub.f32 v16, v10;
	v17 =	vadd.f32 v7, v4  }
0x7b: {  	v18 =	vld [tilespmem:s24+$0x180];
	[tilespmem:s23+$0x42C0] =	vst v9;
	v9 =	vsub.f32 v16, v11;
	v11 =	vsub.f32 v16, v12  }
0x7c: {  	v12 =	vld [tilespmem:s24+$0x200];
	[tilespmem:s23+$0x4150] =	vst v10;
	v10 =	vsub.f32 v16, v13;
	v13 =	vadd.f32 v17, v15  }
0x7d: {  	v15 =	vld [tilespmem:s24+$0x280];
	[tilespmem:s23+$0x41D0] =	vst v9  }
0x7e: {  	v16 =	vadd.f32 v5, v3;
	v9 =	vld [tilespmem:s24+$0x110];
	v17 =	vadd.f32 v19, v1;
	[tilespmem:s23+$0x4250] =	vst v11  }
0x7f: {  	v6 =	vsub.f32 v13, v6;
	v8 =	vsub.f32 v13, v8;
	v11 =	vld [tilespmem:s24+$0x190];
	[tilespmem:s23+$0x42D0] =	vst v10  }
0x80: {  	v10 =	vadd.f32 v18, v14;
	v20 =	vld [tilespmem:s24+$0x210];
	v16 =	vadd.f32 v17, v16;
	[tilespmem:s23+$0x4270] =	vst v2  }
0x81: {  	v2 =	vsub.f32 v13, v4;
	v4 =	vsub.f32 v13, v7;
	v17 =	vld [tilespmem:s24+$0x290];
	[tilespmem:s23+$0x4160] =	vst v6  }
0x82: {  	v6 =	vadd.f32 v15, v12;
	v7 =	vld [tilespmem:s24+$0x120];
	v13 =	vsub.f32 v16, v19;
	[tilespmem:s23+$0x41E0] =	vst v8  }
0x83: {  	v3 =	vsub.f32 v16, v3;
	v5 =	vsub.f32 v16, v5;
	v8 =	vld [tilespmem:s24+$0x1A0];
	[tilespmem:s23+$0x4260] =	vst v2  }
0x84: {  	v6 =	vadd.f32 v6, v10;
	v10 =	vadd.f32 v11, v9;
	v19 =	vld [tilespmem:s24+$0x220];
	[tilespmem:s24+$0x42F0] =	vst v13  }
0x85: {  	v2 =	vsub.f32 v16, v1;
	v13 =	vld [tilespmem:s24+$0x2A0];
	[tilespmem:s23+$0x42E0] =	vst v4;
	s23 =	smov.u32 s24  }
0x86: {  	v1 =	vsub.f32 v6, v14;
	v4 =	vadd.f32 v17, v20;
	v14 =	vld [tilespmem:s23+$0x130];
	[tilespmem:s23+$0x4170] =	vst v3  }
0x87: {  	v3 =	vsub.f32 v6, v18;
	v12 =	vsub.f32 v6, v12;
	v16 =	vld [tilespmem:s23+$0x1B0];
	[tilespmem:s23+$0x41F0] =	vst v5  }
0x88: {  	[tilespmem:s23+$0x4100] =	vst v1;
	v1 =	vadd.f32 v4, v10;
	v4 =	vadd.f32 v8, v7;
	v5 =	vld [tilespmem:s23+$0x230]  }
0x89: {  	[tilespmem:s23+$0x4180] =	vst v3;
	v3 =	vsub.f32 v6, v15;
	v15 =	vld [tilespmem:s23+$0x2B0]  }
0x8a: {  	[tilespmem:s23+$0x4200] =	vst v12;
	v6 =	vsub.f32 v1, v9;
	v9 =	vadd.f32 v13, v19;
	v18 =	vld [tilespmem:s23+$0x140]  }
0x8b: {  	v10 =	vsub.f32 v1, v20;
	[tilespmem:s23+$0x4280] =	vst v3;
	v3 =	vsub.f32 v1, v11;
	v20 =	vld [tilespmem:s23+$0x1C0]  }
0x8c: {  	[tilespmem:s23+$0x4110] =	vst v6;
	v4 =	vadd.f32 v9, v4;
	v6 =	vadd.f32 v16, v14;
	v21 =	vld [tilespmem:s23+$0x240]  }
0x8d: {  	v1 =	vsub.f32 v1, v17;
	[tilespmem:s23+$0x4190] =	vst v3;
	v9 =	vld [tilespmem:s23+$0x2C0]  }
0x8e: {  	[tilespmem:s23+$0x4210] =	vst v10;
	v3 =	vsub.f32 v4, v7;
	v7 =	vadd.f32 v15, v5;
	v10 =	vld [tilespmem:s23+$0x150]  }
0x8f: {  	[tilespmem:s23+$0x4290] =	vst v1;
	v1 =	vsub.f32 v4, v8;
	v8 =	vsub.f32 v4, v19;
	v11 =	vld [tilespmem:s23+$0x1D0]  }
0x90: {  	[tilespmem:s23+$0x4120] =	vst v3;
	v3 =	vadd.f32 v7, v6;
	v7 =	vadd.f32 v20, v18;
	v12 =	vld [tilespmem:s23+$0x250]  }
0x91: {  	[tilespmem:s23+$0x41A0] =	vst v1;
	v1 =	vsub.f32 v4, v13;
	v13 =	vld [tilespmem:s23+$0x2D0]  }
0x92: {  	[tilespmem:s23+$0x4220] =	vst v8;
	v4 =	vsub.f32 v3, v14;
	v14 =	vadd.f32 v9, v21;
	v6 =	vld [tilespmem:s23+$0x160]  }
0x93: {  	v5 =	vsub.f32 v3, v5;
	[tilespmem:s23+$0x42A0] =	vst v1;
	v1 =	vsub.f32 v3, v16;
	v8 =	vld [tilespmem:s23+$0x1E0]  }
.Ltmp1:
0x94: {  	[tilespmem:s23+$0x4130] =	vst v4;
	v14 =	vadd.f32 v14, v7;
	v16 =	vadd.f32 v11, v10;
	v4 =	vld [tilespmem:s23+$0x260];
	(pc) =	sbr.rel @p1 .LBB2_5-.Ltmp1, $4  }
0x95: {  	s24 =	sshra.s32 s25, $0x2;
	[tilespmem:s23+$0x41B0] =	vst v1;
	v1 =	vsub.f32 v3, v15;
	v7 =	vld [tilespmem:s23+$0x2E0]  }
0x96: {  	v3 =	vld [tilespmem:s24+$0x170];
	[tilespmem:s23+$0x4230] =	vst v5;
	v15 =	vsub.f32 v14, v18;
	v19 =	vadd.f32 v13, v12  }
0x97: {  	v18 =	vsub.f32 v14, v20;
	v17 =	vsub.f32 v14, v21;
	v5 =	vld [tilespmem:s24+$0x1F0];
	[tilespmem:s23+$0x42B0] =	vst v1  }
0x98: {  	s25 =	sadd.s32 $0x800, s25;
	v1 =	vld [tilespmem:s24+$0x270];
	[tilespmem:s23+$0x4140] =	vst v15;
	v16 =	vadd.f32 v19, v16;
	v15 =	vadd.f32 v8, v6  }
0x99: {  	v19 =	vld [tilespmem:s24+$0x2F0];
	[tilespmem:s23+$0x41C0] =	vst v18;
	v9 =	vsub.f32 v14, v9  }
0x9a: {  	v18 =	vld [tilespmem:s24+$0x100];
	[tilespmem:s23+$0x4240] =	vst v17;
	v10 =	vsub.f32 v16, v10  }
0x9b: {  	v11 =	vsub.f32 v16, v11;
	v61 =	vadd.f32 v7, v4;
	v60 =	vld [tilespmem:s24+$0x180];
	[tilespmem:s23+$0x42C0] =	vst v9  }
0x9c: {  	v12 =	vsub.f32 v16, v12;
	v9 =	vld [tilespmem:s24+$0x200];
	[tilespmem:s23+$0x4150] =	vst v10  }
0x9d: {  	v13 =	vsub.f32 v16, v13;
	v15 =	vadd.f32 v61, v15;
	v10 =	vld [tilespmem:s24+$0x280];
	[tilespmem:s23+$0x41D0] =	vst v11  }
0x9e: {  	v11 =	vld [tilespmem:s24+$0x110];
	[tilespmem:s23+$0x4250] =	vst v12  }
0x9f: {  	v6 =	vsub.f32 v15, v6;
	v12 =	vld [tilespmem:s24+$0x190];
	[tilespmem:s23+$0x42D0] =	vst v13  }
0xa0: {  	v63 =	vadd.f32 v19, v1;
	v8 =	vsub.f32 v15, v8;
	v13 =	vld [tilespmem:s24+$0x210];
	[tilespmem:s23+$0x4270] =	vst v2  }
0xa1: {  	v20 =	vsub.f32 v15, v4;
	v2 =	vadd.f32 v5, v3;
	v62 =	vld [tilespmem:s24+$0x290];
	[tilespmem:s23+$0x4160] =	vst v6  }
0xa2: {  	v6 =	vld [tilespmem:s24+$0x120];
	[tilespmem:s23+$0x41E0] =	vst v8  }
0xa3: {  	v2 =	vadd.f32 v63, v2;
	v8 =	vld [tilespmem:s24+$0x1A0];
	[tilespmem:s23+$0x4260] =	vst v20  }
0xa4: {  	v22 =	vadd.f32 v60, v18;
	v4 =	vld [tilespmem:s24+$0x220]  }
0xa5: {  	v23 =	vadd.f32 v10, v9;
	v17 =	vsub.f32 v2, v19;
	v24 =	vld [tilespmem:s24+$0x2A0]  }
0xa6: {  	v21 =	vsub.f32 v15, v7  }
0xa7: {  	v3 =	vsub.f32 v2, v3;
	v25 =	vadd.f32 v23, v22;
	[tilespmem:s24+$0x42F0] =	vst v17  }
0xa8: {  	v27 =	vsub.f32 v2, v5;
	[tilespmem:s23+$0x42E0] =	vst v21  }
0xa9: {  	v29 =	vsub.f32 v25, v60;
	v9 =	vsub.f32 v25, v9;
	v26 =	vld [tilespmem:s24+$0x130];
	[tilespmem:s24+$0x4170] =	vst v3  }
0xaa: {  	v28 =	vld [tilespmem:s24+$0x1B0];
	[tilespmem:s24+$0x41F0] =	vst v27;
	v37 =	vadd.f32 v8, v6;
	v39 =	vadd.f32 v24, v4  }
0xab: {  	v7 =	vsub.f32 v25, v10;
	v30 =	vld [tilespmem:s24+$0x230];
	[tilespmem:s24+$0x4180] =	vst v29  }
0xac: {  	v3 =	vsub.f32 v25, v18;
	v32 =	vld [tilespmem:s24+$0x2B0];
	[tilespmem:s24+$0x4200] =	vst v9;
	v10 =	vadd.f32 v39, v37  }
0xad: {  	v1 =	vsub.f32 v2, v1;
	v31 =	vadd.f32 v62, v13;
	v33 =	vld [tilespmem:s24+$0x140];
	[tilespmem:s24+$0x4280] =	vst v7  }
0xae: {  	v35 =	vld [tilespmem:s24+$0x1C0];
	[tilespmem:s24+$0x4100] =	vst v3;
	v3 =	vadd.f32 v12, v11;
	v6 =	vsub.f32 v10, v6  }
0xaf: {  	v38 =	vld [tilespmem:s24+$0x240];
	[tilespmem:s24+$0x4270] =	vst v1;
	v8 =	vsub.f32 v10, v8  }
0xb0: {  	v40 =	vld [tilespmem:s24+$0x2C0];
	v3 =	vadd.f32 v31, v3;
	v4 =	vsub.f32 v10, v4;
	[tilespmem:s24+$0x4120] =	vst v6  }
0xb1: {  	v43 =	vld [tilespmem:s24+$0x250];
	v42 =	vadd.f32 v28, v26;
	v10 =	vsub.f32 v10, v24;
	[tilespmem:s24+$0x41A0] =	vst v8  }
0xb2: {  	v46 =	vld [tilespmem:s24+$0x160];
	v44 =	vadd.f32 v32, v30;
	v34 =	vsub.f32 v3, v11;
	[tilespmem:s24+$0x4220] =	vst v4  }
0xb3: {  	v48 =	vld [tilespmem:s24+$0x1E0];
	v36 =	vsub.f32 v3, v12;
	[tilespmem:s24+$0x42A0] =	vst v10  }
0xb4: {  	v50 =	vld [tilespmem:s24+$0x260];
	v13 =	vsub.f32 v3, v13;
	v6 =	vadd.f32 v44, v42;
	[tilespmem:s24+$0x4110] =	vst v34  }
0xb5: {  	v52 =	vld [tilespmem:s24+$0x2E0];
	v47 =	vadd.f32 v35, v33;
	v3 =	vsub.f32 v3, v62;
	[tilespmem:s24+$0x4190] =	vst v36  }
0xb6: {  	v45 =	vld [tilespmem:s24+$0x2D0];
	v49 =	vadd.f32 v40, v38;
	[tilespmem:s24+$0x4210] =	vst v13;
	v15 =	vsub.f32 v6, v26  }
0xb7: {  	v41 =	vld [tilespmem:s24+$0x150];
	[tilespmem:s24+$0x4290] =	vst v3;
	v17 =	vsub.f32 v6, v28  }
0xb8: {  	v10 =	vadd.f32 v49, v47;
	v3 =	vld [tilespmem:s24+$0x1D0];
	v14 =	vsub.f32 v6, v30;
	[tilespmem:s24+$0x4130] =	vst v15  }
0xb9: {  	v58 =	vadd.f32 v48, v46;
	v5 =	vsub.f32 v6, v32;
	[tilespmem:s24+$0x41B0] =	vst v17  }
0xba: {  	v60 =	vadd.f32 v52, v50;
	v9 =	vsub.f32 v10, v33;
	[tilespmem:s24+$0x4230] =	vst v14  }
0xbb: {  	v53 =	vadd.f32 v45, v43;
	v54 =	vsub.f32 v10, v35;
	[tilespmem:s24+$0x42B0] =	vst v5  }
0xbc: {  	v63 =	vadd.f32 v60, v58;
	v55 =	vsub.f32 v10, v38;
	[tilespmem:s24+$0x4140] =	vst v9  }
0xbd: {  	v57 =	vsub.f32 v10, v40;
	[tilespmem:s24+$0x41C0] =	vst v54;
	v51 =	vadd.f32 v3, v41  }
0xbe: {  	v2 =	vsub.f32 v63, v46;
	[tilespmem:s24+$0x4240] =	vst v55  }
0xbf: {  	v1 =	vsub.f32 v63, v50;
	[tilespmem:s24+$0x42C0] =	vst v57;
	v56 =	vadd.f32 v53, v51  }
0xc0: {  	[tilespmem:s24+$0x4160] =	vst v2;
	v2 =	vsub.f32 v63, v52  }
0xc1: {  	[tilespmem:s24+$0x4260] =	vst v1;
	v59 =	vsub.f32 v56, v41  }
0xc2: {  	[tilespmem:s24+$0x42E0] =	vst v2;
	v3 =	vsub.f32 v56, v3  }
0xc3: {  	v61 =	vsub.f32 v56, v43;
	[tilespmem:s24+$0x4150] =	vst v59  }
0xc4: {  	v62 =	vsub.f32 v56, v45;
	[tilespmem:s24+$0x41D0] =	vst v3  }
0xc5: {  	s22 =	sadd.s32 $0x1, s22;
	[tilespmem:s24+$0x4250] =	vst v61;
	v3 =	vsub.f32 v63, v48  }
0xc6: {  	p1 =	sne.s32 s22, $0x1B;
	[tilespmem:s24+$0x42D0] =	vst v62  }
.Ltmp2:
0xc7: {  	[tilespmem:s24+$0x41E0] =	vst v3;
	(pc) =	sbr.rel @p1 .LBB2_4-.Ltmp2, $4  }
0xc8: {  	[spmem:s2] =	stream.indirect.scatter.add.f32 [tilespmem:s15], [sflag:$0x2], $0x80, s17, s17, $0xb8;
	[tilespmem:$0x1BD00] =	vst v63  }
0xc9: {  	_ =	swait.ge [sflag:s16], $0x4000  }
0xca: {  	[sflag:s16] =	ssyncset.done $0x0  }
0xcb: {  	[sflag:s16] =	ssyncadd.s32 $0xFFFFC000  }
0xcc: {  	[bflag:$0x0] =	sbarrier.arrive $0xFFFF;
	s21 =	simm.s32 @p0 $0x1FC2  }
0xcd: {  	[hbm:s10], [sflag:s21] =	dma.local @p0 [spmem:s20], $0x2080  }
0xce: {  	s21 =	simm.s32 @p0 $0x2  }
0xcf: {  	s3 =	sadd.s32 $0x1, s3;
	_ =	swait.ge @p0 [sflag:s21], $0x2080  }
0xd0: {  	s22 =	sshll.u32 @!p0 s1, $0x6;
	p1 =	sne.s32 s3, s11;
	[sflag:s21] =	ssyncset.done @p0 $0x0  }
0xd1: {  	[sflag:s21] =	ssyncadd.s32 @p0 $0xFFFFDF80;
	s21 =	sor.u32 @!p0 $0x1C02, s22;
	s22 =	sshrl.u32 @!p0 s6, $0x3  }
0xd2: {  	[hbm:s9], [sflag:s21] =	dma.local @!p0 [spmem:s22], $0x2780  }
.Ltmp3:
0xd3: {  	_ = 	snop;
	(pc) =	sbr.rel @p1 .LBB2_1-.Ltmp3, $4  }
0xd4: {  	s21 =	simm.s32 @!p0 $0x2  }
0xd5: {  	_ =	swait.ge @!p0 [sflag:s21], $0x2780  }
0xd6: {  	[sflag:s21] =	ssyncset.done @!p0 $0x0  }
0xd7: {  	[sflag:s21] =	ssyncadd.s32 @!p0 $0xFFFFD880  }
0xd8: {  	_ =	sfence.sel $0x180000  }
0xd9: {  	[bflag:$0x0] =	sbarrier.arrive $0xFFFF  }
0xda: {  	p0 =	sne.s32 s1, $0x0;
	_ =	strace $0x90000050  }
0xdb: {  	s0 =	sadd.s32 @!p0 $0x100000, s0;
	[bflag:$0x2] =	sbarrier.arrive $0xFFFF  }
0xdc: {  	[sflag:s0] =	ssyncadd.tile.s32 @!p0 $0x1;
	_ =	shalt  }
.Lfunc_end2:
_tile_overlayer_lowered:
.L_overlay_start_2:
0xdd: {  	(tag) =	ssettag $0x2  }
0xde: {  	s0 =	rddreg [dreg:$0x0];
	s2 =	stileid.u32  }
0xdf: {  	s1 =	rddreg [dreg:$0x1];
	p0 =	sne.s32 s2, $0x0  }
0xe0: {  	s3 =	rddreg [dreg:$0x2];
	[bflag:$0x3] =	sbarrier.arrive $0xFFFF;
	s2 =	simm.s32 @!p0 $0x1C02  }
0xe1: {  	[timem:s3], [sflag:s2] =	dma.local @!p0 [hbm:s0], s1  }
0xe2: {  	s0 =	simm.s32 @!p0 $0x2  }
0xe3: {  	_ =	swait.ge @!p0 [sflag:s0], s1  }
0xe4: {  	s1 =	ssub.s32 @!p0 $0x0, s1;
	[sflag:s0] =	ssyncset.done @!p0 $0x0  }
0xe5: {  	[sflag:s0] =	ssyncadd.s32 @!p0 s1  }
0xe6: {  	[bflag:$0x3] =	sbarrier.arrive $0xFFFF  }
0xe7: {  	_ =	shalt  }

// kernel: kernel.24.cloned.1.call-start
scs
__scs_entry_jumppad:
0x0: {  	(pc) =	sbr.rel $0x88, $3  }
0x1: {  	(tag) =	ssettag $0x0;
	lr =	simm.s32 $0x1  }
0x2: {  	[smem:$0x3F8D] =	sst lr;
	_ =	strace $0xD0000000  }
0x3: {  	_ = 	snop  }
0x4: {  	_ = 	snop  }
0x5: {  	_ = 	snop  }
0x6: {  	_ = 	snop  }
0x7: {  	_ = 	snop  }
__scs_overlays_trampoline_lowered:
0x8: {  	[smem:$0x3F9C] =	sst s0  }
0x9: {  	[smem:$0x3F9D] =	sst s1  }
0xa: {  	[smem:$0x3F9E] =	sst s2  }
0xb: {  	[smem:$0x3F9F] =	sst s3  }
0xc: {  	[smem:$0x3FA0] =	sst s4  }
0xd: {  	[smem:$0x3FA1] =	sst s5  }
0xe: {  	[smem:$0x3FA2] =	sst s6  }
0xf: {  	[smem:$0x3FA3] =	sst s7  }
0x10: {  	[smem:$0x3FA4] =	sst s8  }
0x11: {  	[smem:$0x3FA5] =	sst s9;
	s0 =	simm.s32 @!p0 $0x0  }
0x12: {  	s1 =	sld [smem:$0x3F8B];
	s0 =	simm.s32 @p0 $0x1  }
0x13: {  	[smem:$0x3FA6] =	sst s0;
	s0 =	simm.s32 @!p1 $0x0  }
0x14: {  	s2 =	sld [smem:$0x3F8A];
	s0 =	simm.s32 @p1 $0x1  }
0x15: {  	[smem:$0x3FA7] =	sst s0;
	s0 =	simm.s32 @!p2 $0x0  }
0x16: {  	s3 =	sld [smem:$0x3FDB];
	s0 =	simm.s32 @p2 $0x1  }
0x17: {  	s4 =	simm.s32 $0x1BF5;
	[smem:$0x3FA9] =	sst s0  }
0x18: {  	s0 =	sld [smem:$0x3F8C];
	_ =	swait.ge [sflag:s4], $0x0  }
0x19: {  	s7 =	sld [smem:$0x3F8D]  }
0x1a: {  	s8 =	sadd.s32 $0xFFFFE003, lr  }
0x1b: {  	s9 =	sadd.s32 $0xFFFFFEF7, lr;
	s5 =	simm.s32 $0xFFFFFFFF;
	p2 =	slt.u32 s8, $0xFFFFF086  }
0x1c: {  	p1 =	slt.u32 s9, $0xF7A;
	s5 =	simm.s32 @!p2 $0x0  }
0x1d: {  	s5 =	simm.s32 @p1 $0x1;
	p0 =	seq.s32 s7, s2  }
0x1e: {  	s7 =	smul.u32 @!p0 $0xF7A, s2;
	p2 =	seq.s32 @!p0 s5, $0x0  }
0x1f: {  	s9 =	smul.u32 $0xF7A, s1;
	s8 =	simm.s32 @!p0 $0x1BF5;
	p2 =	por !p2, p0  }
0x20: {  	[sflag:s8] =	ssyncset.s32 @!p0 $0xFFFFF086;
	s6 =	sadd.s32 @!p0 s3, s7;
	s7 =	simm.s32 @!p0 $0x108  }
0x21: {  	s3 =	sadd.s32 s3, s9;
	s6 =	sadd.s32 @!p0 $0x88, s6;
	s7 =	simm.s32 @p2 $0x1082  }
0x22: {  	[simem:s7], [sflag:s8] =	dma.local @!p0 [hbm:s6], $0xF7A  }
0x23: {  	s9 =	sor.u32 $0xD0000000, s2;
	s6 =	simm.s32 $0x108;
	_ =	swait.ge @!p0 [sflag:s8], $0x0  }
0x24: {  	s3 =	sadd.s32 $0x88, s3;
	s6 =	simm.s32 @!p1 $0x1082;
	[sflag:s4] =	ssyncset.s32 $0xFFFFF086  }
0x25: {  	[simem:s6], [sflag:s4] =	dma.local [hbm:s3], $0xF7A  }
0x26: {  	[smem:$0x3F8D] =	sst s1;
	(tag) =	ssettag s2;
	_ =	strace s9  }
0x27: {  	s1 =	sld [smem:$0x3F9D]  }
0x28: {  	s2 =	sld [smem:$0x3F9E]  }
0x29: {  	s4 =	sld [smem:$0x3FA0]  }
0x2a: {  	p0 =	seq.s32 s5, $0x0;
	s5 =	sld [smem:$0x3FA1]  }
0x2b: {  	s6 =	sld [smem:$0x3FA2]  }
0x2c: {  	s7 =	sld [smem:$0x3FA3]  }
0x2d: {  	s3 =	simm.s32 $0x108;
	s8 =	sld [smem:$0x3FA4]  }
0x2e: {  	s3 =	simm.s32 @!p0 $0x1082;
	s9 =	sld [smem:$0x3FA5]  }
0x2f: {  	lr =	sadd.s32 s0, s3;
	s0 =	sld [smem:$0x3F9C]  }
0x30: {  	s3 =	sld [smem:$0x3F9F]  }
0x31: {  	[smem:$0x3FA8] =	sst s10  }
0x32: {  	s10 =	sld [smem:$0x3FA6];
	_ =	sdelay $0x3  }
0x33: {  	p0 =	seq.s32 s10, $0x1;
	s10 =	sld [smem:$0x3FA8];
	_ =	sdelay $0x3  }
0x34: {  	[smem:$0x3FA8] =	sst s10  }
0x35: {  	s10 =	sld [smem:$0x3FA7];
	_ =	sdelay $0x3  }
0x36: {  	p1 =	seq.s32 s10, $0x1;
	s10 =	sld [smem:$0x3FA8];
	_ =	sdelay $0x3  }
0x37: {  	[smem:$0x3FA8] =	sst s10  }
0x38: {  	s10 =	sld [smem:$0x3FA9]  }
0x39: {  	_ = 	snop;
	(pc) =	sbr.ind lr, $3  }
0x3a: {  	_ = 	snop  }
0x3b: {  	_ = 	snop  }
0x3c: {  	p2 =	seq.s32 s10, $0x1;
	s10 =	sld [smem:$0x3FA8]  }
0x3d: {  	_ =	shalt  }
0x3e: {  	_ =	shalt  }
0x3f: {  	_ =	shalt  }
0x40: {  	_ =	shalt  }
0x41: {  	_ =	shalt  }
0x42: {  	_ =	shalt  }
0x43: {  	_ =	shalt  }
0x44: {  	_ =	shalt  }
0x45: {  	_ =	shalt  }
0x46: {  	_ =	shalt  }
0x47: {  	_ =	shalt  }
0x48: {  	_ =	shalt  }
0x49: {  	_ =	shalt  }
0x4a: {  	_ =	shalt  }
0x4b: {  	_ =	shalt  }
0x4c: {  	_ =	shalt  }
0x4d: {  	_ =	shalt  }
0x4e: {  	_ =	shalt  }
0x4f: {  	_ =	shalt  }
0x50: {  	_ =	shalt  }
0x51: {  	_ =	shalt  }
0x52: {  	_ =	shalt  }
0x53: {  	_ =	shalt  }
0x54: {  	_ =	shalt  }
0x55: {  	_ =	shalt  }
0x56: {  	_ =	shalt  }
0x57: {  	_ =	shalt  }
0x58: {  	_ =	shalt  }
0x59: {  	_ =	shalt  }
0x5a: {  	_ =	shalt  }
0x5b: {  	_ =	shalt  }
0x5c: {  	_ =	shalt  }
0x5d: {  	_ =	shalt  }
0x5e: {  	_ =	shalt  }
0x5f: {  	_ =	shalt  }
0x60: {  	_ =	shalt  }
0x61: {  	_ =	shalt  }
0x62: {  	_ =	shalt  }
0x63: {  	_ =	shalt  }
0x64: {  	_ =	shalt  }
0x65: {  	_ =	shalt  }
0x66: {  	_ =	shalt  }
0x67: {  	_ =	shalt  }
0x68: {  	_ =	shalt  }
0x69: {  	_ =	shalt  }
0x6a: {  	_ =	shalt  }
0x6b: {  	_ =	shalt  }
0x6c: {  	_ =	shalt  }
0x6d: {  	_ =	shalt  }
0x6e: {  	_ =	shalt  }
0x6f: {  	_ =	shalt  }
0x70: {  	_ =	shalt  }
0x71: {  	_ =	shalt  }
0x72: {  	_ =	shalt  }
0x73: {  	_ =	shalt  }
0x74: {  	_ =	shalt  }
0x75: {  	_ =	shalt  }
0x76: {  	_ =	shalt  }
0x77: {  	_ =	shalt  }
0x78: {  	_ =	shalt  }
0x79: {  	_ =	shalt  }
0x7a: {  	_ =	shalt  }
0x7b: {  	_ =	shalt  }
0x7c: {  	_ =	shalt  }
0x7d: {  	_ =	shalt  }
0x7e: {  	_ =	shalt  }
0x7f: {  	_ =	shalt  }
0x80: {  	_ =	shalt  }
0x81: {  	_ =	shalt  }
0x82: {  	_ =	shalt  }
0x83: {  	_ =	shalt  }
0x84: {  	_ =	shalt  }
0x85: {  	_ =	shalt  }
0x86: {  	_ =	shalt  }
0x87: {  	_ =	shalt  }
.Lfunc_end0:
.L_simem_size_0:
called_computation.4_lowered:
.L_overlay_start_0:
0x88: {  	s2 =	sld [smem:$0x3FD9]  }
0x89: {  	s3 =	sld [smem:$0x3FFE];
	_ =	sdelay $0x1  }
0x8a: {  	s1 =	srdreg.scid  }
0x8b: {  	s0 =	sand.u32 $0x1, s1  }
0x8c: {  	s16 =	sshll.u32 s0, $0xA;
	s2 =	sadd.s32 s3, s2  }
0x8d: {  	s2 =	sadd.s32 s2, s16  }
0x8e: {  	[smem:$0x3FB4] =	sst s2  }
0x8f: {  	_ = 	snop  }
0x90: {  	(tm) =	ssettm $0x1  }
0x91: {  	s17 =	sld [smem:$0x3FFB];
	_ =	sdelay $0x3  }
0x92: {  	_ =	strace s17  }
0x93: {  	s2 =	sld [smem:$0x3FFC];
	_ =	sdelay $0x3  }
0x94: {  	_ =	strace s2  }
0x95: {  	s2 =	sld [smem:$0x3FFD];
	_ =	sdelay $0x3  }
0x96: {  	_ =	strace s2  }
0x97: {  	_ =	strace $0x8FFFFFFF  }
0x98: {  	s18 =	sld [smem:$0x3FDB];
	_ =	sdelay $0x1  }
0x99: {  	s19 =	simm.s32 $_scs_section_size  }
0x9a: {  	s4 =	simm.s32 $_size__tile_overlayer_lowered;
	s5 =	simm.s32 $_tile_overlayer_lowered  }
0x9b: {  	s22 =	simm.s32 $0x1BFF;
	s21 =	sshll.u32 s5, $0x1;
	s2 =	sadd.s32 s19, s18  }
0x9c: {  	s6 =	simm.s32 $0x0;
	s20 =	sshll.u32 s4, $0x1;
	s4 =	sadd.s32 s21, s2  }
0x9d: {  	[timem:s6], [sflag:s22] =	dma.local [hbm:s4], s20  }
0x9e: {  	_ =	swait.ge [sflag:s22], s20  }
0x9f: {  	s3 =	ssub.s32 $0x0, s20;
	[sflag:s22] =	ssyncset.done $0x0  }
0xa0: {  	[sflag:s22] =	ssyncadd.s32 s3;
	_ =	sdelay $0x1  }
0xa1: {  	s23 =	simm.s32 $0x1B8B  }
0xa2: {  	_ =	swait.ge [sflag:s23], $0x1  }
0xa3: {  	[sflag:s23] =	ssyncset.done $0x0  }
0xa4: {  	s25 =	simm.s32 $0x1B8E;
	s24 =	sld [smem:$0x3FFE];
	[sflag:s23] =	ssyncadd.s32 $0xFFFFFFFF  }
0xa5: {  	s26 =	simm.s32 $execute0_lowered;
	[smem:$0x3FD2] =	sst s25  }
0xa6: {  	s4 =	sshll.u32 s26, $0x1;
	_ =	strace $0x80000052;
	[dreg:$0x1] =	wrdreg $0xFFFFFFFF  }
0xa7: {  	s28 =	simm.s32 $_size_execute0_lowered;
	s2 =	sadd.s32 s2, s4;
	[dreg:$0x0] =	wrdreg $0x0  }
0xa8: {  	s4 =	sshll.u32 s28, $0x1;
	[dreg:$0x2] =	wrdreg s2  }
0xa9: {  	[dreg:$0x3] =	wrdreg s4  }
0xaa: {  	[dreg:$0x4] =	wrdreg $0xC0  }
0xab: {  	_ =	task [dreg:s6], $0x5FFFF  }
0xac: {  	[dreg:$0x1] =	wrdreg $0xFFFFFFFF  }
0xad: {  	[dreg:$0x0] =	wrdreg $0x60  }
0xae: {  	[dreg:$0x2] =	wrdreg s24  }
0xaf: {  	[dreg:$0x3] =	wrdreg $0x81000  }
0xb0: {  	[dreg:$0x4] =	wrdreg $0x9  }
0xb1: {  	_ =	task.clear_ibuf [dreg:s6], $0x5FFFF;
	_ =	strace $0x90000052  }
0xb2: {  	s29 =	simm.s32 $0x9;
	_ =	strace $0x80000054  }
0xb3: {  	_ =	swait.ge [sflag:s29], $0x1  }
0xb4: {  	[sflag:s29] =	ssyncadd.s32 $0xFFFFFFFF  }
0xb5: {  	_ =	strace $0x90000054  }
0xb6: {  	_ =	sfence  }
0xb7: {  	s30 =	sld [smem:$0x0];
	_ =	sdelay $0x2  }
0xb8: {  	s31 =	sshll.u32 s1, $0xD;
	s1 =	sshrl.u32 s1, $0x2  }
0xb9: {  	s3 =	sand.u32 $0x4000, s31;
	s1 =	sadd.s32 s1, s30  }
0xba: {  	s0 =	sor.u32 s3, s0;
	s1 =	sshll.u32 s1, $0x11  }
0xbb: {  	s0 =	sor.u32 s1, s0  }
0xbc: {  	s0 =	sadd.s32 $0x8F2B, s0  }
0xbd: {  	[sflag:s0] =	ssyncadd.remote.s32 $0x1  }
0xbe: {  	_ =	sfence.sel $0xFFFF  }
0xbf: {  	[dreg:$0x0] =	wrdreg $0xFFFFFFFF;
	(pc) =	sbr.abs _section_cstart, $3  }
0xc0: {  	[dreg:$0x1] =	wrdreg $0xFFFFFFFF  }
0xc1: {  	_ =	task.clear_ibuf [dreg:s6], $0x2FFFF;
	_ =	strace $0x9FFFFFFF  }
0xc2: {  	(tm) =	ssettm $0x7FFFFFFF  }
0xc3: {  	_ =	shalt  }
tec
execute0_lowered:
.L_overlay_start_1:
0x0: {  	(tag) =	ssettag $0x1  }
0x1: {  	s7 =	rddreg [dreg:$0x0]  }
0x2: {  	s2 =	rddreg [dreg:$0x1]  }
0x3: {  	s0 =	rddreg [dreg:$0x2]  }
0x4: {  	s3 =	simm.s32 $0x0;
	s1 =	stileid.u32;
	s6 =	srdreg.scid  }
0x5: {  	s15 =	simm.s32 $0x4100;
	s16 =	simm.s32 $0x2;
	s17 =	simm.s32 $0x80  }
0x6: {  	s18 =	simm.s32 $0x100;
	s19 =	simm.s32 $0x1;
	[smem:$0x7FF] =	sst s3  }
0x7: {  	s8 =	smul.u32 $0x4F000, s1;
	s4 =	sadd.s32 $0x6200, s7;
	s5 =	sadd.s32 $0x9800, s7  }
0x8: {  	s9 =	sand.u32 $0x1, s6;
	s12 =	smul.u32 $0x13C00, s1;
	s20 =	sadd.s32 $0x128400, s2  }
0x9: {  	s13 =	sadd.s32 $0xA6A00, s7;
	p0 =	seq.s32 s1, $0xF;
	_ =	strace $0x80000053  }
0xa: {  	s10 =	ssub.s32 $0x2, s9;
	s29 =	smul.u32 $0x138800, s9;
	s9 =	sshll.u32 s9, $0x4  }
0xb: {  	s20 =	sshrl.u32 @p0 s20, $0x3;
	s28 =	sshrl.u32 s8, $0x2;
	s11 =	sshrl.u32 s10, $0x1  }
0xc: {  	s9 =	sor.u32 s1, s9;
	s6 =	sadd.s32 s28, s2;
	s11 =	ssub.s32 s10, s11  }
0xd: {  	s30 =	sadd.s32 s12, s29;
	s8 =	sshrl.u32 s29, $0x3;
	s7 =	sadd.s32 $0x10000, s6  }
0xe: {  	s10 =	sshrl.u32 s30, $0x3;
	s31 =	sadd.s32 s13, s8;
	s8 =	smul.u32 $0x1B, s9  }
0xf: {  	s11 =	smax.u32 s11, $0x1;
	s12 =	sadd.s32 $0x4000, s6;
	s14 =	sadd.s32 $0xC000, s6  }
0x10: {  	v0 =	vimm.f32 $0.0e+00;
	s9 =	sadd.s32 s13, s10;
	s10 =	sadd.s32 $0x25080, s31;
	s13 =	sadd.s32 $0x8000, s6  }
.LBB2_1:
0x11: {  	s21 =	simm.s32 $0x0;
	s22 =	simm.s32 $0x200  }
.LBB2_2:
0x12: {  	p1 =	sne.s32 s22, $0xFE00;
	[tilespmem:s21+$0x4170] =	vst v0  }
0x13: {  	[tilespmem:s21+$0x4100] =	vst v0  }
0x14: {  	[tilespmem:s21+$0x4110] =	vst v0  }
.Ltmp0:
0x15: {  	[tilespmem:s21+$0x4120] =	vst v0;
	(pc) =	sbr.rel @p1 .LBB2_2-.Ltmp0, $4  }
0x16: {  	[tilespmem:s21+$0x4130] =	vst v0  }
0x17: {  	[tilespmem:s21+$0x4140] =	vst v0  }
0x18: {  	[tilespmem:s21+$0x4150] =	vst v0  }
0x19: {  	[tilespmem:s21+$0x4160] =	vst v0;
	s21 =	sshra.s32 s22, $0x2;
	s22 =	sadd.s32 $0x200, s22  }
0x1a: {  	[tilespmem:s21+$0x4170] =	vst v0  }
0x1b: {  	[tilespmem:s21+$0x4100] =	vst v0  }
0x1c: {  	[tilespmem:s21+$0x4110] =	vst v0  }
0x1d: {  	[tilespmem:s21+$0x4120] =	vst v0  }
0x1e: {  	[tilespmem:s21+$0x4130] =	vst v0  }
0x1f: {  	[tilespmem:s21+$0x4140] =	vst v0  }
0x20: {  	[tilespmem:s21+$0x4150] =	vst v0  }
0x21: {  	[tilespmem:s21+$0x4160] =	vst v0  }
0x22: {  	[spmem:s6] =	stream.linear.scatter [tilespmem:s15], [sflag:$0x2], $0x4000, $0x38;
	[tilespmem:$0x1BD00] =	vst v63  }
0x23: {  	_ =	swait.ge [sflag:s16], $0x4000  }
0x24: {  	[sflag:s16] =	ssyncset.done $0x0  }
0x25: {  	[sflag:s16] =	ssyncadd.s32 $0xFFFFC000  }
0x26: {  	[spmem:s12] =	stream.linear.scatter [tilespmem:s15], [sflag:$0x2], $0x4000, $0x38;
	[tilespmem:$0x1BD00] =	vst v63  }
0x27: {  	_ =	swait.ge [sflag:s16], $0x4000  }
0x28: {  	[sflag:s16] =	ssyncset.done $0x0  }
0x29: {  	[sflag:s16] =	ssyncadd.s32 $0xFFFFC000  }
0x2a: {  	[spmem:s13] =	stream.linear.scatter [tilespmem:s15], [sflag:$0x2], $0x4000, $0x38;
	[tilespmem:$0x1BD00] =	vst v63  }
0x2b: {  	_ =	swait.ge [sflag:s16], $0x4000  }
0x2c: {  	[sflag:s16] =	ssyncset.done $0x0  }
0x2d: {  	[sflag:s16] =	ssyncadd.s32 $0xFFFFC000  }
0x2e: {  	[spmem:s14] =	stream.linear.scatter [tilespmem:s15], [sflag:$0x2], $0x4000, $0x38;
	[tilespmem:$0x1BD00] =	vst v63  }
0x2f: {  	_ =	swait.ge [sflag:s16], $0x4000  }
0x30: {  	[sflag:s16] =	ssyncset.done $0x0  }
0x31: {  	[sflag:s16] =	ssyncadd.s32 $0xFFFFC000  }
0x32: {  	[spmem:s7] =	stream.linear.scatter [tilespmem:s15], [sflag:$0x2], $0x3C00, $0x38;
	[tilespmem:$0x1BD00] =	vst v63  }
0x33: {  	_ =	swait.ge [sflag:s16], $0x3C00  }
0x34: {  	[sflag:s16] =	ssyncset.done $0x0  }
0x35: {  	[sflag:s16] =	ssyncadd.s32 $0xFFFFC400  }
0x36: {  	s21 =	simm.s32 $0x0;
	s22 =	simm.s32 $0x0;
	[bflag:$0x0] =	sbarrier.arrive $0xFFFF  }
.LBB2_4:
0x37: {  	s23 =	sadd.s32 s8, s22  }
0x38: {  	s23 =	sshll.u32 s23, $0x4  }
0x39: {  	s23 =	sadd.s32 s4, s23  }
0x3a: {  	[tilespmem:s17], [sflag:$0x2] =	stream.linear.gather [hbm4b:s23+s21], $0x80, $0x38;
	[tilespmem:$0x1BD00] =	vst v63  }
0x3b: {  	_ =	swait.ge [sflag:s16], $0x80  }
0x3c: {  	[sflag:s16] =	ssyncset.done $0x0  }
0x3d: {  	[sflag:s16] =	ssyncadd.s32 $0xFFFFFF80  }
0x3e: {  	v1 =	vld [tilespmem:$0x80]  }
0x3f: {  	v2 =	vld [tilespmem:$0x90]  }
0x40: {  	v3 =	vld [tilespmem:$0xA0]  }
0x41: {  	v4 =	vld [tilespmem:$0xB0]  }
0x42: {  	v5 =	vld [tilespmem:$0xC0]  }
0x43: {  	v6 =	vld [tilespmem:$0xD0];
	vm0 =	vlt.s32 v1, $0x2710  }
0x44: {  	v7 =	vld [tilespmem:$0xE0];
	vm9 =	vlt.s32 v2, $0x2710;
	v1 =	vnsel vm0, $0x0, v1  }
0x45: {  	vm10 =	vlt.s32 v3, $0x2710;
	[tilespmem:$0x0] =	vst v1;
	v1 =	vnsel vm9, $0x0, v2;
	v2 =	vld [tilespmem:$0xF0]  }
0x46: {  	vm11 =	vlt.s32 v4, $0x2710;
	[tilespmem:$0x10] =	vst v1;
	v1 =	vnsel vm10, $0x0, v3  }
0x47: {  	vm12 =	vlt.s32 v5, $0x2710;
	[tilespmem:$0x20] =	vst v1;
	v1 =	vnsel vm11, $0x0, v4  }
0x48: {  	vm13 =	vlt.s32 v6, $0x2710;
	[tilespmem:$0x30] =	vst v1;
	v1 =	vnsel vm12, $0x0, v5  }
0x49: {  	vm14 =	vlt.s32 v7, $0x2710;
	[tilespmem:$0x40] =	vst v1;
	v1 =	vnsel vm13, $0x0, v6  }
0x4a: {  	[tilespmem:$0x50] =	vst v1;
	v1 =	vnsel vm14, $0x0, v7;
	vm15 =	vlt.s32 v2, $0x2710  }
0x4b: {  	[tilespmem:$0x60] =	vst v1;
	v1 =	vnsel vm15, $0x0, v2  }
0x4c: {  	[tilespmem:$0x70] =	vst v1  }
0x4d: {  	[tilespmem:s18], [sflag:$0x1] =	stream.indirect.gather [hbm4b:s5+s17], $0x80, s21, s17, $0xb8;
	[tilespmem:$0x1BD00] =	vst v63  }
0x4e: {  	_ =	swait.ge [sflag:s19], $0x4000  }
0x4f: {  	[sflag:s19] =	ssyncset.done $0x0  }
0x50: {  	s23 =	simm.s32 $0x0;
	[sflag:s19] =	ssyncadd.s32 $0xFFFFC000  }
0x51: {  	v1 =	vld [tilespmem:s23+$0x170]  }
0x52: {  	v2 =	vld [tilespmem:s23+$0x1F0]  }
0x53: {  	v5 =	vld [tilespmem:s23+$0x270]  }
0x54: {  	v3 =	vld [tilespmem:s23+$0x2F0]  }
0x55: {  	v4 =	vld [tilespmem:s23+$0x100]  }
0x56: {  	v6 =	vld [tilespmem:s23+$0x180]  }
0x57: {  	v7 =	vld [tilespmem:s23+$0x200]  }
0x58: {  	v8 =	vld [tilespmem:s23+$0x280];
	_ =	sdelay $0x1  }
0x59: {  	v10 =	vadd.f32 v2, v1;
	v11 =	vadd.f32 v3, v5  }
0x5a: {  	v9 =	vld [tilespmem:s23+$0x110]  }
0x5b: {  	v12 =	vld [tilespmem:s23+$0x190];
	v15 =	vadd.f32 v11, v10  }
0x5c: {  	v13 =	vld [tilespmem:s23+$0x210];
	v17 =	vadd.f32 v6, v4;
	v18 =	vadd.f32 v8, v7  }
0x5d: {  	v10 =	vld [tilespmem:s23+$0x290];
	v3 =	vsub.f32 v15, v3  }
0x5e: {  	v17 =	vadd.f32 v18, v17;
	v1 =	vsub.f32 v15, v1  }
0x5f: {  	v2 =	vsub.f32 v15, v2;
	[tilespmem:s23+$0x42F0] =	vst v3  }
0x60: {  	v14 =	vld [tilespmem:s23+$0x1A0];
	[tilespmem:s23+$0x4170] =	vst v1;
	v1 =	vsub.f32 v17, v4  }
0x61: {  	v16 =	vld [tilespmem:s23+$0x220];
	[tilespmem:s23+$0x41F0] =	vst v2;
	v2 =	vsub.f32 v17, v6  }
0x62: {  	v3 =	vld [tilespmem:s23+$0x2A0];
	v6 =	vadd.f32 v10, v13;
	[tilespmem:s23+$0x4100] =	vst v1;
	v1 =	vadd.f32 v12, v9  }
0x63: {  	v11 =	vld [tilespmem:s23+$0x120];
	v7 =	vsub.f32 v17, v7  }
0x64: {  	v1 =	vadd.f32 v6, v1  }
0x65: {  	v19 =	vld [tilespmem:s23+$0x230];
	[tilespmem:s23+$0x4200] =	vst v7;
	v6 =	vsub.f32 v17, v8  }
0x66: {  	v20 =	vld [tilespmem:s23+$0x1C0];
	[tilespmem:s23+$0x4180] =	vst v2;
	v7 =	vsub.f32 v1, v9  }
0x67: {  	v18 =	vld [tilespmem:s23+$0x130];
	v8 =	vadd.f32 v3, v16;
	[tilespmem:s23+$0x4280] =	vst v6  }
0x68: {  	v2 =	vld [tilespmem:s23+$0x2B0];
	v6 =	vsub.f32 v1, v12;
	[tilespmem:s23+$0x4110] =	vst v7;
	v7 =	vadd.f32 v14, v11  }
0x69: {  	v4 =	vld [tilespmem:s23+$0x1B0]  }
0x6a: {  	v21 =	vld [tilespmem:s23+$0x240];
	[tilespmem:s23+$0x4190] =	vst v6;
	v6 =	vadd.f32 v8, v7  }
0x6b: {  	v17 =	vld [tilespmem:s23+$0x140];
	v12 =	vsub.f32 v1, v13;
	v1 =	vsub.f32 v1, v10  }
0x6c: {  	v9 =	vld [tilespmem:s23+$0x2C0];
	v7 =	vsub.f32 v6, v11  }
0x6d: {  	[tilespmem:s23+$0x4290] =	vst v1;
	v8 =	vadd.f32 v2, v19  }
0x6e: {  	v10 =	vld [tilespmem:s23+$0x150];
	v1 =	vsub.f32 v6, v14;
	[tilespmem:s23+$0x4120] =	vst v7;
	v7 =	vadd.f32 v4, v18  }
0x6f: {  	v13 =	vld [tilespmem:s23+$0x2D0];
	[tilespmem:s23+$0x4210] =	vst v12;
	v14 =	vsub.f32 v6, v16  }
0x70: {  	v11 =	vld [tilespmem:s23+$0x1D0];
	v3 =	vsub.f32 v6, v3;
	[tilespmem:s23+$0x41A0] =	vst v1;
	v1 =	vadd.f32 v8, v7  }
0x71: {  	v12 =	vld [tilespmem:s23+$0x250];
	v16 =	vadd.f32 v9, v21;
	[tilespmem:s23+$0x4220] =	vst v14;
	v14 =	vadd.f32 v20, v17  }
0x72: {  	v6 =	vld [tilespmem:s23+$0x160];
	v7 =	vsub.f32 v1, v18  }
0x73: {  	[tilespmem:s23+$0x42A0] =	vst v3;
	v8 =	vld [tilespmem:s23+$0x1E0];
	v14 =	vadd.f32 v16, v14;
	v3 =	vsub.f32 v1, v4  }
0x74: {  	v4 =	vld [tilespmem:s23+$0x260];
	v18 =	vsub.f32 v1, v19;
	v1 =	vsub.f32 v1, v2;
	[tilespmem:s23+$0x4130] =	vst v7  }
0x75: {  	s24 =	simm.s32 $0x200;
	v2 =	vsub.f32 v15, v5;
	v15 =	vadd.f32 v11, v10;
	[tilespmem:s23+$0x41B0] =	vst v3;
	v7 =	vld [tilespmem:s23+$0x2E0]  }
0x76: {  	v16 =	vsub.f32 v14, v17;
	v19 =	vadd.f32 v13, v12;
	v3 =	vld [tilespmem:s24+$0x170];
	[tilespmem:s23+$0x4230] =	vst v18  }
0x77: {  	v17 =	vsub.f32 v14, v21;
	v18 =	vsub.f32 v14, v20;
	v5 =	vld [tilespmem:s24+$0x1F0];
	[tilespmem:s23+$0x42B0] =	vst v1  }
0x78: {  	s25 =	simm.s32 $0x1000;
	v1 =	vld [tilespmem:s24+$0x270];
	[tilespmem:s23+$0x4140] =	vst v16;
	v16 =	vadd.f32 v19, v15;
	v15 =	vadd.f32 v8, v6  }
.LBB2_5:
0x79: {  	p1 =	sne.s32 s25, $0xF800;
	v19 =	vld [tilespmem:s24+$0x2F0];
	[tilespmem:s23+$0x41C0] =	vst v18;
	v9 =	vsub.f32 v14, v9  }
0x7a: {  	v14 =	vld [tilespmem:s24+$0x100];
	[tilespmem:s23+$0x4240] =	vst v17;
	v10 =	vsub.f32 v16, v10;
	v17 =	vadd.f32 v7, v4  }
0x7b: {  	v18 =	vld [tilespmem:s24+$0x180];
	[tilespmem:s23+$0x42C0] =	vst v9;
	v9 =	vsub.f32 v16, v11;
	v11 =	vsub.f32 v16, v12  }
0x7c: {  	v12 =	vld [tilespmem:s24+$0x200];
	[tilespmem:s23+$0x4150] =	vst v10;
	v10 =	vsub.f32 v16, v13;
	v13 =	vadd.f32 v17, v15  }
0x7d: {  	v15 =	vld [tilespmem:s24+$0x280];
	[tilespmem:s23+$0x41D0] =	vst v9  }
0x7e: {  	v16 =	vadd.f32 v5, v3;
	v9 =	vld [tilespmem:s24+$0x110];
	v17 =	vadd.f32 v19, v1;
	[tilespmem:s23+$0x4250] =	vst v11  }
0x7f: {  	v6 =	vsub.f32 v13, v6;
	v8 =	vsub.f32 v13, v8;
	v11 =	vld [tilespmem:s24+$0x190];
	[tilespmem:s23+$0x42D0] =	vst v10  }
0x80: {  	v10 =	vadd.f32 v18, v14;
	v20 =	vld [tilespmem:s24+$0x210];
	v16 =	vadd.f32 v17, v16;
	[tilespmem:s23+$0x4270] =	vst v2  }
0x81: {  	v2 =	vsub.f32 v13, v4;
	v4 =	vsub.f32 v13, v7;
	v17 =	vld [tilespmem:s24+$0x290];
	[tilespmem:s23+$0x4160] =	vst v6  }
0x82: {  	v6 =	vadd.f32 v15, v12;
	v7 =	vld [tilespmem:s24+$0x120];
	v13 =	vsub.f32 v16, v19;
	[tilespmem:s23+$0x41E0] =	vst v8  }
0x83: {  	v3 =	vsub.f32 v16, v3;
	v5 =	vsub.f32 v16, v5;
	v8 =	vld [tilespmem:s24+$0x1A0];
	[tilespmem:s23+$0x4260] =	vst v2  }
0x84: {  	v6 =	vadd.f32 v6, v10;
	v10 =	vadd.f32 v11, v9;
	v19 =	vld [tilespmem:s24+$0x220];
	[tilespmem:s24+$0x42F0] =	vst v13  }
0x85: {  	v2 =	vsub.f32 v16, v1;
	v13 =	vld [tilespmem:s24+$0x2A0];
	[tilespmem:s23+$0x42E0] =	vst v4;
	s23 =	smov.u32 s24  }
0x86: {  	v1 =	vsub.f32 v6, v14;
	v4 =	vadd.f32 v17, v20;
	v14 =	vld [tilespmem:s23+$0x130];
	[tilespmem:s23+$0x4170] =	vst v3  }
0x87: {  	v3 =	vsub.f32 v6, v18;
	v12 =	vsub.f32 v6, v12;
	v16 =	vld [tilespmem:s23+$0x1B0];
	[tilespmem:s23+$0x41F0] =	vst v5  }
0x88: {  	[tilespmem:s23+$0x4100] =	vst v1;
	v1 =	vadd.f32 v4, v10;
	v4 =	vadd.f32 v8, v7;
	v5 =	vld [tilespmem:s23+$0x230]  }
0x89: {  	[tilespmem:s23+$0x4180] =	vst v3;
	v3 =	vsub.f32 v6, v15;
	v15 =	vld [tilespmem:s23+$0x2B0]  }
0x8a: {  	[tilespmem:s23+$0x4200] =	vst v12;
	v6 =	vsub.f32 v1, v9;
	v9 =	vadd.f32 v13, v19;
	v18 =	vld [tilespmem:s23+$0x140]  }
0x8b: {  	v10 =	vsub.f32 v1, v20;
	[tilespmem:s23+$0x4280] =	vst v3;
	v3 =	vsub.f32 v1, v11;
	v20 =	vld [tilespmem:s23+$0x1C0]  }
0x8c: {  	[tilespmem:s23+$0x4110] =	vst v6;
	v4 =	vadd.f32 v9, v4;
	v6 =	vadd.f32 v16, v14;
	v21 =	vld [tilespmem:s23+$0x240]  }
0x8d: {  	v1 =	vsub.f32 v1, v17;
	[tilespmem:s23+$0x4190] =	vst v3;
	v9 =	vld [tilespmem:s23+$0x2C0]  }
0x8e: {  	[tilespmem:s23+$0x4210] =	vst v10;
	v3 =	vsub.f32 v4, v7;
	v7 =	vadd.f32 v15, v5;
	v10 =	vld [tilespmem:s23+$0x150]  }
0x8f: {  	[tilespmem:s23+$0x4290] =	vst v1;
	v1 =	vsub.f32 v4, v8;
	v8 =	vsub.f32 v4, v19;
	v11 =	vld [tilespmem:s23+$0x1D0]  }
0x90: {  	[tilespmem:s23+$0x4120] =	vst v3;
	v3 =	vadd.f32 v7, v6;
	v7 =	vadd.f32 v20, v18;
	v12 =	vld [tilespmem:s23+$0x250]  }
0x91: {  	[tilespmem:s23+$0x41A0] =	vst v1;
	v1 =	vsub.f32 v4, v13;
	v13 =	vld [tilespmem:s23+$0x2D0]  }
0x92: {  	[tilespmem:s23+$0x4220] =	vst v8;
	v4 =	vsub.f32 v3, v14;
	v14 =	vadd.f32 v9, v21;
	v6 =	vld [tilespmem:s23+$0x160]  }
0x93: {  	v5 =	vsub.f32 v3, v5;
	[tilespmem:s23+$0x42A0] =	vst v1;
	v1 =	vsub.f32 v3, v16;
	v8 =	vld [tilespmem:s23+$0x1E0]  }
.Ltmp1:
0x94: {  	[tilespmem:s23+$0x4130] =	vst v4;
	v14 =	vadd.f32 v14, v7;
	v16 =	vadd.f32 v11, v10;
	v4 =	vld [tilespmem:s23+$0x260];
	(pc) =	sbr.rel @p1 .LBB2_5-.Ltmp1, $4  }
0x95: {  	s24 =	sshra.s32 s25, $0x2;
	[tilespmem:s23+$0x41B0] =	vst v1;
	v1 =	vsub.f32 v3, v15;
	v7 =	vld [tilespmem:s23+$0x2E0]  }
0x96: {  	v3 =	vld [tilespmem:s24+$0x170];
	[tilespmem:s23+$0x4230] =	vst v5;
	v15 =	vsub.f32 v14, v18;
	v19 =	vadd.f32 v13, v12  }
0x97: {  	v18 =	vsub.f32 v14, v20;
	v17 =	vsub.f32 v14, v21;
	v5 =	vld [tilespmem:s24+$0x1F0];
	[tilespmem:s23+$0x42B0] =	vst v1  }
0x98: {  	s25 =	sadd.s32 $0x800, s25;
	v1 =	vld [tilespmem:s24+$0x270];
	[tilespmem:s23+$0x4140] =	vst v15;
	v16 =	vadd.f32 v19, v16;
	v15 =	vadd.f32 v8, v6  }
0x99: {  	v19 =	vld [tilespmem:s24+$0x2F0];
	[tilespmem:s23+$0x41C0] =	vst v18;
	v9 =	vsub.f32 v14, v9  }
0x9a: {  	v18 =	vld [tilespmem:s24+$0x100];
	[tilespmem:s23+$0x4240] =	vst v17;
	v10 =	vsub.f32 v16, v10  }
0x9b: {  	v11 =	vsub.f32 v16, v11;
	v61 =	vadd.f32 v7, v4;
	v60 =	vld [tilespmem:s24+$0x180];
	[tilespmem:s23+$0x42C0] =	vst v9  }
0x9c: {  	v12 =	vsub.f32 v16, v12;
	v9 =	vld [tilespmem:s24+$0x200];
	[tilespmem:s23+$0x4150] =	vst v10  }
0x9d: {  	v13 =	vsub.f32 v16, v13;
	v15 =	vadd.f32 v61, v15;
	v10 =	vld [tilespmem:s24+$0x280];
	[tilespmem:s23+$0x41D0] =	vst v11  }
0x9e: {  	v11 =	vld [tilespmem:s24+$0x110];
	[tilespmem:s23+$0x4250] =	vst v12  }
0x9f: {  	v6 =	vsub.f32 v15, v6;
	v12 =	vld [tilespmem:s24+$0x190];
	[tilespmem:s23+$0x42D0] =	vst v13  }
0xa0: {  	v63 =	vadd.f32 v19, v1;
	v8 =	vsub.f32 v15, v8;
	v13 =	vld [tilespmem:s24+$0x210];
	[tilespmem:s23+$0x4270] =	vst v2  }
0xa1: {  	v20 =	vsub.f32 v15, v4;
	v2 =	vadd.f32 v5, v3;
	v62 =	vld [tilespmem:s24+$0x290];
	[tilespmem:s23+$0x4160] =	vst v6  }
0xa2: {  	v6 =	vld [tilespmem:s24+$0x120];
	[tilespmem:s23+$0x41E0] =	vst v8  }
0xa3: {  	v2 =	vadd.f32 v63, v2;
	v8 =	vld [tilespmem:s24+$0x1A0];
	[tilespmem:s23+$0x4260] =	vst v20  }
0xa4: {  	v22 =	vadd.f32 v60, v18;
	v4 =	vld [tilespmem:s24+$0x220]  }
0xa5: {  	v23 =	vadd.f32 v10, v9;
	v17 =	vsub.f32 v2, v19;
	v24 =	vld [tilespmem:s24+$0x2A0]  }
0xa6: {  	v21 =	vsub.f32 v15, v7  }
0xa7: {  	v3 =	vsub.f32 v2, v3;
	v25 =	vadd.f32 v23, v22;
	[tilespmem:s24+$0x42F0] =	vst v17  }
0xa8: {  	v27 =	vsub.f32 v2, v5;
	[tilespmem:s23+$0x42E0] =	vst v21  }
0xa9: {  	v29 =	vsub.f32 v25, v60;
	v9 =	vsub.f32 v25, v9;
	v26 =	vld [tilespmem:s24+$0x130];
	[tilespmem:s24+$0x4170] =	vst v3  }
0xaa: {  	v28 =	vld [tilespmem:s24+$0x1B0];
	[tilespmem:s24+$0x41F0] =	vst v27;
	v37 =	vadd.f32 v8, v6;
	v39 =	vadd.f32 v24, v4  }
0xab: {  	v7 =	vsub.f32 v25, v10;
	v30 =	vld [tilespmem:s24+$0x230];
	[tilespmem:s24+$0x4180] =	vst v29  }
0xac: {  	v3 =	vsub.f32 v25, v18;
	v32 =	vld [tilespmem:s24+$0x2B0];
	[tilespmem:s24+$0x4200] =	vst v9;
	v10 =	vadd.f32 v39, v37  }
0xad: {  	v1 =	vsub.f32 v2, v1;
	v31 =	vadd.f32 v62, v13;
	v33 =	vld [tilespmem:s24+$0x140];
	[tilespmem:s24+$0x4280] =	vst v7  }
0xae: {  	v35 =	vld [tilespmem:s24+$0x1C0];
	[tilespmem:s24+$0x4100] =	vst v3;
	v3 =	vadd.f32 v12, v11;
	v6 =	vsub.f32 v10, v6  }
0xaf: {  	v38 =	vld [tilespmem:s24+$0x240];
	[tilespmem:s24+$0x4270] =	vst v1;
	v8 =	vsub.f32 v10, v8  }
0xb0: {  	v40 =	vld [tilespmem:s24+$0x2C0];
	v3 =	vadd.f32 v31, v3;
	v4 =	vsub.f32 v10, v4;
	[tilespmem:s24+$0x4120] =	vst v6  }
0xb1: {  	v43 =	vld [tilespmem:s24+$0x250];
	v42 =	vadd.f32 v28, v26;
	v10 =	vsub.f32 v10, v24;
	[tilespmem:s24+$0x41A0] =	vst v8  }
0xb2: {  	v46 =	vld [tilespmem:s24+$0x160];
	v44 =	vadd.f32 v32, v30;
	v34 =	vsub.f32 v3, v11;
	[tilespmem:s24+$0x4220] =	vst v4  }
0xb3: {  	v48 =	vld [tilespmem:s24+$0x1E0];
	v36 =	vsub.f32 v3, v12;
	[tilespmem:s24+$0x42A0] =	vst v10  }
0xb4: {  	v50 =	vld [tilespmem:s24+$0x260];
	v13 =	vsub.f32 v3, v13;
	v6 =	vadd.f32 v44, v42;
	[tilespmem:s24+$0x4110] =	vst v34  }
0xb5: {  	v52 =	vld [tilespmem:s24+$0x2E0];
	v47 =	vadd.f32 v35, v33;
	v3 =	vsub.f32 v3, v62;
	[tilespmem:s24+$0x4190] =	vst v36  }
0xb6: {  	v45 =	vld [tilespmem:s24+$0x2D0];
	v49 =	vadd.f32 v40, v38;
	[tilespmem:s24+$0x4210] =	vst v13;
	v15 =	vsub.f32 v6, v26  }
0xb7: {  	v41 =	vld [tilespmem:s24+$0x150];
	[tilespmem:s24+$0x4290] =	vst v3;
	v17 =	vsub.f32 v6, v28  }
0xb8: {  	v10 =	vadd.f32 v49, v47;
	v3 =	vld [tilespmem:s24+$0x1D0];
	v14 =	vsub.f32 v6, v30;
	[tilespmem:s24+$0x4130] =	vst v15  }
0xb9: {  	v58 =	vadd.f32 v48, v46;
	v5 =	vsub.f32 v6, v32;
	[tilespmem:s24+$0x41B0] =	vst v17  }
0xba: {  	v60 =	vadd.f32 v52, v50;
	v9 =	vsub.f32 v10, v33;
	[tilespmem:s24+$0x4230] =	vst v14  }
0xbb: {  	v53 =	vadd.f32 v45, v43;
	v54 =	vsub.f32 v10, v35;
	[tilespmem:s24+$0x42B0] =	vst v5  }
0xbc: {  	v63 =	vadd.f32 v60, v58;
	v55 =	vsub.f32 v10, v38;
	[tilespmem:s24+$0x4140] =	vst v9  }
0xbd: {  	v57 =	vsub.f32 v10, v40;
	[tilespmem:s24+$0x41C0] =	vst v54;
	v51 =	vadd.f32 v3, v41  }
0xbe: {  	v2 =	vsub.f32 v63, v46;
	[tilespmem:s24+$0x4240] =	vst v55  }
0xbf: {  	v1 =	vsub.f32 v63, v50;
	[tilespmem:s24+$0x42C0] =	vst v57;
	v56 =	vadd.f32 v53, v51  }
0xc0: {  	[tilespmem:s24+$0x4160] =	vst v2;
	v2 =	vsub.f32 v63, v52  }
0xc1: {  	[tilespmem:s24+$0x4260] =	vst v1;
	v59 =	vsub.f32 v56, v41  }
0xc2: {  	[tilespmem:s24+$0x42E0] =	vst v2;
	v3 =	vsub.f32 v56, v3  }
0xc3: {  	v61 =	vsub.f32 v56, v43;
	[tilespmem:s24+$0x4150] =	vst v59  }
0xc4: {  	v62 =	vsub.f32 v56, v45;
	[tilespmem:s24+$0x41D0] =	vst v3  }
0xc5: {  	s22 =	sadd.s32 $0x1, s22;
	[tilespmem:s24+$0x4250] =	vst v61;
	v3 =	vsub.f32 v63, v48  }
0xc6: {  	p1 =	sne.s32 s22, $0x1B;
	[tilespmem:s24+$0x42D0] =	vst v62  }
.Ltmp2:
0xc7: {  	[tilespmem:s24+$0x41E0] =	vst v3;
	(pc) =	sbr.rel @p1 .LBB2_4-.Ltmp2, $4  }
0xc8: {  	[spmem:s2] =	stream.indirect.scatter.add.f32 [tilespmem:s15], [sflag:$0x2], $0x80, s17, s17, $0xb8;
	[tilespmem:$0x1BD00] =	vst v63  }
0xc9: {  	_ =	swait.ge [sflag:s16], $0x4000  }
0xca: {  	[sflag:s16] =	ssyncset.done $0x0  }
0xcb: {  	[sflag:s16] =	ssyncadd.s32 $0xFFFFC000  }
0xcc: {  	[bflag:$0x0] =	sbarrier.arrive $0xFFFF;
	s21 =	simm.s32 @p0 $0x1FC2  }
0xcd: {  	[hbm:s10], [sflag:s21] =	dma.local @p0 [spmem:s20], $0x2080  }
0xce: {  	s21 =	simm.s32 @p0 $0x2  }
0xcf: {  	s3 =	sadd.s32 $0x1, s3;
	_ =	swait.ge @p0 [sflag:s21], $0x2080  }
0xd0: {  	s22 =	sshll.u32 @!p0 s1, $0x6;
	p1 =	sne.s32 s3, s11;
	[sflag:s21] =	ssyncset.done @p0 $0x0  }
0xd1: {  	[sflag:s21] =	ssyncadd.s32 @p0 $0xFFFFDF80;
	s21 =	sor.u32 @!p0 $0x1C02, s22;
	s22 =	sshrl.u32 @!p0 s6, $0x3  }
0xd2: {  	[hbm:s9], [sflag:s21] =	dma.local @!p0 [spmem:s22], $0x2780  }
.Ltmp3:
0xd3: {  	_ = 	snop;
	(pc) =	sbr.rel @p1 .LBB2_1-.Ltmp3, $4  }
0xd4: {  	s21 =	simm.s32 @!p0 $0x2  }
0xd5: {  	_ =	swait.ge @!p0 [sflag:s21], $0x2780  }
0xd6: {  	[sflag:s21] =	ssyncset.done @!p0 $0x0  }
0xd7: {  	[sflag:s21] =	ssyncadd.s32 @!p0 $0xFFFFD880  }
0xd8: {  	_ =	sfence.sel $0x180000  }
0xd9: {  	[bflag:$0x0] =	sbarrier.arrive $0xFFFF  }
0xda: {  	p0 =	sne.s32 s1, $0x0;
	_ =	strace $0x90000053  }
0xdb: {  	s0 =	sadd.s32 @!p0 $0x100000, s0;
	[bflag:$0x2] =	sbarrier.arrive $0xFFFF  }
0xdc: {  	[sflag:s0] =	ssyncadd.tile.s32 @!p0 $0x1;
	_ =	shalt  }
.Lfunc_end2:
_tile_overlayer_lowered:
.L_overlay_start_2:
0xdd: {  	(tag) =	ssettag $0x2  }
0xde: {  	s0 =	rddreg [dreg:$0x0];
	s2 =	stileid.u32  }
0xdf: {  	s1 =	rddreg [dreg:$0x1];
	p0 =	sne.s32 s2, $0x0  }
0xe0: {  	s3 =	rddreg [dreg:$0x2];
	[bflag:$0x3] =	sbarrier.arrive $0xFFFF;
	s2 =	simm.s32 @!p0 $0x1C02  }
0xe1: {  	[timem:s3], [sflag:s2] =	dma.local @!p0 [hbm:s0], s1  }
0xe2: {  	s0 =	simm.s32 @!p0 $0x2  }
0xe3: {  	_ =	swait.ge @!p0 [sflag:s0], s1  }
0xe4: {  	s1 =	ssub.s32 @!p0 $0x0, s1;
	[sflag:s0] =	ssyncset.done @!p0 $0x0  }
0xe5: {  	[sflag:s0] =	ssyncadd.s32 @!p0 s1  }
0xe6: {  	[bflag:$0x3] =	sbarrier.arrive $0xFFFF  }
0xe7: {  	_ =	shalt  }

</sc_bundles>
